<compile_context>
chip_gen: v7x
topology: tpu7x:2x2x1
jax: 0.10.2.dev20260603
libtpu: 0.0.44.dev20260713+nightly
codegen_flags: <defaults>
</compile_context>

<pallas_src>
import functools

import jax
import jax.numpy as jnp
from jax import lax
from jax.experimental import pallas as pl
from jax.experimental.pallas import tpu as pltpu
from jax.experimental.pallas import tpu_sc as plsc

N_TOK = 18432
INPUT_DIM = 768
LATENT_DIM = 256
NUM_EMB = 8192

BT = 512
BE = 1024
CHUNK_E = 2048

SC_NC = 2
SC_NS = 16
SC_NW = SC_NC * SC_NS
ROWS_PER_W = N_TOK // SC_NW
CHUNK = 48
N_CHUNKS = ROWS_PER_W // CHUNK


def _embdec_body(emb_ref, wdt_ref, bd_ref, dec_ref, embt_ref):
    e = emb_ref[...]
    dec_ref[...] = (
        lax.dot_general(e, wdt_ref[...], (((1,), (0,)), ((), ())),
                        preferred_element_type=jnp.float32)
        + bd_ref[...]
    )
    embt_ref[...] = e.T


def _distance_body(zt_ref, embt_ref, esq_ref, zsq_ref, z_out_ref, idx_ref):
    zt = zt_ref[...]
    z_out_ref[...] = zt.T
    zsq = zsq_ref[...]
    ii = lax.broadcasted_iota(jnp.int32, (BT, CHUNK_E), 1).astype(jnp.float32)
    M = None
    I = None
    for c in range(NUM_EMB // CHUNK_E):
        sc = lax.dot_general(
            zt, embt_ref[:, c * CHUNK_E:(c + 1) * CHUNK_E],
            (((0,), (0,)), ((), ())), preferred_element_type=jnp.float32)
        dc = (zsq + esq_ref[:, c * CHUNK_E:(c + 1) * CHUNK_E]) - 2.0 * sc
        m_c = jnp.min(dc, axis=1, keepdims=True)
        key = (dc - m_c) * 1e30 + ii
        i_c = jnp.min(key, axis=1, keepdims=True).astype(jnp.int32) \
            + c * CHUNK_E
        if c == 0:
            M = m_c.astype(jnp.bfloat16).astype(jnp.float32)
            I = i_c
        else:
            keep = M <= m_c
            I = jnp.where(keep, I, i_c)
            M = jnp.where(keep, M, m_c).astype(jnp.bfloat16).astype(
                jnp.float32)
    idx_ref[...] = I


def _gather_body(emb_hbm, dec_hbm, idx_hbm, zq_out, xr_out,
                 idx_v, ebuf, dbuf, sem_e0, sem_e1, sem_d0, sem_d1):
    wid = lax.axis_index("s") * SC_NC + lax.axis_index("c")
    base = wid * ROWS_PER_W
    sems_e = (sem_e0, sem_e1)
    sems_d = (sem_d0, sem_d1)

    def issue(j):
        b = j % 2
        pltpu.sync_copy(idx_hbm.at[pl.ds(base + j * CHUNK, CHUNK)],
                        idx_v.at[b])
        ce = pltpu.async_copy(emb_hbm.at[idx_v.at[b]], ebuf.at[b], sems_e[b])
        cd = pltpu.async_copy(dec_hbm.at[idx_v.at[b]], dbuf.at[b], sems_d[b])
        return ce, cd

    cps = [None, None]
    cps[0] = issue(0)
    for j in range(N_CHUNKS):
        b = j % 2
        if j + 1 < N_CHUNKS:
            cps[(j + 1) % 2] = issue(j + 1)
        ce, cd = cps[b]
        ce.wait()
        cd.wait()
        off = base + j * CHUNK
        pltpu.sync_copy(ebuf.at[b], zq_out.at[pl.ds(off, CHUNK)])
        pltpu.sync_copy(dbuf.at[b], xr_out.at[pl.ds(off, CHUNK)])


@functools.cache
def _sc_gather():
    return pl.kernel(
        _gather_body,
        out_type=[
            jax.ShapeDtypeStruct((N_TOK, LATENT_DIM), jnp.float32),
            jax.ShapeDtypeStruct((N_TOK, INPUT_DIM), jnp.float32),
        ],
        mesh=plsc.VectorSubcoreMesh(core_axis_name="c", subcore_axis_name="s"),
        scratch_types=[
            pltpu.VMEM((2, CHUNK), jnp.int32),
            pltpu.VMEM((2, CHUNK, LATENT_DIM), jnp.float32),
            pltpu.VMEM((2, CHUNK, INPUT_DIM), jnp.float32),
            pltpu.SemaphoreType.DMA,
            pltpu.SemaphoreType.DMA,
            pltpu.SemaphoreType.DMA,
            pltpu.SemaphoreType.DMA,
        ],
    )


def kernel(x, W_enc, b_enc, emb, W_dec, b_dec):
    wdt = W_dec.T
    bd2 = b_dec.reshape(1, INPUT_DIM)

    z = x @ W_enc.T + b_enc
    zsq2d = jnp.sum(z ** 2, axis=1, keepdims=True)

    esq_row = jnp.sum(emb ** 2, axis=1).reshape(1, NUM_EMB)
    zt = z.T

    dec, embt = pl.pallas_call(
        _embdec_body,
        grid=(NUM_EMB // BE,),
        in_specs=[
            pl.BlockSpec((BE, LATENT_DIM), lambda i: (i, 0)),
            pl.BlockSpec((LATENT_DIM, INPUT_DIM), lambda i: (0, 0)),
            pl.BlockSpec((1, INPUT_DIM), lambda i: (0, 0)),
        ],
        out_specs=[
            pl.BlockSpec((BE, INPUT_DIM), lambda i: (i, 0)),
            pl.BlockSpec((LATENT_DIM, BE), lambda i: (0, i)),
        ],
        out_shape=[
            jax.ShapeDtypeStruct((NUM_EMB, INPUT_DIM), jnp.float32),
            jax.ShapeDtypeStruct((LATENT_DIM, NUM_EMB), jnp.float32),
        ],
    )(emb, wdt, bd2)

    z_out, idx2d = pl.pallas_call(
        _distance_body,
        grid=(N_TOK // BT,),
        in_specs=[
            pl.BlockSpec((LATENT_DIM, BT), lambda i: (0, i)),
            pl.BlockSpec((LATENT_DIM, NUM_EMB), lambda i: (0, 0)),
            pl.BlockSpec((1, NUM_EMB), lambda i: (0, 0)),
            pl.BlockSpec((BT, 1), lambda i: (i, 0)),
        ],
        out_specs=[
            pl.BlockSpec((BT, LATENT_DIM), lambda i: (i, 0)),
            pl.BlockSpec((BT, 1), lambda i: (i, 0)),
        ],
        out_shape=[
            jax.ShapeDtypeStruct((N_TOK, LATENT_DIM), jnp.float32),
            jax.ShapeDtypeStruct((N_TOK, 1), jnp.int32),
        ],
    )(zt, embt, esq_row, zsq2d)

    idx = idx2d.reshape(N_TOK)
    z_q, x_recon = _sc_gather()(emb, dec, idx)
    return (x_recon, z_out, z_q, idx)

# --- scband reference (transcript-rebuilt; emitter-appended) ---
"""Pipeline reference for scband-sqae-10574209483429 (READ-ONLY COPY).

The authoritative reference and input builder live on the scoring server;
editing this copy changes nothing except your own understanding.
"""

import jax, jax.numpy as jnp
import numpy as np

INPUT_DIM = 768
LATENT_DIM = 256
NUM_EMB = 8192
N_TOK = 18432


def setup_inputs(seed: int = 0) -> dict:
    key = jax.random.key(seed)
    ks = jax.random.split(key, 6)
    x = jax.random.normal(ks[0], (N_TOK, INPUT_DIM), dtype=jnp.float32)
    W_enc = jax.random.normal(ks[1], (LATENT_DIM, INPUT_DIM), dtype=jnp.float32) * (1.0 / np.sqrt(INPUT_DIM))
    b_enc = jnp.zeros((LATENT_DIM,), dtype=jnp.float32)
    emb = jax.random.uniform(ks[2], (NUM_EMB, LATENT_DIM), dtype=jnp.float32, minval=-1.0 / LATENT_DIM, maxval=1.0 / LATENT_DIM)
    W_dec = jax.random.normal(ks[3], (INPUT_DIM, LATENT_DIM), dtype=jnp.float32) * (1.0 / np.sqrt(LATENT_DIM))
    b_dec = jnp.zeros((INPUT_DIM,), dtype=jnp.float32)
    return {"x": x, "W_enc": W_enc, "b_enc": b_enc, "emb": emb, "W_dec": W_dec, "b_dec": b_dec}


def reference(x, W_enc, b_enc, emb, W_dec, b_dec):
    # encoder: nn.Linear(input_dim, latent_dim)
    z = x @ W_enc.T + b_enc
    # quantizer
    z_flat = z.reshape(-1, emb.shape[1])
    distances = (jnp.sum(z_flat ** 2, axis=1, keepdims=True)
                 + jnp.sum(emb ** 2, axis=1)
                 - 2.0 * (z_flat @ emb.T))
    encoding_indices = jnp.argmin(distances, axis=1).astype(jnp.int32)
    z_q = jnp.take(emb, encoding_indices, axis=0)
    # straight-through estimator: z + stop_gradient(z_q - z)
    st = z + jax.lax.stop_gradient(z_q - z)
    # decoder: nn.Linear(latent_dim, input_dim)
    x_recon = st @ W_dec.T + b_dec
    return (x_recon, z, z_q, encoding_indices)

if __name__ == "__main__":
    import jax
    _d = setup_inputs()
    print(jax.jit(kernel)(*tuple(_d.values())))

</pallas_src>

<mosaic_0001>
#map = affine_map<(d0, d1) -> (0, 0)>
#map1 = affine_map<(d0, d1) -> (0)>
module attributes {stable_mosaic.version = 14 : i64} {
  func.func @_gather_body(%arg0: i32, %arg1: i32, %arg2: memref<8192x256xf32, #tpu.memory_space<hbm>>, %arg3: memref<8192x768xf32, #tpu.memory_space<hbm>>, %arg4: memref<18432xi32, #tpu.memory_space<hbm>>, %arg5: memref<18432x256xf32, #tpu.memory_space<hbm>>, %arg6: memref<18432x768xf32, #tpu.memory_space<hbm>>, %arg7: memref<2x48xi32, #tpu.memory_space<vmem>>, %arg8: memref<2x48x256xf32, #tpu.memory_space<vmem>>, %arg9: memref<2x48x768xf32, #tpu.memory_space<vmem>>, %arg10: memref<!tpu.dma_semaphore, #tpu.memory_space<semaphore_mem>>, %arg11: memref<!tpu.dma_semaphore, #tpu.memory_space<semaphore_mem>>, %arg12: memref<!tpu.dma_semaphore, #tpu.memory_space<semaphore_mem>>, %arg13: memref<!tpu.dma_semaphore, #tpu.memory_space<semaphore_mem>>) attributes {dimension_semantics = [#tpu.dimension_semantics<core_parallel>, #tpu.dimension_semantics<subcore_parallel>], iteration_bounds = array<i64: 2, 16>, scalar_prefetch = 0 : i64, scratch_operands = 7 : i64, tpu.core_type = #tpu.core_type<sc_vector_subcore>, window_params = [{transform_indices = #map}, {transform_indices = #map}, {transform_indices = #map1}, {transform_indices = #map}, {transform_indices = #map}]} {
    %mul3A = arith.constant 2 : i32
    %mul3A_0 = arith.muli %arg1, %mul3A : i32
    %add3A = arith.addi %mul3A_0, %arg0 : i32
    %mul3A_1 = arith.constant 576 : i32
    %mul3A_2 = arith.muli %add3A, %mul3A_1 : i32
    %add3A_3 = arith.constant 0 : i32
    %add3A_4 = arith.addi %mul3A_2, %add3A_3 : i32
    %run_scoped3A = arith.constant 0 : i32
    "tpu.region"() ({
      %run_scoped3A_660 = tpu.sem_alloc : memref<!tpu.dma_semaphore, #tpu.memory_space<semaphore_mem>>
      %dma_start3A_661 = arith.constant 0 : i32
      %dma_start3A_662 = tpu.memref_slice %arg7[%run_scoped3A, %dma_start3A_661] : memref<2x48xi32, #tpu.memory_space<vmem>> -> memref<1x48xi32, #tpu.memory_space<vmem>>
      %dma_start3A_663 = tpu.memref_squeeze %dma_start3A_662 : memref<1x48xi32, #tpu.memory_space<vmem>> -> memref<48xi32, #tpu.memory_space<vmem>>
      %dma_start3A_664 = tpu.memref_slice %arg4[%add3A_4] : memref<18432xi32, #tpu.memory_space<hbm>> -> memref<48xi32, #tpu.memory_space<hbm>>
      %dma_start3A_665 = arith.constant 0 : i32
      %dma_start3A_666 = tpu.memref_slice %arg7[%run_scoped3A, %dma_start3A_665] : memref<2x48xi32, #tpu.memory_space<vmem>> -> memref<1x48xi32, #tpu.memory_space<vmem>>
      %dma_start3A_667 = tpu.memref_squeeze %dma_start3A_666 : memref<1x48xi32, #tpu.memory_space<vmem>> -> memref<48xi32, #tpu.memory_space<vmem>>
      %dma_start3A_668 = tpu.memref_slice %arg4[%add3A_4] : memref<18432xi32, #tpu.memory_space<hbm>> -> memref<48xi32, #tpu.memory_space<hbm>>
      tpu.enqueue_dma source(%dma_start3A_668 : memref<48xi32, #tpu.memory_space<hbm>>) target(%dma_start3A_667 : memref<48xi32, #tpu.memory_space<vmem>>) target_semaphore(%run_scoped3A_660 : memref<!tpu.dma_semaphore, #tpu.memory_space<semaphore_mem>>)
      %dma_wait3A_669 = arith.constant 0 : i32
      %dma_wait3A_670 = tpu.memref_slice %arg7[%run_scoped3A, %dma_wait3A_669] : memref<2x48xi32, #tpu.memory_space<vmem>> -> memref<1x48xi32, #tpu.memory_space<vmem>>
      %dma_wait3A_671 = tpu.memref_squeeze %dma_wait3A_670 : memref<1x48xi32, #tpu.memory_space<vmem>> -> memref<48xi32, #tpu.memory_space<vmem>>
      %dma_wait3A_672 = tpu.memref_slice %arg4[%add3A_4] : memref<18432xi32, #tpu.memory_space<hbm>> -> memref<48xi32, #tpu.memory_space<hbm>>
      %dma_wait3A_673 = arith.constant 0 : i32
      %dma_wait3A_674 = tpu.memref_slice %arg7[%run_scoped3A, %dma_wait3A_673] : memref<2x48xi32, #tpu.memory_space<vmem>> -> memref<1x48xi32, #tpu.memory_space<vmem>>
      %dma_wait3A_675 = tpu.memref_squeeze %dma_wait3A_674 : memref<1x48xi32, #tpu.memory_space<vmem>> -> memref<48xi32, #tpu.memory_space<vmem>>
      %dma_wait3A_676 = tpu.memref_slice %arg4[%add3A_4] : memref<18432xi32, #tpu.memory_space<hbm>> -> memref<48xi32, #tpu.memory_space<hbm>>
      tpu.wait_dma2 semaphore(%run_scoped3A_660 : memref<!tpu.dma_semaphore, #tpu.memory_space<semaphore_mem>>) src(%dma_wait3A_676 : memref<48xi32, #tpu.memory_space<hbm>>) dst(%dma_wait3A_675 : memref<48xi32, #tpu.memory_space<vmem>>)
      tpu.yield
    }) : () -> ()
    %dma_start3A = arith.constant 0 : i32
    %dma_start3A_5 = arith.constant 0 : i32
    %dma_start3A_6 = arith.constant 0 : i32
    %dma_start3A_7 = arith.constant 0 : i32
    %dma_start3A_8 = tpu.memref_slice %arg8[%dma_start3A_5, %dma_start3A_6, %dma_start3A_7] : memref<2x48x256xf32, #tpu.memory_space<vmem>> -> memref<1x48x256xf32, #tpu.memory_space<vmem>>
    %dma_start3A_9 = tpu.memref_squeeze %dma_start3A_8 : memref<1x48x256xf32, #tpu.memory_space<vmem>> -> memref<48x256xf32, #tpu.memory_space<vmem>>
    %dma_start3A_10 = arith.constant 0 : i32
    %dma_start3A_11 = tpu.memref_slice %arg7[%dma_start3A, %dma_start3A_10] : memref<2x48xi32, #tpu.memory_space<vmem>> -> memref<1x48xi32, #tpu.memory_space<vmem>>
    %dma_start3A_12 = tpu.memref_squeeze %dma_start3A_11 : memref<1x48xi32, #tpu.memory_space<vmem>> -> memref<48xi32, #tpu.memory_space<vmem>>
    %dma_start3A_13 = arith.constant 0 : i32
    %dma_start3A_14 = arith.constant 0 : i32
    %dma_start3A_15 = tpu.memref_slice %arg2[%dma_start3A_13, %dma_start3A_14] : memref<8192x256xf32, #tpu.memory_space<hbm>> -> memref<8192x256xf32, #tpu.memory_space<hbm>>
    tpu.enqueue_indirect_dma source(%dma_start3A_15 : memref<8192x256xf32, #tpu.memory_space<hbm>>) target(%dma_start3A_9 : memref<48x256xf32, #tpu.memory_space<vmem>>) offsets(%dma_start3A_12 : memref<48xi32, #tpu.memory_space<vmem>>) semaphore(%arg10 : memref<!tpu.dma_semaphore, #tpu.memory_space<semaphore_mem>>)
    %dma_start3A_16 = arith.constant 0 : i32
    %dma_start3A_17 = arith.constant 0 : i32
    %dma_start3A_18 = arith.constant 0 : i32
    %dma_start3A_19 = arith.constant 0 : i32
    %dma_start3A_20 = tpu.memref_slice %arg9[%dma_start3A_17, %dma_start3A_18, %dma_start3A_19] : memref<2x48x768xf32, #tpu.memory_space<vmem>> -> memref<1x48x768xf32, #tpu.memory_space<vmem>>
    %dma_start3A_21 = tpu.memref_squeeze %dma_start3A_20 : memref<1x48x768xf32, #tpu.memory_space<vmem>> -> memref<48x768xf32, #tpu.memory_space<vmem>>
    %dma_start3A_22 = arith.constant 0 : i32
    %dma_start3A_23 = tpu.memref_slice %arg7[%dma_start3A_16, %dma_start3A_22] : memref<2x48xi32, #tpu.memory_space<vmem>> -> memref<1x48xi32, #tpu.memory_space<vmem>>
    %dma_start3A_24 = tpu.memref_squeeze %dma_start3A_23 : memref<1x48xi32, #tpu.memory_space<vmem>> -> memref<48xi32, #tpu.memory_space<vmem>>
    %dma_start3A_25 = arith.constant 0 : i32
    %dma_start3A_26 = arith.constant 0 : i32
    %dma_start3A_27 = tpu.memref_slice %arg3[%dma_start3A_25, %dma_start3A_26] : memref<8192x768xf32, #tpu.memory_space<hbm>> -> memref<8192x768xf32, #tpu.memory_space<hbm>>
    tpu.enqueue_indirect_dma source(%dma_start3A_27 : memref<8192x768xf32, #tpu.memory_space<hbm>>) target(%dma_start3A_21 : memref<48x768xf32, #tpu.memory_space<vmem>>) offsets(%dma_start3A_24 : memref<48xi32, #tpu.memory_space<vmem>>) semaphore(%arg12 : memref<!tpu.dma_semaphore, #tpu.memory_space<semaphore_mem>>)
    %add3A_28 = arith.constant 48 : i32
    %add3A_29 = arith.addi %mul3A_2, %add3A_28 : i32
    %run_scoped3A_30 = arith.constant 1 : i32
    "tpu.region"() ({
      %run_scoped3A_660 = tpu.sem_alloc : memref<!tpu.dma_semaphore, #tpu.memory_space<semaphore_mem>>
      %dma_start3A_661 = arith.constant 0 : i32
      %dma_start3A_662 = tpu.memref_slice %arg7[%run_scoped3A_30, %dma_start3A_661] : memref<2x48xi32, #tpu.memory_space<vmem>> -> memref<1x48xi32, #tpu.memory_space<vmem>>
      %dma_start3A_663 = tpu.memref_squeeze %dma_start3A_662 : memref<1x48xi32, #tpu.memory_space<vmem>> -> memref<48xi32, #tpu.memory_space<vmem>>
      %dma_start3A_664 = tpu.memref_slice %arg4[%add3A_29] : memref<18432xi32, #tpu.memory_space<hbm>> -> memref<48xi32, #tpu.memory_space<hbm>>
      %dma_start3A_665 = arith.constant 0 : i32
      %dma_start3A_666 = tpu.memref_slice %arg7[%run_scoped3A_30, %dma_start3A_665] : memref<2x48xi32, #tpu.memory_space<vmem>> -> memref<1x48xi32, #tpu.memory_space<vmem>>
      %dma_start3A_667 = tpu.memref_squeeze %dma_start3A_666 : memref<1x48xi32, #tpu.memory_space<vmem>> -> memref<48xi32, #tpu.memory_space<vmem>>
      %dma_start3A_668 = tpu.memref_slice %arg4[%add3A_29] : memref<18432xi32, #tpu.memory_space<hbm>> -> memref<48xi32, #tpu.memory_space<hbm>>
      tpu.enqueue_dma source(%dma_start3A_668 : memref<48xi32, #tpu.memory_space<hbm>>) target(%dma_start3A_667 : memref<48xi32, #tpu.memory_space<vmem>>) target_semaphore(%run_scoped3A_660 : memref<!tpu.dma_semaphore, #tpu.memory_space<semaphore_mem>>)
      %dma_wait3A_669 = arith.constant 0 : i32
      %dma_wait3A_670 = tpu.memref_slice %arg7[%run_scoped3A_30, %dma_wait3A_669] : memref<2x48xi32, #tpu.memory_space<vmem>> -> memref<1x48xi32, #tpu.memory_space<vmem>>
      %dma_wait3A_671 = tpu.memref_squeeze %dma_wait3A_670 : memref<1x48xi32, #tpu.memory_space<vmem>> -> memref<48xi32, #tpu.memory_space<vmem>>
      %dma_wait3A_672 = tpu.memref_slice %arg4[%add3A_29] : memref<18432xi32, #tpu.memory_space<hbm>> -> memref<48xi32, #tpu.memory_space<hbm>>
      %dma_wait3A_673 = arith.constant 0 : i32
      %dma_wait3A_674 = tpu.memref_slice %arg7[%run_scoped3A_30, %dma_wait3A_673] : memref<2x48xi32, #tpu.memory_space<vmem>> -> memref<1x48xi32, #tpu.memory_space<vmem>>
      %dma_wait3A_675 = tpu.memref_squeeze %dma_wait3A_674 : memref<1x48xi32, #tpu.memory_space<vmem>> -> memref<48xi32, #tpu.memory_space<vmem>>
      %dma_wait3A_676 = tpu.memref_slice %arg4[%add3A_29] : memref<18432xi32, #tpu.memory_space<hbm>> -> memref<48xi32, #tpu.memory_space<hbm>>
      tpu.wait_dma2 semaphore(%run_scoped3A_660 : memref<!tpu.dma_semaphore, #tpu.memory_space<semaphore_mem>>) src(%dma_wait3A_676 : memref<48xi32, #tpu.memory_space<hbm>>) dst(%dma_wait3A_675 : memref<48xi32, #tpu.memory_space<vmem>>)
      tpu.yield
    }) : () -> ()
    %dma_start3A_31 = arith.constant 1 : i32
    %dma_start3A_32 = arith.constant 1 : i32
    %dma_start3A_33 = arith.constant 0 : i32
    %dma_start3A_34 = arith.constant 0 : i32
    %dma_start3A_35 = tpu.memref_slice %arg8[%dma_start3A_32, %dma_start3A_33, %dma_start3A_34] : memref<2x48x256xf32, #tpu.memory_space<vmem>> -> memref<1x48x256xf32, #tpu.memory_space<vmem>>
    %dma_start3A_36 = tpu.memref_squeeze %dma_start3A_35 : memref<1x48x256xf32, #tpu.memory_space<vmem>> -> memref<48x256xf32, #tpu.memory_space<vmem>>
    %dma_start3A_37 = arith.constant 0 : i32
    %dma_start3A_38 = tpu.memref_slice %arg7[%dma_start3A_31, %dma_start3A_37] : memref<2x48xi32, #tpu.memory_space<vmem>> -> memref<1x48xi32, #tpu.memory_space<vmem>>
    %dma_start3A_39 = tpu.memref_squeeze %dma_start3A_38 : memref<1x48xi32, #tpu.memory_space<vmem>> -> memref<48xi32, #tpu.memory_space<vmem>>
    %dma_start3A_40 = arith.constant 0 : i32
    %dma_start3A_41 = arith.constant 0 : i32
    %dma_start3A_42 = tpu.memref_slice %arg2[%dma_start3A_40, %dma_start3A_41] : memref<8192x256xf32, #tpu.memory_space<hbm>> -> memref<8192x256xf32, #tpu.memory_space<hbm>>
    tpu.enqueue_indirect_dma source(%dma_start3A_42 : memref<8192x256xf32, #tpu.memory_space<hbm>>) target(%dma_start3A_36 : memref<48x256xf32, #tpu.memory_space<vmem>>) offsets(%dma_start3A_39 : memref<48xi32, #tpu.memory_space<vmem>>) semaphore(%arg11 : memref<!tpu.dma_semaphore, #tpu.memory_space<semaphore_mem>>)
    %dma_start3A_43 = arith.constant 1 : i32
    %dma_start3A_44 = arith.constant 1 : i32
    %dma_start3A_45 = arith.constant 0 : i32
    %dma_start3A_46 = arith.constant 0 : i32
    %dma_start3A_47 = tpu.memref_slice %arg9[%dma_start3A_44, %dma_start3A_45, %dma_start3A_46] : memref<2x48x768xf32, #tpu.memory_space<vmem>> -> memref<1x48x768xf32, #tpu.memory_space<vmem>>
    %dma_start3A_48 = tpu.memref_squeeze %dma_start3A_47 : memref<1x48x768xf32, #tpu.memory_space<vmem>> -> memref<48x768xf32, #tpu.memory_space<vmem>>
    %dma_start3A_49 = arith.constant 0 : i32
    %dma_start3A_50 = tpu.memref_slice %arg7[%dma_start3A_43, %dma_start3A_49] : memref<2x48xi32, #tpu.memory_space<vmem>> -> memref<1x48xi32, #tpu.memory_space<vmem>>
    %dma_start3A_51 = tpu.memref_squeeze %dma_start3A_50 : memref<1x48xi32, #tpu.memory_space<vmem>> -> memref<48xi32, #tpu.memory_space<vmem>>
    %dma_start3A_52 = arith.constant 0 : i32
    %dma_start3A_53 = arith.constant 0 : i32
    %dma_start3A_54 = tpu.memref_slice %arg3[%dma_start3A_52, %dma_start3A_53] : memref<8192x768xf32, #tpu.memory_space<hbm>> -> memref<8192x768xf32, #tpu.memory_space<hbm>>
    tpu.enqueue_indirect_dma source(%dma_start3A_54 : memref<8192x768xf32, #tpu.memory_space<hbm>>) target(%dma_start3A_48 : memref<48x768xf32, #tpu.memory_space<vmem>>) offsets(%dma_start3A_51 : memref<48xi32, #tpu.memory_space<vmem>>) semaphore(%arg13 : memref<!tpu.dma_semaphore, #tpu.memory_space<semaphore_mem>>)
    %dma_wait3A = arith.constant 0 : i32
    %dma_wait3A_55 = arith.constant 0 : i32
    %dma_wait3A_56 = arith.constant 0 : i32
    %dma_wait3A_57 = arith.constant 0 : i32
    %dma_wait3A_58 = tpu.memref_slice %arg8[%dma_wait3A_55, %dma_wait3A_56, %dma_wait3A_57] : memref<2x48x256xf32, #tpu.memory_space<vmem>> -> memref<1x48x256xf32, #tpu.memory_space<vmem>>
    %dma_wait3A_59 = tpu.memref_squeeze %dma_wait3A_58 : memref<1x48x256xf32, #tpu.memory_space<vmem>> -> memref<48x256xf32, #tpu.memory_space<vmem>>
    %dma_wait3A_60 = arith.constant 0 : i32
    %dma_wait3A_61 = tpu.memref_slice %arg7[%dma_wait3A, %dma_wait3A_60] : memref<2x48xi32, #tpu.memory_space<vmem>> -> memref<1x48xi32, #tpu.memory_space<vmem>>
    %dma_wait3A_62 = tpu.memref_squeeze %dma_wait3A_61 : memref<1x48xi32, #tpu.memory_space<vmem>> -> memref<48xi32, #tpu.memory_space<vmem>>
    %dma_wait3A_63 = arith.constant 0 : i32
    %dma_wait3A_64 = arith.constant 0 : i32
    %dma_wait3A_65 = tpu.memref_slice %arg2[%dma_wait3A_63, %dma_wait3A_64] : memref<8192x256xf32, #tpu.memory_space<hbm>> -> memref<8192x256xf32, #tpu.memory_space<hbm>>
    tpu.wait_indirect_dma semaphore(%arg10 : memref<!tpu.dma_semaphore, #tpu.memory_space<semaphore_mem>>) src(%dma_wait3A_65 : memref<8192x256xf32, #tpu.memory_space<hbm>>) dst(%dma_wait3A_59 : memref<48x256xf32, #tpu.memory_space<vmem>>)
    %dma_wait3A_66 = arith.constant 0 : i32
    %dma_wait3A_67 = arith.constant 0 : i32
    %dma_wait3A_68 = arith.constant 0 : i32
    %dma_wait3A_69 = arith.constant 0 : i32
    %dma_wait3A_70 = tpu.memref_slice %arg9[%dma_wait3A_67, %dma_wait3A_68, %dma_wait3A_69] : memref<2x48x768xf32, #tpu.memory_space<vmem>> -> memref<1x48x768xf32, #tpu.memory_space<vmem>>
    %dma_wait3A_71 = tpu.memref_squeeze %dma_wait3A_70 : memref<1x48x768xf32, #tpu.memory_space<vmem>> -> memref<48x768xf32, #tpu.memory_space<vmem>>
    %dma_wait3A_72 = arith.constant 0 : i32
    %dma_wait3A_73 = tpu.memref_slice %arg7[%dma_wait3A_66, %dma_wait3A_72] : memref<2x48xi32, #tpu.memory_space<vmem>> -> memref<1x48xi32, #tpu.memory_space<vmem>>
    %dma_wait3A_74 = tpu.memref_squeeze %dma_wait3A_73 : memref<1x48xi32, #tpu.memory_space<vmem>> -> memref<48xi32, #tpu.memory_space<vmem>>
    %dma_wait3A_75 = arith.constant 0 : i32
    %dma_wait3A_76 = arith.constant 0 : i32
    %dma_wait3A_77 = tpu.memref_slice %arg3[%dma_wait3A_75, %dma_wait3A_76] : memref<8192x768xf32, #tpu.memory_space<hbm>> -> memref<8192x768xf32, #tpu.memory_space<hbm>>
    tpu.wait_indirect_dma semaphore(%arg12 : memref<!tpu.dma_semaphore, #tpu.memory_space<semaphore_mem>>) src(%dma_wait3A_77 : memref<8192x768xf32, #tpu.memory_space<hbm>>) dst(%dma_wait3A_71 : memref<48x768xf32, #tpu.memory_space<vmem>>)
    %add3A_78 = arith.constant 0 : i32
    %add3A_79 = arith.addi %mul3A_2, %add3A_78 : i32
    %run_scoped3A_80 = arith.constant 0 : i32
    "tpu.region"() ({
      %run_scoped3A_660 = tpu.sem_alloc : memref<!tpu.dma_semaphore, #tpu.memory_space<semaphore_mem>>
      %dma_start3A_661 = arith.constant 0 : i32
      %dma_start3A_662 = arith.constant 0 : i32
      %dma_start3A_663 = tpu.memref_slice %arg8[%run_scoped3A_80, %dma_start3A_661, %dma_start3A_662] : memref<2x48x256xf32, #tpu.memory_space<vmem>> -> memref<1x48x256xf32, #tpu.memory_space<vmem>>
      %dma_start3A_664 = tpu.memref_squeeze %dma_start3A_663 : memref<1x48x256xf32, #tpu.memory_space<vmem>> -> memref<48x256xf32, #tpu.memory_space<vmem>>
      %dma_start3A_665 = arith.constant 0 : i32
      %dma_start3A_666 = tpu.memref_slice %arg5[%add3A_79, %dma_start3A_665] : memref<18432x256xf32, #tpu.memory_space<hbm>> -> memref<48x256xf32, #tpu.memory_space<hbm>>
      %dma_start3A_667 = arith.constant 0 : i32
      %dma_start3A_668 = tpu.memref_slice %arg5[%add3A_79, %dma_start3A_667] : memref<18432x256xf32, #tpu.memory_space<hbm>> -> memref<48x256xf32, #tpu.memory_space<hbm>>
      %dma_start3A_669 = arith.constant 0 : i32
      %dma_start3A_670 = arith.constant 0 : i32
      %dma_start3A_671 = tpu.memref_slice %arg8[%run_scoped3A_80, %dma_start3A_669, %dma_start3A_670] : memref<2x48x256xf32, #tpu.memory_space<vmem>> -> memref<1x48x256xf32, #tpu.memory_space<vmem>>
      %dma_start3A_672 = tpu.memref_squeeze %dma_start3A_671 : memref<1x48x256xf32, #tpu.memory_space<vmem>> -> memref<48x256xf32, #tpu.memory_space<vmem>>
      tpu.enqueue_dma source(%dma_start3A_672 : memref<48x256xf32, #tpu.memory_space<vmem>>) target(%dma_start3A_668 : memref<48x256xf32, #tpu.memory_space<hbm>>) target_semaphore(%run_scoped3A_660 : memref<!tpu.dma_semaphore, #tpu.memory_space<semaphore_mem>>)
      %dma_wait3A_673 = arith.constant 0 : i32
      %dma_wait3A_674 = arith.constant 0 : i32
      %dma_wait3A_675 = tpu.memref_slice %arg8[%run_scoped3A_80, %dma_wait3A_673, %dma_wait3A_674] : memref<2x48x256xf32, #tpu.memory_space<vmem>> -> memref<1x48x256xf32, #tpu.memory_space<vmem>>
      %dma_wait3A_676 = tpu.memref_squeeze %dma_wait3A_675 : memref<1x48x256xf32, #tpu.memory_space<vmem>> -> memref<48x256xf32, #tpu.memory_space<vmem>>
      %dma_wait3A_677 = arith.constant 0 : i32
      %dma_wait3A_678 = tpu.memref_slice %arg5[%add3A_79, %dma_wait3A_677] : memref<18432x256xf32, #tpu.memory_space<hbm>> -> memref<48x256xf32, #tpu.memory_space<hbm>>
      %dma_wait3A_679 = arith.constant 0 : i32
      %dma_wait3A_680 = tpu.memref_slice %arg5[%add3A_79, %dma_wait3A_679] : memref<18432x256xf32, #tpu.memory_space<hbm>> -> memref<48x256xf32, #tpu.memory_space<hbm>>
      %dma_wait3A_681 = arith.constant 0 : i32
      %dma_wait3A_682 = arith.constant 0 : i32
      %dma_wait3A_683 = tpu.memref_slice %arg8[%run_scoped3A_80, %dma_wait3A_681, %dma_wait3A_682] : memref<2x48x256xf32, #tpu.memory_space<vmem>> -> memref<1x48x256xf32, #tpu.memory_space<vmem>>
      %dma_wait3A_684 = tpu.memref_squeeze %dma_wait3A_683 : memref<1x48x256xf32, #tpu.memory_space<vmem>> -> memref<48x256xf32, #tpu.memory_space<vmem>>
      tpu.wait_dma2 semaphore(%run_scoped3A_660 : memref<!tpu.dma_semaphore, #tpu.memory_space<semaphore_mem>>) src(%dma_wait3A_684 : memref<48x256xf32, #tpu.memory_space<vmem>>) dst(%dma_wait3A_680 : memref<48x256xf32, #tpu.memory_space<hbm>>)
      tpu.yield
    }) : () -> ()
    %run_scoped3A_81 = arith.constant 0 : i32
    "tpu.region"() ({
      %run_scoped3A_660 = tpu.sem_alloc : memref<!tpu.dma_semaphore, #tpu.memory_space<semaphore_mem>>
      %dma_start3A_661 = arith.constant 0 : i32
      %dma_start3A_662 = arith.constant 0 : i32
      %dma_start3A_663 = tpu.memref_slice %arg9[%run_scoped3A_81, %dma_start3A_661, %dma_start3A_662] : memref<2x48x768xf32, #tpu.memory_space<vmem>> -> memref<1x48x768xf32, #tpu.memory_space<vmem>>
      %dma_start3A_664 = tpu.memref_squeeze %dma_start3A_663 : memref<1x48x768xf32, #tpu.memory_space<vmem>> -> memref<48x768xf32, #tpu.memory_space<vmem>>
      %dma_start3A_665 = arith.constant 0 : i32
      %dma_start3A_666 = tpu.memref_slice %arg6[%add3A_79, %dma_start3A_665] : memref<18432x768xf32, #tpu.memory_space<hbm>> -> memref<48x768xf32, #tpu.memory_space<hbm>>
      %dma_start3A_667 = arith.constant 0 : i32
      %dma_start3A_668 = tpu.memref_slice %arg6[%add3A_79, %dma_start3A_667] : memref<18432x768xf32, #tpu.memory_space<hbm>> -> memref<48x768xf32, #tpu.memory_space<hbm>>
      %dma_start3A_669 = arith.constant 0 : i32
      %dma_start3A_670 = arith.constant 0 : i32
      %dma_start3A_671 = tpu.memref_slice %arg9[%run_scoped3A_81, %dma_start3A_669, %dma_start3A_670] : memref<2x48x768xf32, #tpu.memory_space<vmem>> -> memref<1x48x768xf32, #tpu.memory_space<vmem>>
      %dma_start3A_672 = tpu.memref_squeeze %dma_start3A_671 : memref<1x48x768xf32, #tpu.memory_space<vmem>> -> memref<48x768xf32, #tpu.memory_space<vmem>>
      tpu.enqueue_dma source(%dma_start3A_672 : memref<48x768xf32, #tpu.memory_space<vmem>>) target(%dma_start3A_668 : memref<48x768xf32, #tpu.memory_space<hbm>>) target_semaphore(%run_scoped3A_660 : memref<!tpu.dma_semaphore, #tpu.memory_space<semaphore_mem>>)
      %dma_wait3A_673 = arith.constant 0 : i32
      %dma_wait3A_674 = arith.constant 0 : i32
      %dma_wait3A_675 = tpu.memref_slice %arg9[%run_scoped3A_81, %dma_wait3A_673, %dma_wait3A_674] : memref<2x48x768xf32, #tpu.memory_space<vmem>> -> memref<1x48x768xf32, #tpu.memory_space<vmem>>
      %dma_wait3A_676 = tpu.memref_squeeze %dma_wait3A_675 : memref<1x48x768xf32, #tpu.memory_space<vmem>> -> memref<48x768xf32, #tpu.memory_space<vmem>>
      %dma_wait3A_677 = arith.constant 0 : i32
      %dma_wait3A_678 = tpu.memref_slice %arg6[%add3A_79, %dma_wait3A_677] : memref<18432x768xf32, #tpu.memory_space<hbm>> -> memref<48x768xf32, #tpu.memory_space<hbm>>
      %dma_wait3A_679 = arith.constant 0 : i32
      %dma_wait3A_680 = tpu.memref_slice %arg6[%add3A_79, %dma_wait3A_679] : memref<18432x768xf32, #tpu.memory_space<hbm>> -> memref<48x768xf32, #tpu.memory_space<hbm>>
      %dma_wait3A_681 = arith.constant 0 : i32
      %dma_wait3A_682 = arith.constant 0 : i32
      %dma_wait3A_683 = tpu.memref_slice %arg9[%run_scoped3A_81, %dma_wait3A_681, %dma_wait3A_682] : memref<2x48x768xf32, #tpu.memory_space<vmem>> -> memref<1x48x768xf32, #tpu.memory_space<vmem>>
      %dma_wait3A_684 = tpu.memref_squeeze %dma_wait3A_683 : memref<1x48x768xf32, #tpu.memory_space<vmem>> -> memref<48x768xf32, #tpu.memory_space<vmem>>
      tpu.wait_dma2 semaphore(%run_scoped3A_660 : memref<!tpu.dma_semaphore, #tpu.memory_space<semaphore_mem>>) src(%dma_wait3A_684 : memref<48x768xf32, #tpu.memory_space<vmem>>) dst(%dma_wait3A_680 : memref<48x768xf32, #tpu.memory_space<hbm>>)
      tpu.yield
    }) : () -> ()
    %add3A_82 = arith.constant 96 : i32
    %add3A_83 = arith.addi %mul3A_2, %add3A_82 : i32
    %run_scoped3A_84 = arith.constant 0 : i32
    "tpu.region"() ({
      %run_scoped3A_660 = tpu.sem_alloc : memref<!tpu.dma_semaphore, #tpu.memory_space<semaphore_mem>>
      %dma_start3A_661 = arith.constant 0 : i32
      %dma_start3A_662 = tpu.memref_slice %arg7[%run_scoped3A_84, %dma_start3A_661] : memref<2x48xi32, #tpu.memory_space<vmem>> -> memref<1x48xi32, #tpu.memory_space<vmem>>
      %dma_start3A_663 = tpu.memref_squeeze %dma_start3A_662 : memref<1x48xi32, #tpu.memory_space<vmem>> -> memref<48xi32, #tpu.memory_space<vmem>>
      %dma_start3A_664 = tpu.memref_slice %arg4[%add3A_83] : memref<18432xi32, #tpu.memory_space<hbm>> -> memref<48xi32, #tpu.memory_space<hbm>>
      %dma_start3A_665 = arith.constant 0 : i32
      %dma_start3A_666 = tpu.memref_slice %arg7[%run_scoped3A_84, %dma_start3A_665] : memref<2x48xi32, #tpu.memory_space<vmem>> -> memref<1x48xi32, #tpu.memory_space<vmem>>
      %dma_start3A_667 = tpu.memref_squeeze %dma_start3A_666 : memref<1x48xi32, #tpu.memory_space<vmem>> -> memref<48xi32, #tpu.memory_space<vmem>>
      %dma_start3A_668 = tpu.memref_slice %arg4[%add3A_83] : memref<18432xi32, #tpu.memory_space<hbm>> -> memref<48xi32, #tpu.memory_space<hbm>>
      tpu.enqueue_dma source(%dma_start3A_668 : memref<48xi32, #tpu.memory_space<hbm>>) target(%dma_start3A_667 : memref<48xi32, #tpu.memory_space<vmem>>) target_semaphore(%run_scoped3A_660 : memref<!tpu.dma_semaphore, #tpu.memory_space<semaphore_mem>>)
      %dma_wait3A_669 = arith.constant 0 : i32
      %dma_wait3A_670 = tpu.memref_slice %arg7[%run_scoped3A_84, %dma_wait3A_669] : memref<2x48xi32, #tpu.memory_space<vmem>> -> memref<1x48xi32, #tpu.memory_space<vmem>>
      %dma_wait3A_671 = tpu.memref_squeeze %dma_wait3A_670 : memref<1x48xi32, #tpu.memory_space<vmem>> -> memref<48xi32, #tpu.memory_space<vmem>>
      %dma_wait3A_672 = tpu.memref_slice %arg4[%add3A_83] : memref<18432xi32, #tpu.memory_space<hbm>> -> memref<48xi32, #tpu.memory_space<hbm>>
      %dma_wait3A_673 = arith.constant 0 : i32
      %dma_wait3A_674 = tpu.memref_slice %arg7[%run_scoped3A_84, %dma_wait3A_673] : memref<2x48xi32, #tpu.memory_space<vmem>> -> memref<1x48xi32, #tpu.memory_space<vmem>>
      %dma_wait3A_675 = tpu.memref_squeeze %dma_wait3A_674 : memref<1x48xi32, #tpu.memory_space<vmem>> -> memref<48xi32, #tpu.memory_space<vmem>>
      %dma_wait3A_676 = tpu.memref_slice %arg4[%add3A_83] : memref<18432xi32, #tpu.memory_space<hbm>> -> memref<48xi32, #tpu.memory_space<hbm>>
      tpu.wait_dma2 semaphore(%run_scoped3A_660 : memref<!tpu.dma_semaphore, #tpu.memory_space<semaphore_mem>>) src(%dma_wait3A_676 : memref<48xi32, #tpu.memory_space<hbm>>) dst(%dma_wait3A_675 : memref<48xi32, #tpu.memory_space<vmem>>)
      tpu.yield
    }) : () -> ()
    %dma_start3A_85 = arith.constant 0 : i32
    %dma_start3A_86 = arith.constant 0 : i32
    %dma_start3A_87 = arith.constant 0 : i32
    %dma_start3A_88 = arith.constant 0 : i32
    %dma_start3A_89 = tpu.memref_slice %arg8[%dma_start3A_86, %dma_start3A_87, %dma_start3A_88] : memref<2x48x256xf32, #tpu.memory_space<vmem>> -> memref<1x48x256xf32, #tpu.memory_space<vmem>>
    %dma_start3A_90 = tpu.memref_squeeze %dma_start3A_89 : memref<1x48x256xf32, #tpu.memory_space<vmem>> -> memref<48x256xf32, #tpu.memory_space<vmem>>
    %dma_start3A_91 = arith.constant 0 : i32
    %dma_start3A_92 = tpu.memref_slice %arg7[%dma_start3A_85, %dma_start3A_91] : memref<2x48xi32, #tpu.memory_space<vmem>> -> memref<1x48xi32, #tpu.memory_space<vmem>>
    %dma_start3A_93 = tpu.memref_squeeze %dma_start3A_92 : memref<1x48xi32, #tpu.memory_space<vmem>> -> memref<48xi32, #tpu.memory_space<vmem>>
    %dma_start3A_94 = arith.constant 0 : i32
    %dma_start3A_95 = arith.constant 0 : i32
    %dma_start3A_96 = tpu.memref_slice %arg2[%dma_start3A_94, %dma_start3A_95] : memref<8192x256xf32, #tpu.memory_space<hbm>> -> memref<8192x256xf32, #tpu.memory_space<hbm>>
    tpu.enqueue_indirect_dma source(%dma_start3A_96 : memref<8192x256xf32, #tpu.memory_space<hbm>>) target(%dma_start3A_90 : memref<48x256xf32, #tpu.memory_space<vmem>>) offsets(%dma_start3A_93 : memref<48xi32, #tpu.memory_space<vmem>>) semaphore(%arg10 : memref<!tpu.dma_semaphore, #tpu.memory_space<semaphore_mem>>)
    %dma_start3A_97 = arith.constant 0 : i32
    %dma_start3A_98 = arith.constant 0 : i32
    %dma_start3A_99 = arith.constant 0 : i32
    %dma_start3A_100 = arith.constant 0 : i32
    %dma_start3A_101 = tpu.memref_slice %arg9[%dma_start3A_98, %dma_start3A_99, %dma_start3A_100] : memref<2x48x768xf32, #tpu.memory_space<vmem>> -> memref<1x48x768xf32, #tpu.memory_space<vmem>>
    %dma_start3A_102 = tpu.memref_squeeze %dma_start3A_101 : memref<1x48x768xf32, #tpu.memory_space<vmem>> -> memref<48x768xf32, #tpu.memory_space<vmem>>
    %dma_start3A_103 = arith.constant 0 : i32
    %dma_start3A_104 = tpu.memref_slice %arg7[%dma_start3A_97, %dma_start3A_103] : memref<2x48xi32, #tpu.memory_space<vmem>> -> memref<1x48xi32, #tpu.memory_space<vmem>>
    %dma_start3A_105 = tpu.memref_squeeze %dma_start3A_104 : memref<1x48xi32, #tpu.memory_space<vmem>> -> memref<48xi32, #tpu.memory_space<vmem>>
    %dma_start3A_106 = arith.constant 0 : i32
    %dma_start3A_107 = arith.constant 0 : i32
    %dma_start3A_108 = tpu.memref_slice %arg3[%dma_start3A_106, %dma_start3A_107] : memref<8192x768xf32, #tpu.memory_space<hbm>> -> memref<8192x768xf32, #tpu.memory_space<hbm>>
    tpu.enqueue_indirect_dma source(%dma_start3A_108 : memref<8192x768xf32, #tpu.memory_space<hbm>>) target(%dma_start3A_102 : memref<48x768xf32, #tpu.memory_space<vmem>>) offsets(%dma_start3A_105 : memref<48xi32, #tpu.memory_space<vmem>>) semaphore(%arg12 : memref<!tpu.dma_semaphore, #tpu.memory_space<semaphore_mem>>)
    %dma_wait3A_109 = arith.constant 1 : i32
    %dma_wait3A_110 = arith.constant 1 : i32
    %dma_wait3A_111 = arith.constant 0 : i32
    %dma_wait3A_112 = arith.constant 0 : i32
    %dma_wait3A_113 = tpu.memref_slice %arg8[%dma_wait3A_110, %dma_wait3A_111, %dma_wait3A_112] : memref<2x48x256xf32, #tpu.memory_space<vmem>> -> memref<1x48x256xf32, #tpu.memory_space<vmem>>
    %dma_wait3A_114 = tpu.memref_squeeze %dma_wait3A_113 : memref<1x48x256xf32, #tpu.memory_space<vmem>> -> memref<48x256xf32, #tpu.memory_space<vmem>>
    %dma_wait3A_115 = arith.constant 0 : i32
    %dma_wait3A_116 = tpu.memref_slice %arg7[%dma_wait3A_109, %dma_wait3A_115] : memref<2x48xi32, #tpu.memory_space<vmem>> -> memref<1x48xi32, #tpu.memory_space<vmem>>
    %dma_wait3A_117 = tpu.memref_squeeze %dma_wait3A_116 : memref<1x48xi32, #tpu.memory_space<vmem>> -> memref<48xi32, #tpu.memory_space<vmem>>
    %dma_wait3A_118 = arith.constant 0 : i32
    %dma_wait3A_119 = arith.constant 0 : i32
    %dma_wait3A_120 = tpu.memref_slice %arg2[%dma_wait3A_118, %dma_wait3A_119] : memref<8192x256xf32, #tpu.memory_space<hbm>> -> memref<8192x256xf32, #tpu.memory_space<hbm>>
    tpu.wait_indirect_dma semaphore(%arg11 : memref<!tpu.dma_semaphore, #tpu.memory_space<semaphore_mem>>) src(%dma_wait3A_120 : memref<8192x256xf32, #tpu.memory_space<hbm>>) dst(%dma_wait3A_114 : memref<48x256xf32, #tpu.memory_space<vmem>>)
    %dma_wait3A_121 = arith.constant 1 : i32
    %dma_wait3A_122 = arith.constant 1 : i32
    %dma_wait3A_123 = arith.constant 0 : i32
    %dma_wait3A_124 = arith.constant 0 : i32
    %dma_wait3A_125 = tpu.memref_slice %arg9[%dma_wait3A_122, %dma_wait3A_123, %dma_wait3A_124] : memref<2x48x768xf32, #tpu.memory_space<vmem>> -> memref<1x48x768xf32, #tpu.memory_space<vmem>>
    %dma_wait3A_126 = tpu.memref_squeeze %dma_wait3A_125 : memref<1x48x768xf32, #tpu.memory_space<vmem>> -> memref<48x768xf32, #tpu.memory_space<vmem>>
    %dma_wait3A_127 = arith.constant 0 : i32
    %dma_wait3A_128 = tpu.memref_slice %arg7[%dma_wait3A_121, %dma_wait3A_127] : memref<2x48xi32, #tpu.memory_space<vmem>> -> memref<1x48xi32, #tpu.memory_space<vmem>>
    %dma_wait3A_129 = tpu.memref_squeeze %dma_wait3A_128 : memref<1x48xi32, #tpu.memory_space<vmem>> -> memref<48xi32, #tpu.memory_space<vmem>>
    %dma_wait3A_130 = arith.constant 0 : i32
    %dma_wait3A_131 = arith.constant 0 : i32
    %dma_wait3A_132 = tpu.memref_slice %arg3[%dma_wait3A_130, %dma_wait3A_131] : memref<8192x768xf32, #tpu.memory_space<hbm>> -> memref<8192x768xf32, #tpu.memory_space<hbm>>
    tpu.wait_indirect_dma semaphore(%arg13 : memref<!tpu.dma_semaphore, #tpu.memory_space<semaphore_mem>>) src(%dma_wait3A_132 : memref<8192x768xf32, #tpu.memory_space<hbm>>) dst(%dma_wait3A_126 : memref<48x768xf32, #tpu.memory_space<vmem>>)
    %add3A_133 = arith.constant 48 : i32
    %add3A_134 = arith.addi %mul3A_2, %add3A_133 : i32
    %run_scoped3A_135 = arith.constant 1 : i32
    "tpu.region"() ({
      %run_scoped3A_660 = tpu.sem_alloc : memref<!tpu.dma_semaphore, #tpu.memory_space<semaphore_mem>>
      %dma_start3A_661 = arith.constant 0 : i32
      %dma_start3A_662 = arith.constant 0 : i32
      %dma_start3A_663 = tpu.memref_slice %arg8[%run_scoped3A_135, %dma_start3A_661, %dma_start3A_662] : memref<2x48x256xf32, #tpu.memory_space<vmem>> -> memref<1x48x256xf32, #tpu.memory_space<vmem>>
      %dma_start3A_664 = tpu.memref_squeeze %dma_start3A_663 : memref<1x48x256xf32, #tpu.memory_space<vmem>> -> memref<48x256xf32, #tpu.memory_space<vmem>>
      %dma_start3A_665 = arith.constant 0 : i32
      %dma_start3A_666 = tpu.memref_slice %arg5[%add3A_134, %dma_start3A_665] : memref<18432x256xf32, #tpu.memory_space<hbm>> -> memref<48x256xf32, #tpu.memory_space<hbm>>
      %dma_start3A_667 = arith.constant 0 : i32
      %dma_start3A_668 = tpu.memref_slice %arg5[%add3A_134, %dma_start3A_667] : memref<18432x256xf32, #tpu.memory_space<hbm>> -> memref<48x256xf32, #tpu.memory_space<hbm>>
      %dma_start3A_669 = arith.constant 0 : i32
      %dma_start3A_670 = arith.constant 0 : i32
      %dma_start3A_671 = tpu.memref_slice %arg8[%run_scoped3A_135, %dma_start3A_669, %dma_start3A_670] : memref<2x48x256xf32, #tpu.memory_space<vmem>> -> memref<1x48x256xf32, #tpu.memory_space<vmem>>
      %dma_start3A_672 = tpu.memref_squeeze %dma_start3A_671 : memref<1x48x256xf32, #tpu.memory_space<vmem>> -> memref<48x256xf32, #tpu.memory_space<vmem>>
      tpu.enqueue_dma source(%dma_start3A_672 : memref<48x256xf32, #tpu.memory_space<vmem>>) target(%dma_start3A_668 : memref<48x256xf32, #tpu.memory_space<hbm>>) target_semaphore(%run_scoped3A_660 : memref<!tpu.dma_semaphore, #tpu.memory_space<semaphore_mem>>)
      %dma_wait3A_673 = arith.constant 0 : i32
      %dma_wait3A_674 = arith.constant 0 : i32
      %dma_wait3A_675 = tpu.memref_slice %arg8[%run_scoped3A_135, %dma_wait3A_673, %dma_wait3A_674] : memref<2x48x256xf32, #tpu.memory_space<vmem>> -> memref<1x48x256xf32, #tpu.memory_space<vmem>>
      %dma_wait3A_676 = tpu.memref_squeeze %dma_wait3A_675 : memref<1x48x256xf32, #tpu.memory_space<vmem>> -> memref<48x256xf32, #tpu.memory_space<vmem>>
      %dma_wait3A_677 = arith.constant 0 : i32
      %dma_wait3A_678 = tpu.memref_slice %arg5[%add3A_134, %dma_wait3A_677] : memref<18432x256xf32, #tpu.memory_space<hbm>> -> memref<48x256xf32, #tpu.memory_space<hbm>>
      %dma_wait3A_679 = arith.constant 0 : i32
      %dma_wait3A_680 = tpu.memref_slice %arg5[%add3A_134, %dma_wait3A_679] : memref<18432x256xf32, #tpu.memory_space<hbm>> -> memref<48x256xf32, #tpu.memory_space<hbm>>
      %dma_wait3A_681 = arith.constant 0 : i32
      %dma_wait3A_682 = arith.constant 0 : i32
      %dma_wait3A_683 = tpu.memref_slice %arg8[%run_scoped3A_135, %dma_wait3A_681, %dma_wait3A_682] : memref<2x48x256xf32, #tpu.memory_space<vmem>> -> memref<1x48x256xf32, #tpu.memory_space<vmem>>
      %dma_wait3A_684 = tpu.memref_squeeze %dma_wait3A_683 : memref<1x48x256xf32, #tpu.memory_space<vmem>> -> memref<48x256xf32, #tpu.memory_space<vmem>>
      tpu.wait_dma2 semaphore(%run_scoped3A_660 : memref<!tpu.dma_semaphore, #tpu.memory_space<semaphore_mem>>) src(%dma_wait3A_684 : memref<48x256xf32, #tpu.memory_space<vmem>>) dst(%dma_wait3A_680 : memref<48x256xf32, #tpu.memory_space<hbm>>)
      tpu.yield
    }) : () -> ()
    %run_scoped3A_136 = arith.constant 1 : i32
    "tpu.region"() ({
      %run_scoped3A_660 = tpu.sem_alloc : memref<!tpu.dma_semaphore, #tpu.memory_space<semaphore_mem>>
      %dma_start3A_661 = arith.constant 0 : i32
      %dma_start3A_662 = arith.constant 0 : i32
      %dma_start3A_663 = tpu.memref_slice %arg9[%run_scoped3A_136, %dma_start3A_661, %dma_start3A_662] : memref<2x48x768xf32, #tpu.memory_space<vmem>> -> memref<1x48x768xf32, #tpu.memory_space<vmem>>
      %dma_start3A_664 = tpu.memref_squeeze %dma_start3A_663 : memref<1x48x768xf32, #tpu.memory_space<vmem>> -> memref<48x768xf32, #tpu.memory_space<vmem>>
      %dma_start3A_665 = arith.constant 0 : i32
      %dma_start3A_666 = tpu.memref_slice %arg6[%add3A_134, %dma_start3A_665] : memref<18432x768xf32, #tpu.memory_space<hbm>> -> memref<48x768xf32, #tpu.memory_space<hbm>>
      %dma_start3A_667 = arith.constant 0 : i32
      %dma_start3A_668 = tpu.memref_slice %arg6[%add3A_134, %dma_start3A_667] : memref<18432x768xf32, #tpu.memory_space<hbm>> -> memref<48x768xf32, #tpu.memory_space<hbm>>
      %dma_start3A_669 = arith.constant 0 : i32
      %dma_start3A_670 = arith.constant 0 : i32
      %dma_start3A_671 = tpu.memref_slice %arg9[%run_scoped3A_136, %dma_start3A_669, %dma_start3A_670] : memref<2x48x768xf32, #tpu.memory_space<vmem>> -> memref<1x48x768xf32, #tpu.memory_space<vmem>>
      %dma_start3A_672 = tpu.memref_squeeze %dma_start3A_671 : memref<1x48x768xf32, #tpu.memory_space<vmem>> -> memref<48x768xf32, #tpu.memory_space<vmem>>
      tpu.enqueue_dma source(%dma_start3A_672 : memref<48x768xf32, #tpu.memory_space<vmem>>) target(%dma_start3A_668 : memref<48x768xf32, #tpu.memory_space<hbm>>) target_semaphore(%run_scoped3A_660 : memref<!tpu.dma_semaphore, #tpu.memory_space<semaphore_mem>>)
      %dma_wait3A_673 = arith.constant 0 : i32
      %dma_wait3A_674 = arith.constant 0 : i32
      %dma_wait3A_675 = tpu.memref_slice %arg9[%run_scoped3A_136, %dma_wait3A_673, %dma_wait3A_674] : memref<2x48x768xf32, #tpu.memory_space<vmem>> -> memref<1x48x768xf32, #tpu.memory_space<vmem>>
      %dma_wait3A_676 = tpu.memref_squeeze %dma_wait3A_675 : memref<1x48x768xf32, #tpu.memory_space<vmem>> -> memref<48x768xf32, #tpu.memory_space<vmem>>
      %dma_wait3A_677 = arith.constant 0 : i32
      %dma_wait3A_678 = tpu.memref_slice %arg6[%add3A_134, %dma_wait3A_677] : memref<18432x768xf32, #tpu.memory_space<hbm>> -> memref<48x768xf32, #tpu.memory_space<hbm>>
      %dma_wait3A_679 = arith.constant 0 : i32
      %dma_wait3A_680 = tpu.memref_slice %arg6[%add3A_134, %dma_wait3A_679] : memref<18432x768xf32, #tpu.memory_space<hbm>> -> memref<48x768xf32, #tpu.memory_space<hbm>>
      %dma_wait3A_681 = arith.constant 0 : i32
      %dma_wait3A_682 = arith.constant 0 : i32
      %dma_wait3A_683 = tpu.memref_slice %arg9[%run_scoped3A_136, %dma_wait3A_681, %dma_wait3A_682] : memref<2x48x768xf32, #tpu.memory_space<vmem>> -> memref<1x48x768xf32, #tpu.memory_space<vmem>>
      %dma_wait3A_684 = tpu.memref_squeeze %dma_wait3A_683 : memref<1x48x768xf32, #tpu.memory_space<vmem>> -> memref<48x768xf32, #tpu.memory_space<vmem>>
      tpu.wait_dma2 semaphore(%run_scoped3A_660 : memref<!tpu.dma_semaphore, #tpu.memory_space<semaphore_mem>>) src(%dma_wait3A_684 : memref<48x768xf32, #tpu.memory_space<vmem>>) dst(%dma_wait3A_680 : memref<48x768xf32, #tpu.memory_space<hbm>>)
      tpu.yield
    }) : () -> ()
    %add3A_137 = arith.constant 144 : i32
    %add3A_138 = arith.addi %mul3A_2, %add3A_137 : i32
    %run_scoped3A_139 = arith.constant 1 : i32
    "tpu.region"() ({
      %run_scoped3A_660 = tpu.sem_alloc : memref<!tpu.dma_semaphore, #tpu.memory_space<semaphore_mem>>
      %dma_start3A_661 = arith.constant 0 : i32
      %dma_start3A_662 = tpu.memref_slice %arg7[%run_scoped3A_139, %dma_start3A_661] : memref<2x48xi32, #tpu.memory_space<vmem>> -> memref<1x48xi32, #tpu.memory_space<vmem>>
      %dma_start3A_663 = tpu.memref_squeeze %dma_start3A_662 : memref<1x48xi32, #tpu.memory_space<vmem>> -> memref<48xi32, #tpu.memory_space<vmem>>
      %dma_start3A_664 = tpu.memref_slice %arg4[%add3A_138] : memref<18432xi32, #tpu.memory_space<hbm>> -> memref<48xi32, #tpu.memory_space<hbm>>
      %dma_start3A_665 = arith.constant 0 : i32
      %dma_start3A_666 = tpu.memref_slice %arg7[%run_scoped3A_139, %dma_start3A_665] : memref<2x48xi32, #tpu.memory_space<vmem>> -> memref<1x48xi32, #tpu.memory_space<vmem>>
      %dma_start3A_667 = tpu.memref_squeeze %dma_start3A_666 : memref<1x48xi32, #tpu.memory_space<vmem>> -> memref<48xi32, #tpu.memory_space<vmem>>
      %dma_start3A_668 = tpu.memref_slice %arg4[%add3A_138] : memref<18432xi32, #tpu.memory_space<hbm>> -> memref<48xi32, #tpu.memory_space<hbm>>
      tpu.enqueue_dma source(%dma_start3A_668 : memref<48xi32, #tpu.memory_space<hbm>>) target(%dma_start3A_667 : memref<48xi32, #tpu.memory_space<vmem>>) target_semaphore(%run_scoped3A_660 : memref<!tpu.dma_semaphore, #tpu.memory_space<semaphore_mem>>)
      %dma_wait3A_669 = arith.constant 0 : i32
      %dma_wait3A_670 = tpu.memref_slice %arg7[%run_scoped3A_139, %dma_wait3A_669] : memref<2x48xi32, #tpu.memory_space<vmem>> -> memref<1x48xi32, #tpu.memory_space<vmem>>
      %dma_wait3A_671 = tpu.memref_squeeze %dma_wait3A_670 : memref<1x48xi32, #tpu.memory_space<vmem>> -> memref<48xi32, #tpu.memory_space<vmem>>
      %dma_wait3A_672 = tpu.memref_slice %arg4[%add3A_138] : memref<18432xi32, #tpu.memory_space<hbm>> -> memref<48xi32, #tpu.memory_space<hbm>>
      %dma_wait3A_673 = arith.constant 0 : i32
      %dma_wait3A_674 = tpu.memref_slice %arg7[%run_scoped3A_139, %dma_wait3A_673] : memref<2x48xi32, #tpu.memory_space<vmem>> -> memref<1x48xi32, #tpu.memory_space<vmem>>
      %dma_wait3A_675 = tpu.memref_squeeze %dma_wait3A_674 : memref<1x48xi32, #tpu.memory_space<vmem>> -> memref<48xi32, #tpu.memory_space<vmem>>
      %dma_wait3A_676 = tpu.memref_slice %arg4[%add3A_138] : memref<18432xi32, #tpu.memory_space<hbm>> -> memref<48xi32, #tpu.memory_space<hbm>>
      tpu.wait_dma2 semaphore(%run_scoped3A_660 : memref<!tpu.dma_semaphore, #tpu.memory_space<semaphore_mem>>) src(%dma_wait3A_676 : memref<48xi32, #tpu.memory_space<hbm>>) dst(%dma_wait3A_675 : memref<48xi32, #tpu.memory_space<vmem>>)
      tpu.yield
    }) : () -> ()
    %dma_start3A_140 = arith.constant 1 : i32
    %dma_start3A_141 = arith.constant 1 : i32
    %dma_start3A_142 = arith.constant 0 : i32
    %dma_start3A_143 = arith.constant 0 : i32
    %dma_start3A_144 = tpu.memref_slice %arg8[%dma_start3A_141, %dma_start3A_142, %dma_start3A_143] : memref<2x48x256xf32, #tpu.memory_space<vmem>> -> memref<1x48x256xf32, #tpu.memory_space<vmem>>
    %dma_start3A_145 = tpu.memref_squeeze %dma_start3A_144 : memref<1x48x256xf32, #tpu.memory_space<vmem>> -> memref<48x256xf32, #tpu.memory_space<vmem>>
    %dma_start3A_146 = arith.constant 0 : i32
    %dma_start3A_147 = tpu.memref_slice %arg7[%dma_start3A_140, %dma_start3A_146] : memref<2x48xi32, #tpu.memory_space<vmem>> -> memref<1x48xi32, #tpu.memory_space<vmem>>
    %dma_start3A_148 = tpu.memref_squeeze %dma_start3A_147 : memref<1x48xi32, #tpu.memory_space<vmem>> -> memref<48xi32, #tpu.memory_space<vmem>>
    %dma_start3A_149 = arith.constant 0 : i32
    %dma_start3A_150 = arith.constant 0 : i32
    %dma_start3A_151 = tpu.memref_slice %arg2[%dma_start3A_149, %dma_start3A_150] : memref<8192x256xf32, #tpu.memory_space<hbm>> -> memref<8192x256xf32, #tpu.memory_space<hbm>>
    tpu.enqueue_indirect_dma source(%dma_start3A_151 : memref<8192x256xf32, #tpu.memory_space<hbm>>) target(%dma_start3A_145 : memref<48x256xf32, #tpu.memory_space<vmem>>) offsets(%dma_start3A_148 : memref<48xi32, #tpu.memory_space<vmem>>) semaphore(%arg11 : memref<!tpu.dma_semaphore, #tpu.memory_space<semaphore_mem>>)
    %dma_start3A_152 = arith.constant 1 : i32
    %dma_start3A_153 = arith.constant 1 : i32
    %dma_start3A_154 = arith.constant 0 : i32
    %dma_start3A_155 = arith.constant 0 : i32
    %dma_start3A_156 = tpu.memref_slice %arg9[%dma_start3A_153, %dma_start3A_154, %dma_start3A_155] : memref<2x48x768xf32, #tpu.memory_space<vmem>> -> memref<1x48x768xf32, #tpu.memory_space<vmem>>
    %dma_start3A_157 = tpu.memref_squeeze %dma_start3A_156 : memref<1x48x768xf32, #tpu.memory_space<vmem>> -> memref<48x768xf32, #tpu.memory_space<vmem>>
    %dma_start3A_158 = arith.constant 0 : i32
    %dma_start3A_159 = tpu.memref_slice %arg7[%dma_start3A_152, %dma_start3A_158] : memref<2x48xi32, #tpu.memory_space<vmem>> -> memref<1x48xi32, #tpu.memory_space<vmem>>
    %dma_start3A_160 = tpu.memref_squeeze %dma_start3A_159 : memref<1x48xi32, #tpu.memory_space<vmem>> -> memref<48xi32, #tpu.memory_space<vmem>>
    %dma_start3A_161 = arith.constant 0 : i32
    %dma_start3A_162 = arith.constant 0 : i32
    %dma_start3A_163 = tpu.memref_slice %arg3[%dma_start3A_161, %dma_start3A_162] : memref<8192x768xf32, #tpu.memory_space<hbm>> -> memref<8192x768xf32, #tpu.memory_space<hbm>>
    tpu.enqueue_indirect_dma source(%dma_start3A_163 : memref<8192x768xf32, #tpu.memory_space<hbm>>) target(%dma_start3A_157 : memref<48x768xf32, #tpu.memory_space<vmem>>) offsets(%dma_start3A_160 : memref<48xi32, #tpu.memory_space<vmem>>) semaphore(%arg13 : memref<!tpu.dma_semaphore, #tpu.memory_space<semaphore_mem>>)
    %dma_wait3A_164 = arith.constant 0 : i32
    %dma_wait3A_165 = arith.constant 0 : i32
    %dma_wait3A_166 = arith.constant 0 : i32
    %dma_wait3A_167 = arith.constant 0 : i32
    %dma_wait3A_168 = tpu.memref_slice %arg8[%dma_wait3A_165, %dma_wait3A_166, %dma_wait3A_167] : memref<2x48x256xf32, #tpu.memory_space<vmem>> -> memref<1x48x256xf32, #tpu.memory_space<vmem>>
    %dma_wait3A_169 = tpu.memref_squeeze %dma_wait3A_168 : memref<1x48x256xf32, #tpu.memory_space<vmem>> -> memref<48x256xf32, #tpu.memory_space<vmem>>
    %dma_wait3A_170 = arith.constant 0 : i32
    %dma_wait3A_171 = tpu.memref_slice %arg7[%dma_wait3A_164, %dma_wait3A_170] : memref<2x48xi32, #tpu.memory_space<vmem>> -> memref<1x48xi32, #tpu.memory_space<vmem>>
    %dma_wait3A_172 = tpu.memref_squeeze %dma_wait3A_171 : memref<1x48xi32, #tpu.memory_space<vmem>> -> memref<48xi32, #tpu.memory_space<vmem>>
    %dma_wait3A_173 = arith.constant 0 : i32
    %dma_wait3A_174 = arith.constant 0 : i32
    %dma_wait3A_175 = tpu.memref_slice %arg2[%dma_wait3A_173, %dma_wait3A_174] : memref<8192x256xf32, #tpu.memory_space<hbm>> -> memref<8192x256xf32, #tpu.memory_space<hbm>>
    tpu.wait_indirect_dma semaphore(%arg10 : memref<!tpu.dma_semaphore, #tpu.memory_space<semaphore_mem>>) src(%dma_wait3A_175 : memref<8192x256xf32, #tpu.memory_space<hbm>>) dst(%dma_wait3A_169 : memref<48x256xf32, #tpu.memory_space<vmem>>)
    %dma_wait3A_176 = arith.constant 0 : i32
    %dma_wait3A_177 = arith.constant 0 : i32
    %dma_wait3A_178 = arith.constant 0 : i32
    %dma_wait3A_179 = arith.constant 0 : i32
    %dma_wait3A_180 = tpu.memref_slice %arg9[%dma_wait3A_177, %dma_wait3A_178, %dma_wait3A_179] : memref<2x48x768xf32, #tpu.memory_space<vmem>> -> memref<1x48x768xf32, #tpu.memory_space<vmem>>
    %dma_wait3A_181 = tpu.memref_squeeze %dma_wait3A_180 : memref<1x48x768xf32, #tpu.memory_space<vmem>> -> memref<48x768xf32, #tpu.memory_space<vmem>>
    %dma_wait3A_182 = arith.constant 0 : i32
    %dma_wait3A_183 = tpu.memref_slice %arg7[%dma_wait3A_176, %dma_wait3A_182] : memref<2x48xi32, #tpu.memory_space<vmem>> -> memref<1x48xi32, #tpu.memory_space<vmem>>
    %dma_wait3A_184 = tpu.memref_squeeze %dma_wait3A_183 : memref<1x48xi32, #tpu.memory_space<vmem>> -> memref<48xi32, #tpu.memory_space<vmem>>
    %dma_wait3A_185 = arith.constant 0 : i32
    %dma_wait3A_186 = arith.constant 0 : i32
    %dma_wait3A_187 = tpu.memref_slice %arg3[%dma_wait3A_185, %dma_wait3A_186] : memref<8192x768xf32, #tpu.memory_space<hbm>> -> memref<8192x768xf32, #tpu.memory_space<hbm>>
    tpu.wait_indirect_dma semaphore(%arg12 : memref<!tpu.dma_semaphore, #tpu.memory_space<semaphore_mem>>) src(%dma_wait3A_187 : memref<8192x768xf32, #tpu.memory_space<hbm>>) dst(%dma_wait3A_181 : memref<48x768xf32, #tpu.memory_space<vmem>>)
    %add3A_188 = arith.constant 96 : i32
    %add3A_189 = arith.addi %mul3A_2, %add3A_188 : i32
    %run_scoped3A_190 = arith.constant 0 : i32
    "tpu.region"() ({
      %run_scoped3A_660 = tpu.sem_alloc : memref<!tpu.dma_semaphore, #tpu.memory_space<semaphore_mem>>
      %dma_start3A_661 = arith.constant 0 : i32
      %dma_start3A_662 = arith.constant 0 : i32
      %dma_start3A_663 = tpu.memref_slice %arg8[%run_scoped3A_190, %dma_start3A_661, %dma_start3A_662] : memref<2x48x256xf32, #tpu.memory_space<vmem>> -> memref<1x48x256xf32, #tpu.memory_space<vmem>>
      %dma_start3A_664 = tpu.memref_squeeze %dma_start3A_663 : memref<1x48x256xf32, #tpu.memory_space<vmem>> -> memref<48x256xf32, #tpu.memory_space<vmem>>
      %dma_start3A_665 = arith.constant 0 : i32
      %dma_start3A_666 = tpu.memref_slice %arg5[%add3A_189, %dma_start3A_665] : memref<18432x256xf32, #tpu.memory_space<hbm>> -> memref<48x256xf32, #tpu.memory_space<hbm>>
      %dma_start3A_667 = arith.constant 0 : i32
      %dma_start3A_668 = tpu.memref_slice %arg5[%add3A_189, %dma_start3A_667] : memref<18432x256xf32, #tpu.memory_space<hbm>> -> memref<48x256xf32, #tpu.memory_space<hbm>>
      %dma_start3A_669 = arith.constant 0 : i32
      %dma_start3A_670 = arith.constant 0 : i32
      %dma_start3A_671 = tpu.memref_slice %arg8[%run_scoped3A_190, %dma_start3A_669, %dma_start3A_670] : memref<2x48x256xf32, #tpu.memory_space<vmem>> -> memref<1x48x256xf32, #tpu.memory_space<vmem>>
      %dma_start3A_672 = tpu.memref_squeeze %dma_start3A_671 : memref<1x48x256xf32, #tpu.memory_space<vmem>> -> memref<48x256xf32, #tpu.memory_space<vmem>>
      tpu.enqueue_dma source(%dma_start3A_672 : memref<48x256xf32, #tpu.memory_space<vmem>>) target(%dma_start3A_668 : memref<48x256xf32, #tpu.memory_space<hbm>>) target_semaphore(%run_scoped3A_660 : memref<!tpu.dma_semaphore, #tpu.memory_space<semaphore_mem>>)
      %dma_wait3A_673 = arith.constant 0 : i32
      %dma_wait3A_674 = arith.constant 0 : i32
      %dma_wait3A_675 = tpu.memref_slice %arg8[%run_scoped3A_190, %dma_wait3A_673, %dma_wait3A_674] : memref<2x48x256xf32, #tpu.memory_space<vmem>> -> memref<1x48x256xf32, #tpu.memory_space<vmem>>
      %dma_wait3A_676 = tpu.memref_squeeze %dma_wait3A_675 : memref<1x48x256xf32, #tpu.memory_space<vmem>> -> memref<48x256xf32, #tpu.memory_space<vmem>>
      %dma_wait3A_677 = arith.constant 0 : i32
      %dma_wait3A_678 = tpu.memref_slice %arg5[%add3A_189, %dma_wait3A_677] : memref<18432x256xf32, #tpu.memory_space<hbm>> -> memref<48x256xf32, #tpu.memory_space<hbm>>
      %dma_wait3A_679 = arith.constant 0 : i32
      %dma_wait3A_680 = tpu.memref_slice %arg5[%add3A_189, %dma_wait3A_679] : memref<18432x256xf32, #tpu.memory_space<hbm>> -> memref<48x256xf32, #tpu.memory_space<hbm>>
      %dma_wait3A_681 = arith.constant 0 : i32
      %dma_wait3A_682 = arith.constant 0 : i32
      %dma_wait3A_683 = tpu.memref_slice %arg8[%run_scoped3A_190, %dma_wait3A_681, %dma_wait3A_682] : memref<2x48x256xf32, #tpu.memory_space<vmem>> -> memref<1x48x256xf32, #tpu.memory_space<vmem>>
      %dma_wait3A_684 = tpu.memref_squeeze %dma_wait3A_683 : memref<1x48x256xf32, #tpu.memory_space<vmem>> -> memref<48x256xf32, #tpu.memory_space<vmem>>
      tpu.wait_dma2 semaphore(%run_scoped3A_660 : memref<!tpu.dma_semaphore, #tpu.memory_space<semaphore_mem>>) src(%dma_wait3A_684 : memref<48x256xf32, #tpu.memory_space<vmem>>) dst(%dma_wait3A_680 : memref<48x256xf32, #tpu.memory_space<hbm>>)
      tpu.yield
    }) : () -> ()
    %run_scoped3A_191 = arith.constant 0 : i32
    "tpu.region"() ({
      %run_scoped3A_660 = tpu.sem_alloc : memref<!tpu.dma_semaphore, #tpu.memory_space<semaphore_mem>>
      %dma_start3A_661 = arith.constant 0 : i32
      %dma_start3A_662 = arith.constant 0 : i32
      %dma_start3A_663 = tpu.memref_slice %arg9[%run_scoped3A_191, %dma_start3A_661, %dma_start3A_662] : memref<2x48x768xf32, #tpu.memory_space<vmem>> -> memref<1x48x768xf32, #tpu.memory_space<vmem>>
      %dma_start3A_664 = tpu.memref_squeeze %dma_start3A_663 : memref<1x48x768xf32, #tpu.memory_space<vmem>> -> memref<48x768xf32, #tpu.memory_space<vmem>>
      %dma_start3A_665 = arith.constant 0 : i32
      %dma_start3A_666 = tpu.memref_slice %arg6[%add3A_189, %dma_start3A_665] : memref<18432x768xf32, #tpu.memory_space<hbm>> -> memref<48x768xf32, #tpu.memory_space<hbm>>
      %dma_start3A_667 = arith.constant 0 : i32
      %dma_start3A_668 = tpu.memref_slice %arg6[%add3A_189, %dma_start3A_667] : memref<18432x768xf32, #tpu.memory_space<hbm>> -> memref<48x768xf32, #tpu.memory_space<hbm>>
      %dma_start3A_669 = arith.constant 0 : i32
      %dma_start3A_670 = arith.constant 0 : i32
      %dma_start3A_671 = tpu.memref_slice %arg9[%run_scoped3A_191, %dma_start3A_669, %dma_start3A_670] : memref<2x48x768xf32, #tpu.memory_space<vmem>> -> memref<1x48x768xf32, #tpu.memory_space<vmem>>
      %dma_start3A_672 = tpu.memref_squeeze %dma_start3A_671 : memref<1x48x768xf32, #tpu.memory_space<vmem>> -> memref<48x768xf32, #tpu.memory_space<vmem>>
      tpu.enqueue_dma source(%dma_start3A_672 : memref<48x768xf32, #tpu.memory_space<vmem>>) target(%dma_start3A_668 : memref<48x768xf32, #tpu.memory_space<hbm>>) target_semaphore(%run_scoped3A_660 : memref<!tpu.dma_semaphore, #tpu.memory_space<semaphore_mem>>)
      %dma_wait3A_673 = arith.constant 0 : i32
      %dma_wait3A_674 = arith.constant 0 : i32
      %dma_wait3A_675 = tpu.memref_slice %arg9[%run_scoped3A_191, %dma_wait3A_673, %dma_wait3A_674] : memref<2x48x768xf32, #tpu.memory_space<vmem>> -> memref<1x48x768xf32, #tpu.memory_space<vmem>>
      %dma_wait3A_676 = tpu.memref_squeeze %dma_wait3A_675 : memref<1x48x768xf32, #tpu.memory_space<vmem>> -> memref<48x768xf32, #tpu.memory_space<vmem>>
      %dma_wait3A_677 = arith.constant 0 : i32
      %dma_wait3A_678 = tpu.memref_slice %arg6[%add3A_189, %dma_wait3A_677] : memref<18432x768xf32, #tpu.memory_space<hbm>> -> memref<48x768xf32, #tpu.memory_space<hbm>>
      %dma_wait3A_679 = arith.constant 0 : i32
      %dma_wait3A_680 = tpu.memref_slice %arg6[%add3A_189, %dma_wait3A_679] : memref<18432x768xf32, #tpu.memory_space<hbm>> -> memref<48x768xf32, #tpu.memory_space<hbm>>
      %dma_wait3A_681 = arith.constant 0 : i32
      %dma_wait3A_682 = arith.constant 0 : i32
      %dma_wait3A_683 = tpu.memref_slice %arg9[%run_scoped3A_191, %dma_wait3A_681, %dma_wait3A_682] : memref<2x48x768xf32, #tpu.memory_space<vmem>> -> memref<1x48x768xf32, #tpu.memory_space<vmem>>
      %dma_wait3A_684 = tpu.memref_squeeze %dma_wait3A_683 : memref<1x48x768xf32, #tpu.memory_space<vmem>> -> memref<48x768xf32, #tpu.memory_space<vmem>>
      tpu.wait_dma2 semaphore(%run_scoped3A_660 : memref<!tpu.dma_semaphore, #tpu.memory_space<semaphore_mem>>) src(%dma_wait3A_684 : memref<48x768xf32, #tpu.memory_space<vmem>>) dst(%dma_wait3A_680 : memref<48x768xf32, #tpu.memory_space<hbm>>)
      tpu.yield
    }) : () -> ()
    %add3A_192 = arith.constant 192 : i32
    %add3A_193 = arith.addi %mul3A_2, %add3A_192 : i32
    %run_scoped3A_194 = arith.constant 0 : i32
    "tpu.region"() ({
      %run_scoped3A_660 = tpu.sem_alloc : memref<!tpu.dma_semaphore, #tpu.memory_space<semaphore_mem>>
      %dma_start3A_661 = arith.constant 0 : i32
      %dma_start3A_662 = tpu.memref_slice %arg7[%run_scoped3A_194, %dma_start3A_661] : memref<2x48xi32, #tpu.memory_space<vmem>> -> memref<1x48xi32, #tpu.memory_space<vmem>>
      %dma_start3A_663 = tpu.memref_squeeze %dma_start3A_662 : memref<1x48xi32, #tpu.memory_space<vmem>> -> memref<48xi32, #tpu.memory_space<vmem>>
      %dma_start3A_664 = tpu.memref_slice %arg4[%add3A_193] : memref<18432xi32, #tpu.memory_space<hbm>> -> memref<48xi32, #tpu.memory_space<hbm>>
      %dma_start3A_665 = arith.constant 0 : i32
      %dma_start3A_666 = tpu.memref_slice %arg7[%run_scoped3A_194, %dma_start3A_665] : memref<2x48xi32, #tpu.memory_space<vmem>> -> memref<1x48xi32, #tpu.memory_space<vmem>>
      %dma_start3A_667 = tpu.memref_squeeze %dma_start3A_666 : memref<1x48xi32, #tpu.memory_space<vmem>> -> memref<48xi32, #tpu.memory_space<vmem>>
      %dma_start3A_668 = tpu.memref_slice %arg4[%add3A_193] : memref<18432xi32, #tpu.memory_space<hbm>> -> memref<48xi32, #tpu.memory_space<hbm>>
      tpu.enqueue_dma source(%dma_start3A_668 : memref<48xi32, #tpu.memory_space<hbm>>) target(%dma_start3A_667 : memref<48xi32, #tpu.memory_space<vmem>>) target_semaphore(%run_scoped3A_660 : memref<!tpu.dma_semaphore, #tpu.memory_space<semaphore_mem>>)
      %dma_wait3A_669 = arith.constant 0 : i32
      %dma_wait3A_670 = tpu.memref_slice %arg7[%run_scoped3A_194, %dma_wait3A_669] : memref<2x48xi32, #tpu.memory_space<vmem>> -> memref<1x48xi32, #tpu.memory_space<vmem>>
      %dma_wait3A_671 = tpu.memref_squeeze %dma_wait3A_670 : memref<1x48xi32, #tpu.memory_space<vmem>> -> memref<48xi32, #tpu.memory_space<vmem>>
      %dma_wait3A_672 = tpu.memref_slice %arg4[%add3A_193] : memref<18432xi32, #tpu.memory_space<hbm>> -> memref<48xi32, #tpu.memory_space<hbm>>
      %dma_wait3A_673 = arith.constant 0 : i32
      %dma_wait3A_674 = tpu.memref_slice %arg7[%run_scoped3A_194, %dma_wait3A_673] : memref<2x48xi32, #tpu.memory_space<vmem>> -> memref<1x48xi32, #tpu.memory_space<vmem>>
      %dma_wait3A_675 = tpu.memref_squeeze %dma_wait3A_674 : memref<1x48xi32, #tpu.memory_space<vmem>> -> memref<48xi32, #tpu.memory_space<vmem>>
      %dma_wait3A_676 = tpu.memref_slice %arg4[%add3A_193] : memref<18432xi32, #tpu.memory_space<hbm>> -> memref<48xi32, #tpu.memory_space<hbm>>
      tpu.wait_dma2 semaphore(%run_scoped3A_660 : memref<!tpu.dma_semaphore, #tpu.memory_space<semaphore_mem>>) src(%dma_wait3A_676 : memref<48xi32, #tpu.memory_space<hbm>>) dst(%dma_wait3A_675 : memref<48xi32, #tpu.memory_space<vmem>>)
      tpu.yield
    }) : () -> ()
    %dma_start3A_195 = arith.constant 0 : i32
    %dma_start3A_196 = arith.constant 0 : i32
    %dma_start3A_197 = arith.constant 0 : i32
    %dma_start3A_198 = arith.constant 0 : i32
    %dma_start3A_199 = tpu.memref_slice %arg8[%dma_start3A_196, %dma_start3A_197, %dma_start3A_198] : memref<2x48x256xf32, #tpu.memory_space<vmem>> -> memref<1x48x256xf32, #tpu.memory_space<vmem>>
    %dma_start3A_200 = tpu.memref_squeeze %dma_start3A_199 : memref<1x48x256xf32, #tpu.memory_space<vmem>> -> memref<48x256xf32, #tpu.memory_space<vmem>>
    %dma_start3A_201 = arith.constant 0 : i32
    %dma_start3A_202 = tpu.memref_slice %arg7[%dma_start3A_195, %dma_start3A_201] : memref<2x48xi32, #tpu.memory_space<vmem>> -> memref<1x48xi32, #tpu.memory_space<vmem>>
    %dma_start3A_203 = tpu.memref_squeeze %dma_start3A_202 : memref<1x48xi32, #tpu.memory_space<vmem>> -> memref<48xi32, #tpu.memory_space<vmem>>
    %dma_start3A_204 = arith.constant 0 : i32
    %dma_start3A_205 = arith.constant 0 : i32
    %dma_start3A_206 = tpu.memref_slice %arg2[%dma_start3A_204, %dma_start3A_205] : memref<8192x256xf32, #tpu.memory_space<hbm>> -> memref<8192x256xf32, #tpu.memory_space<hbm>>
    tpu.enqueue_indirect_dma source(%dma_start3A_206 : memref<8192x256xf32, #tpu.memory_space<hbm>>) target(%dma_start3A_200 : memref<48x256xf32, #tpu.memory_space<vmem>>) offsets(%dma_start3A_203 : memref<48xi32, #tpu.memory_space<vmem>>) semaphore(%arg10 : memref<!tpu.dma_semaphore, #tpu.memory_space<semaphore_mem>>)
    %dma_start3A_207 = arith.constant 0 : i32
    %dma_start3A_208 = arith.constant 0 : i32
    %dma_start3A_209 = arith.constant 0 : i32
    %dma_start3A_210 = arith.constant 0 : i32
    %dma_start3A_211 = tpu.memref_slice %arg9[%dma_start3A_208, %dma_start3A_209, %dma_start3A_210] : memref<2x48x768xf32, #tpu.memory_space<vmem>> -> memref<1x48x768xf32, #tpu.memory_space<vmem>>
    %dma_start3A_212 = tpu.memref_squeeze %dma_start3A_211 : memref<1x48x768xf32, #tpu.memory_space<vmem>> -> memref<48x768xf32, #tpu.memory_space<vmem>>
    %dma_start3A_213 = arith.constant 0 : i32
    %dma_start3A_214 = tpu.memref_slice %arg7[%dma_start3A_207, %dma_start3A_213] : memref<2x48xi32, #tpu.memory_space<vmem>> -> memref<1x48xi32, #tpu.memory_space<vmem>>
    %dma_start3A_215 = tpu.memref_squeeze %dma_start3A_214 : memref<1x48xi32, #tpu.memory_space<vmem>> -> memref<48xi32, #tpu.memory_space<vmem>>
    %dma_start3A_216 = arith.constant 0 : i32
    %dma_start3A_217 = arith.constant 0 : i32
    %dma_start3A_218 = tpu.memref_slice %arg3[%dma_start3A_216, %dma_start3A_217] : memref<8192x768xf32, #tpu.memory_space<hbm>> -> memref<8192x768xf32, #tpu.memory_space<hbm>>
    tpu.enqueue_indirect_dma source(%dma_start3A_218 : memref<8192x768xf32, #tpu.memory_space<hbm>>) target(%dma_start3A_212 : memref<48x768xf32, #tpu.memory_space<vmem>>) offsets(%dma_start3A_215 : memref<48xi32, #tpu.memory_space<vmem>>) semaphore(%arg12 : memref<!tpu.dma_semaphore, #tpu.memory_space<semaphore_mem>>)
    %dma_wait3A_219 = arith.constant 1 : i32
    %dma_wait3A_220 = arith.constant 1 : i32
    %dma_wait3A_221 = arith.constant 0 : i32
    %dma_wait3A_222 = arith.constant 0 : i32
    %dma_wait3A_223 = tpu.memref_slice %arg8[%dma_wait3A_220, %dma_wait3A_221, %dma_wait3A_222] : memref<2x48x256xf32, #tpu.memory_space<vmem>> -> memref<1x48x256xf32, #tpu.memory_space<vmem>>
    %dma_wait3A_224 = tpu.memref_squeeze %dma_wait3A_223 : memref<1x48x256xf32, #tpu.memory_space<vmem>> -> memref<48x256xf32, #tpu.memory_space<vmem>>
    %dma_wait3A_225 = arith.constant 0 : i32
    %dma_wait3A_226 = tpu.memref_slice %arg7[%dma_wait3A_219, %dma_wait3A_225] : memref<2x48xi32, #tpu.memory_space<vmem>> -> memref<1x48xi32, #tpu.memory_space<vmem>>
    %dma_wait3A_227 = tpu.memref_squeeze %dma_wait3A_226 : memref<1x48xi32, #tpu.memory_space<vmem>> -> memref<48xi32, #tpu.memory_space<vmem>>
    %dma_wait3A_228 = arith.constant 0 : i32
    %dma_wait3A_229 = arith.constant 0 : i32
    %dma_wait3A_230 = tpu.memref_slice %arg2[%dma_wait3A_228, %dma_wait3A_229] : memref<8192x256xf32, #tpu.memory_space<hbm>> -> memref<8192x256xf32, #tpu.memory_space<hbm>>
    tpu.wait_indirect_dma semaphore(%arg11 : memref<!tpu.dma_semaphore, #tpu.memory_space<semaphore_mem>>) src(%dma_wait3A_230 : memref<8192x256xf32, #tpu.memory_space<hbm>>) dst(%dma_wait3A_224 : memref<48x256xf32, #tpu.memory_space<vmem>>)
    %dma_wait3A_231 = arith.constant 1 : i32
    %dma_wait3A_232 = arith.constant 1 : i32
    %dma_wait3A_233 = arith.constant 0 : i32
    %dma_wait3A_234 = arith.constant 0 : i32
    %dma_wait3A_235 = tpu.memref_slice %arg9[%dma_wait3A_232, %dma_wait3A_233, %dma_wait3A_234] : memref<2x48x768xf32, #tpu.memory_space<vmem>> -> memref<1x48x768xf32, #tpu.memory_space<vmem>>
    %dma_wait3A_236 = tpu.memref_squeeze %dma_wait3A_235 : memref<1x48x768xf32, #tpu.memory_space<vmem>> -> memref<48x768xf32, #tpu.memory_space<vmem>>
    %dma_wait3A_237 = arith.constant 0 : i32
    %dma_wait3A_238 = tpu.memref_slice %arg7[%dma_wait3A_231, %dma_wait3A_237] : memref<2x48xi32, #tpu.memory_space<vmem>> -> memref<1x48xi32, #tpu.memory_space<vmem>>
    %dma_wait3A_239 = tpu.memref_squeeze %dma_wait3A_238 : memref<1x48xi32, #tpu.memory_space<vmem>> -> memref<48xi32, #tpu.memory_space<vmem>>
    %dma_wait3A_240 = arith.constant 0 : i32
    %dma_wait3A_241 = arith.constant 0 : i32
    %dma_wait3A_242 = tpu.memref_slice %arg3[%dma_wait3A_240, %dma_wait3A_241] : memref<8192x768xf32, #tpu.memory_space<hbm>> -> memref<8192x768xf32, #tpu.memory_space<hbm>>
    tpu.wait_indirect_dma semaphore(%arg13 : memref<!tpu.dma_semaphore, #tpu.memory_space<semaphore_mem>>) src(%dma_wait3A_242 : memref<8192x768xf32, #tpu.memory_space<hbm>>) dst(%dma_wait3A_236 : memref<48x768xf32, #tpu.memory_space<vmem>>)
    %add3A_243 = arith.constant 144 : i32
    %add3A_244 = arith.addi %mul3A_2, %add3A_243 : i32
    %run_scoped3A_245 = arith.constant 1 : i32
    "tpu.region"() ({
      %run_scoped3A_660 = tpu.sem_alloc : memref<!tpu.dma_semaphore, #tpu.memory_space<semaphore_mem>>
      %dma_start3A_661 = arith.constant 0 : i32
      %dma_start3A_662 = arith.constant 0 : i32
      %dma_start3A_663 = tpu.memref_slice %arg8[%run_scoped3A_245, %dma_start3A_661, %dma_start3A_662] : memref<2x48x256xf32, #tpu.memory_space<vmem>> -> memref<1x48x256xf32, #tpu.memory_space<vmem>>
      %dma_start3A_664 = tpu.memref_squeeze %dma_start3A_663 : memref<1x48x256xf32, #tpu.memory_space<vmem>> -> memref<48x256xf32, #tpu.memory_space<vmem>>
      %dma_start3A_665 = arith.constant 0 : i32
      %dma_start3A_666 = tpu.memref_slice %arg5[%add3A_244, %dma_start3A_665] : memref<18432x256xf32, #tpu.memory_space<hbm>> -> memref<48x256xf32, #tpu.memory_space<hbm>>
      %dma_start3A_667 = arith.constant 0 : i32
      %dma_start3A_668 = tpu.memref_slice %arg5[%add3A_244, %dma_start3A_667] : memref<18432x256xf32, #tpu.memory_space<hbm>> -> memref<48x256xf32, #tpu.memory_space<hbm>>
      %dma_start3A_669 = arith.constant 0 : i32
      %dma_start3A_670 = arith.constant 0 : i32
      %dma_start3A_671 = tpu.memref_slice %arg8[%run_scoped3A_245, %dma_start3A_669, %dma_start3A_670] : memref<2x48x256xf32, #tpu.memory_space<vmem>> -> memref<1x48x256xf32, #tpu.memory_space<vmem>>
      %dma_start3A_672 = tpu.memref_squeeze %dma_start3A_671 : memref<1x48x256xf32, #tpu.memory_space<vmem>> -> memref<48x256xf32, #tpu.memory_space<vmem>>
      tpu.enqueue_dma source(%dma_start3A_672 : memref<48x256xf32, #tpu.memory_space<vmem>>) target(%dma_start3A_668 : memref<48x256xf32, #tpu.memory_space<hbm>>) target_semaphore(%run_scoped3A_660 : memref<!tpu.dma_semaphore, #tpu.memory_space<semaphore_mem>>)
      %dma_wait3A_673 = arith.constant 0 : i32
      %dma_wait3A_674 = arith.constant 0 : i32
      %dma_wait3A_675 = tpu.memref_slice %arg8[%run_scoped3A_245, %dma_wait3A_673, %dma_wait3A_674] : memref<2x48x256xf32, #tpu.memory_space<vmem>> -> memref<1x48x256xf32, #tpu.memory_space<vmem>>
      %dma_wait3A_676 = tpu.memref_squeeze %dma_wait3A_675 : memref<1x48x256xf32, #tpu.memory_space<vmem>> -> memref<48x256xf32, #tpu.memory_space<vmem>>
      %dma_wait3A_677 = arith.constant 0 : i32
      %dma_wait3A_678 = tpu.memref_slice %arg5[%add3A_244, %dma_wait3A_677] : memref<18432x256xf32, #tpu.memory_space<hbm>> -> memref<48x256xf32, #tpu.memory_space<hbm>>
      %dma_wait3A_679 = arith.constant 0 : i32
      %dma_wait3A_680 = tpu.memref_slice %arg5[%add3A_244, %dma_wait3A_679] : memref<18432x256xf32, #tpu.memory_space<hbm>> -> memref<48x256xf32, #tpu.memory_space<hbm>>
      %dma_wait3A_681 = arith.constant 0 : i32
      %dma_wait3A_682 = arith.constant 0 : i32
      %dma_wait3A_683 = tpu.memref_slice %arg8[%run_scoped3A_245, %dma_wait3A_681, %dma_wait3A_682] : memref<2x48x256xf32, #tpu.memory_space<vmem>> -> memref<1x48x256xf32, #tpu.memory_space<vmem>>
      %dma_wait3A_684 = tpu.memref_squeeze %dma_wait3A_683 : memref<1x48x256xf32, #tpu.memory_space<vmem>> -> memref<48x256xf32, #tpu.memory_space<vmem>>
      tpu.wait_dma2 semaphore(%run_scoped3A_660 : memref<!tpu.dma_semaphore, #tpu.memory_space<semaphore_mem>>) src(%dma_wait3A_684 : memref<48x256xf32, #tpu.memory_space<vmem>>) dst(%dma_wait3A_680 : memref<48x256xf32, #tpu.memory_space<hbm>>)
      tpu.yield
    }) : () -> ()
    %run_scoped3A_246 = arith.constant 1 : i32
    "tpu.region"() ({
      %run_scoped3A_660 = tpu.sem_alloc : memref<!tpu.dma_semaphore, #tpu.memory_space<semaphore_mem>>
      %dma_start3A_661 = arith.constant 0 : i32
      %dma_start3A_662 = arith.constant 0 : i32
      %dma_start3A_663 = tpu.memref_slice %arg9[%run_scoped3A_246, %dma_start3A_661, %dma_start3A_662] : memref<2x48x768xf32, #tpu.memory_space<vmem>> -> memref<1x48x768xf32, #tpu.memory_space<vmem>>
      %dma_start3A_664 = tpu.memref_squeeze %dma_start3A_663 : memref<1x48x768xf32, #tpu.memory_space<vmem>> -> memref<48x768xf32, #tpu.memory_space<vmem>>
      %dma_start3A_665 = arith.constant 0 : i32
      %dma_start3A_666 = tpu.memref_slice %arg6[%add3A_244, %dma_start3A_665] : memref<18432x768xf32, #tpu.memory_space<hbm>> -> memref<48x768xf32, #tpu.memory_space<hbm>>
      %dma_start3A_667 = arith.constant 0 : i32
      %dma_start3A_668 = tpu.memref_slice %arg6[%add3A_244, %dma_start3A_667] : memref<18432x768xf32, #tpu.memory_space<hbm>> -> memref<48x768xf32, #tpu.memory_space<hbm>>
      %dma_start3A_669 = arith.constant 0 : i32
      %dma_start3A_670 = arith.constant 0 : i32
      %dma_start3A_671 = tpu.memref_slice %arg9[%run_scoped3A_246, %dma_start3A_669, %dma_start3A_670] : memref<2x48x768xf32, #tpu.memory_space<vmem>> -> memref<1x48x768xf32, #tpu.memory_space<vmem>>
      %dma_start3A_672 = tpu.memref_squeeze %dma_start3A_671 : memref<1x48x768xf32, #tpu.memory_space<vmem>> -> memref<48x768xf32, #tpu.memory_space<vmem>>
      tpu.enqueue_dma source(%dma_start3A_672 : memref<48x768xf32, #tpu.memory_space<vmem>>) target(%dma_start3A_668 : memref<48x768xf32, #tpu.memory_space<hbm>>) target_semaphore(%run_scoped3A_660 : memref<!tpu.dma_semaphore, #tpu.memory_space<semaphore_mem>>)
      %dma_wait3A_673 = arith.constant 0 : i32
      %dma_wait3A_674 = arith.constant 0 : i32
      %dma_wait3A_675 = tpu.memref_slice %arg9[%run_scoped3A_246, %dma_wait3A_673, %dma_wait3A_674] : memref<2x48x768xf32, #tpu.memory_space<vmem>> -> memref<1x48x768xf32, #tpu.memory_space<vmem>>
      %dma_wait3A_676 = tpu.memref_squeeze %dma_wait3A_675 : memref<1x48x768xf32, #tpu.memory_space<vmem>> -> memref<48x768xf32, #tpu.memory_space<vmem>>
      %dma_wait3A_677 = arith.constant 0 : i32
      %dma_wait3A_678 = tpu.memref_slice %arg6[%add3A_244, %dma_wait3A_677] : memref<18432x768xf32, #tpu.memory_space<hbm>> -> memref<48x768xf32, #tpu.memory_space<hbm>>
      %dma_wait3A_679 = arith.constant 0 : i32
      %dma_wait3A_680 = tpu.memref_slice %arg6[%add3A_244, %dma_wait3A_679] : memref<18432x768xf32, #tpu.memory_space<hbm>> -> memref<48x768xf32, #tpu.memory_space<hbm>>
      %dma_wait3A_681 = arith.constant 0 : i32
      %dma_wait3A_682 = arith.constant 0 : i32
      %dma_wait3A_683 = tpu.memref_slice %arg9[%run_scoped3A_246, %dma_wait3A_681, %dma_wait3A_682] : memref<2x48x768xf32, #tpu.memory_space<vmem>> -> memref<1x48x768xf32, #tpu.memory_space<vmem>>
      %dma_wait3A_684 = tpu.memref_squeeze %dma_wait3A_683 : memref<1x48x768xf32, #tpu.memory_space<vmem>> -> memref<48x768xf32, #tpu.memory_space<vmem>>
      tpu.wait_dma2 semaphore(%run_scoped3A_660 : memref<!tpu.dma_semaphore, #tpu.memory_space<semaphore_mem>>) src(%dma_wait3A_684 : memref<48x768xf32, #tpu.memory_space<vmem>>) dst(%dma_wait3A_680 : memref<48x768xf32, #tpu.memory_space<hbm>>)
      tpu.yield
    }) : () -> ()
    %add3A_247 = arith.constant 240 : i32
    %add3A_248 = arith.addi %mul3A_2, %add3A_247 : i32
    %run_scoped3A_249 = arith.constant 1 : i32
    "tpu.region"() ({
      %run_scoped3A_660 = tpu.sem_alloc : memref<!tpu.dma_semaphore, #tpu.memory_space<semaphore_mem>>
      %dma_start3A_661 = arith.constant 0 : i32
      %dma_start3A_662 = tpu.memref_slice %arg7[%run_scoped3A_249, %dma_start3A_661] : memref<2x48xi32, #tpu.memory_space<vmem>> -> memref<1x48xi32, #tpu.memory_space<vmem>>
      %dma_start3A_663 = tpu.memref_squeeze %dma_start3A_662 : memref<1x48xi32, #tpu.memory_space<vmem>> -> memref<48xi32, #tpu.memory_space<vmem>>
      %dma_start3A_664 = tpu.memref_slice %arg4[%add3A_248] : memref<18432xi32, #tpu.memory_space<hbm>> -> memref<48xi32, #tpu.memory_space<hbm>>
      %dma_start3A_665 = arith.constant 0 : i32
      %dma_start3A_666 = tpu.memref_slice %arg7[%run_scoped3A_249, %dma_start3A_665] : memref<2x48xi32, #tpu.memory_space<vmem>> -> memref<1x48xi32, #tpu.memory_space<vmem>>
      %dma_start3A_667 = tpu.memref_squeeze %dma_start3A_666 : memref<1x48xi32, #tpu.memory_space<vmem>> -> memref<48xi32, #tpu.memory_space<vmem>>
      %dma_start3A_668 = tpu.memref_slice %arg4[%add3A_248] : memref<18432xi32, #tpu.memory_space<hbm>> -> memref<48xi32, #tpu.memory_space<hbm>>
      tpu.enqueue_dma source(%dma_start3A_668 : memref<48xi32, #tpu.memory_space<hbm>>) target(%dma_start3A_667 : memref<48xi32, #tpu.memory_space<vmem>>) target_semaphore(%run_scoped3A_660 : memref<!tpu.dma_semaphore, #tpu.memory_space<semaphore_mem>>)
      %dma_wait3A_669 = arith.constant 0 : i32
      %dma_wait3A_670 = tpu.memref_slice %arg7[%run_scoped3A_249, %dma_wait3A_669] : memref<2x48xi32, #tpu.memory_space<vmem>> -> memref<1x48xi32, #tpu.memory_space<vmem>>
      %dma_wait3A_671 = tpu.memref_squeeze %dma_wait3A_670 : memref<1x48xi32, #tpu.memory_space<vmem>> -> memref<48xi32, #tpu.memory_space<vmem>>
      %dma_wait3A_672 = tpu.memref_slice %arg4[%add3A_248] : memref<18432xi32, #tpu.memory_space<hbm>> -> memref<48xi32, #tpu.memory_space<hbm>>
      %dma_wait3A_673 = arith.constant 0 : i32
      %dma_wait3A_674 = tpu.memref_slice %arg7[%run_scoped3A_249, %dma_wait3A_673] : memref<2x48xi32, #tpu.memory_space<vmem>> -> memref<1x48xi32, #tpu.memory_space<vmem>>
      %dma_wait3A_675 = tpu.memref_squeeze %dma_wait3A_674 : memref<1x48xi32, #tpu.memory_space<vmem>> -> memref<48xi32, #tpu.memory_space<vmem>>
      %dma_wait3A_676 = tpu.memref_slice %arg4[%add3A_248] : memref<18432xi32, #tpu.memory_space<hbm>> -> memref<48xi32, #tpu.memory_space<hbm>>
      tpu.wait_dma2 semaphore(%run_scoped3A_660 : memref<!tpu.dma_semaphore, #tpu.memory_space<semaphore_mem>>) src(%dma_wait3A_676 : memref<48xi32, #tpu.memory_space<hbm>>) dst(%dma_wait3A_675 : memref<48xi32, #tpu.memory_space<vmem>>)
      tpu.yield
    }) : () -> ()
    %dma_start3A_250 = arith.constant 1 : i32
    %dma_start3A_251 = arith.constant 1 : i32
    %dma_start3A_252 = arith.constant 0 : i32
    %dma_start3A_253 = arith.constant 0 : i32
    %dma_start3A_254 = tpu.memref_slice %arg8[%dma_start3A_251, %dma_start3A_252, %dma_start3A_253] : memref<2x48x256xf32, #tpu.memory_space<vmem>> -> memref<1x48x256xf32, #tpu.memory_space<vmem>>
    %dma_start3A_255 = tpu.memref_squeeze %dma_start3A_254 : memref<1x48x256xf32, #tpu.memory_space<vmem>> -> memref<48x256xf32, #tpu.memory_space<vmem>>
    %dma_start3A_256 = arith.constant 0 : i32
    %dma_start3A_257 = tpu.memref_slice %arg7[%dma_start3A_250, %dma_start3A_256] : memref<2x48xi32, #tpu.memory_space<vmem>> -> memref<1x48xi32, #tpu.memory_space<vmem>>
    %dma_start3A_258 = tpu.memref_squeeze %dma_start3A_257 : memref<1x48xi32, #tpu.memory_space<vmem>> -> memref<48xi32, #tpu.memory_space<vmem>>
    %dma_start3A_259 = arith.constant 0 : i32
    %dma_start3A_260 = arith.constant 0 : i32
    %dma_start3A_261 = tpu.memref_slice %arg2[%dma_start3A_259, %dma_start3A_260] : memref<8192x256xf32, #tpu.memory_space<hbm>> -> memref<8192x256xf32, #tpu.memory_space<hbm>>
    tpu.enqueue_indirect_dma source(%dma_start3A_261 : memref<8192x256xf32, #tpu.memory_space<hbm>>) target(%dma_start3A_255 : memref<48x256xf32, #tpu.memory_space<vmem>>) offsets(%dma_start3A_258 : memref<48xi32, #tpu.memory_space<vmem>>) semaphore(%arg11 : memref<!tpu.dma_semaphore, #tpu.memory_space<semaphore_mem>>)
    %dma_start3A_262 = arith.constant 1 : i32
    %dma_start3A_263 = arith.constant 1 : i32
    %dma_start3A_264 = arith.constant 0 : i32
    %dma_start3A_265 = arith.constant 0 : i32
    %dma_start3A_266 = tpu.memref_slice %arg9[%dma_start3A_263, %dma_start3A_264, %dma_start3A_265] : memref<2x48x768xf32, #tpu.memory_space<vmem>> -> memref<1x48x768xf32, #tpu.memory_space<vmem>>
    %dma_start3A_267 = tpu.memref_squeeze %dma_start3A_266 : memref<1x48x768xf32, #tpu.memory_space<vmem>> -> memref<48x768xf32, #tpu.memory_space<vmem>>
    %dma_start3A_268 = arith.constant 0 : i32
    %dma_start3A_269 = tpu.memref_slice %arg7[%dma_start3A_262, %dma_start3A_268] : memref<2x48xi32, #tpu.memory_space<vmem>> -> memref<1x48xi32, #tpu.memory_space<vmem>>
    %dma_start3A_270 = tpu.memref_squeeze %dma_start3A_269 : memref<1x48xi32, #tpu.memory_space<vmem>> -> memref<48xi32, #tpu.memory_space<vmem>>
    %dma_start3A_271 = arith.constant 0 : i32
    %dma_start3A_272 = arith.constant 0 : i32
    %dma_start3A_273 = tpu.memref_slice %arg3[%dma_start3A_271, %dma_start3A_272] : memref<8192x768xf32, #tpu.memory_space<hbm>> -> memref<8192x768xf32, #tpu.memory_space<hbm>>
    tpu.enqueue_indirect_dma source(%dma_start3A_273 : memref<8192x768xf32, #tpu.memory_space<hbm>>) target(%dma_start3A_267 : memref<48x768xf32, #tpu.memory_space<vmem>>) offsets(%dma_start3A_270 : memref<48xi32, #tpu.memory_space<vmem>>) semaphore(%arg13 : memref<!tpu.dma_semaphore, #tpu.memory_space<semaphore_mem>>)
    %dma_wait3A_274 = arith.constant 0 : i32
    %dma_wait3A_275 = arith.constant 0 : i32
    %dma_wait3A_276 = arith.constant 0 : i32
    %dma_wait3A_277 = arith.constant 0 : i32
    %dma_wait3A_278 = tpu.memref_slice %arg8[%dma_wait3A_275, %dma_wait3A_276, %dma_wait3A_277] : memref<2x48x256xf32, #tpu.memory_space<vmem>> -> memref<1x48x256xf32, #tpu.memory_space<vmem>>
    %dma_wait3A_279 = tpu.memref_squeeze %dma_wait3A_278 : memref<1x48x256xf32, #tpu.memory_space<vmem>> -> memref<48x256xf32, #tpu.memory_space<vmem>>
    %dma_wait3A_280 = arith.constant 0 : i32
    %dma_wait3A_281 = tpu.memref_slice %arg7[%dma_wait3A_274, %dma_wait3A_280] : memref<2x48xi32, #tpu.memory_space<vmem>> -> memref<1x48xi32, #tpu.memory_space<vmem>>
    %dma_wait3A_282 = tpu.memref_squeeze %dma_wait3A_281 : memref<1x48xi32, #tpu.memory_space<vmem>> -> memref<48xi32, #tpu.memory_space<vmem>>
    %dma_wait3A_283 = arith.constant 0 : i32
    %dma_wait3A_284 = arith.constant 0 : i32
    %dma_wait3A_285 = tpu.memref_slice %arg2[%dma_wait3A_283, %dma_wait3A_284] : memref<8192x256xf32, #tpu.memory_space<hbm>> -> memref<8192x256xf32, #tpu.memory_space<hbm>>
    tpu.wait_indirect_dma semaphore(%arg10 : memref<!tpu.dma_semaphore, #tpu.memory_space<semaphore_mem>>) src(%dma_wait3A_285 : memref<8192x256xf32, #tpu.memory_space<hbm>>) dst(%dma_wait3A_279 : memref<48x256xf32, #tpu.memory_space<vmem>>)
    %dma_wait3A_286 = arith.constant 0 : i32
    %dma_wait3A_287 = arith.constant 0 : i32
    %dma_wait3A_288 = arith.constant 0 : i32
    %dma_wait3A_289 = arith.constant 0 : i32
    %dma_wait3A_290 = tpu.memref_slice %arg9[%dma_wait3A_287, %dma_wait3A_288, %dma_wait3A_289] : memref<2x48x768xf32, #tpu.memory_space<vmem>> -> memref<1x48x768xf32, #tpu.memory_space<vmem>>
    %dma_wait3A_291 = tpu.memref_squeeze %dma_wait3A_290 : memref<1x48x768xf32, #tpu.memory_space<vmem>> -> memref<48x768xf32, #tpu.memory_space<vmem>>
    %dma_wait3A_292 = arith.constant 0 : i32
    %dma_wait3A_293 = tpu.memref_slice %arg7[%dma_wait3A_286, %dma_wait3A_292] : memref<2x48xi32, #tpu.memory_space<vmem>> -> memref<1x48xi32, #tpu.memory_space<vmem>>
    %dma_wait3A_294 = tpu.memref_squeeze %dma_wait3A_293 : memref<1x48xi32, #tpu.memory_space<vmem>> -> memref<48xi32, #tpu.memory_space<vmem>>
    %dma_wait3A_295 = arith.constant 0 : i32
    %dma_wait3A_296 = arith.constant 0 : i32
    %dma_wait3A_297 = tpu.memref_slice %arg3[%dma_wait3A_295, %dma_wait3A_296] : memref<8192x768xf32, #tpu.memory_space<hbm>> -> memref<8192x768xf32, #tpu.memory_space<hbm>>
    tpu.wait_indirect_dma semaphore(%arg12 : memref<!tpu.dma_semaphore, #tpu.memory_space<semaphore_mem>>) src(%dma_wait3A_297 : memref<8192x768xf32, #tpu.memory_space<hbm>>) dst(%dma_wait3A_291 : memref<48x768xf32, #tpu.memory_space<vmem>>)
    %add3A_298 = arith.constant 192 : i32
    %add3A_299 = arith.addi %mul3A_2, %add3A_298 : i32
    %run_scoped3A_300 = arith.constant 0 : i32
    "tpu.region"() ({
      %run_scoped3A_660 = tpu.sem_alloc : memref<!tpu.dma_semaphore, #tpu.memory_space<semaphore_mem>>
      %dma_start3A_661 = arith.constant 0 : i32
      %dma_start3A_662 = arith.constant 0 : i32
      %dma_start3A_663 = tpu.memref_slice %arg8[%run_scoped3A_300, %dma_start3A_661, %dma_start3A_662] : memref<2x48x256xf32, #tpu.memory_space<vmem>> -> memref<1x48x256xf32, #tpu.memory_space<vmem>>
      %dma_start3A_664 = tpu.memref_squeeze %dma_start3A_663 : memref<1x48x256xf32, #tpu.memory_space<vmem>> -> memref<48x256xf32, #tpu.memory_space<vmem>>
      %dma_start3A_665 = arith.constant 0 : i32
      %dma_start3A_666 = tpu.memref_slice %arg5[%add3A_299, %dma_start3A_665] : memref<18432x256xf32, #tpu.memory_space<hbm>> -> memref<48x256xf32, #tpu.memory_space<hbm>>
      %dma_start3A_667 = arith.constant 0 : i32
      %dma_start3A_668 = tpu.memref_slice %arg5[%add3A_299, %dma_start3A_667] : memref<18432x256xf32, #tpu.memory_space<hbm>> -> memref<48x256xf32, #tpu.memory_space<hbm>>
      %dma_start3A_669 = arith.constant 0 : i32
      %dma_start3A_670 = arith.constant 0 : i32
      %dma_start3A_671 = tpu.memref_slice %arg8[%run_scoped3A_300, %dma_start3A_669, %dma_start3A_670] : memref<2x48x256xf32, #tpu.memory_space<vmem>> -> memref<1x48x256xf32, #tpu.memory_space<vmem>>
      %dma_start3A_672 = tpu.memref_squeeze %dma_start3A_671 : memref<1x48x256xf32, #tpu.memory_space<vmem>> -> memref<48x256xf32, #tpu.memory_space<vmem>>
      tpu.enqueue_dma source(%dma_start3A_672 : memref<48x256xf32, #tpu.memory_space<vmem>>) target(%dma_start3A_668 : memref<48x256xf32, #tpu.memory_space<hbm>>) target_semaphore(%run_scoped3A_660 : memref<!tpu.dma_semaphore, #tpu.memory_space<semaphore_mem>>)
      %dma_wait3A_673 = arith.constant 0 : i32
      %dma_wait3A_674 = arith.constant 0 : i32
      %dma_wait3A_675 = tpu.memref_slice %arg8[%run_scoped3A_300, %dma_wait3A_673, %dma_wait3A_674] : memref<2x48x256xf32, #tpu.memory_space<vmem>> -> memref<1x48x256xf32, #tpu.memory_space<vmem>>
      %dma_wait3A_676 = tpu.memref_squeeze %dma_wait3A_675 : memref<1x48x256xf32, #tpu.memory_space<vmem>> -> memref<48x256xf32, #tpu.memory_space<vmem>>
      %dma_wait3A_677 = arith.constant 0 : i32
      %dma_wait3A_678 = tpu.memref_slice %arg5[%add3A_299, %dma_wait3A_677] : memref<18432x256xf32, #tpu.memory_space<hbm>> -> memref<48x256xf32, #tpu.memory_space<hbm>>
      %dma_wait3A_679 = arith.constant 0 : i32
      %dma_wait3A_680 = tpu.memref_slice %arg5[%add3A_299, %dma_wait3A_679] : memref<18432x256xf32, #tpu.memory_space<hbm>> -> memref<48x256xf32, #tpu.memory_space<hbm>>
      %dma_wait3A_681 = arith.constant 0 : i32
      %dma_wait3A_682 = arith.constant 0 : i32
      %dma_wait3A_683 = tpu.memref_slice %arg8[%run_scoped3A_300, %dma_wait3A_681, %dma_wait3A_682] : memref<2x48x256xf32, #tpu.memory_space<vmem>> -> memref<1x48x256xf32, #tpu.memory_space<vmem>>
      %dma_wait3A_684 = tpu.memref_squeeze %dma_wait3A_683 : memref<1x48x256xf32, #tpu.memory_space<vmem>> -> memref<48x256xf32, #tpu.memory_space<vmem>>
      tpu.wait_dma2 semaphore(%run_scoped3A_660 : memref<!tpu.dma_semaphore, #tpu.memory_space<semaphore_mem>>) src(%dma_wait3A_684 : memref<48x256xf32, #tpu.memory_space<vmem>>) dst(%dma_wait3A_680 : memref<48x256xf32, #tpu.memory_space<hbm>>)
      tpu.yield
    }) : () -> ()
    %run_scoped3A_301 = arith.constant 0 : i32
    "tpu.region"() ({
      %run_scoped3A_660 = tpu.sem_alloc : memref<!tpu.dma_semaphore, #tpu.memory_space<semaphore_mem>>
      %dma_start3A_661 = arith.constant 0 : i32
      %dma_start3A_662 = arith.constant 0 : i32
      %dma_start3A_663 = tpu.memref_slice %arg9[%run_scoped3A_301, %dma_start3A_661, %dma_start3A_662] : memref<2x48x768xf32, #tpu.memory_space<vmem>> -> memref<1x48x768xf32, #tpu.memory_space<vmem>>
      %dma_start3A_664 = tpu.memref_squeeze %dma_start3A_663 : memref<1x48x768xf32, #tpu.memory_space<vmem>> -> memref<48x768xf32, #tpu.memory_space<vmem>>
      %dma_start3A_665 = arith.constant 0 : i32
      %dma_start3A_666 = tpu.memref_slice %arg6[%add3A_299, %dma_start3A_665] : memref<18432x768xf32, #tpu.memory_space<hbm>> -> memref<48x768xf32, #tpu.memory_space<hbm>>
      %dma_start3A_667 = arith.constant 0 : i32
      %dma_start3A_668 = tpu.memref_slice %arg6[%add3A_299, %dma_start3A_667] : memref<18432x768xf32, #tpu.memory_space<hbm>> -> memref<48x768xf32, #tpu.memory_space<hbm>>
      %dma_start3A_669 = arith.constant 0 : i32
      %dma_start3A_670 = arith.constant 0 : i32
      %dma_start3A_671 = tpu.memref_slice %arg9[%run_scoped3A_301, %dma_start3A_669, %dma_start3A_670] : memref<2x48x768xf32, #tpu.memory_space<vmem>> -> memref<1x48x768xf32, #tpu.memory_space<vmem>>
      %dma_start3A_672 = tpu.memref_squeeze %dma_start3A_671 : memref<1x48x768xf32, #tpu.memory_space<vmem>> -> memref<48x768xf32, #tpu.memory_space<vmem>>
      tpu.enqueue_dma source(%dma_start3A_672 : memref<48x768xf32, #tpu.memory_space<vmem>>) target(%dma_start3A_668 : memref<48x768xf32, #tpu.memory_space<hbm>>) target_semaphore(%run_scoped3A_660 : memref<!tpu.dma_semaphore, #tpu.memory_space<semaphore_mem>>)
      %dma_wait3A_673 = arith.constant 0 : i32
      %dma_wait3A_674 = arith.constant 0 : i32
      %dma_wait3A_675 = tpu.memref_slice %arg9[%run_scoped3A_301, %dma_wait3A_673, %dma_wait3A_674] : memref<2x48x768xf32, #tpu.memory_space<vmem>> -> memref<1x48x768xf32, #tpu.memory_space<vmem>>
      %dma_wait3A_676 = tpu.memref_squeeze %dma_wait3A_675 : memref<1x48x768xf32, #tpu.memory_space<vmem>> -> memref<48x768xf32, #tpu.memory_space<vmem>>
      %dma_wait3A_677 = arith.constant 0 : i32
      %dma_wait3A_678 = tpu.memref_slice %arg6[%add3A_299, %dma_wait3A_677] : memref<18432x768xf32, #tpu.memory_space<hbm>> -> memref<48x768xf32, #tpu.memory_space<hbm>>
      %dma_wait3A_679 = arith.constant 0 : i32
      %dma_wait3A_680 = tpu.memref_slice %arg6[%add3A_299, %dma_wait3A_679] : memref<18432x768xf32, #tpu.memory_space<hbm>> -> memref<48x768xf32, #tpu.memory_space<hbm>>
      %dma_wait3A_681 = arith.constant 0 : i32
      %dma_wait3A_682 = arith.constant 0 : i32
      %dma_wait3A_683 = tpu.memref_slice %arg9[%run_scoped3A_301, %dma_wait3A_681, %dma_wait3A_682] : memref<2x48x768xf32, #tpu.memory_space<vmem>> -> memref<1x48x768xf32, #tpu.memory_space<vmem>>
      %dma_wait3A_684 = tpu.memref_squeeze %dma_wait3A_683 : memref<1x48x768xf32, #tpu.memory_space<vmem>> -> memref<48x768xf32, #tpu.memory_space<vmem>>
      tpu.wait_dma2 semaphore(%run_scoped3A_660 : memref<!tpu.dma_semaphore, #tpu.memory_space<semaphore_mem>>) src(%dma_wait3A_684 : memref<48x768xf32, #tpu.memory_space<vmem>>) dst(%dma_wait3A_680 : memref<48x768xf32, #tpu.memory_space<hbm>>)
      tpu.yield
    }) : () -> ()
    %add3A_302 = arith.constant 288 : i32
    %add3A_303 = arith.addi %mul3A_2, %add3A_302 : i32
    %run_scoped3A_304 = arith.constant 0 : i32
    "tpu.region"() ({
      %run_scoped3A_660 = tpu.sem_alloc : memref<!tpu.dma_semaphore, #tpu.memory_space<semaphore_mem>>
      %dma_start3A_661 = arith.constant 0 : i32
      %dma_start3A_662 = tpu.memref_slice %arg7[%run_scoped3A_304, %dma_start3A_661] : memref<2x48xi32, #tpu.memory_space<vmem>> -> memref<1x48xi32, #tpu.memory_space<vmem>>
      %dma_start3A_663 = tpu.memref_squeeze %dma_start3A_662 : memref<1x48xi32, #tpu.memory_space<vmem>> -> memref<48xi32, #tpu.memory_space<vmem>>
      %dma_start3A_664 = tpu.memref_slice %arg4[%add3A_303] : memref<18432xi32, #tpu.memory_space<hbm>> -> memref<48xi32, #tpu.memory_space<hbm>>
      %dma_start3A_665 = arith.constant 0 : i32
      %dma_start3A_666 = tpu.memref_slice %arg7[%run_scoped3A_304, %dma_start3A_665] : memref<2x48xi32, #tpu.memory_space<vmem>> -> memref<1x48xi32, #tpu.memory_space<vmem>>
      %dma_start3A_667 = tpu.memref_squeeze %dma_start3A_666 : memref<1x48xi32, #tpu.memory_space<vmem>> -> memref<48xi32, #tpu.memory_space<vmem>>
      %dma_start3A_668 = tpu.memref_slice %arg4[%add3A_303] : memref<18432xi32, #tpu.memory_space<hbm>> -> memref<48xi32, #tpu.memory_space<hbm>>
      tpu.enqueue_dma source(%dma_start3A_668 : memref<48xi32, #tpu.memory_space<hbm>>) target(%dma_start3A_667 : memref<48xi32, #tpu.memory_space<vmem>>) target_semaphore(%run_scoped3A_660 : memref<!tpu.dma_semaphore, #tpu.memory_space<semaphore_mem>>)
      %dma_wait3A_669 = arith.constant 0 : i32
      %dma_wait3A_670 = tpu.memref_slice %arg7[%run_scoped3A_304, %dma_wait3A_669] : memref<2x48xi32, #tpu.memory_space<vmem>> -> memref<1x48xi32, #tpu.memory_space<vmem>>
      %dma_wait3A_671 = tpu.memref_squeeze %dma_wait3A_670 : memref<1x48xi32, #tpu.memory_space<vmem>> -> memref<48xi32, #tpu.memory_space<vmem>>
      %dma_wait3A_672 = tpu.memref_slice %arg4[%add3A_303] : memref<18432xi32, #tpu.memory_space<hbm>> -> memref<48xi32, #tpu.memory_space<hbm>>
      %dma_wait3A_673 = arith.constant 0 : i32
      %dma_wait3A_674 = tpu.memref_slice %arg7[%run_scoped3A_304, %dma_wait3A_673] : memref<2x48xi32, #tpu.memory_space<vmem>> -> memref<1x48xi32, #tpu.memory_space<vmem>>
      %dma_wait3A_675 = tpu.memref_squeeze %dma_wait3A_674 : memref<1x48xi32, #tpu.memory_space<vmem>> -> memref<48xi32, #tpu.memory_space<vmem>>
      %dma_wait3A_676 = tpu.memref_slice %arg4[%add3A_303] : memref<18432xi32, #tpu.memory_space<hbm>> -> memref<48xi32, #tpu.memory_space<hbm>>
      tpu.wait_dma2 semaphore(%run_scoped3A_660 : memref<!tpu.dma_semaphore, #tpu.memory_space<semaphore_mem>>) src(%dma_wait3A_676 : memref<48xi32, #tpu.memory_space<hbm>>) dst(%dma_wait3A_675 : memref<48xi32, #tpu.memory_space<vmem>>)
      tpu.yield
    }) : () -> ()
    %dma_start3A_305 = arith.constant 0 : i32
    %dma_start3A_306 = arith.constant 0 : i32
    %dma_start3A_307 = arith.constant 0 : i32
    %dma_start3A_308 = arith.constant 0 : i32
    %dma_start3A_309 = tpu.memref_slice %arg8[%dma_start3A_306, %dma_start3A_307, %dma_start3A_308] : memref<2x48x256xf32, #tpu.memory_space<vmem>> -> memref<1x48x256xf32, #tpu.memory_space<vmem>>
    %dma_start3A_310 = tpu.memref_squeeze %dma_start3A_309 : memref<1x48x256xf32, #tpu.memory_space<vmem>> -> memref<48x256xf32, #tpu.memory_space<vmem>>
    %dma_start3A_311 = arith.constant 0 : i32
    %dma_start3A_312 = tpu.memref_slice %arg7[%dma_start3A_305, %dma_start3A_311] : memref<2x48xi32, #tpu.memory_space<vmem>> -> memref<1x48xi32, #tpu.memory_space<vmem>>
    %dma_start3A_313 = tpu.memref_squeeze %dma_start3A_312 : memref<1x48xi32, #tpu.memory_space<vmem>> -> memref<48xi32, #tpu.memory_space<vmem>>
    %dma_start3A_314 = arith.constant 0 : i32
    %dma_start3A_315 = arith.constant 0 : i32
    %dma_start3A_316 = tpu.memref_slice %arg2[%dma_start3A_314, %dma_start3A_315] : memref<8192x256xf32, #tpu.memory_space<hbm>> -> memref<8192x256xf32, #tpu.memory_space<hbm>>
    tpu.enqueue_indirect_dma source(%dma_start3A_316 : memref<8192x256xf32, #tpu.memory_space<hbm>>) target(%dma_start3A_310 : memref<48x256xf32, #tpu.memory_space<vmem>>) offsets(%dma_start3A_313 : memref<48xi32, #tpu.memory_space<vmem>>) semaphore(%arg10 : memref<!tpu.dma_semaphore, #tpu.memory_space<semaphore_mem>>)
    %dma_start3A_317 = arith.constant 0 : i32
    %dma_start3A_318 = arith.constant 0 : i32
    %dma_start3A_319 = arith.constant 0 : i32
    %dma_start3A_320 = arith.constant 0 : i32
    %dma_start3A_321 = tpu.memref_slice %arg9[%dma_start3A_318, %dma_start3A_319, %dma_start3A_320] : memref<2x48x768xf32, #tpu.memory_space<vmem>> -> memref<1x48x768xf32, #tpu.memory_space<vmem>>
    %dma_start3A_322 = tpu.memref_squeeze %dma_start3A_321 : memref<1x48x768xf32, #tpu.memory_space<vmem>> -> memref<48x768xf32, #tpu.memory_space<vmem>>
    %dma_start3A_323 = arith.constant 0 : i32
    %dma_start3A_324 = tpu.memref_slice %arg7[%dma_start3A_317, %dma_start3A_323] : memref<2x48xi32, #tpu.memory_space<vmem>> -> memref<1x48xi32, #tpu.memory_space<vmem>>
    %dma_start3A_325 = tpu.memref_squeeze %dma_start3A_324 : memref<1x48xi32, #tpu.memory_space<vmem>> -> memref<48xi32, #tpu.memory_space<vmem>>
    %dma_start3A_326 = arith.constant 0 : i32
    %dma_start3A_327 = arith.constant 0 : i32
    %dma_start3A_328 = tpu.memref_slice %arg3[%dma_start3A_326, %dma_start3A_327] : memref<8192x768xf32, #tpu.memory_space<hbm>> -> memref<8192x768xf32, #tpu.memory_space<hbm>>
    tpu.enqueue_indirect_dma source(%dma_start3A_328 : memref<8192x768xf32, #tpu.memory_space<hbm>>) target(%dma_start3A_322 : memref<48x768xf32, #tpu.memory_space<vmem>>) offsets(%dma_start3A_325 : memref<48xi32, #tpu.memory_space<vmem>>) semaphore(%arg12 : memref<!tpu.dma_semaphore, #tpu.memory_space<semaphore_mem>>)
    %dma_wait3A_329 = arith.constant 1 : i32
    %dma_wait3A_330 = arith.constant 1 : i32
    %dma_wait3A_331 = arith.constant 0 : i32
    %dma_wait3A_332 = arith.constant 0 : i32
    %dma_wait3A_333 = tpu.memref_slice %arg8[%dma_wait3A_330, %dma_wait3A_331, %dma_wait3A_332] : memref<2x48x256xf32, #tpu.memory_space<vmem>> -> memref<1x48x256xf32, #tpu.memory_space<vmem>>
    %dma_wait3A_334 = tpu.memref_squeeze %dma_wait3A_333 : memref<1x48x256xf32, #tpu.memory_space<vmem>> -> memref<48x256xf32, #tpu.memory_space<vmem>>
    %dma_wait3A_335 = arith.constant 0 : i32
    %dma_wait3A_336 = tpu.memref_slice %arg7[%dma_wait3A_329, %dma_wait3A_335] : memref<2x48xi32, #tpu.memory_space<vmem>> -> memref<1x48xi32, #tpu.memory_space<vmem>>
    %dma_wait3A_337 = tpu.memref_squeeze %dma_wait3A_336 : memref<1x48xi32, #tpu.memory_space<vmem>> -> memref<48xi32, #tpu.memory_space<vmem>>
    %dma_wait3A_338 = arith.constant 0 : i32
    %dma_wait3A_339 = arith.constant 0 : i32
    %dma_wait3A_340 = tpu.memref_slice %arg2[%dma_wait3A_338, %dma_wait3A_339] : memref<8192x256xf32, #tpu.memory_space<hbm>> -> memref<8192x256xf32, #tpu.memory_space<hbm>>
    tpu.wait_indirect_dma semaphore(%arg11 : memref<!tpu.dma_semaphore, #tpu.memory_space<semaphore_mem>>) src(%dma_wait3A_340 : memref<8192x256xf32, #tpu.memory_space<hbm>>) dst(%dma_wait3A_334 : memref<48x256xf32, #tpu.memory_space<vmem>>)
    %dma_wait3A_341 = arith.constant 1 : i32
    %dma_wait3A_342 = arith.constant 1 : i32
    %dma_wait3A_343 = arith.constant 0 : i32
    %dma_wait3A_344 = arith.constant 0 : i32
    %dma_wait3A_345 = tpu.memref_slice %arg9[%dma_wait3A_342, %dma_wait3A_343, %dma_wait3A_344] : memref<2x48x768xf32, #tpu.memory_space<vmem>> -> memref<1x48x768xf32, #tpu.memory_space<vmem>>
    %dma_wait3A_346 = tpu.memref_squeeze %dma_wait3A_345 : memref<1x48x768xf32, #tpu.memory_space<vmem>> -> memref<48x768xf32, #tpu.memory_space<vmem>>
    %dma_wait3A_347 = arith.constant 0 : i32
    %dma_wait3A_348 = tpu.memref_slice %arg7[%dma_wait3A_341, %dma_wait3A_347] : memref<2x48xi32, #tpu.memory_space<vmem>> -> memref<1x48xi32, #tpu.memory_space<vmem>>
    %dma_wait3A_349 = tpu.memref_squeeze %dma_wait3A_348 : memref<1x48xi32, #tpu.memory_space<vmem>> -> memref<48xi32, #tpu.memory_space<vmem>>
    %dma_wait3A_350 = arith.constant 0 : i32
    %dma_wait3A_351 = arith.constant 0 : i32
    %dma_wait3A_352 = tpu.memref_slice %arg3[%dma_wait3A_350, %dma_wait3A_351] : memref<8192x768xf32, #tpu.memory_space<hbm>> -> memref<8192x768xf32, #tpu.memory_space<hbm>>
    tpu.wait_indirect_dma semaphore(%arg13 : memref<!tpu.dma_semaphore, #tpu.memory_space<semaphore_mem>>) src(%dma_wait3A_352 : memref<8192x768xf32, #tpu.memory_space<hbm>>) dst(%dma_wait3A_346 : memref<48x768xf32, #tpu.memory_space<vmem>>)
    %add3A_353 = arith.constant 240 : i32
    %add3A_354 = arith.addi %mul3A_2, %add3A_353 : i32
    %run_scoped3A_355 = arith.constant 1 : i32
    "tpu.region"() ({
      %run_scoped3A_660 = tpu.sem_alloc : memref<!tpu.dma_semaphore, #tpu.memory_space<semaphore_mem>>
      %dma_start3A_661 = arith.constant 0 : i32
      %dma_start3A_662 = arith.constant 0 : i32
      %dma_start3A_663 = tpu.memref_slice %arg8[%run_scoped3A_355, %dma_start3A_661, %dma_start3A_662] : memref<2x48x256xf32, #tpu.memory_space<vmem>> -> memref<1x48x256xf32, #tpu.memory_space<vmem>>
      %dma_start3A_664 = tpu.memref_squeeze %dma_start3A_663 : memref<1x48x256xf32, #tpu.memory_space<vmem>> -> memref<48x256xf32, #tpu.memory_space<vmem>>
      %dma_start3A_665 = arith.constant 0 : i32
      %dma_start3A_666 = tpu.memref_slice %arg5[%add3A_354, %dma_start3A_665] : memref<18432x256xf32, #tpu.memory_space<hbm>> -> memref<48x256xf32, #tpu.memory_space<hbm>>
      %dma_start3A_667 = arith.constant 0 : i32
      %dma_start3A_668 = tpu.memref_slice %arg5[%add3A_354, %dma_start3A_667] : memref<18432x256xf32, #tpu.memory_space<hbm>> -> memref<48x256xf32, #tpu.memory_space<hbm>>
      %dma_start3A_669 = arith.constant 0 : i32
      %dma_start3A_670 = arith.constant 0 : i32
      %dma_start3A_671 = tpu.memref_slice %arg8[%run_scoped3A_355, %dma_start3A_669, %dma_start3A_670] : memref<2x48x256xf32, #tpu.memory_space<vmem>> -> memref<1x48x256xf32, #tpu.memory_space<vmem>>
      %dma_start3A_672 = tpu.memref_squeeze %dma_start3A_671 : memref<1x48x256xf32, #tpu.memory_space<vmem>> -> memref<48x256xf32, #tpu.memory_space<vmem>>
      tpu.enqueue_dma source(%dma_start3A_672 : memref<48x256xf32, #tpu.memory_space<vmem>>) target(%dma_start3A_668 : memref<48x256xf32, #tpu.memory_space<hbm>>) target_semaphore(%run_scoped3A_660 : memref<!tpu.dma_semaphore, #tpu.memory_space<semaphore_mem>>)
      %dma_wait3A_673 = arith.constant 0 : i32
      %dma_wait3A_674 = arith.constant 0 : i32
      %dma_wait3A_675 = tpu.memref_slice %arg8[%run_scoped3A_355, %dma_wait3A_673, %dma_wait3A_674] : memref<2x48x256xf32, #tpu.memory_space<vmem>> -> memref<1x48x256xf32, #tpu.memory_space<vmem>>
      %dma_wait3A_676 = tpu.memref_squeeze %dma_wait3A_675 : memref<1x48x256xf32, #tpu.memory_space<vmem>> -> memref<48x256xf32, #tpu.memory_space<vmem>>
      %dma_wait3A_677 = arith.constant 0 : i32
      %dma_wait3A_678 = tpu.memref_slice %arg5[%add3A_354, %dma_wait3A_677] : memref<18432x256xf32, #tpu.memory_space<hbm>> -> memref<48x256xf32, #tpu.memory_space<hbm>>
      %dma_wait3A_679 = arith.constant 0 : i32
      %dma_wait3A_680 = tpu.memref_slice %arg5[%add3A_354, %dma_wait3A_679] : memref<18432x256xf32, #tpu.memory_space<hbm>> -> memref<48x256xf32, #tpu.memory_space<hbm>>
      %dma_wait3A_681 = arith.constant 0 : i32
      %dma_wait3A_682 = arith.constant 0 : i32
      %dma_wait3A_683 = tpu.memref_slice %arg8[%run_scoped3A_355, %dma_wait3A_681, %dma_wait3A_682] : memref<2x48x256xf32, #tpu.memory_space<vmem>> -> memref<1x48x256xf32, #tpu.memory_space<vmem>>
      %dma_wait3A_684 = tpu.memref_squeeze %dma_wait3A_683 : memref<1x48x256xf32, #tpu.memory_space<vmem>> -> memref<48x256xf32, #tpu.memory_space<vmem>>
      tpu.wait_dma2 semaphore(%run_scoped3A_660 : memref<!tpu.dma_semaphore, #tpu.memory_space<semaphore_mem>>) src(%dma_wait3A_684 : memref<48x256xf32, #tpu.memory_space<vmem>>) dst(%dma_wait3A_680 : memref<48x256xf32, #tpu.memory_space<hbm>>)
      tpu.yield
    }) : () -> ()
    %run_scoped3A_356 = arith.constant 1 : i32
    "tpu.region"() ({
      %run_scoped3A_660 = tpu.sem_alloc : memref<!tpu.dma_semaphore, #tpu.memory_space<semaphore_mem>>
      %dma_start3A_661 = arith.constant 0 : i32
      %dma_start3A_662 = arith.constant 0 : i32
      %dma_start3A_663 = tpu.memref_slice %arg9[%run_scoped3A_356, %dma_start3A_661, %dma_start3A_662] : memref<2x48x768xf32, #tpu.memory_space<vmem>> -> memref<1x48x768xf32, #tpu.memory_space<vmem>>
      %dma_start3A_664 = tpu.memref_squeeze %dma_start3A_663 : memref<1x48x768xf32, #tpu.memory_space<vmem>> -> memref<48x768xf32, #tpu.memory_space<vmem>>
      %dma_start3A_665 = arith.constant 0 : i32
      %dma_start3A_666 = tpu.memref_slice %arg6[%add3A_354, %dma_start3A_665] : memref<18432x768xf32, #tpu.memory_space<hbm>> -> memref<48x768xf32, #tpu.memory_space<hbm>>
      %dma_start3A_667 = arith.constant 0 : i32
      %dma_start3A_668 = tpu.memref_slice %arg6[%add3A_354, %dma_start3A_667] : memref<18432x768xf32, #tpu.memory_space<hbm>> -> memref<48x768xf32, #tpu.memory_space<hbm>>
      %dma_start3A_669 = arith.constant 0 : i32
      %dma_start3A_670 = arith.constant 0 : i32
      %dma_start3A_671 = tpu.memref_slice %arg9[%run_scoped3A_356, %dma_start3A_669, %dma_start3A_670] : memref<2x48x768xf32, #tpu.memory_space<vmem>> -> memref<1x48x768xf32, #tpu.memory_space<vmem>>
      %dma_start3A_672 = tpu.memref_squeeze %dma_start3A_671 : memref<1x48x768xf32, #tpu.memory_space<vmem>> -> memref<48x768xf32, #tpu.memory_space<vmem>>
      tpu.enqueue_dma source(%dma_start3A_672 : memref<48x768xf32, #tpu.memory_space<vmem>>) target(%dma_start3A_668 : memref<48x768xf32, #tpu.memory_space<hbm>>) target_semaphore(%run_scoped3A_660 : memref<!tpu.dma_semaphore, #tpu.memory_space<semaphore_mem>>)
      %dma_wait3A_673 = arith.constant 0 : i32
      %dma_wait3A_674 = arith.constant 0 : i32
      %dma_wait3A_675 = tpu.memref_slice %arg9[%run_scoped3A_356, %dma_wait3A_673, %dma_wait3A_674] : memref<2x48x768xf32, #tpu.memory_space<vmem>> -> memref<1x48x768xf32, #tpu.memory_space<vmem>>
      %dma_wait3A_676 = tpu.memref_squeeze %dma_wait3A_675 : memref<1x48x768xf32, #tpu.memory_space<vmem>> -> memref<48x768xf32, #tpu.memory_space<vmem>>
      %dma_wait3A_677 = arith.constant 0 : i32
      %dma_wait3A_678 = tpu.memref_slice %arg6[%add3A_354, %dma_wait3A_677] : memref<18432x768xf32, #tpu.memory_space<hbm>> -> memref<48x768xf32, #tpu.memory_space<hbm>>
      %dma_wait3A_679 = arith.constant 0 : i32
      %dma_wait3A_680 = tpu.memref_slice %arg6[%add3A_354, %dma_wait3A_679] : memref<18432x768xf32, #tpu.memory_space<hbm>> -> memref<48x768xf32, #tpu.memory_space<hbm>>
      %dma_wait3A_681 = arith.constant 0 : i32
      %dma_wait3A_682 = arith.constant 0 : i32
      %dma_wait3A_683 = tpu.memref_slice %arg9[%run_scoped3A_356, %dma_wait3A_681, %dma_wait3A_682] : memref<2x48x768xf32, #tpu.memory_space<vmem>> -> memref<1x48x768xf32, #tpu.memory_space<vmem>>
      %dma_wait3A_684 = tpu.memref_squeeze %dma_wait3A_683 : memref<1x48x768xf32, #tpu.memory_space<vmem>> -> memref<48x768xf32, #tpu.memory_space<vmem>>
      tpu.wait_dma2 semaphore(%run_scoped3A_660 : memref<!tpu.dma_semaphore, #tpu.memory_space<semaphore_mem>>) src(%dma_wait3A_684 : memref<48x768xf32, #tpu.memory_space<vmem>>) dst(%dma_wait3A_680 : memref<48x768xf32, #tpu.memory_space<hbm>>)
      tpu.yield
    }) : () -> ()
    %add3A_357 = arith.constant 336 : i32
    %add3A_358 = arith.addi %mul3A_2, %add3A_357 : i32
    %run_scoped3A_359 = arith.constant 1 : i32
    "tpu.region"() ({
      %run_scoped3A_660 = tpu.sem_alloc : memref<!tpu.dma_semaphore, #tpu.memory_space<semaphore_mem>>
      %dma_start3A_661 = arith.constant 0 : i32
      %dma_start3A_662 = tpu.memref_slice %arg7[%run_scoped3A_359, %dma_start3A_661] : memref<2x48xi32, #tpu.memory_space<vmem>> -> memref<1x48xi32, #tpu.memory_space<vmem>>
      %dma_start3A_663 = tpu.memref_squeeze %dma_start3A_662 : memref<1x48xi32, #tpu.memory_space<vmem>> -> memref<48xi32, #tpu.memory_space<vmem>>
      %dma_start3A_664 = tpu.memref_slice %arg4[%add3A_358] : memref<18432xi32, #tpu.memory_space<hbm>> -> memref<48xi32, #tpu.memory_space<hbm>>
      %dma_start3A_665 = arith.constant 0 : i32
      %dma_start3A_666 = tpu.memref_slice %arg7[%run_scoped3A_359, %dma_start3A_665] : memref<2x48xi32, #tpu.memory_space<vmem>> -> memref<1x48xi32, #tpu.memory_space<vmem>>
      %dma_start3A_667 = tpu.memref_squeeze %dma_start3A_666 : memref<1x48xi32, #tpu.memory_space<vmem>> -> memref<48xi32, #tpu.memory_space<vmem>>
      %dma_start3A_668 = tpu.memref_slice %arg4[%add3A_358] : memref<18432xi32, #tpu.memory_space<hbm>> -> memref<48xi32, #tpu.memory_space<hbm>>
      tpu.enqueue_dma source(%dma_start3A_668 : memref<48xi32, #tpu.memory_space<hbm>>) target(%dma_start3A_667 : memref<48xi32, #tpu.memory_space<vmem>>) target_semaphore(%run_scoped3A_660 : memref<!tpu.dma_semaphore, #tpu.memory_space<semaphore_mem>>)
      %dma_wait3A_669 = arith.constant 0 : i32
      %dma_wait3A_670 = tpu.memref_slice %arg7[%run_scoped3A_359, %dma_wait3A_669] : memref<2x48xi32, #tpu.memory_space<vmem>> -> memref<1x48xi32, #tpu.memory_space<vmem>>
      %dma_wait3A_671 = tpu.memref_squeeze %dma_wait3A_670 : memref<1x48xi32, #tpu.memory_space<vmem>> -> memref<48xi32, #tpu.memory_space<vmem>>
      %dma_wait3A_672 = tpu.memref_slice %arg4[%add3A_358] : memref<18432xi32, #tpu.memory_space<hbm>> -> memref<48xi32, #tpu.memory_space<hbm>>
      %dma_wait3A_673 = arith.constant 0 : i32
      %dma_wait3A_674 = tpu.memref_slice %arg7[%run_scoped3A_359, %dma_wait3A_673] : memref<2x48xi32, #tpu.memory_space<vmem>> -> memref<1x48xi32, #tpu.memory_space<vmem>>
      %dma_wait3A_675 = tpu.memref_squeeze %dma_wait3A_674 : memref<1x48xi32, #tpu.memory_space<vmem>> -> memref<48xi32, #tpu.memory_space<vmem>>
      %dma_wait3A_676 = tpu.memref_slice %arg4[%add3A_358] : memref<18432xi32, #tpu.memory_space<hbm>> -> memref<48xi32, #tpu.memory_space<hbm>>
      tpu.wait_dma2 semaphore(%run_scoped3A_660 : memref<!tpu.dma_semaphore, #tpu.memory_space<semaphore_mem>>) src(%dma_wait3A_676 : memref<48xi32, #tpu.memory_space<hbm>>) dst(%dma_wait3A_675 : memref<48xi32, #tpu.memory_space<vmem>>)
      tpu.yield
    }) : () -> ()
    %dma_start3A_360 = arith.constant 1 : i32
    %dma_start3A_361 = arith.constant 1 : i32
    %dma_start3A_362 = arith.constant 0 : i32
    %dma_start3A_363 = arith.constant 0 : i32
    %dma_start3A_364 = tpu.memref_slice %arg8[%dma_start3A_361, %dma_start3A_362, %dma_start3A_363] : memref<2x48x256xf32, #tpu.memory_space<vmem>> -> memref<1x48x256xf32, #tpu.memory_space<vmem>>
    %dma_start3A_365 = tpu.memref_squeeze %dma_start3A_364 : memref<1x48x256xf32, #tpu.memory_space<vmem>> -> memref<48x256xf32, #tpu.memory_space<vmem>>
    %dma_start3A_366 = arith.constant 0 : i32
    %dma_start3A_367 = tpu.memref_slice %arg7[%dma_start3A_360, %dma_start3A_366] : memref<2x48xi32, #tpu.memory_space<vmem>> -> memref<1x48xi32, #tpu.memory_space<vmem>>
    %dma_start3A_368 = tpu.memref_squeeze %dma_start3A_367 : memref<1x48xi32, #tpu.memory_space<vmem>> -> memref<48xi32, #tpu.memory_space<vmem>>
    %dma_start3A_369 = arith.constant 0 : i32
    %dma_start3A_370 = arith.constant 0 : i32
    %dma_start3A_371 = tpu.memref_slice %arg2[%dma_start3A_369, %dma_start3A_370] : memref<8192x256xf32, #tpu.memory_space<hbm>> -> memref<8192x256xf32, #tpu.memory_space<hbm>>
    tpu.enqueue_indirect_dma source(%dma_start3A_371 : memref<8192x256xf32, #tpu.memory_space<hbm>>) target(%dma_start3A_365 : memref<48x256xf32, #tpu.memory_space<vmem>>) offsets(%dma_start3A_368 : memref<48xi32, #tpu.memory_space<vmem>>) semaphore(%arg11 : memref<!tpu.dma_semaphore, #tpu.memory_space<semaphore_mem>>)
    %dma_start3A_372 = arith.constant 1 : i32
    %dma_start3A_373 = arith.constant 1 : i32
    %dma_start3A_374 = arith.constant 0 : i32
    %dma_start3A_375 = arith.constant 0 : i32
    %dma_start3A_376 = tpu.memref_slice %arg9[%dma_start3A_373, %dma_start3A_374, %dma_start3A_375] : memref<2x48x768xf32, #tpu.memory_space<vmem>> -> memref<1x48x768xf32, #tpu.memory_space<vmem>>
    %dma_start3A_377 = tpu.memref_squeeze %dma_start3A_376 : memref<1x48x768xf32, #tpu.memory_space<vmem>> -> memref<48x768xf32, #tpu.memory_space<vmem>>
    %dma_start3A_378 = arith.constant 0 : i32
    %dma_start3A_379 = tpu.memref_slice %arg7[%dma_start3A_372, %dma_start3A_378] : memref<2x48xi32, #tpu.memory_space<vmem>> -> memref<1x48xi32, #tpu.memory_space<vmem>>
    %dma_start3A_380 = tpu.memref_squeeze %dma_start3A_379 : memref<1x48xi32, #tpu.memory_space<vmem>> -> memref<48xi32, #tpu.memory_space<vmem>>
    %dma_start3A_381 = arith.constant 0 : i32
    %dma_start3A_382 = arith.constant 0 : i32
    %dma_start3A_383 = tpu.memref_slice %arg3[%dma_start3A_381, %dma_start3A_382] : memref<8192x768xf32, #tpu.memory_space<hbm>> -> memref<8192x768xf32, #tpu.memory_space<hbm>>
    tpu.enqueue_indirect_dma source(%dma_start3A_383 : memref<8192x768xf32, #tpu.memory_space<hbm>>) target(%dma_start3A_377 : memref<48x768xf32, #tpu.memory_space<vmem>>) offsets(%dma_start3A_380 : memref<48xi32, #tpu.memory_space<vmem>>) semaphore(%arg13 : memref<!tpu.dma_semaphore, #tpu.memory_space<semaphore_mem>>)
    %dma_wait3A_384 = arith.constant 0 : i32
    %dma_wait3A_385 = arith.constant 0 : i32
    %dma_wait3A_386 = arith.constant 0 : i32
    %dma_wait3A_387 = arith.constant 0 : i32
    %dma_wait3A_388 = tpu.memref_slice %arg8[%dma_wait3A_385, %dma_wait3A_386, %dma_wait3A_387] : memref<2x48x256xf32, #tpu.memory_space<vmem>> -> memref<1x48x256xf32, #tpu.memory_space<vmem>>
    %dma_wait3A_389 = tpu.memref_squeeze %dma_wait3A_388 : memref<1x48x256xf32, #tpu.memory_space<vmem>> -> memref<48x256xf32, #tpu.memory_space<vmem>>
    %dma_wait3A_390 = arith.constant 0 : i32
    %dma_wait3A_391 = tpu.memref_slice %arg7[%dma_wait3A_384, %dma_wait3A_390] : memref<2x48xi32, #tpu.memory_space<vmem>> -> memref<1x48xi32, #tpu.memory_space<vmem>>
    %dma_wait3A_392 = tpu.memref_squeeze %dma_wait3A_391 : memref<1x48xi32, #tpu.memory_space<vmem>> -> memref<48xi32, #tpu.memory_space<vmem>>
    %dma_wait3A_393 = arith.constant 0 : i32
    %dma_wait3A_394 = arith.constant 0 : i32
    %dma_wait3A_395 = tpu.memref_slice %arg2[%dma_wait3A_393, %dma_wait3A_394] : memref<8192x256xf32, #tpu.memory_space<hbm>> -> memref<8192x256xf32, #tpu.memory_space<hbm>>
    tpu.wait_indirect_dma semaphore(%arg10 : memref<!tpu.dma_semaphore, #tpu.memory_space<semaphore_mem>>) src(%dma_wait3A_395 : memref<8192x256xf32, #tpu.memory_space<hbm>>) dst(%dma_wait3A_389 : memref<48x256xf32, #tpu.memory_space<vmem>>)
    %dma_wait3A_396 = arith.constant 0 : i32
    %dma_wait3A_397 = arith.constant 0 : i32
    %dma_wait3A_398 = arith.constant 0 : i32
    %dma_wait3A_399 = arith.constant 0 : i32
    %dma_wait3A_400 = tpu.memref_slice %arg9[%dma_wait3A_397, %dma_wait3A_398, %dma_wait3A_399] : memref<2x48x768xf32, #tpu.memory_space<vmem>> -> memref<1x48x768xf32, #tpu.memory_space<vmem>>
    %dma_wait3A_401 = tpu.memref_squeeze %dma_wait3A_400 : memref<1x48x768xf32, #tpu.memory_space<vmem>> -> memref<48x768xf32, #tpu.memory_space<vmem>>
    %dma_wait3A_402 = arith.constant 0 : i32
    %dma_wait3A_403 = tpu.memref_slice %arg7[%dma_wait3A_396, %dma_wait3A_402] : memref<2x48xi32, #tpu.memory_space<vmem>> -> memref<1x48xi32, #tpu.memory_space<vmem>>
    %dma_wait3A_404 = tpu.memref_squeeze %dma_wait3A_403 : memref<1x48xi32, #tpu.memory_space<vmem>> -> memref<48xi32, #tpu.memory_space<vmem>>
    %dma_wait3A_405 = arith.constant 0 : i32
    %dma_wait3A_406 = arith.constant 0 : i32
    %dma_wait3A_407 = tpu.memref_slice %arg3[%dma_wait3A_405, %dma_wait3A_406] : memref<8192x768xf32, #tpu.memory_space<hbm>> -> memref<8192x768xf32, #tpu.memory_space<hbm>>
    tpu.wait_indirect_dma semaphore(%arg12 : memref<!tpu.dma_semaphore, #tpu.memory_space<semaphore_mem>>) src(%dma_wait3A_407 : memref<8192x768xf32, #tpu.memory_space<hbm>>) dst(%dma_wait3A_401 : memref<48x768xf32, #tpu.memory_space<vmem>>)
    %add3A_408 = arith.constant 288 : i32
    %add3A_409 = arith.addi %mul3A_2, %add3A_408 : i32
    %run_scoped3A_410 = arith.constant 0 : i32
    "tpu.region"() ({
      %run_scoped3A_660 = tpu.sem_alloc : memref<!tpu.dma_semaphore, #tpu.memory_space<semaphore_mem>>
      %dma_start3A_661 = arith.constant 0 : i32
      %dma_start3A_662 = arith.constant 0 : i32
      %dma_start3A_663 = tpu.memref_slice %arg8[%run_scoped3A_410, %dma_start3A_661, %dma_start3A_662] : memref<2x48x256xf32, #tpu.memory_space<vmem>> -> memref<1x48x256xf32, #tpu.memory_space<vmem>>
      %dma_start3A_664 = tpu.memref_squeeze %dma_start3A_663 : memref<1x48x256xf32, #tpu.memory_space<vmem>> -> memref<48x256xf32, #tpu.memory_space<vmem>>
      %dma_start3A_665 = arith.constant 0 : i32
      %dma_start3A_666 = tpu.memref_slice %arg5[%add3A_409, %dma_start3A_665] : memref<18432x256xf32, #tpu.memory_space<hbm>> -> memref<48x256xf32, #tpu.memory_space<hbm>>
      %dma_start3A_667 = arith.constant 0 : i32
      %dma_start3A_668 = tpu.memref_slice %arg5[%add3A_409, %dma_start3A_667] : memref<18432x256xf32, #tpu.memory_space<hbm>> -> memref<48x256xf32, #tpu.memory_space<hbm>>
      %dma_start3A_669 = arith.constant 0 : i32
      %dma_start3A_670 = arith.constant 0 : i32
      %dma_start3A_671 = tpu.memref_slice %arg8[%run_scoped3A_410, %dma_start3A_669, %dma_start3A_670] : memref<2x48x256xf32, #tpu.memory_space<vmem>> -> memref<1x48x256xf32, #tpu.memory_space<vmem>>
      %dma_start3A_672 = tpu.memref_squeeze %dma_start3A_671 : memref<1x48x256xf32, #tpu.memory_space<vmem>> -> memref<48x256xf32, #tpu.memory_space<vmem>>
      tpu.enqueue_dma source(%dma_start3A_672 : memref<48x256xf32, #tpu.memory_space<vmem>>) target(%dma_start3A_668 : memref<48x256xf32, #tpu.memory_space<hbm>>) target_semaphore(%run_scoped3A_660 : memref<!tpu.dma_semaphore, #tpu.memory_space<semaphore_mem>>)
      %dma_wait3A_673 = arith.constant 0 : i32
      %dma_wait3A_674 = arith.constant 0 : i32
      %dma_wait3A_675 = tpu.memref_slice %arg8[%run_scoped3A_410, %dma_wait3A_673, %dma_wait3A_674] : memref<2x48x256xf32, #tpu.memory_space<vmem>> -> memref<1x48x256xf32, #tpu.memory_space<vmem>>
      %dma_wait3A_676 = tpu.memref_squeeze %dma_wait3A_675 : memref<1x48x256xf32, #tpu.memory_space<vmem>> -> memref<48x256xf32, #tpu.memory_space<vmem>>
      %dma_wait3A_677 = arith.constant 0 : i32
      %dma_wait3A_678 = tpu.memref_slice %arg5[%add3A_409, %dma_wait3A_677] : memref<18432x256xf32, #tpu.memory_space<hbm>> -> memref<48x256xf32, #tpu.memory_space<hbm>>
      %dma_wait3A_679 = arith.constant 0 : i32
      %dma_wait3A_680 = tpu.memref_slice %arg5[%add3A_409, %dma_wait3A_679] : memref<18432x256xf32, #tpu.memory_space<hbm>> -> memref<48x256xf32, #tpu.memory_space<hbm>>
      %dma_wait3A_681 = arith.constant 0 : i32
      %dma_wait3A_682 = arith.constant 0 : i32
      %dma_wait3A_683 = tpu.memref_slice %arg8[%run_scoped3A_410, %dma_wait3A_681, %dma_wait3A_682] : memref<2x48x256xf32, #tpu.memory_space<vmem>> -> memref<1x48x256xf32, #tpu.memory_space<vmem>>
      %dma_wait3A_684 = tpu.memref_squeeze %dma_wait3A_683 : memref<1x48x256xf32, #tpu.memory_space<vmem>> -> memref<48x256xf32, #tpu.memory_space<vmem>>
      tpu.wait_dma2 semaphore(%run_scoped3A_660 : memref<!tpu.dma_semaphore, #tpu.memory_space<semaphore_mem>>) src(%dma_wait3A_684 : memref<48x256xf32, #tpu.memory_space<vmem>>) dst(%dma_wait3A_680 : memref<48x256xf32, #tpu.memory_space<hbm>>)
      tpu.yield
    }) : () -> ()
    %run_scoped3A_411 = arith.constant 0 : i32
    "tpu.region"() ({
      %run_scoped3A_660 = tpu.sem_alloc : memref<!tpu.dma_semaphore, #tpu.memory_space<semaphore_mem>>
      %dma_start3A_661 = arith.constant 0 : i32
      %dma_start3A_662 = arith.constant 0 : i32
      %dma_start3A_663 = tpu.memref_slice %arg9[%run_scoped3A_411, %dma_start3A_661, %dma_start3A_662] : memref<2x48x768xf32, #tpu.memory_space<vmem>> -> memref<1x48x768xf32, #tpu.memory_space<vmem>>
      %dma_start3A_664 = tpu.memref_squeeze %dma_start3A_663 : memref<1x48x768xf32, #tpu.memory_space<vmem>> -> memref<48x768xf32, #tpu.memory_space<vmem>>
      %dma_start3A_665 = arith.constant 0 : i32
      %dma_start3A_666 = tpu.memref_slice %arg6[%add3A_409, %dma_start3A_665] : memref<18432x768xf32, #tpu.memory_space<hbm>> -> memref<48x768xf32, #tpu.memory_space<hbm>>
      %dma_start3A_667 = arith.constant 0 : i32
      %dma_start3A_668 = tpu.memref_slice %arg6[%add3A_409, %dma_start3A_667] : memref<18432x768xf32, #tpu.memory_space<hbm>> -> memref<48x768xf32, #tpu.memory_space<hbm>>
      %dma_start3A_669 = arith.constant 0 : i32
      %dma_start3A_670 = arith.constant 0 : i32
      %dma_start3A_671 = tpu.memref_slice %arg9[%run_scoped3A_411, %dma_start3A_669, %dma_start3A_670] : memref<2x48x768xf32, #tpu.memory_space<vmem>> -> memref<1x48x768xf32, #tpu.memory_space<vmem>>
      %dma_start3A_672 = tpu.memref_squeeze %dma_start3A_671 : memref<1x48x768xf32, #tpu.memory_space<vmem>> -> memref<48x768xf32, #tpu.memory_space<vmem>>
      tpu.enqueue_dma source(%dma_start3A_672 : memref<48x768xf32, #tpu.memory_space<vmem>>) target(%dma_start3A_668 : memref<48x768xf32, #tpu.memory_space<hbm>>) target_semaphore(%run_scoped3A_660 : memref<!tpu.dma_semaphore, #tpu.memory_space<semaphore_mem>>)
      %dma_wait3A_673 = arith.constant 0 : i32
      %dma_wait3A_674 = arith.constant 0 : i32
      %dma_wait3A_675 = tpu.memref_slice %arg9[%run_scoped3A_411, %dma_wait3A_673, %dma_wait3A_674] : memref<2x48x768xf32, #tpu.memory_space<vmem>> -> memref<1x48x768xf32, #tpu.memory_space<vmem>>
      %dma_wait3A_676 = tpu.memref_squeeze %dma_wait3A_675 : memref<1x48x768xf32, #tpu.memory_space<vmem>> -> memref<48x768xf32, #tpu.memory_space<vmem>>
      %dma_wait3A_677 = arith.constant 0 : i32
      %dma_wait3A_678 = tpu.memref_slice %arg6[%add3A_409, %dma_wait3A_677] : memref<18432x768xf32, #tpu.memory_space<hbm>> -> memref<48x768xf32, #tpu.memory_space<hbm>>
      %dma_wait3A_679 = arith.constant 0 : i32
      %dma_wait3A_680 = tpu.memref_slice %arg6[%add3A_409, %dma_wait3A_679] : memref<18432x768xf32, #tpu.memory_space<hbm>> -> memref<48x768xf32, #tpu.memory_space<hbm>>
      %dma_wait3A_681 = arith.constant 0 : i32
      %dma_wait3A_682 = arith.constant 0 : i32
      %dma_wait3A_683 = tpu.memref_slice %arg9[%run_scoped3A_411, %dma_wait3A_681, %dma_wait3A_682] : memref<2x48x768xf32, #tpu.memory_space<vmem>> -> memref<1x48x768xf32, #tpu.memory_space<vmem>>
      %dma_wait3A_684 = tpu.memref_squeeze %dma_wait3A_683 : memref<1x48x768xf32, #tpu.memory_space<vmem>> -> memref<48x768xf32, #tpu.memory_space<vmem>>
      tpu.wait_dma2 semaphore(%run_scoped3A_660 : memref<!tpu.dma_semaphore, #tpu.memory_space<semaphore_mem>>) src(%dma_wait3A_684 : memref<48x768xf32, #tpu.memory_space<vmem>>) dst(%dma_wait3A_680 : memref<48x768xf32, #tpu.memory_space<hbm>>)
      tpu.yield
    }) : () -> ()
    %add3A_412 = arith.constant 384 : i32
    %add3A_413 = arith.addi %mul3A_2, %add3A_412 : i32
    %run_scoped3A_414 = arith.constant 0 : i32
    "tpu.region"() ({
      %run_scoped3A_660 = tpu.sem_alloc : memref<!tpu.dma_semaphore, #tpu.memory_space<semaphore_mem>>
      %dma_start3A_661 = arith.constant 0 : i32
      %dma_start3A_662 = tpu.memref_slice %arg7[%run_scoped3A_414, %dma_start3A_661] : memref<2x48xi32, #tpu.memory_space<vmem>> -> memref<1x48xi32, #tpu.memory_space<vmem>>
      %dma_start3A_663 = tpu.memref_squeeze %dma_start3A_662 : memref<1x48xi32, #tpu.memory_space<vmem>> -> memref<48xi32, #tpu.memory_space<vmem>>
      %dma_start3A_664 = tpu.memref_slice %arg4[%add3A_413] : memref<18432xi32, #tpu.memory_space<hbm>> -> memref<48xi32, #tpu.memory_space<hbm>>
      %dma_start3A_665 = arith.constant 0 : i32
      %dma_start3A_666 = tpu.memref_slice %arg7[%run_scoped3A_414, %dma_start3A_665] : memref<2x48xi32, #tpu.memory_space<vmem>> -> memref<1x48xi32, #tpu.memory_space<vmem>>
      %dma_start3A_667 = tpu.memref_squeeze %dma_start3A_666 : memref<1x48xi32, #tpu.memory_space<vmem>> -> memref<48xi32, #tpu.memory_space<vmem>>
      %dma_start3A_668 = tpu.memref_slice %arg4[%add3A_413] : memref<18432xi32, #tpu.memory_space<hbm>> -> memref<48xi32, #tpu.memory_space<hbm>>
      tpu.enqueue_dma source(%dma_start3A_668 : memref<48xi32, #tpu.memory_space<hbm>>) target(%dma_start3A_667 : memref<48xi32, #tpu.memory_space<vmem>>) target_semaphore(%run_scoped3A_660 : memref<!tpu.dma_semaphore, #tpu.memory_space<semaphore_mem>>)
      %dma_wait3A_669 = arith.constant 0 : i32
      %dma_wait3A_670 = tpu.memref_slice %arg7[%run_scoped3A_414, %dma_wait3A_669] : memref<2x48xi32, #tpu.memory_space<vmem>> -> memref<1x48xi32, #tpu.memory_space<vmem>>
      %dma_wait3A_671 = tpu.memref_squeeze %dma_wait3A_670 : memref<1x48xi32, #tpu.memory_space<vmem>> -> memref<48xi32, #tpu.memory_space<vmem>>
      %dma_wait3A_672 = tpu.memref_slice %arg4[%add3A_413] : memref<18432xi32, #tpu.memory_space<hbm>> -> memref<48xi32, #tpu.memory_space<hbm>>
      %dma_wait3A_673 = arith.constant 0 : i32
      %dma_wait3A_674 = tpu.memref_slice %arg7[%run_scoped3A_414, %dma_wait3A_673] : memref<2x48xi32, #tpu.memory_space<vmem>> -> memref<1x48xi32, #tpu.memory_space<vmem>>
      %dma_wait3A_675 = tpu.memref_squeeze %dma_wait3A_674 : memref<1x48xi32, #tpu.memory_space<vmem>> -> memref<48xi32, #tpu.memory_space<vmem>>
      %dma_wait3A_676 = tpu.memref_slice %arg4[%add3A_413] : memref<18432xi32, #tpu.memory_space<hbm>> -> memref<48xi32, #tpu.memory_space<hbm>>
      tpu.wait_dma2 semaphore(%run_scoped3A_660 : memref<!tpu.dma_semaphore, #tpu.memory_space<semaphore_mem>>) src(%dma_wait3A_676 : memref<48xi32, #tpu.memory_space<hbm>>) dst(%dma_wait3A_675 : memref<48xi32, #tpu.memory_space<vmem>>)
      tpu.yield
    }) : () -> ()
    %dma_start3A_415 = arith.constant 0 : i32
    %dma_start3A_416 = arith.constant 0 : i32
    %dma_start3A_417 = arith.constant 0 : i32
    %dma_start3A_418 = arith.constant 0 : i32
    %dma_start3A_419 = tpu.memref_slice %arg8[%dma_start3A_416, %dma_start3A_417, %dma_start3A_418] : memref<2x48x256xf32, #tpu.memory_space<vmem>> -> memref<1x48x256xf32, #tpu.memory_space<vmem>>
    %dma_start3A_420 = tpu.memref_squeeze %dma_start3A_419 : memref<1x48x256xf32, #tpu.memory_space<vmem>> -> memref<48x256xf32, #tpu.memory_space<vmem>>
    %dma_start3A_421 = arith.constant 0 : i32
    %dma_start3A_422 = tpu.memref_slice %arg7[%dma_start3A_415, %dma_start3A_421] : memref<2x48xi32, #tpu.memory_space<vmem>> -> memref<1x48xi32, #tpu.memory_space<vmem>>
    %dma_start3A_423 = tpu.memref_squeeze %dma_start3A_422 : memref<1x48xi32, #tpu.memory_space<vmem>> -> memref<48xi32, #tpu.memory_space<vmem>>
    %dma_start3A_424 = arith.constant 0 : i32
    %dma_start3A_425 = arith.constant 0 : i32
    %dma_start3A_426 = tpu.memref_slice %arg2[%dma_start3A_424, %dma_start3A_425] : memref<8192x256xf32, #tpu.memory_space<hbm>> -> memref<8192x256xf32, #tpu.memory_space<hbm>>
    tpu.enqueue_indirect_dma source(%dma_start3A_426 : memref<8192x256xf32, #tpu.memory_space<hbm>>) target(%dma_start3A_420 : memref<48x256xf32, #tpu.memory_space<vmem>>) offsets(%dma_start3A_423 : memref<48xi32, #tpu.memory_space<vmem>>) semaphore(%arg10 : memref<!tpu.dma_semaphore, #tpu.memory_space<semaphore_mem>>)
    %dma_start3A_427 = arith.constant 0 : i32
    %dma_start3A_428 = arith.constant 0 : i32
    %dma_start3A_429 = arith.constant 0 : i32
    %dma_start3A_430 = arith.constant 0 : i32
    %dma_start3A_431 = tpu.memref_slice %arg9[%dma_start3A_428, %dma_start3A_429, %dma_start3A_430] : memref<2x48x768xf32, #tpu.memory_space<vmem>> -> memref<1x48x768xf32, #tpu.memory_space<vmem>>
    %dma_start3A_432 = tpu.memref_squeeze %dma_start3A_431 : memref<1x48x768xf32, #tpu.memory_space<vmem>> -> memref<48x768xf32, #tpu.memory_space<vmem>>
    %dma_start3A_433 = arith.constant 0 : i32
    %dma_start3A_434 = tpu.memref_slice %arg7[%dma_start3A_427, %dma_start3A_433] : memref<2x48xi32, #tpu.memory_space<vmem>> -> memref<1x48xi32, #tpu.memory_space<vmem>>
    %dma_start3A_435 = tpu.memref_squeeze %dma_start3A_434 : memref<1x48xi32, #tpu.memory_space<vmem>> -> memref<48xi32, #tpu.memory_space<vmem>>
    %dma_start3A_436 = arith.constant 0 : i32
    %dma_start3A_437 = arith.constant 0 : i32
    %dma_start3A_438 = tpu.memref_slice %arg3[%dma_start3A_436, %dma_start3A_437] : memref<8192x768xf32, #tpu.memory_space<hbm>> -> memref<8192x768xf32, #tpu.memory_space<hbm>>
    tpu.enqueue_indirect_dma source(%dma_start3A_438 : memref<8192x768xf32, #tpu.memory_space<hbm>>) target(%dma_start3A_432 : memref<48x768xf32, #tpu.memory_space<vmem>>) offsets(%dma_start3A_435 : memref<48xi32, #tpu.memory_space<vmem>>) semaphore(%arg12 : memref<!tpu.dma_semaphore, #tpu.memory_space<semaphore_mem>>)
    %dma_wait3A_439 = arith.constant 1 : i32
    %dma_wait3A_440 = arith.constant 1 : i32
    %dma_wait3A_441 = arith.constant 0 : i32
    %dma_wait3A_442 = arith.constant 0 : i32
    %dma_wait3A_443 = tpu.memref_slice %arg8[%dma_wait3A_440, %dma_wait3A_441, %dma_wait3A_442] : memref<2x48x256xf32, #tpu.memory_space<vmem>> -> memref<1x48x256xf32, #tpu.memory_space<vmem>>
    %dma_wait3A_444 = tpu.memref_squeeze %dma_wait3A_443 : memref<1x48x256xf32, #tpu.memory_space<vmem>> -> memref<48x256xf32, #tpu.memory_space<vmem>>
    %dma_wait3A_445 = arith.constant 0 : i32
    %dma_wait3A_446 = tpu.memref_slice %arg7[%dma_wait3A_439, %dma_wait3A_445] : memref<2x48xi32, #tpu.memory_space<vmem>> -> memref<1x48xi32, #tpu.memory_space<vmem>>
    %dma_wait3A_447 = tpu.memref_squeeze %dma_wait3A_446 : memref<1x48xi32, #tpu.memory_space<vmem>> -> memref<48xi32, #tpu.memory_space<vmem>>
    %dma_wait3A_448 = arith.constant 0 : i32
    %dma_wait3A_449 = arith.constant 0 : i32
    %dma_wait3A_450 = tpu.memref_slice %arg2[%dma_wait3A_448, %dma_wait3A_449] : memref<8192x256xf32, #tpu.memory_space<hbm>> -> memref<8192x256xf32, #tpu.memory_space<hbm>>
    tpu.wait_indirect_dma semaphore(%arg11 : memref<!tpu.dma_semaphore, #tpu.memory_space<semaphore_mem>>) src(%dma_wait3A_450 : memref<8192x256xf32, #tpu.memory_space<hbm>>) dst(%dma_wait3A_444 : memref<48x256xf32, #tpu.memory_space<vmem>>)
    %dma_wait3A_451 = arith.constant 1 : i32
    %dma_wait3A_452 = arith.constant 1 : i32
    %dma_wait3A_453 = arith.constant 0 : i32
    %dma_wait3A_454 = arith.constant 0 : i32
    %dma_wait3A_455 = tpu.memref_slice %arg9[%dma_wait3A_452, %dma_wait3A_453, %dma_wait3A_454] : memref<2x48x768xf32, #tpu.memory_space<vmem>> -> memref<1x48x768xf32, #tpu.memory_space<vmem>>
    %dma_wait3A_456 = tpu.memref_squeeze %dma_wait3A_455 : memref<1x48x768xf32, #tpu.memory_space<vmem>> -> memref<48x768xf32, #tpu.memory_space<vmem>>
    %dma_wait3A_457 = arith.constant 0 : i32
    %dma_wait3A_458 = tpu.memref_slice %arg7[%dma_wait3A_451, %dma_wait3A_457] : memref<2x48xi32, #tpu.memory_space<vmem>> -> memref<1x48xi32, #tpu.memory_space<vmem>>
    %dma_wait3A_459 = tpu.memref_squeeze %dma_wait3A_458 : memref<1x48xi32, #tpu.memory_space<vmem>> -> memref<48xi32, #tpu.memory_space<vmem>>
    %dma_wait3A_460 = arith.constant 0 : i32
    %dma_wait3A_461 = arith.constant 0 : i32
    %dma_wait3A_462 = tpu.memref_slice %arg3[%dma_wait3A_460, %dma_wait3A_461] : memref<8192x768xf32, #tpu.memory_space<hbm>> -> memref<8192x768xf32, #tpu.memory_space<hbm>>
    tpu.wait_indirect_dma semaphore(%arg13 : memref<!tpu.dma_semaphore, #tpu.memory_space<semaphore_mem>>) src(%dma_wait3A_462 : memref<8192x768xf32, #tpu.memory_space<hbm>>) dst(%dma_wait3A_456 : memref<48x768xf32, #tpu.memory_space<vmem>>)
    %add3A_463 = arith.constant 336 : i32
    %add3A_464 = arith.addi %mul3A_2, %add3A_463 : i32
    %run_scoped3A_465 = arith.constant 1 : i32
    "tpu.region"() ({
      %run_scoped3A_660 = tpu.sem_alloc : memref<!tpu.dma_semaphore, #tpu.memory_space<semaphore_mem>>
      %dma_start3A_661 = arith.constant 0 : i32
      %dma_start3A_662 = arith.constant 0 : i32
      %dma_start3A_663 = tpu.memref_slice %arg8[%run_scoped3A_465, %dma_start3A_661, %dma_start3A_662] : memref<2x48x256xf32, #tpu.memory_space<vmem>> -> memref<1x48x256xf32, #tpu.memory_space<vmem>>
      %dma_start3A_664 = tpu.memref_squeeze %dma_start3A_663 : memref<1x48x256xf32, #tpu.memory_space<vmem>> -> memref<48x256xf32, #tpu.memory_space<vmem>>
      %dma_start3A_665 = arith.constant 0 : i32
      %dma_start3A_666 = tpu.memref_slice %arg5[%add3A_464, %dma_start3A_665] : memref<18432x256xf32, #tpu.memory_space<hbm>> -> memref<48x256xf32, #tpu.memory_space<hbm>>
      %dma_start3A_667 = arith.constant 0 : i32
      %dma_start3A_668 = tpu.memref_slice %arg5[%add3A_464, %dma_start3A_667] : memref<18432x256xf32, #tpu.memory_space<hbm>> -> memref<48x256xf32, #tpu.memory_space<hbm>>
      %dma_start3A_669 = arith.constant 0 : i32
      %dma_start3A_670 = arith.constant 0 : i32
      %dma_start3A_671 = tpu.memref_slice %arg8[%run_scoped3A_465, %dma_start3A_669, %dma_start3A_670] : memref<2x48x256xf32, #tpu.memory_space<vmem>> -> memref<1x48x256xf32, #tpu.memory_space<vmem>>
      %dma_start3A_672 = tpu.memref_squeeze %dma_start3A_671 : memref<1x48x256xf32, #tpu.memory_space<vmem>> -> memref<48x256xf32, #tpu.memory_space<vmem>>
      tpu.enqueue_dma source(%dma_start3A_672 : memref<48x256xf32, #tpu.memory_space<vmem>>) target(%dma_start3A_668 : memref<48x256xf32, #tpu.memory_space<hbm>>) target_semaphore(%run_scoped3A_660 : memref<!tpu.dma_semaphore, #tpu.memory_space<semaphore_mem>>)
      %dma_wait3A_673 = arith.constant 0 : i32
      %dma_wait3A_674 = arith.constant 0 : i32
      %dma_wait3A_675 = tpu.memref_slice %arg8[%run_scoped3A_465, %dma_wait3A_673, %dma_wait3A_674] : memref<2x48x256xf32, #tpu.memory_space<vmem>> -> memref<1x48x256xf32, #tpu.memory_space<vmem>>
      %dma_wait3A_676 = tpu.memref_squeeze %dma_wait3A_675 : memref<1x48x256xf32, #tpu.memory_space<vmem>> -> memref<48x256xf32, #tpu.memory_space<vmem>>
      %dma_wait3A_677 = arith.constant 0 : i32
      %dma_wait3A_678 = tpu.memref_slice %arg5[%add3A_464, %dma_wait3A_677] : memref<18432x256xf32, #tpu.memory_space<hbm>> -> memref<48x256xf32, #tpu.memory_space<hbm>>
      %dma_wait3A_679 = arith.constant 0 : i32
      %dma_wait3A_680 = tpu.memref_slice %arg5[%add3A_464, %dma_wait3A_679] : memref<18432x256xf32, #tpu.memory_space<hbm>> -> memref<48x256xf32, #tpu.memory_space<hbm>>
      %dma_wait3A_681 = arith.constant 0 : i32
      %dma_wait3A_682 = arith.constant 0 : i32
      %dma_wait3A_683 = tpu.memref_slice %arg8[%run_scoped3A_465, %dma_wait3A_681, %dma_wait3A_682] : memref<2x48x256xf32, #tpu.memory_space<vmem>> -> memref<1x48x256xf32, #tpu.memory_space<vmem>>
      %dma_wait3A_684 = tpu.memref_squeeze %dma_wait3A_683 : memref<1x48x256xf32, #tpu.memory_space<vmem>> -> memref<48x256xf32, #tpu.memory_space<vmem>>
      tpu.wait_dma2 semaphore(%run_scoped3A_660 : memref<!tpu.dma_semaphore, #tpu.memory_space<semaphore_mem>>) src(%dma_wait3A_684 : memref<48x256xf32, #tpu.memory_space<vmem>>) dst(%dma_wait3A_680 : memref<48x256xf32, #tpu.memory_space<hbm>>)
      tpu.yield
    }) : () -> ()
    %run_scoped3A_466 = arith.constant 1 : i32
    "tpu.region"() ({
      %run_scoped3A_660 = tpu.sem_alloc : memref<!tpu.dma_semaphore, #tpu.memory_space<semaphore_mem>>
      %dma_start3A_661 = arith.constant 0 : i32
      %dma_start3A_662 = arith.constant 0 : i32
      %dma_start3A_663 = tpu.memref_slice %arg9[%run_scoped3A_466, %dma_start3A_661, %dma_start3A_662] : memref<2x48x768xf32, #tpu.memory_space<vmem>> -> memref<1x48x768xf32, #tpu.memory_space<vmem>>
      %dma_start3A_664 = tpu.memref_squeeze %dma_start3A_663 : memref<1x48x768xf32, #tpu.memory_space<vmem>> -> memref<48x768xf32, #tpu.memory_space<vmem>>
      %dma_start3A_665 = arith.constant 0 : i32
      %dma_start3A_666 = tpu.memref_slice %arg6[%add3A_464, %dma_start3A_665] : memref<18432x768xf32, #tpu.memory_space<hbm>> -> memref<48x768xf32, #tpu.memory_space<hbm>>
      %dma_start3A_667 = arith.constant 0 : i32
      %dma_start3A_668 = tpu.memref_slice %arg6[%add3A_464, %dma_start3A_667] : memref<18432x768xf32, #tpu.memory_space<hbm>> -> memref<48x768xf32, #tpu.memory_space<hbm>>
      %dma_start3A_669 = arith.constant 0 : i32
      %dma_start3A_670 = arith.constant 0 : i32
      %dma_start3A_671 = tpu.memref_slice %arg9[%run_scoped3A_466, %dma_start3A_669, %dma_start3A_670] : memref<2x48x768xf32, #tpu.memory_space<vmem>> -> memref<1x48x768xf32, #tpu.memory_space<vmem>>
      %dma_start3A_672 = tpu.memref_squeeze %dma_start3A_671 : memref<1x48x768xf32, #tpu.memory_space<vmem>> -> memref<48x768xf32, #tpu.memory_space<vmem>>
      tpu.enqueue_dma source(%dma_start3A_672 : memref<48x768xf32, #tpu.memory_space<vmem>>) target(%dma_start3A_668 : memref<48x768xf32, #tpu.memory_space<hbm>>) target_semaphore(%run_scoped3A_660 : memref<!tpu.dma_semaphore, #tpu.memory_space<semaphore_mem>>)
      %dma_wait3A_673 = arith.constant 0 : i32
      %dma_wait3A_674 = arith.constant 0 : i32
      %dma_wait3A_675 = tpu.memref_slice %arg9[%run_scoped3A_466, %dma_wait3A_673, %dma_wait3A_674] : memref<2x48x768xf32, #tpu.memory_space<vmem>> -> memref<1x48x768xf32, #tpu.memory_space<vmem>>
      %dma_wait3A_676 = tpu.memref_squeeze %dma_wait3A_675 : memref<1x48x768xf32, #tpu.memory_space<vmem>> -> memref<48x768xf32, #tpu.memory_space<vmem>>
      %dma_wait3A_677 = arith.constant 0 : i32
      %dma_wait3A_678 = tpu.memref_slice %arg6[%add3A_464, %dma_wait3A_677] : memref<18432x768xf32, #tpu.memory_space<hbm>> -> memref<48x768xf32, #tpu.memory_space<hbm>>
      %dma_wait3A_679 = arith.constant 0 : i32
      %dma_wait3A_680 = tpu.memref_slice %arg6[%add3A_464, %dma_wait3A_679] : memref<18432x768xf32, #tpu.memory_space<hbm>> -> memref<48x768xf32, #tpu.memory_space<hbm>>
      %dma_wait3A_681 = arith.constant 0 : i32
      %dma_wait3A_682 = arith.constant 0 : i32
      %dma_wait3A_683 = tpu.memref_slice %arg9[%run_scoped3A_466, %dma_wait3A_681, %dma_wait3A_682] : memref<2x48x768xf32, #tpu.memory_space<vmem>> -> memref<1x48x768xf32, #tpu.memory_space<vmem>>
      %dma_wait3A_684 = tpu.memref_squeeze %dma_wait3A_683 : memref<1x48x768xf32, #tpu.memory_space<vmem>> -> memref<48x768xf32, #tpu.memory_space<vmem>>
      tpu.wait_dma2 semaphore(%run_scoped3A_660 : memref<!tpu.dma_semaphore, #tpu.memory_space<semaphore_mem>>) src(%dma_wait3A_684 : memref<48x768xf32, #tpu.memory_space<vmem>>) dst(%dma_wait3A_680 : memref<48x768xf32, #tpu.memory_space<hbm>>)
      tpu.yield
    }) : () -> ()
    %add3A_467 = arith.constant 432 : i32
    %add3A_468 = arith.addi %mul3A_2, %add3A_467 : i32
    %run_scoped3A_469 = arith.constant 1 : i32
    "tpu.region"() ({
      %run_scoped3A_660 = tpu.sem_alloc : memref<!tpu.dma_semaphore, #tpu.memory_space<semaphore_mem>>
      %dma_start3A_661 = arith.constant 0 : i32
      %dma_start3A_662 = tpu.memref_slice %arg7[%run_scoped3A_469, %dma_start3A_661] : memref<2x48xi32, #tpu.memory_space<vmem>> -> memref<1x48xi32, #tpu.memory_space<vmem>>
      %dma_start3A_663 = tpu.memref_squeeze %dma_start3A_662 : memref<1x48xi32, #tpu.memory_space<vmem>> -> memref<48xi32, #tpu.memory_space<vmem>>
      %dma_start3A_664 = tpu.memref_slice %arg4[%add3A_468] : memref<18432xi32, #tpu.memory_space<hbm>> -> memref<48xi32, #tpu.memory_space<hbm>>
      %dma_start3A_665 = arith.constant 0 : i32
      %dma_start3A_666 = tpu.memref_slice %arg7[%run_scoped3A_469, %dma_start3A_665] : memref<2x48xi32, #tpu.memory_space<vmem>> -> memref<1x48xi32, #tpu.memory_space<vmem>>
      %dma_start3A_667 = tpu.memref_squeeze %dma_start3A_666 : memref<1x48xi32, #tpu.memory_space<vmem>> -> memref<48xi32, #tpu.memory_space<vmem>>
      %dma_start3A_668 = tpu.memref_slice %arg4[%add3A_468] : memref<18432xi32, #tpu.memory_space<hbm>> -> memref<48xi32, #tpu.memory_space<hbm>>
      tpu.enqueue_dma source(%dma_start3A_668 : memref<48xi32, #tpu.memory_space<hbm>>) target(%dma_start3A_667 : memref<48xi32, #tpu.memory_space<vmem>>) target_semaphore(%run_scoped3A_660 : memref<!tpu.dma_semaphore, #tpu.memory_space<semaphore_mem>>)
      %dma_wait3A_669 = arith.constant 0 : i32
      %dma_wait3A_670 = tpu.memref_slice %arg7[%run_scoped3A_469, %dma_wait3A_669] : memref<2x48xi32, #tpu.memory_space<vmem>> -> memref<1x48xi32, #tpu.memory_space<vmem>>
      %dma_wait3A_671 = tpu.memref_squeeze %dma_wait3A_670 : memref<1x48xi32, #tpu.memory_space<vmem>> -> memref<48xi32, #tpu.memory_space<vmem>>
      %dma_wait3A_672 = tpu.memref_slice %arg4[%add3A_468] : memref<18432xi32, #tpu.memory_space<hbm>> -> memref<48xi32, #tpu.memory_space<hbm>>
      %dma_wait3A_673 = arith.constant 0 : i32
      %dma_wait3A_674 = tpu.memref_slice %arg7[%run_scoped3A_469, %dma_wait3A_673] : memref<2x48xi32, #tpu.memory_space<vmem>> -> memref<1x48xi32, #tpu.memory_space<vmem>>
      %dma_wait3A_675 = tpu.memref_squeeze %dma_wait3A_674 : memref<1x48xi32, #tpu.memory_space<vmem>> -> memref<48xi32, #tpu.memory_space<vmem>>
      %dma_wait3A_676 = tpu.memref_slice %arg4[%add3A_468] : memref<18432xi32, #tpu.memory_space<hbm>> -> memref<48xi32, #tpu.memory_space<hbm>>
      tpu.wait_dma2 semaphore(%run_scoped3A_660 : memref<!tpu.dma_semaphore, #tpu.memory_space<semaphore_mem>>) src(%dma_wait3A_676 : memref<48xi32, #tpu.memory_space<hbm>>) dst(%dma_wait3A_675 : memref<48xi32, #tpu.memory_space<vmem>>)
      tpu.yield
    }) : () -> ()
    %dma_start3A_470 = arith.constant 1 : i32
    %dma_start3A_471 = arith.constant 1 : i32
    %dma_start3A_472 = arith.constant 0 : i32
    %dma_start3A_473 = arith.constant 0 : i32
    %dma_start3A_474 = tpu.memref_slice %arg8[%dma_start3A_471, %dma_start3A_472, %dma_start3A_473] : memref<2x48x256xf32, #tpu.memory_space<vmem>> -> memref<1x48x256xf32, #tpu.memory_space<vmem>>
    %dma_start3A_475 = tpu.memref_squeeze %dma_start3A_474 : memref<1x48x256xf32, #tpu.memory_space<vmem>> -> memref<48x256xf32, #tpu.memory_space<vmem>>
    %dma_start3A_476 = arith.constant 0 : i32
    %dma_start3A_477 = tpu.memref_slice %arg7[%dma_start3A_470, %dma_start3A_476] : memref<2x48xi32, #tpu.memory_space<vmem>> -> memref<1x48xi32, #tpu.memory_space<vmem>>
    %dma_start3A_478 = tpu.memref_squeeze %dma_start3A_477 : memref<1x48xi32, #tpu.memory_space<vmem>> -> memref<48xi32, #tpu.memory_space<vmem>>
    %dma_start3A_479 = arith.constant 0 : i32
    %dma_start3A_480 = arith.constant 0 : i32
    %dma_start3A_481 = tpu.memref_slice %arg2[%dma_start3A_479, %dma_start3A_480] : memref<8192x256xf32, #tpu.memory_space<hbm>> -> memref<8192x256xf32, #tpu.memory_space<hbm>>
    tpu.enqueue_indirect_dma source(%dma_start3A_481 : memref<8192x256xf32, #tpu.memory_space<hbm>>) target(%dma_start3A_475 : memref<48x256xf32, #tpu.memory_space<vmem>>) offsets(%dma_start3A_478 : memref<48xi32, #tpu.memory_space<vmem>>) semaphore(%arg11 : memref<!tpu.dma_semaphore, #tpu.memory_space<semaphore_mem>>)
    %dma_start3A_482 = arith.constant 1 : i32
    %dma_start3A_483 = arith.constant 1 : i32
    %dma_start3A_484 = arith.constant 0 : i32
    %dma_start3A_485 = arith.constant 0 : i32
    %dma_start3A_486 = tpu.memref_slice %arg9[%dma_start3A_483, %dma_start3A_484, %dma_start3A_485] : memref<2x48x768xf32, #tpu.memory_space<vmem>> -> memref<1x48x768xf32, #tpu.memory_space<vmem>>
    %dma_start3A_487 = tpu.memref_squeeze %dma_start3A_486 : memref<1x48x768xf32, #tpu.memory_space<vmem>> -> memref<48x768xf32, #tpu.memory_space<vmem>>
    %dma_start3A_488 = arith.constant 0 : i32
    %dma_start3A_489 = tpu.memref_slice %arg7[%dma_start3A_482, %dma_start3A_488] : memref<2x48xi32, #tpu.memory_space<vmem>> -> memref<1x48xi32, #tpu.memory_space<vmem>>
    %dma_start3A_490 = tpu.memref_squeeze %dma_start3A_489 : memref<1x48xi32, #tpu.memory_space<vmem>> -> memref<48xi32, #tpu.memory_space<vmem>>
    %dma_start3A_491 = arith.constant 0 : i32
    %dma_start3A_492 = arith.constant 0 : i32
    %dma_start3A_493 = tpu.memref_slice %arg3[%dma_start3A_491, %dma_start3A_492] : memref<8192x768xf32, #tpu.memory_space<hbm>> -> memref<8192x768xf32, #tpu.memory_space<hbm>>
    tpu.enqueue_indirect_dma source(%dma_start3A_493 : memref<8192x768xf32, #tpu.memory_space<hbm>>) target(%dma_start3A_487 : memref<48x768xf32, #tpu.memory_space<vmem>>) offsets(%dma_start3A_490 : memref<48xi32, #tpu.memory_space<vmem>>) semaphore(%arg13 : memref<!tpu.dma_semaphore, #tpu.memory_space<semaphore_mem>>)
    %dma_wait3A_494 = arith.constant 0 : i32
    %dma_wait3A_495 = arith.constant 0 : i32
    %dma_wait3A_496 = arith.constant 0 : i32
    %dma_wait3A_497 = arith.constant 0 : i32
    %dma_wait3A_498 = tpu.memref_slice %arg8[%dma_wait3A_495, %dma_wait3A_496, %dma_wait3A_497] : memref<2x48x256xf32, #tpu.memory_space<vmem>> -> memref<1x48x256xf32, #tpu.memory_space<vmem>>
    %dma_wait3A_499 = tpu.memref_squeeze %dma_wait3A_498 : memref<1x48x256xf32, #tpu.memory_space<vmem>> -> memref<48x256xf32, #tpu.memory_space<vmem>>
    %dma_wait3A_500 = arith.constant 0 : i32
    %dma_wait3A_501 = tpu.memref_slice %arg7[%dma_wait3A_494, %dma_wait3A_500] : memref<2x48xi32, #tpu.memory_space<vmem>> -> memref<1x48xi32, #tpu.memory_space<vmem>>
    %dma_wait3A_502 = tpu.memref_squeeze %dma_wait3A_501 : memref<1x48xi32, #tpu.memory_space<vmem>> -> memref<48xi32, #tpu.memory_space<vmem>>
    %dma_wait3A_503 = arith.constant 0 : i32
    %dma_wait3A_504 = arith.constant 0 : i32
    %dma_wait3A_505 = tpu.memref_slice %arg2[%dma_wait3A_503, %dma_wait3A_504] : memref<8192x256xf32, #tpu.memory_space<hbm>> -> memref<8192x256xf32, #tpu.memory_space<hbm>>
    tpu.wait_indirect_dma semaphore(%arg10 : memref<!tpu.dma_semaphore, #tpu.memory_space<semaphore_mem>>) src(%dma_wait3A_505 : memref<8192x256xf32, #tpu.memory_space<hbm>>) dst(%dma_wait3A_499 : memref<48x256xf32, #tpu.memory_space<vmem>>)
    %dma_wait3A_506 = arith.constant 0 : i32
    %dma_wait3A_507 = arith.constant 0 : i32
    %dma_wait3A_508 = arith.constant 0 : i32
    %dma_wait3A_509 = arith.constant 0 : i32
    %dma_wait3A_510 = tpu.memref_slice %arg9[%dma_wait3A_507, %dma_wait3A_508, %dma_wait3A_509] : memref<2x48x768xf32, #tpu.memory_space<vmem>> -> memref<1x48x768xf32, #tpu.memory_space<vmem>>
    %dma_wait3A_511 = tpu.memref_squeeze %dma_wait3A_510 : memref<1x48x768xf32, #tpu.memory_space<vmem>> -> memref<48x768xf32, #tpu.memory_space<vmem>>
    %dma_wait3A_512 = arith.constant 0 : i32
    %dma_wait3A_513 = tpu.memref_slice %arg7[%dma_wait3A_506, %dma_wait3A_512] : memref<2x48xi32, #tpu.memory_space<vmem>> -> memref<1x48xi32, #tpu.memory_space<vmem>>
    %dma_wait3A_514 = tpu.memref_squeeze %dma_wait3A_513 : memref<1x48xi32, #tpu.memory_space<vmem>> -> memref<48xi32, #tpu.memory_space<vmem>>
    %dma_wait3A_515 = arith.constant 0 : i32
    %dma_wait3A_516 = arith.constant 0 : i32
    %dma_wait3A_517 = tpu.memref_slice %arg3[%dma_wait3A_515, %dma_wait3A_516] : memref<8192x768xf32, #tpu.memory_space<hbm>> -> memref<8192x768xf32, #tpu.memory_space<hbm>>
    tpu.wait_indirect_dma semaphore(%arg12 : memref<!tpu.dma_semaphore, #tpu.memory_space<semaphore_mem>>) src(%dma_wait3A_517 : memref<8192x768xf32, #tpu.memory_space<hbm>>) dst(%dma_wait3A_511 : memref<48x768xf32, #tpu.memory_space<vmem>>)
    %add3A_518 = arith.constant 384 : i32
    %add3A_519 = arith.addi %mul3A_2, %add3A_518 : i32
    %run_scoped3A_520 = arith.constant 0 : i32
    "tpu.region"() ({
      %run_scoped3A_660 = tpu.sem_alloc : memref<!tpu.dma_semaphore, #tpu.memory_space<semaphore_mem>>
      %dma_start3A_661 = arith.constant 0 : i32
      %dma_start3A_662 = arith.constant 0 : i32
      %dma_start3A_663 = tpu.memref_slice %arg8[%run_scoped3A_520, %dma_start3A_661, %dma_start3A_662] : memref<2x48x256xf32, #tpu.memory_space<vmem>> -> memref<1x48x256xf32, #tpu.memory_space<vmem>>
      %dma_start3A_664 = tpu.memref_squeeze %dma_start3A_663 : memref<1x48x256xf32, #tpu.memory_space<vmem>> -> memref<48x256xf32, #tpu.memory_space<vmem>>
      %dma_start3A_665 = arith.constant 0 : i32
      %dma_start3A_666 = tpu.memref_slice %arg5[%add3A_519, %dma_start3A_665] : memref<18432x256xf32, #tpu.memory_space<hbm>> -> memref<48x256xf32, #tpu.memory_space<hbm>>
      %dma_start3A_667 = arith.constant 0 : i32
      %dma_start3A_668 = tpu.memref_slice %arg5[%add3A_519, %dma_start3A_667] : memref<18432x256xf32, #tpu.memory_space<hbm>> -> memref<48x256xf32, #tpu.memory_space<hbm>>
      %dma_start3A_669 = arith.constant 0 : i32
      %dma_start3A_670 = arith.constant 0 : i32
      %dma_start3A_671 = tpu.memref_slice %arg8[%run_scoped3A_520, %dma_start3A_669, %dma_start3A_670] : memref<2x48x256xf32, #tpu.memory_space<vmem>> -> memref<1x48x256xf32, #tpu.memory_space<vmem>>
      %dma_start3A_672 = tpu.memref_squeeze %dma_start3A_671 : memref<1x48x256xf32, #tpu.memory_space<vmem>> -> memref<48x256xf32, #tpu.memory_space<vmem>>
      tpu.enqueue_dma source(%dma_start3A_672 : memref<48x256xf32, #tpu.memory_space<vmem>>) target(%dma_start3A_668 : memref<48x256xf32, #tpu.memory_space<hbm>>) target_semaphore(%run_scoped3A_660 : memref<!tpu.dma_semaphore, #tpu.memory_space<semaphore_mem>>)
      %dma_wait3A_673 = arith.constant 0 : i32
      %dma_wait3A_674 = arith.constant 0 : i32
      %dma_wait3A_675 = tpu.memref_slice %arg8[%run_scoped3A_520, %dma_wait3A_673, %dma_wait3A_674] : memref<2x48x256xf32, #tpu.memory_space<vmem>> -> memref<1x48x256xf32, #tpu.memory_space<vmem>>
      %dma_wait3A_676 = tpu.memref_squeeze %dma_wait3A_675 : memref<1x48x256xf32, #tpu.memory_space<vmem>> -> memref<48x256xf32, #tpu.memory_space<vmem>>
      %dma_wait3A_677 = arith.constant 0 : i32
      %dma_wait3A_678 = tpu.memref_slice %arg5[%add3A_519, %dma_wait3A_677] : memref<18432x256xf32, #tpu.memory_space<hbm>> -> memref<48x256xf32, #tpu.memory_space<hbm>>
      %dma_wait3A_679 = arith.constant 0 : i32
      %dma_wait3A_680 = tpu.memref_slice %arg5[%add3A_519, %dma_wait3A_679] : memref<18432x256xf32, #tpu.memory_space<hbm>> -> memref<48x256xf32, #tpu.memory_space<hbm>>
      %dma_wait3A_681 = arith.constant 0 : i32
      %dma_wait3A_682 = arith.constant 0 : i32
      %dma_wait3A_683 = tpu.memref_slice %arg8[%run_scoped3A_520, %dma_wait3A_681, %dma_wait3A_682] : memref<2x48x256xf32, #tpu.memory_space<vmem>> -> memref<1x48x256xf32, #tpu.memory_space<vmem>>
      %dma_wait3A_684 = tpu.memref_squeeze %dma_wait3A_683 : memref<1x48x256xf32, #tpu.memory_space<vmem>> -> memref<48x256xf32, #tpu.memory_space<vmem>>
      tpu.wait_dma2 semaphore(%run_scoped3A_660 : memref<!tpu.dma_semaphore, #tpu.memory_space<semaphore_mem>>) src(%dma_wait3A_684 : memref<48x256xf32, #tpu.memory_space<vmem>>) dst(%dma_wait3A_680 : memref<48x256xf32, #tpu.memory_space<hbm>>)
      tpu.yield
    }) : () -> ()
    %run_scoped3A_521 = arith.constant 0 : i32
    "tpu.region"() ({
      %run_scoped3A_660 = tpu.sem_alloc : memref<!tpu.dma_semaphore, #tpu.memory_space<semaphore_mem>>
      %dma_start3A_661 = arith.constant 0 : i32
      %dma_start3A_662 = arith.constant 0 : i32
      %dma_start3A_663 = tpu.memref_slice %arg9[%run_scoped3A_521, %dma_start3A_661, %dma_start3A_662] : memref<2x48x768xf32, #tpu.memory_space<vmem>> -> memref<1x48x768xf32, #tpu.memory_space<vmem>>
      %dma_start3A_664 = tpu.memref_squeeze %dma_start3A_663 : memref<1x48x768xf32, #tpu.memory_space<vmem>> -> memref<48x768xf32, #tpu.memory_space<vmem>>
      %dma_start3A_665 = arith.constant 0 : i32
      %dma_start3A_666 = tpu.memref_slice %arg6[%add3A_519, %dma_start3A_665] : memref<18432x768xf32, #tpu.memory_space<hbm>> -> memref<48x768xf32, #tpu.memory_space<hbm>>
      %dma_start3A_667 = arith.constant 0 : i32
      %dma_start3A_668 = tpu.memref_slice %arg6[%add3A_519, %dma_start3A_667] : memref<18432x768xf32, #tpu.memory_space<hbm>> -> memref<48x768xf32, #tpu.memory_space<hbm>>
      %dma_start3A_669 = arith.constant 0 : i32
      %dma_start3A_670 = arith.constant 0 : i32
      %dma_start3A_671 = tpu.memref_slice %arg9[%run_scoped3A_521, %dma_start3A_669, %dma_start3A_670] : memref<2x48x768xf32, #tpu.memory_space<vmem>> -> memref<1x48x768xf32, #tpu.memory_space<vmem>>
      %dma_start3A_672 = tpu.memref_squeeze %dma_start3A_671 : memref<1x48x768xf32, #tpu.memory_space<vmem>> -> memref<48x768xf32, #tpu.memory_space<vmem>>
      tpu.enqueue_dma source(%dma_start3A_672 : memref<48x768xf32, #tpu.memory_space<vmem>>) target(%dma_start3A_668 : memref<48x768xf32, #tpu.memory_space<hbm>>) target_semaphore(%run_scoped3A_660 : memref<!tpu.dma_semaphore, #tpu.memory_space<semaphore_mem>>)
      %dma_wait3A_673 = arith.constant 0 : i32
      %dma_wait3A_674 = arith.constant 0 : i32
      %dma_wait3A_675 = tpu.memref_slice %arg9[%run_scoped3A_521, %dma_wait3A_673, %dma_wait3A_674] : memref<2x48x768xf32, #tpu.memory_space<vmem>> -> memref<1x48x768xf32, #tpu.memory_space<vmem>>
      %dma_wait3A_676 = tpu.memref_squeeze %dma_wait3A_675 : memref<1x48x768xf32, #tpu.memory_space<vmem>> -> memref<48x768xf32, #tpu.memory_space<vmem>>
      %dma_wait3A_677 = arith.constant 0 : i32
      %dma_wait3A_678 = tpu.memref_slice %arg6[%add3A_519, %dma_wait3A_677] : memref<18432x768xf32, #tpu.memory_space<hbm>> -> memref<48x768xf32, #tpu.memory_space<hbm>>
      %dma_wait3A_679 = arith.constant 0 : i32
      %dma_wait3A_680 = tpu.memref_slice %arg6[%add3A_519, %dma_wait3A_679] : memref<18432x768xf32, #tpu.memory_space<hbm>> -> memref<48x768xf32, #tpu.memory_space<hbm>>
      %dma_wait3A_681 = arith.constant 0 : i32
      %dma_wait3A_682 = arith.constant 0 : i32
      %dma_wait3A_683 = tpu.memref_slice %arg9[%run_scoped3A_521, %dma_wait3A_681, %dma_wait3A_682] : memref<2x48x768xf32, #tpu.memory_space<vmem>> -> memref<1x48x768xf32, #tpu.memory_space<vmem>>
      %dma_wait3A_684 = tpu.memref_squeeze %dma_wait3A_683 : memref<1x48x768xf32, #tpu.memory_space<vmem>> -> memref<48x768xf32, #tpu.memory_space<vmem>>
      tpu.wait_dma2 semaphore(%run_scoped3A_660 : memref<!tpu.dma_semaphore, #tpu.memory_space<semaphore_mem>>) src(%dma_wait3A_684 : memref<48x768xf32, #tpu.memory_space<vmem>>) dst(%dma_wait3A_680 : memref<48x768xf32, #tpu.memory_space<hbm>>)
      tpu.yield
    }) : () -> ()
    %add3A_522 = arith.constant 480 : i32
    %add3A_523 = arith.addi %mul3A_2, %add3A_522 : i32
    %run_scoped3A_524 = arith.constant 0 : i32
    "tpu.region"() ({
      %run_scoped3A_660 = tpu.sem_alloc : memref<!tpu.dma_semaphore, #tpu.memory_space<semaphore_mem>>
      %dma_start3A_661 = arith.constant 0 : i32
      %dma_start3A_662 = tpu.memref_slice %arg7[%run_scoped3A_524, %dma_start3A_661] : memref<2x48xi32, #tpu.memory_space<vmem>> -> memref<1x48xi32, #tpu.memory_space<vmem>>
      %dma_start3A_663 = tpu.memref_squeeze %dma_start3A_662 : memref<1x48xi32, #tpu.memory_space<vmem>> -> memref<48xi32, #tpu.memory_space<vmem>>
      %dma_start3A_664 = tpu.memref_slice %arg4[%add3A_523] : memref<18432xi32, #tpu.memory_space<hbm>> -> memref<48xi32, #tpu.memory_space<hbm>>
      %dma_start3A_665 = arith.constant 0 : i32
      %dma_start3A_666 = tpu.memref_slice %arg7[%run_scoped3A_524, %dma_start3A_665] : memref<2x48xi32, #tpu.memory_space<vmem>> -> memref<1x48xi32, #tpu.memory_space<vmem>>
      %dma_start3A_667 = tpu.memref_squeeze %dma_start3A_666 : memref<1x48xi32, #tpu.memory_space<vmem>> -> memref<48xi32, #tpu.memory_space<vmem>>
      %dma_start3A_668 = tpu.memref_slice %arg4[%add3A_523] : memref<18432xi32, #tpu.memory_space<hbm>> -> memref<48xi32, #tpu.memory_space<hbm>>
      tpu.enqueue_dma source(%dma_start3A_668 : memref<48xi32, #tpu.memory_space<hbm>>) target(%dma_start3A_667 : memref<48xi32, #tpu.memory_space<vmem>>) target_semaphore(%run_scoped3A_660 : memref<!tpu.dma_semaphore, #tpu.memory_space<semaphore_mem>>)
      %dma_wait3A_669 = arith.constant 0 : i32
      %dma_wait3A_670 = tpu.memref_slice %arg7[%run_scoped3A_524, %dma_wait3A_669] : memref<2x48xi32, #tpu.memory_space<vmem>> -> memref<1x48xi32, #tpu.memory_space<vmem>>
      %dma_wait3A_671 = tpu.memref_squeeze %dma_wait3A_670 : memref<1x48xi32, #tpu.memory_space<vmem>> -> memref<48xi32, #tpu.memory_space<vmem>>
      %dma_wait3A_672 = tpu.memref_slice %arg4[%add3A_523] : memref<18432xi32, #tpu.memory_space<hbm>> -> memref<48xi32, #tpu.memory_space<hbm>>
      %dma_wait3A_673 = arith.constant 0 : i32
      %dma_wait3A_674 = tpu.memref_slice %arg7[%run_scoped3A_524, %dma_wait3A_673] : memref<2x48xi32, #tpu.memory_space<vmem>> -> memref<1x48xi32, #tpu.memory_space<vmem>>
      %dma_wait3A_675 = tpu.memref_squeeze %dma_wait3A_674 : memref<1x48xi32, #tpu.memory_space<vmem>> -> memref<48xi32, #tpu.memory_space<vmem>>
      %dma_wait3A_676 = tpu.memref_slice %arg4[%add3A_523] : memref<18432xi32, #tpu.memory_space<hbm>> -> memref<48xi32, #tpu.memory_space<hbm>>
      tpu.wait_dma2 semaphore(%run_scoped3A_660 : memref<!tpu.dma_semaphore, #tpu.memory_space<semaphore_mem>>) src(%dma_wait3A_676 : memref<48xi32, #tpu.memory_space<hbm>>) dst(%dma_wait3A_675 : memref<48xi32, #tpu.memory_space<vmem>>)
      tpu.yield
    }) : () -> ()
    %dma_start3A_525 = arith.constant 0 : i32
    %dma_start3A_526 = arith.constant 0 : i32
    %dma_start3A_527 = arith.constant 0 : i32
    %dma_start3A_528 = arith.constant 0 : i32
    %dma_start3A_529 = tpu.memref_slice %arg8[%dma_start3A_526, %dma_start3A_527, %dma_start3A_528] : memref<2x48x256xf32, #tpu.memory_space<vmem>> -> memref<1x48x256xf32, #tpu.memory_space<vmem>>
    %dma_start3A_530 = tpu.memref_squeeze %dma_start3A_529 : memref<1x48x256xf32, #tpu.memory_space<vmem>> -> memref<48x256xf32, #tpu.memory_space<vmem>>
    %dma_start3A_531 = arith.constant 0 : i32
    %dma_start3A_532 = tpu.memref_slice %arg7[%dma_start3A_525, %dma_start3A_531] : memref<2x48xi32, #tpu.memory_space<vmem>> -> memref<1x48xi32, #tpu.memory_space<vmem>>
    %dma_start3A_533 = tpu.memref_squeeze %dma_start3A_532 : memref<1x48xi32, #tpu.memory_space<vmem>> -> memref<48xi32, #tpu.memory_space<vmem>>
    %dma_start3A_534 = arith.constant 0 : i32
    %dma_start3A_535 = arith.constant 0 : i32
    %dma_start3A_536 = tpu.memref_slice %arg2[%dma_start3A_534, %dma_start3A_535] : memref<8192x256xf32, #tpu.memory_space<hbm>> -> memref<8192x256xf32, #tpu.memory_space<hbm>>
    tpu.enqueue_indirect_dma source(%dma_start3A_536 : memref<8192x256xf32, #tpu.memory_space<hbm>>) target(%dma_start3A_530 : memref<48x256xf32, #tpu.memory_space<vmem>>) offsets(%dma_start3A_533 : memref<48xi32, #tpu.memory_space<vmem>>) semaphore(%arg10 : memref<!tpu.dma_semaphore, #tpu.memory_space<semaphore_mem>>)
    %dma_start3A_537 = arith.constant 0 : i32
    %dma_start3A_538 = arith.constant 0 : i32
    %dma_start3A_539 = arith.constant 0 : i32
    %dma_start3A_540 = arith.constant 0 : i32
    %dma_start3A_541 = tpu.memref_slice %arg9[%dma_start3A_538, %dma_start3A_539, %dma_start3A_540] : memref<2x48x768xf32, #tpu.memory_space<vmem>> -> memref<1x48x768xf32, #tpu.memory_space<vmem>>
    %dma_start3A_542 = tpu.memref_squeeze %dma_start3A_541 : memref<1x48x768xf32, #tpu.memory_space<vmem>> -> memref<48x768xf32, #tpu.memory_space<vmem>>
    %dma_start3A_543 = arith.constant 0 : i32
    %dma_start3A_544 = tpu.memref_slice %arg7[%dma_start3A_537, %dma_start3A_543] : memref<2x48xi32, #tpu.memory_space<vmem>> -> memref<1x48xi32, #tpu.memory_space<vmem>>
    %dma_start3A_545 = tpu.memref_squeeze %dma_start3A_544 : memref<1x48xi32, #tpu.memory_space<vmem>> -> memref<48xi32, #tpu.memory_space<vmem>>
    %dma_start3A_546 = arith.constant 0 : i32
    %dma_start3A_547 = arith.constant 0 : i32
    %dma_start3A_548 = tpu.memref_slice %arg3[%dma_start3A_546, %dma_start3A_547] : memref<8192x768xf32, #tpu.memory_space<hbm>> -> memref<8192x768xf32, #tpu.memory_space<hbm>>
    tpu.enqueue_indirect_dma source(%dma_start3A_548 : memref<8192x768xf32, #tpu.memory_space<hbm>>) target(%dma_start3A_542 : memref<48x768xf32, #tpu.memory_space<vmem>>) offsets(%dma_start3A_545 : memref<48xi32, #tpu.memory_space<vmem>>) semaphore(%arg12 : memref<!tpu.dma_semaphore, #tpu.memory_space<semaphore_mem>>)
    %dma_wait3A_549 = arith.constant 1 : i32
    %dma_wait3A_550 = arith.constant 1 : i32
    %dma_wait3A_551 = arith.constant 0 : i32
    %dma_wait3A_552 = arith.constant 0 : i32
    %dma_wait3A_553 = tpu.memref_slice %arg8[%dma_wait3A_550, %dma_wait3A_551, %dma_wait3A_552] : memref<2x48x256xf32, #tpu.memory_space<vmem>> -> memref<1x48x256xf32, #tpu.memory_space<vmem>>
    %dma_wait3A_554 = tpu.memref_squeeze %dma_wait3A_553 : memref<1x48x256xf32, #tpu.memory_space<vmem>> -> memref<48x256xf32, #tpu.memory_space<vmem>>
    %dma_wait3A_555 = arith.constant 0 : i32
    %dma_wait3A_556 = tpu.memref_slice %arg7[%dma_wait3A_549, %dma_wait3A_555] : memref<2x48xi32, #tpu.memory_space<vmem>> -> memref<1x48xi32, #tpu.memory_space<vmem>>
    %dma_wait3A_557 = tpu.memref_squeeze %dma_wait3A_556 : memref<1x48xi32, #tpu.memory_space<vmem>> -> memref<48xi32, #tpu.memory_space<vmem>>
    %dma_wait3A_558 = arith.constant 0 : i32
    %dma_wait3A_559 = arith.constant 0 : i32
    %dma_wait3A_560 = tpu.memref_slice %arg2[%dma_wait3A_558, %dma_wait3A_559] : memref<8192x256xf32, #tpu.memory_space<hbm>> -> memref<8192x256xf32, #tpu.memory_space<hbm>>
    tpu.wait_indirect_dma semaphore(%arg11 : memref<!tpu.dma_semaphore, #tpu.memory_space<semaphore_mem>>) src(%dma_wait3A_560 : memref<8192x256xf32, #tpu.memory_space<hbm>>) dst(%dma_wait3A_554 : memref<48x256xf32, #tpu.memory_space<vmem>>)
    %dma_wait3A_561 = arith.constant 1 : i32
    %dma_wait3A_562 = arith.constant 1 : i32
    %dma_wait3A_563 = arith.constant 0 : i32
    %dma_wait3A_564 = arith.constant 0 : i32
    %dma_wait3A_565 = tpu.memref_slice %arg9[%dma_wait3A_562, %dma_wait3A_563, %dma_wait3A_564] : memref<2x48x768xf32, #tpu.memory_space<vmem>> -> memref<1x48x768xf32, #tpu.memory_space<vmem>>
    %dma_wait3A_566 = tpu.memref_squeeze %dma_wait3A_565 : memref<1x48x768xf32, #tpu.memory_space<vmem>> -> memref<48x768xf32, #tpu.memory_space<vmem>>
    %dma_wait3A_567 = arith.constant 0 : i32
    %dma_wait3A_568 = tpu.memref_slice %arg7[%dma_wait3A_561, %dma_wait3A_567] : memref<2x48xi32, #tpu.memory_space<vmem>> -> memref<1x48xi32, #tpu.memory_space<vmem>>
    %dma_wait3A_569 = tpu.memref_squeeze %dma_wait3A_568 : memref<1x48xi32, #tpu.memory_space<vmem>> -> memref<48xi32, #tpu.memory_space<vmem>>
    %dma_wait3A_570 = arith.constant 0 : i32
    %dma_wait3A_571 = arith.constant 0 : i32
    %dma_wait3A_572 = tpu.memref_slice %arg3[%dma_wait3A_570, %dma_wait3A_571] : memref<8192x768xf32, #tpu.memory_space<hbm>> -> memref<8192x768xf32, #tpu.memory_space<hbm>>
    tpu.wait_indirect_dma semaphore(%arg13 : memref<!tpu.dma_semaphore, #tpu.memory_space<semaphore_mem>>) src(%dma_wait3A_572 : memref<8192x768xf32, #tpu.memory_space<hbm>>) dst(%dma_wait3A_566 : memref<48x768xf32, #tpu.memory_space<vmem>>)
    %add3A_573 = arith.constant 432 : i32
    %add3A_574 = arith.addi %mul3A_2, %add3A_573 : i32
    %run_scoped3A_575 = arith.constant 1 : i32
    "tpu.region"() ({
      %run_scoped3A_660 = tpu.sem_alloc : memref<!tpu.dma_semaphore, #tpu.memory_space<semaphore_mem>>
      %dma_start3A_661 = arith.constant 0 : i32
      %dma_start3A_662 = arith.constant 0 : i32
      %dma_start3A_663 = tpu.memref_slice %arg8[%run_scoped3A_575, %dma_start3A_661, %dma_start3A_662] : memref<2x48x256xf32, #tpu.memory_space<vmem>> -> memref<1x48x256xf32, #tpu.memory_space<vmem>>
      %dma_start3A_664 = tpu.memref_squeeze %dma_start3A_663 : memref<1x48x256xf32, #tpu.memory_space<vmem>> -> memref<48x256xf32, #tpu.memory_space<vmem>>
      %dma_start3A_665 = arith.constant 0 : i32
      %dma_start3A_666 = tpu.memref_slice %arg5[%add3A_574, %dma_start3A_665] : memref<18432x256xf32, #tpu.memory_space<hbm>> -> memref<48x256xf32, #tpu.memory_space<hbm>>
      %dma_start3A_667 = arith.constant 0 : i32
      %dma_start3A_668 = tpu.memref_slice %arg5[%add3A_574, %dma_start3A_667] : memref<18432x256xf32, #tpu.memory_space<hbm>> -> memref<48x256xf32, #tpu.memory_space<hbm>>
      %dma_start3A_669 = arith.constant 0 : i32
      %dma_start3A_670 = arith.constant 0 : i32
      %dma_start3A_671 = tpu.memref_slice %arg8[%run_scoped3A_575, %dma_start3A_669, %dma_start3A_670] : memref<2x48x256xf32, #tpu.memory_space<vmem>> -> memref<1x48x256xf32, #tpu.memory_space<vmem>>
      %dma_start3A_672 = tpu.memref_squeeze %dma_start3A_671 : memref<1x48x256xf32, #tpu.memory_space<vmem>> -> memref<48x256xf32, #tpu.memory_space<vmem>>
      tpu.enqueue_dma source(%dma_start3A_672 : memref<48x256xf32, #tpu.memory_space<vmem>>) target(%dma_start3A_668 : memref<48x256xf32, #tpu.memory_space<hbm>>) target_semaphore(%run_scoped3A_660 : memref<!tpu.dma_semaphore, #tpu.memory_space<semaphore_mem>>)
      %dma_wait3A_673 = arith.constant 0 : i32
      %dma_wait3A_674 = arith.constant 0 : i32
      %dma_wait3A_675 = tpu.memref_slice %arg8[%run_scoped3A_575, %dma_wait3A_673, %dma_wait3A_674] : memref<2x48x256xf32, #tpu.memory_space<vmem>> -> memref<1x48x256xf32, #tpu.memory_space<vmem>>
      %dma_wait3A_676 = tpu.memref_squeeze %dma_wait3A_675 : memref<1x48x256xf32, #tpu.memory_space<vmem>> -> memref<48x256xf32, #tpu.memory_space<vmem>>
      %dma_wait3A_677 = arith.constant 0 : i32
      %dma_wait3A_678 = tpu.memref_slice %arg5[%add3A_574, %dma_wait3A_677] : memref<18432x256xf32, #tpu.memory_space<hbm>> -> memref<48x256xf32, #tpu.memory_space<hbm>>
      %dma_wait3A_679 = arith.constant 0 : i32
      %dma_wait3A_680 = tpu.memref_slice %arg5[%add3A_574, %dma_wait3A_679] : memref<18432x256xf32, #tpu.memory_space<hbm>> -> memref<48x256xf32, #tpu.memory_space<hbm>>
      %dma_wait3A_681 = arith.constant 0 : i32
      %dma_wait3A_682 = arith.constant 0 : i32
      %dma_wait3A_683 = tpu.memref_slice %arg8[%run_scoped3A_575, %dma_wait3A_681, %dma_wait3A_682] : memref<2x48x256xf32, #tpu.memory_space<vmem>> -> memref<1x48x256xf32, #tpu.memory_space<vmem>>
      %dma_wait3A_684 = tpu.memref_squeeze %dma_wait3A_683 : memref<1x48x256xf32, #tpu.memory_space<vmem>> -> memref<48x256xf32, #tpu.memory_space<vmem>>
      tpu.wait_dma2 semaphore(%run_scoped3A_660 : memref<!tpu.dma_semaphore, #tpu.memory_space<semaphore_mem>>) src(%dma_wait3A_684 : memref<48x256xf32, #tpu.memory_space<vmem>>) dst(%dma_wait3A_680 : memref<48x256xf32, #tpu.memory_space<hbm>>)
      tpu.yield
    }) : () -> ()
    %run_scoped3A_576 = arith.constant 1 : i32
    "tpu.region"() ({
      %run_scoped3A_660 = tpu.sem_alloc : memref<!tpu.dma_semaphore, #tpu.memory_space<semaphore_mem>>
      %dma_start3A_661 = arith.constant 0 : i32
      %dma_start3A_662 = arith.constant 0 : i32
      %dma_start3A_663 = tpu.memref_slice %arg9[%run_scoped3A_576, %dma_start3A_661, %dma_start3A_662] : memref<2x48x768xf32, #tpu.memory_space<vmem>> -> memref<1x48x768xf32, #tpu.memory_space<vmem>>
      %dma_start3A_664 = tpu.memref_squeeze %dma_start3A_663 : memref<1x48x768xf32, #tpu.memory_space<vmem>> -> memref<48x768xf32, #tpu.memory_space<vmem>>
      %dma_start3A_665 = arith.constant 0 : i32
      %dma_start3A_666 = tpu.memref_slice %arg6[%add3A_574, %dma_start3A_665] : memref<18432x768xf32, #tpu.memory_space<hbm>> -> memref<48x768xf32, #tpu.memory_space<hbm>>
      %dma_start3A_667 = arith.constant 0 : i32
      %dma_start3A_668 = tpu.memref_slice %arg6[%add3A_574, %dma_start3A_667] : memref<18432x768xf32, #tpu.memory_space<hbm>> -> memref<48x768xf32, #tpu.memory_space<hbm>>
      %dma_start3A_669 = arith.constant 0 : i32
      %dma_start3A_670 = arith.constant 0 : i32
      %dma_start3A_671 = tpu.memref_slice %arg9[%run_scoped3A_576, %dma_start3A_669, %dma_start3A_670] : memref<2x48x768xf32, #tpu.memory_space<vmem>> -> memref<1x48x768xf32, #tpu.memory_space<vmem>>
      %dma_start3A_672 = tpu.memref_squeeze %dma_start3A_671 : memref<1x48x768xf32, #tpu.memory_space<vmem>> -> memref<48x768xf32, #tpu.memory_space<vmem>>
      tpu.enqueue_dma source(%dma_start3A_672 : memref<48x768xf32, #tpu.memory_space<vmem>>) target(%dma_start3A_668 : memref<48x768xf32, #tpu.memory_space<hbm>>) target_semaphore(%run_scoped3A_660 : memref<!tpu.dma_semaphore, #tpu.memory_space<semaphore_mem>>)
      %dma_wait3A_673 = arith.constant 0 : i32
      %dma_wait3A_674 = arith.constant 0 : i32
      %dma_wait3A_675 = tpu.memref_slice %arg9[%run_scoped3A_576, %dma_wait3A_673, %dma_wait3A_674] : memref<2x48x768xf32, #tpu.memory_space<vmem>> -> memref<1x48x768xf32, #tpu.memory_space<vmem>>
      %dma_wait3A_676 = tpu.memref_squeeze %dma_wait3A_675 : memref<1x48x768xf32, #tpu.memory_space<vmem>> -> memref<48x768xf32, #tpu.memory_space<vmem>>
      %dma_wait3A_677 = arith.constant 0 : i32
      %dma_wait3A_678 = tpu.memref_slice %arg6[%add3A_574, %dma_wait3A_677] : memref<18432x768xf32, #tpu.memory_space<hbm>> -> memref<48x768xf32, #tpu.memory_space<hbm>>
      %dma_wait3A_679 = arith.constant 0 : i32
      %dma_wait3A_680 = tpu.memref_slice %arg6[%add3A_574, %dma_wait3A_679] : memref<18432x768xf32, #tpu.memory_space<hbm>> -> memref<48x768xf32, #tpu.memory_space<hbm>>
      %dma_wait3A_681 = arith.constant 0 : i32
      %dma_wait3A_682 = arith.constant 0 : i32
      %dma_wait3A_683 = tpu.memref_slice %arg9[%run_scoped3A_576, %dma_wait3A_681, %dma_wait3A_682] : memref<2x48x768xf32, #tpu.memory_space<vmem>> -> memref<1x48x768xf32, #tpu.memory_space<vmem>>
      %dma_wait3A_684 = tpu.memref_squeeze %dma_wait3A_683 : memref<1x48x768xf32, #tpu.memory_space<vmem>> -> memref<48x768xf32, #tpu.memory_space<vmem>>
      tpu.wait_dma2 semaphore(%run_scoped3A_660 : memref<!tpu.dma_semaphore, #tpu.memory_space<semaphore_mem>>) src(%dma_wait3A_684 : memref<48x768xf32, #tpu.memory_space<vmem>>) dst(%dma_wait3A_680 : memref<48x768xf32, #tpu.memory_space<hbm>>)
      tpu.yield
    }) : () -> ()
    %add3A_577 = arith.constant 528 : i32
    %add3A_578 = arith.addi %mul3A_2, %add3A_577 : i32
    %run_scoped3A_579 = arith.constant 1 : i32
    "tpu.region"() ({
      %run_scoped3A_660 = tpu.sem_alloc : memref<!tpu.dma_semaphore, #tpu.memory_space<semaphore_mem>>
      %dma_start3A_661 = arith.constant 0 : i32
      %dma_start3A_662 = tpu.memref_slice %arg7[%run_scoped3A_579, %dma_start3A_661] : memref<2x48xi32, #tpu.memory_space<vmem>> -> memref<1x48xi32, #tpu.memory_space<vmem>>
      %dma_start3A_663 = tpu.memref_squeeze %dma_start3A_662 : memref<1x48xi32, #tpu.memory_space<vmem>> -> memref<48xi32, #tpu.memory_space<vmem>>
      %dma_start3A_664 = tpu.memref_slice %arg4[%add3A_578] : memref<18432xi32, #tpu.memory_space<hbm>> -> memref<48xi32, #tpu.memory_space<hbm>>
      %dma_start3A_665 = arith.constant 0 : i32
      %dma_start3A_666 = tpu.memref_slice %arg7[%run_scoped3A_579, %dma_start3A_665] : memref<2x48xi32, #tpu.memory_space<vmem>> -> memref<1x48xi32, #tpu.memory_space<vmem>>
      %dma_start3A_667 = tpu.memref_squeeze %dma_start3A_666 : memref<1x48xi32, #tpu.memory_space<vmem>> -> memref<48xi32, #tpu.memory_space<vmem>>
      %dma_start3A_668 = tpu.memref_slice %arg4[%add3A_578] : memref<18432xi32, #tpu.memory_space<hbm>> -> memref<48xi32, #tpu.memory_space<hbm>>
      tpu.enqueue_dma source(%dma_start3A_668 : memref<48xi32, #tpu.memory_space<hbm>>) target(%dma_start3A_667 : memref<48xi32, #tpu.memory_space<vmem>>) target_semaphore(%run_scoped3A_660 : memref<!tpu.dma_semaphore, #tpu.memory_space<semaphore_mem>>)
      %dma_wait3A_669 = arith.constant 0 : i32
      %dma_wait3A_670 = tpu.memref_slice %arg7[%run_scoped3A_579, %dma_wait3A_669] : memref<2x48xi32, #tpu.memory_space<vmem>> -> memref<1x48xi32, #tpu.memory_space<vmem>>
      %dma_wait3A_671 = tpu.memref_squeeze %dma_wait3A_670 : memref<1x48xi32, #tpu.memory_space<vmem>> -> memref<48xi32, #tpu.memory_space<vmem>>
      %dma_wait3A_672 = tpu.memref_slice %arg4[%add3A_578] : memref<18432xi32, #tpu.memory_space<hbm>> -> memref<48xi32, #tpu.memory_space<hbm>>
      %dma_wait3A_673 = arith.constant 0 : i32
      %dma_wait3A_674 = tpu.memref_slice %arg7[%run_scoped3A_579, %dma_wait3A_673] : memref<2x48xi32, #tpu.memory_space<vmem>> -> memref<1x48xi32, #tpu.memory_space<vmem>>
      %dma_wait3A_675 = tpu.memref_squeeze %dma_wait3A_674 : memref<1x48xi32, #tpu.memory_space<vmem>> -> memref<48xi32, #tpu.memory_space<vmem>>
      %dma_wait3A_676 = tpu.memref_slice %arg4[%add3A_578] : memref<18432xi32, #tpu.memory_space<hbm>> -> memref<48xi32, #tpu.memory_space<hbm>>
      tpu.wait_dma2 semaphore(%run_scoped3A_660 : memref<!tpu.dma_semaphore, #tpu.memory_space<semaphore_mem>>) src(%dma_wait3A_676 : memref<48xi32, #tpu.memory_space<hbm>>) dst(%dma_wait3A_675 : memref<48xi32, #tpu.memory_space<vmem>>)
      tpu.yield
    }) : () -> ()
    %dma_start3A_580 = arith.constant 1 : i32
    %dma_start3A_581 = arith.constant 1 : i32
    %dma_start3A_582 = arith.constant 0 : i32
    %dma_start3A_583 = arith.constant 0 : i32
    %dma_start3A_584 = tpu.memref_slice %arg8[%dma_start3A_581, %dma_start3A_582, %dma_start3A_583] : memref<2x48x256xf32, #tpu.memory_space<vmem>> -> memref<1x48x256xf32, #tpu.memory_space<vmem>>
    %dma_start3A_585 = tpu.memref_squeeze %dma_start3A_584 : memref<1x48x256xf32, #tpu.memory_space<vmem>> -> memref<48x256xf32, #tpu.memory_space<vmem>>
    %dma_start3A_586 = arith.constant 0 : i32
    %dma_start3A_587 = tpu.memref_slice %arg7[%dma_start3A_580, %dma_start3A_586] : memref<2x48xi32, #tpu.memory_space<vmem>> -> memref<1x48xi32, #tpu.memory_space<vmem>>
    %dma_start3A_588 = tpu.memref_squeeze %dma_start3A_587 : memref<1x48xi32, #tpu.memory_space<vmem>> -> memref<48xi32, #tpu.memory_space<vmem>>
    %dma_start3A_589 = arith.constant 0 : i32
    %dma_start3A_590 = arith.constant 0 : i32
    %dma_start3A_591 = tpu.memref_slice %arg2[%dma_start3A_589, %dma_start3A_590] : memref<8192x256xf32, #tpu.memory_space<hbm>> -> memref<8192x256xf32, #tpu.memory_space<hbm>>
    tpu.enqueue_indirect_dma source(%dma_start3A_591 : memref<8192x256xf32, #tpu.memory_space<hbm>>) target(%dma_start3A_585 : memref<48x256xf32, #tpu.memory_space<vmem>>) offsets(%dma_start3A_588 : memref<48xi32, #tpu.memory_space<vmem>>) semaphore(%arg11 : memref<!tpu.dma_semaphore, #tpu.memory_space<semaphore_mem>>)
    %dma_start3A_592 = arith.constant 1 : i32
    %dma_start3A_593 = arith.constant 1 : i32
    %dma_start3A_594 = arith.constant 0 : i32
    %dma_start3A_595 = arith.constant 0 : i32
    %dma_start3A_596 = tpu.memref_slice %arg9[%dma_start3A_593, %dma_start3A_594, %dma_start3A_595] : memref<2x48x768xf32, #tpu.memory_space<vmem>> -> memref<1x48x768xf32, #tpu.memory_space<vmem>>
    %dma_start3A_597 = tpu.memref_squeeze %dma_start3A_596 : memref<1x48x768xf32, #tpu.memory_space<vmem>> -> memref<48x768xf32, #tpu.memory_space<vmem>>
    %dma_start3A_598 = arith.constant 0 : i32
    %dma_start3A_599 = tpu.memref_slice %arg7[%dma_start3A_592, %dma_start3A_598] : memref<2x48xi32, #tpu.memory_space<vmem>> -> memref<1x48xi32, #tpu.memory_space<vmem>>
    %dma_start3A_600 = tpu.memref_squeeze %dma_start3A_599 : memref<1x48xi32, #tpu.memory_space<vmem>> -> memref<48xi32, #tpu.memory_space<vmem>>
    %dma_start3A_601 = arith.constant 0 : i32
    %dma_start3A_602 = arith.constant 0 : i32
    %dma_start3A_603 = tpu.memref_slice %arg3[%dma_start3A_601, %dma_start3A_602] : memref<8192x768xf32, #tpu.memory_space<hbm>> -> memref<8192x768xf32, #tpu.memory_space<hbm>>
    tpu.enqueue_indirect_dma source(%dma_start3A_603 : memref<8192x768xf32, #tpu.memory_space<hbm>>) target(%dma_start3A_597 : memref<48x768xf32, #tpu.memory_space<vmem>>) offsets(%dma_start3A_600 : memref<48xi32, #tpu.memory_space<vmem>>) semaphore(%arg13 : memref<!tpu.dma_semaphore, #tpu.memory_space<semaphore_mem>>)
    %dma_wait3A_604 = arith.constant 0 : i32
    %dma_wait3A_605 = arith.constant 0 : i32
    %dma_wait3A_606 = arith.constant 0 : i32
    %dma_wait3A_607 = arith.constant 0 : i32
    %dma_wait3A_608 = tpu.memref_slice %arg8[%dma_wait3A_605, %dma_wait3A_606, %dma_wait3A_607] : memref<2x48x256xf32, #tpu.memory_space<vmem>> -> memref<1x48x256xf32, #tpu.memory_space<vmem>>
    %dma_wait3A_609 = tpu.memref_squeeze %dma_wait3A_608 : memref<1x48x256xf32, #tpu.memory_space<vmem>> -> memref<48x256xf32, #tpu.memory_space<vmem>>
    %dma_wait3A_610 = arith.constant 0 : i32
    %dma_wait3A_611 = tpu.memref_slice %arg7[%dma_wait3A_604, %dma_wait3A_610] : memref<2x48xi32, #tpu.memory_space<vmem>> -> memref<1x48xi32, #tpu.memory_space<vmem>>
    %dma_wait3A_612 = tpu.memref_squeeze %dma_wait3A_611 : memref<1x48xi32, #tpu.memory_space<vmem>> -> memref<48xi32, #tpu.memory_space<vmem>>
    %dma_wait3A_613 = arith.constant 0 : i32
    %dma_wait3A_614 = arith.constant 0 : i32
    %dma_wait3A_615 = tpu.memref_slice %arg2[%dma_wait3A_613, %dma_wait3A_614] : memref<8192x256xf32, #tpu.memory_space<hbm>> -> memref<8192x256xf32, #tpu.memory_space<hbm>>
    tpu.wait_indirect_dma semaphore(%arg10 : memref<!tpu.dma_semaphore, #tpu.memory_space<semaphore_mem>>) src(%dma_wait3A_615 : memref<8192x256xf32, #tpu.memory_space<hbm>>) dst(%dma_wait3A_609 : memref<48x256xf32, #tpu.memory_space<vmem>>)
    %dma_wait3A_616 = arith.constant 0 : i32
    %dma_wait3A_617 = arith.constant 0 : i32
    %dma_wait3A_618 = arith.constant 0 : i32
    %dma_wait3A_619 = arith.constant 0 : i32
    %dma_wait3A_620 = tpu.memref_slice %arg9[%dma_wait3A_617, %dma_wait3A_618, %dma_wait3A_619] : memref<2x48x768xf32, #tpu.memory_space<vmem>> -> memref<1x48x768xf32, #tpu.memory_space<vmem>>
    %dma_wait3A_621 = tpu.memref_squeeze %dma_wait3A_620 : memref<1x48x768xf32, #tpu.memory_space<vmem>> -> memref<48x768xf32, #tpu.memory_space<vmem>>
    %dma_wait3A_622 = arith.constant 0 : i32
    %dma_wait3A_623 = tpu.memref_slice %arg7[%dma_wait3A_616, %dma_wait3A_622] : memref<2x48xi32, #tpu.memory_space<vmem>> -> memref<1x48xi32, #tpu.memory_space<vmem>>
    %dma_wait3A_624 = tpu.memref_squeeze %dma_wait3A_623 : memref<1x48xi32, #tpu.memory_space<vmem>> -> memref<48xi32, #tpu.memory_space<vmem>>
    %dma_wait3A_625 = arith.constant 0 : i32
    %dma_wait3A_626 = arith.constant 0 : i32
    %dma_wait3A_627 = tpu.memref_slice %arg3[%dma_wait3A_625, %dma_wait3A_626] : memref<8192x768xf32, #tpu.memory_space<hbm>> -> memref<8192x768xf32, #tpu.memory_space<hbm>>
    tpu.wait_indirect_dma semaphore(%arg12 : memref<!tpu.dma_semaphore, #tpu.memory_space<semaphore_mem>>) src(%dma_wait3A_627 : memref<8192x768xf32, #tpu.memory_space<hbm>>) dst(%dma_wait3A_621 : memref<48x768xf32, #tpu.memory_space<vmem>>)
    %add3A_628 = arith.constant 480 : i32
    %add3A_629 = arith.addi %mul3A_2, %add3A_628 : i32
    %run_scoped3A_630 = arith.constant 0 : i32
    "tpu.region"() ({
      %run_scoped3A_660 = tpu.sem_alloc : memref<!tpu.dma_semaphore, #tpu.memory_space<semaphore_mem>>
      %dma_start3A_661 = arith.constant 0 : i32
      %dma_start3A_662 = arith.constant 0 : i32
      %dma_start3A_663 = tpu.memref_slice %arg8[%run_scoped3A_630, %dma_start3A_661, %dma_start3A_662] : memref<2x48x256xf32, #tpu.memory_space<vmem>> -> memref<1x48x256xf32, #tpu.memory_space<vmem>>
      %dma_start3A_664 = tpu.memref_squeeze %dma_start3A_663 : memref<1x48x256xf32, #tpu.memory_space<vmem>> -> memref<48x256xf32, #tpu.memory_space<vmem>>
      %dma_start3A_665 = arith.constant 0 : i32
      %dma_start3A_666 = tpu.memref_slice %arg5[%add3A_629, %dma_start3A_665] : memref<18432x256xf32, #tpu.memory_space<hbm>> -> memref<48x256xf32, #tpu.memory_space<hbm>>
      %dma_start3A_667 = arith.constant 0 : i32
      %dma_start3A_668 = tpu.memref_slice %arg5[%add3A_629, %dma_start3A_667] : memref<18432x256xf32, #tpu.memory_space<hbm>> -> memref<48x256xf32, #tpu.memory_space<hbm>>
      %dma_start3A_669 = arith.constant 0 : i32
      %dma_start3A_670 = arith.constant 0 : i32
      %dma_start3A_671 = tpu.memref_slice %arg8[%run_scoped3A_630, %dma_start3A_669, %dma_start3A_670] : memref<2x48x256xf32, #tpu.memory_space<vmem>> -> memref<1x48x256xf32, #tpu.memory_space<vmem>>
      %dma_start3A_672 = tpu.memref_squeeze %dma_start3A_671 : memref<1x48x256xf32, #tpu.memory_space<vmem>> -> memref<48x256xf32, #tpu.memory_space<vmem>>
      tpu.enqueue_dma source(%dma_start3A_672 : memref<48x256xf32, #tpu.memory_space<vmem>>) target(%dma_start3A_668 : memref<48x256xf32, #tpu.memory_space<hbm>>) target_semaphore(%run_scoped3A_660 : memref<!tpu.dma_semaphore, #tpu.memory_space<semaphore_mem>>)
      %dma_wait3A_673 = arith.constant 0 : i32
      %dma_wait3A_674 = arith.constant 0 : i32
      %dma_wait3A_675 = tpu.memref_slice %arg8[%run_scoped3A_630, %dma_wait3A_673, %dma_wait3A_674] : memref<2x48x256xf32, #tpu.memory_space<vmem>> -> memref<1x48x256xf32, #tpu.memory_space<vmem>>
      %dma_wait3A_676 = tpu.memref_squeeze %dma_wait3A_675 : memref<1x48x256xf32, #tpu.memory_space<vmem>> -> memref<48x256xf32, #tpu.memory_space<vmem>>
      %dma_wait3A_677 = arith.constant 0 : i32
      %dma_wait3A_678 = tpu.memref_slice %arg5[%add3A_629, %dma_wait3A_677] : memref<18432x256xf32, #tpu.memory_space<hbm>> -> memref<48x256xf32, #tpu.memory_space<hbm>>
      %dma_wait3A_679 = arith.constant 0 : i32
      %dma_wait3A_680 = tpu.memref_slice %arg5[%add3A_629, %dma_wait3A_679] : memref<18432x256xf32, #tpu.memory_space<hbm>> -> memref<48x256xf32, #tpu.memory_space<hbm>>
      %dma_wait3A_681 = arith.constant 0 : i32
      %dma_wait3A_682 = arith.constant 0 : i32
      %dma_wait3A_683 = tpu.memref_slice %arg8[%run_scoped3A_630, %dma_wait3A_681, %dma_wait3A_682] : memref<2x48x256xf32, #tpu.memory_space<vmem>> -> memref<1x48x256xf32, #tpu.memory_space<vmem>>
      %dma_wait3A_684 = tpu.memref_squeeze %dma_wait3A_683 : memref<1x48x256xf32, #tpu.memory_space<vmem>> -> memref<48x256xf32, #tpu.memory_space<vmem>>
      tpu.wait_dma2 semaphore(%run_scoped3A_660 : memref<!tpu.dma_semaphore, #tpu.memory_space<semaphore_mem>>) src(%dma_wait3A_684 : memref<48x256xf32, #tpu.memory_space<vmem>>) dst(%dma_wait3A_680 : memref<48x256xf32, #tpu.memory_space<hbm>>)
      tpu.yield
    }) : () -> ()
    %run_scoped3A_631 = arith.constant 0 : i32
    "tpu.region"() ({
      %run_scoped3A_660 = tpu.sem_alloc : memref<!tpu.dma_semaphore, #tpu.memory_space<semaphore_mem>>
      %dma_start3A_661 = arith.constant 0 : i32
      %dma_start3A_662 = arith.constant 0 : i32
      %dma_start3A_663 = tpu.memref_slice %arg9[%run_scoped3A_631, %dma_start3A_661, %dma_start3A_662] : memref<2x48x768xf32, #tpu.memory_space<vmem>> -> memref<1x48x768xf32, #tpu.memory_space<vmem>>
      %dma_start3A_664 = tpu.memref_squeeze %dma_start3A_663 : memref<1x48x768xf32, #tpu.memory_space<vmem>> -> memref<48x768xf32, #tpu.memory_space<vmem>>
      %dma_start3A_665 = arith.constant 0 : i32
      %dma_start3A_666 = tpu.memref_slice %arg6[%add3A_629, %dma_start3A_665] : memref<18432x768xf32, #tpu.memory_space<hbm>> -> memref<48x768xf32, #tpu.memory_space<hbm>>
      %dma_start3A_667 = arith.constant 0 : i32
      %dma_start3A_668 = tpu.memref_slice %arg6[%add3A_629, %dma_start3A_667] : memref<18432x768xf32, #tpu.memory_space<hbm>> -> memref<48x768xf32, #tpu.memory_space<hbm>>
      %dma_start3A_669 = arith.constant 0 : i32
      %dma_start3A_670 = arith.constant 0 : i32
      %dma_start3A_671 = tpu.memref_slice %arg9[%run_scoped3A_631, %dma_start3A_669, %dma_start3A_670] : memref<2x48x768xf32, #tpu.memory_space<vmem>> -> memref<1x48x768xf32, #tpu.memory_space<vmem>>
      %dma_start3A_672 = tpu.memref_squeeze %dma_start3A_671 : memref<1x48x768xf32, #tpu.memory_space<vmem>> -> memref<48x768xf32, #tpu.memory_space<vmem>>
      tpu.enqueue_dma source(%dma_start3A_672 : memref<48x768xf32, #tpu.memory_space<vmem>>) target(%dma_start3A_668 : memref<48x768xf32, #tpu.memory_space<hbm>>) target_semaphore(%run_scoped3A_660 : memref<!tpu.dma_semaphore, #tpu.memory_space<semaphore_mem>>)
      %dma_wait3A_673 = arith.constant 0 : i32
      %dma_wait3A_674 = arith.constant 0 : i32
      %dma_wait3A_675 = tpu.memref_slice %arg9[%run_scoped3A_631, %dma_wait3A_673, %dma_wait3A_674] : memref<2x48x768xf32, #tpu.memory_space<vmem>> -> memref<1x48x768xf32, #tpu.memory_space<vmem>>
      %dma_wait3A_676 = tpu.memref_squeeze %dma_wait3A_675 : memref<1x48x768xf32, #tpu.memory_space<vmem>> -> memref<48x768xf32, #tpu.memory_space<vmem>>
      %dma_wait3A_677 = arith.constant 0 : i32
      %dma_wait3A_678 = tpu.memref_slice %arg6[%add3A_629, %dma_wait3A_677] : memref<18432x768xf32, #tpu.memory_space<hbm>> -> memref<48x768xf32, #tpu.memory_space<hbm>>
      %dma_wait3A_679 = arith.constant 0 : i32
      %dma_wait3A_680 = tpu.memref_slice %arg6[%add3A_629, %dma_wait3A_679] : memref<18432x768xf32, #tpu.memory_space<hbm>> -> memref<48x768xf32, #tpu.memory_space<hbm>>
      %dma_wait3A_681 = arith.constant 0 : i32
      %dma_wait3A_682 = arith.constant 0 : i32
      %dma_wait3A_683 = tpu.memref_slice %arg9[%run_scoped3A_631, %dma_wait3A_681, %dma_wait3A_682] : memref<2x48x768xf32, #tpu.memory_space<vmem>> -> memref<1x48x768xf32, #tpu.memory_space<vmem>>
      %dma_wait3A_684 = tpu.memref_squeeze %dma_wait3A_683 : memref<1x48x768xf32, #tpu.memory_space<vmem>> -> memref<48x768xf32, #tpu.memory_space<vmem>>
      tpu.wait_dma2 semaphore(%run_scoped3A_660 : memref<!tpu.dma_semaphore, #tpu.memory_space<semaphore_mem>>) src(%dma_wait3A_684 : memref<48x768xf32, #tpu.memory_space<vmem>>) dst(%dma_wait3A_680 : memref<48x768xf32, #tpu.memory_space<hbm>>)
      tpu.yield
    }) : () -> ()
    %dma_wait3A_632 = arith.constant 1 : i32
    %dma_wait3A_633 = arith.constant 1 : i32
    %dma_wait3A_634 = arith.constant 0 : i32
    %dma_wait3A_635 = arith.constant 0 : i32
    %dma_wait3A_636 = tpu.memref_slice %arg8[%dma_wait3A_633, %dma_wait3A_634, %dma_wait3A_635] : memref<2x48x256xf32, #tpu.memory_space<vmem>> -> memref<1x48x256xf32, #tpu.memory_space<vmem>>
    %dma_wait3A_637 = tpu.memref_squeeze %dma_wait3A_636 : memref<1x48x256xf32, #tpu.memory_space<vmem>> -> memref<48x256xf32, #tpu.memory_space<vmem>>
    %dma_wait3A_638 = arith.constant 0 : i32
    %dma_wait3A_639 = tpu.memref_slice %arg7[%dma_wait3A_632, %dma_wait3A_638] : memref<2x48xi32, #tpu.memory_space<vmem>> -> memref<1x48xi32, #tpu.memory_space<vmem>>
    %dma_wait3A_640 = tpu.memref_squeeze %dma_wait3A_639 : memref<1x48xi32, #tpu.memory_space<vmem>> -> memref<48xi32, #tpu.memory_space<vmem>>
    %dma_wait3A_641 = arith.constant 0 : i32
    %dma_wait3A_642 = arith.constant 0 : i32
    %dma_wait3A_643 = tpu.memref_slice %arg2[%dma_wait3A_641, %dma_wait3A_642] : memref<8192x256xf32, #tpu.memory_space<hbm>> -> memref<8192x256xf32, #tpu.memory_space<hbm>>
    tpu.wait_indirect_dma semaphore(%arg11 : memref<!tpu.dma_semaphore, #tpu.memory_space<semaphore_mem>>) src(%dma_wait3A_643 : memref<8192x256xf32, #tpu.memory_space<hbm>>) dst(%dma_wait3A_637 : memref<48x256xf32, #tpu.memory_space<vmem>>)
    %dma_wait3A_644 = arith.constant 1 : i32
    %dma_wait3A_645 = arith.constant 1 : i32
    %dma_wait3A_646 = arith.constant 0 : i32
    %dma_wait3A_647 = arith.constant 0 : i32
    %dma_wait3A_648 = tpu.memref_slice %arg9[%dma_wait3A_645, %dma_wait3A_646, %dma_wait3A_647] : memref<2x48x768xf32, #tpu.memory_space<vmem>> -> memref<1x48x768xf32, #tpu.memory_space<vmem>>
    %dma_wait3A_649 = tpu.memref_squeeze %dma_wait3A_648 : memref<1x48x768xf32, #tpu.memory_space<vmem>> -> memref<48x768xf32, #tpu.memory_space<vmem>>
    %dma_wait3A_650 = arith.constant 0 : i32
    %dma_wait3A_651 = tpu.memref_slice %arg7[%dma_wait3A_644, %dma_wait3A_650] : memref<2x48xi32, #tpu.memory_space<vmem>> -> memref<1x48xi32, #tpu.memory_space<vmem>>
    %dma_wait3A_652 = tpu.memref_squeeze %dma_wait3A_651 : memref<1x48xi32, #tpu.memory_space<vmem>> -> memref<48xi32, #tpu.memory_space<vmem>>
    %dma_wait3A_653 = arith.constant 0 : i32
    %dma_wait3A_654 = arith.constant 0 : i32
    %dma_wait3A_655 = tpu.memref_slice %arg3[%dma_wait3A_653, %dma_wait3A_654] : memref<8192x768xf32, #tpu.memory_space<hbm>> -> memref<8192x768xf32, #tpu.memory_space<hbm>>
    tpu.wait_indirect_dma semaphore(%arg13 : memref<!tpu.dma_semaphore, #tpu.memory_space<semaphore_mem>>) src(%dma_wait3A_655 : memref<8192x768xf32, #tpu.memory_space<hbm>>) dst(%dma_wait3A_649 : memref<48x768xf32, #tpu.memory_space<vmem>>)
    %add3A_656 = arith.constant 528 : i32
    %add3A_657 = arith.addi %mul3A_2, %add3A_656 : i32
    %run_scoped3A_658 = arith.constant 1 : i32
    "tpu.region"() ({
      %run_scoped3A_660 = tpu.sem_alloc : memref<!tpu.dma_semaphore, #tpu.memory_space<semaphore_mem>>
      %dma_start3A_661 = arith.constant 0 : i32
      %dma_start3A_662 = arith.constant 0 : i32
      %dma_start3A_663 = tpu.memref_slice %arg8[%run_scoped3A_658, %dma_start3A_661, %dma_start3A_662] : memref<2x48x256xf32, #tpu.memory_space<vmem>> -> memref<1x48x256xf32, #tpu.memory_space<vmem>>
      %dma_start3A_664 = tpu.memref_squeeze %dma_start3A_663 : memref<1x48x256xf32, #tpu.memory_space<vmem>> -> memref<48x256xf32, #tpu.memory_space<vmem>>
      %dma_start3A_665 = arith.constant 0 : i32
      %dma_start3A_666 = tpu.memref_slice %arg5[%add3A_657, %dma_start3A_665] : memref<18432x256xf32, #tpu.memory_space<hbm>> -> memref<48x256xf32, #tpu.memory_space<hbm>>
      %dma_start3A_667 = arith.constant 0 : i32
      %dma_start3A_668 = tpu.memref_slice %arg5[%add3A_657, %dma_start3A_667] : memref<18432x256xf32, #tpu.memory_space<hbm>> -> memref<48x256xf32, #tpu.memory_space<hbm>>
      %dma_start3A_669 = arith.constant 0 : i32
      %dma_start3A_670 = arith.constant 0 : i32
      %dma_start3A_671 = tpu.memref_slice %arg8[%run_scoped3A_658, %dma_start3A_669, %dma_start3A_670] : memref<2x48x256xf32, #tpu.memory_space<vmem>> -> memref<1x48x256xf32, #tpu.memory_space<vmem>>
      %dma_start3A_672 = tpu.memref_squeeze %dma_start3A_671 : memref<1x48x256xf32, #tpu.memory_space<vmem>> -> memref<48x256xf32, #tpu.memory_space<vmem>>
      tpu.enqueue_dma source(%dma_start3A_672 : memref<48x256xf32, #tpu.memory_space<vmem>>) target(%dma_start3A_668 : memref<48x256xf32, #tpu.memory_space<hbm>>) target_semaphore(%run_scoped3A_660 : memref<!tpu.dma_semaphore, #tpu.memory_space<semaphore_mem>>)
      %dma_wait3A_673 = arith.constant 0 : i32
      %dma_wait3A_674 = arith.constant 0 : i32
      %dma_wait3A_675 = tpu.memref_slice %arg8[%run_scoped3A_658, %dma_wait3A_673, %dma_wait3A_674] : memref<2x48x256xf32, #tpu.memory_space<vmem>> -> memref<1x48x256xf32, #tpu.memory_space<vmem>>
      %dma_wait3A_676 = tpu.memref_squeeze %dma_wait3A_675 : memref<1x48x256xf32, #tpu.memory_space<vmem>> -> memref<48x256xf32, #tpu.memory_space<vmem>>
      %dma_wait3A_677 = arith.constant 0 : i32
      %dma_wait3A_678 = tpu.memref_slice %arg5[%add3A_657, %dma_wait3A_677] : memref<18432x256xf32, #tpu.memory_space<hbm>> -> memref<48x256xf32, #tpu.memory_space<hbm>>
      %dma_wait3A_679 = arith.constant 0 : i32
      %dma_wait3A_680 = tpu.memref_slice %arg5[%add3A_657, %dma_wait3A_679] : memref<18432x256xf32, #tpu.memory_space<hbm>> -> memref<48x256xf32, #tpu.memory_space<hbm>>
      %dma_wait3A_681 = arith.constant 0 : i32
      %dma_wait3A_682 = arith.constant 0 : i32
      %dma_wait3A_683 = tpu.memref_slice %arg8[%run_scoped3A_658, %dma_wait3A_681, %dma_wait3A_682] : memref<2x48x256xf32, #tpu.memory_space<vmem>> -> memref<1x48x256xf32, #tpu.memory_space<vmem>>
      %dma_wait3A_684 = tpu.memref_squeeze %dma_wait3A_683 : memref<1x48x256xf32, #tpu.memory_space<vmem>> -> memref<48x256xf32, #tpu.memory_space<vmem>>
      tpu.wait_dma2 semaphore(%run_scoped3A_660 : memref<!tpu.dma_semaphore, #tpu.memory_space<semaphore_mem>>) src(%dma_wait3A_684 : memref<48x256xf32, #tpu.memory_space<vmem>>) dst(%dma_wait3A_680 : memref<48x256xf32, #tpu.memory_space<hbm>>)
      tpu.yield
    }) : () -> ()
    %run_scoped3A_659 = arith.constant 1 : i32
    "tpu.region"() ({
      %run_scoped3A_660 = tpu.sem_alloc : memref<!tpu.dma_semaphore, #tpu.memory_space<semaphore_mem>>
      %dma_start3A_661 = arith.constant 0 : i32
      %dma_start3A_662 = arith.constant 0 : i32
      %dma_start3A_663 = tpu.memref_slice %arg9[%run_scoped3A_659, %dma_start3A_661, %dma_start3A_662] : memref<2x48x768xf32, #tpu.memory_space<vmem>> -> memref<1x48x768xf32, #tpu.memory_space<vmem>>
      %dma_start3A_664 = tpu.memref_squeeze %dma_start3A_663 : memref<1x48x768xf32, #tpu.memory_space<vmem>> -> memref<48x768xf32, #tpu.memory_space<vmem>>
      %dma_start3A_665 = arith.constant 0 : i32
      %dma_start3A_666 = tpu.memref_slice %arg6[%add3A_657, %dma_start3A_665] : memref<18432x768xf32, #tpu.memory_space<hbm>> -> memref<48x768xf32, #tpu.memory_space<hbm>>
      %dma_start3A_667 = arith.constant 0 : i32
      %dma_start3A_668 = tpu.memref_slice %arg6[%add3A_657, %dma_start3A_667] : memref<18432x768xf32, #tpu.memory_space<hbm>> -> memref<48x768xf32, #tpu.memory_space<hbm>>
      %dma_start3A_669 = arith.constant 0 : i32
      %dma_start3A_670 = arith.constant 0 : i32
      %dma_start3A_671 = tpu.memref_slice %arg9[%run_scoped3A_659, %dma_start3A_669, %dma_start3A_670] : memref<2x48x768xf32, #tpu.memory_space<vmem>> -> memref<1x48x768xf32, #tpu.memory_space<vmem>>
      %dma_start3A_672 = tpu.memref_squeeze %dma_start3A_671 : memref<1x48x768xf32, #tpu.memory_space<vmem>> -> memref<48x768xf32, #tpu.memory_space<vmem>>
      tpu.enqueue_dma source(%dma_start3A_672 : memref<48x768xf32, #tpu.memory_space<vmem>>) target(%dma_start3A_668 : memref<48x768xf32, #tpu.memory_space<hbm>>) target_semaphore(%run_scoped3A_660 : memref<!tpu.dma_semaphore, #tpu.memory_space<semaphore_mem>>)
      %dma_wait3A_673 = arith.constant 0 : i32
      %dma_wait3A_674 = arith.constant 0 : i32
      %dma_wait3A_675 = tpu.memref_slice %arg9[%run_scoped3A_659, %dma_wait3A_673, %dma_wait3A_674] : memref<2x48x768xf32, #tpu.memory_space<vmem>> -> memref<1x48x768xf32, #tpu.memory_space<vmem>>
      %dma_wait3A_676 = tpu.memref_squeeze %dma_wait3A_675 : memref<1x48x768xf32, #tpu.memory_space<vmem>> -> memref<48x768xf32, #tpu.memory_space<vmem>>
      %dma_wait3A_677 = arith.constant 0 : i32
      %dma_wait3A_678 = tpu.memref_slice %arg6[%add3A_657, %dma_wait3A_677] : memref<18432x768xf32, #tpu.memory_space<hbm>> -> memref<48x768xf32, #tpu.memory_space<hbm>>
      %dma_wait3A_679 = arith.constant 0 : i32
      %dma_wait3A_680 = tpu.memref_slice %arg6[%add3A_657, %dma_wait3A_679] : memref<18432x768xf32, #tpu.memory_space<hbm>> -> memref<48x768xf32, #tpu.memory_space<hbm>>
      %dma_wait3A_681 = arith.constant 0 : i32
      %dma_wait3A_682 = arith.constant 0 : i32
      %dma_wait3A_683 = tpu.memref_slice %arg9[%run_scoped3A_659, %dma_wait3A_681, %dma_wait3A_682] : memref<2x48x768xf32, #tpu.memory_space<vmem>> -> memref<1x48x768xf32, #tpu.memory_space<vmem>>
      %dma_wait3A_684 = tpu.memref_squeeze %dma_wait3A_683 : memref<1x48x768xf32, #tpu.memory_space<vmem>> -> memref<48x768xf32, #tpu.memory_space<vmem>>
      tpu.wait_dma2 semaphore(%run_scoped3A_660 : memref<!tpu.dma_semaphore, #tpu.memory_space<semaphore_mem>>) src(%dma_wait3A_684 : memref<48x768xf32, #tpu.memory_space<vmem>>) dst(%dma_wait3A_680 : memref<48x768xf32, #tpu.memory_space<hbm>>)
      tpu.yield
    }) : () -> ()
    return
  }
}

module attributes {stable_mosaic.version = 14 : i64} {
  func.func @_embdec_body(%arg0: i32, %arg1: memref<1024x256xf32, #tpu.memory_space<vmem>>, %arg2: memref<256x768xf32, #tpu.memory_space<vmem>>, %arg3: memref<1x768xf32, #tpu.memory_space<vmem>>, %arg4: memref<1024x768xf32, #tpu.memory_space<vmem>>, %arg5: memref<256x1024xf32, #tpu.memory_space<vmem>>) attributes {dimension_semantics = [#tpu.dimension_semantics<arbitrary>], iteration_bounds = array<i64: 8>, scalar_prefetch = 0 : i64, scratch_operands = 0 : i64, tpu.core_type = #tpu.core_type<tc>, window_params = [{transform_indices = @transform_0, window_bounds = array<i64: 1024, 256>}, {pipeline_mode = #tpu.pipeline_mode<synchronous>, transform_indices = @transform_1, window_bounds = array<i64: 256, 768>}, {pipeline_mode = #tpu.pipeline_mode<synchronous>, transform_indices = @transform_2, window_bounds = array<i64: 1, 768>}, {transform_indices = @transform_3, window_bounds = array<i64: 1024, 768>}, {transform_indices = @transform_4, window_bounds = array<i64: 256, 1024>}]} {
    %get3A = arith.constant 0 : index
    %get3A_0 = arith.constant 0 : index
    %get3A_1 = vector.load %arg1[%get3A, %get3A_0] : memref<1024x256xf32, #tpu.memory_space<vmem>>, vector<1024x256xf32>
    %get3A_2 = arith.constant 0 : index
    %get3A_3 = arith.constant 0 : index
    %get3A_4 = vector.load %arg2[%get3A_2, %get3A_3] : memref<256x768xf32, #tpu.memory_space<vmem>>, vector<256x768xf32>
    %dot_general3A = arith.constant dense<0.000000e+00> : vector<1024x768xf32>
    %dot_general3A_5 = tpu.matmul %get3A_1, %get3A_4, %dot_general3A {dimension_numbers = #tpu.dot_dimension_numbers<[1], [0], [0], [1], [0, 0, 1, 1], [], []>, transpose_lhs_hint = false} : vector<1024x256xf32>, vector<256x768xf32>, vector<1024x768xf32> -> vector<1024x768xf32>
    %get3A_6 = arith.constant 0 : index
    %get3A_7 = arith.constant 0 : index
    %get3A_8 = vector.load %arg3[%get3A_6, %get3A_7] : memref<1x768xf32, #tpu.memory_space<vmem>>, vector<1x768xf32>
    %add3A = vector.broadcast %get3A_8 : vector<1x768xf32> to vector<1024x768xf32>
    %add3A_9 = arith.addf %dot_general3A_5, %add3A : vector<1024x768xf32>
    %swap3A = arith.constant 0 : index
    %swap3A_10 = arith.constant 0 : index
    %swap3A_11 = vector.load %arg4[%swap3A, %swap3A_10] : memref<1024x768xf32, #tpu.memory_space<vmem>>, vector<1024x768xf32>
    tpu.vector_store %arg4[%swap3A, %swap3A_10], %add3A_9 {strides = array<i32>} : memref<1024x768xf32, #tpu.memory_space<vmem>>, vector<1024x768xf32>,
    %transpose3A = tpu.transpose %get3A_1, [1, 0] : vector<1024x256xf32> -> vector<256x1024xf32>
    %swap3A_12 = arith.constant 0 : index
    %swap3A_13 = arith.constant 0 : index
    %swap3A_14 = vector.load %arg5[%swap3A_12, %swap3A_13] : memref<256x1024xf32, #tpu.memory_space<vmem>>, vector<256x1024xf32>
    tpu.vector_store %arg5[%swap3A_12, %swap3A_13], %transpose3A {strides = array<i32>} : memref<256x1024xf32, #tpu.memory_space<vmem>>, vector<256x1024xf32>,
    return
  }
  func.func @transform_0(%arg0: i32) -> (i32, i32) {
    %c0_i32 = arith.constant 0 : i32
    %c0_i32_0 = arith.constant 0 : i32
    return %arg0, %c0_i32 : i32, i32
  }
  func.func @transform_1(%arg0: i32) -> (i32, i32) {
    %c0_i32 = arith.constant 0 : i32
    %c0_i32_0 = arith.constant 0 : i32
    %c0_i32_1 = arith.constant 0 : i32
    return %c0_i32, %c0_i32_0 : i32, i32
  }
  func.func @transform_2(%arg0: i32) -> (i32, i32) {
    %c0_i32 = arith.constant 0 : i32
    %c0_i32_0 = arith.constant 0 : i32
    %c0_i32_1 = arith.constant 0 : i32
    return %c0_i32, %c0_i32_0 : i32, i32
  }
  func.func @transform_3(%arg0: i32) -> (i32, i32) {
    %c0_i32 = arith.constant 0 : i32
    %c0_i32_0 = arith.constant 0 : i32
    return %arg0, %c0_i32 : i32, i32
  }
  func.func @transform_4(%arg0: i32) -> (i32, i32) {
    %c0_i32 = arith.constant 0 : i32
    %c0_i32_0 = arith.constant 0 : i32
    return %c0_i32, %arg0 : i32, i32
  }
}

module attributes {stable_mosaic.version = 14 : i64} {
  func.func @_distance_body(%arg0: i32, %arg1: memref<256x512xf32, #tpu.memory_space<vmem>>, %arg2: memref<256x8192xf32, #tpu.memory_space<vmem>>, %arg3: memref<1x8192xf32, #tpu.memory_space<vmem>>, %arg4: memref<512x1xf32, #tpu.memory_space<vmem>>, %arg5: memref<512x256xf32, #tpu.memory_space<vmem>>, %arg6: memref<512x1xi32, #tpu.memory_space<vmem>>) attributes {dimension_semantics = [#tpu.dimension_semantics<arbitrary>], iteration_bounds = array<i64: 36>, scalar_prefetch = 0 : i64, scratch_operands = 0 : i64, tpu.core_type = #tpu.core_type<tc>, window_params = [{transform_indices = @transform_0, window_bounds = array<i64: 256, 512>}, {pipeline_mode = #tpu.pipeline_mode<synchronous>, transform_indices = @transform_1, window_bounds = array<i64: 256, 8192>}, {pipeline_mode = #tpu.pipeline_mode<synchronous>, transform_indices = @transform_2, window_bounds = array<i64: 1, 8192>}, {transform_indices = @transform_3, window_bounds = array<i64: 512, 1>}, {transform_indices = @transform_4, window_bounds = array<i64: 512, 256>}, {transform_indices = @transform_5, window_bounds = array<i64: 512, 1>}]} {
    %get3A = arith.constant 0 : index
    %get3A_0 = arith.constant 0 : index
    %get3A_1 = vector.load %arg1[%get3A, %get3A_0] : memref<256x512xf32, #tpu.memory_space<vmem>>, vector<256x512xf32>
    %transpose3A = tpu.transpose %get3A_1, [1, 0] : vector<256x512xf32> -> vector<512x256xf32>
    %swap3A = arith.constant 0 : index
    %swap3A_2 = arith.constant 0 : index
    %swap3A_3 = vector.load %arg5[%swap3A, %swap3A_2] : memref<512x256xf32, #tpu.memory_space<vmem>>, vector<512x256xf32>
    tpu.vector_store %arg5[%swap3A, %swap3A_2], %transpose3A {strides = array<i32>} : memref<512x256xf32, #tpu.memory_space<vmem>>, vector<512x256xf32>,
    %get3A_4 = arith.constant 0 : index
    %get3A_5 = arith.constant 0 : index
    %get3A_6 = vector.load %arg4[%get3A_4, %get3A_5] : memref<512x1xf32, #tpu.memory_space<vmem>>, vector<512x1xf32>
    %iota3A = tpu.iota {dimensions = array<i32: 1>} : vector<512x2048xi32>
    %convert_element_type3A = arith.sitofp %iota3A : vector<512x2048xi32> to vector<512x2048xf32>
    %get3A_7 = arith.constant 0 : index
    %get3A_8 = arith.constant 0 : index
    %get3A_9 = vector.load %arg2[%get3A_7, %get3A_8] : memref<256x8192xf32, #tpu.memory_space<vmem>>, vector<256x2048xf32>
    %dot_general3A = arith.constant dense<0.000000e+00> : vector<512x2048xf32>
    %dot_general3A_10 = tpu.matmul %get3A_1, %get3A_9, %dot_general3A {dimension_numbers = #tpu.dot_dimension_numbers<[0], [0], [1], [1], [0, 1, 1, 1], [], []>, transpose_lhs_hint = false} : vector<256x512xf32>, vector<256x2048xf32>, vector<512x2048xf32> -> vector<512x2048xf32>
    %get3A_11 = arith.constant 0 : index
    %get3A_12 = arith.constant 0 : index
    %get3A_13 = vector.load %arg3[%get3A_11, %get3A_12] : memref<1x8192xf32, #tpu.memory_space<vmem>>, vector<1x2048xf32>
    %add3A = vector.broadcast %get3A_6 : vector<512x1xf32> to vector<512x2048xf32>
    %add3A_14 = vector.broadcast %get3A_13 : vector<1x2048xf32> to vector<512x2048xf32>
    %add3A_15 = arith.addf %add3A, %add3A_14 : vector<512x2048xf32>
    %mul3A = arith.constant 2.000000e+00 : f32
    %mul3A_16 = vector.broadcast %mul3A : f32 to vector<512x2048xf32>
    %mul3A_17 = arith.mulf %mul3A_16, %dot_general3A_10 : vector<512x2048xf32>
    %sub3A = arith.subf %add3A_15, %mul3A_17 : vector<512x2048xf32>
    %reduce_min3A = arith.constant dense<0x7F800000> : vector<512xf32>
    %reduce_min3A_18 = vector.multi_reduction <minimumf>, %sub3A, %reduce_min3A [1] : vector<512x2048xf32> to vector<512xf32>
    %broadcast_in_dim3A = vector.shape_cast %reduce_min3A_18 : vector<512xf32> to vector<512x1xf32>
    %sub3A_19 = vector.broadcast %broadcast_in_dim3A : vector<512x1xf32> to vector<512x2048xf32>
    %sub3A_20 = arith.subf %sub3A, %sub3A_19 : vector<512x2048xf32>
    %mul3A_21 = arith.constant 1.000000e+30 : f32
    %mul3A_22 = vector.broadcast %mul3A_21 : f32 to vector<512x2048xf32>
    %mul3A_23 = arith.mulf %sub3A_20, %mul3A_22 : vector<512x2048xf32>
    %add3A_24 = arith.addf %mul3A_23, %convert_element_type3A : vector<512x2048xf32>
    %reduce_min3A_25 = arith.constant dense<0x7F800000> : vector<512xf32>
    %reduce_min3A_26 = vector.multi_reduction <minimumf>, %add3A_24, %reduce_min3A_25 [1] : vector<512x2048xf32> to vector<512xf32>
    %broadcast_in_dim3A_27 = vector.shape_cast %reduce_min3A_26 : vector<512xf32> to vector<512x1xf32>
    %convert_element_type3A_28 = arith.fptosi %broadcast_in_dim3A_27 : vector<512x1xf32> to vector<512x1xi32>
    %add3A_29 = arith.constant 0 : i32
    %add3A_30 = vector.broadcast %add3A_29 : i32 to vector<512x1xi32>
    %add3A_31 = arith.addi %convert_element_type3A_28, %add3A_30 : vector<512x1xi32>
    %convert_element_type3A_32 = arith.truncf %broadcast_in_dim3A : vector<512x1xf32> to vector<512x1xbf16>
    %convert_element_type3A_33 = arith.extf %convert_element_type3A_32 : vector<512x1xbf16> to vector<512x1xf32>
    %get3A_34 = arith.constant 0 : index
    %get3A_35 = arith.constant 2048 : index
    %get3A_36 = vector.load %arg2[%get3A_34, %get3A_35] : memref<256x8192xf32, #tpu.memory_space<vmem>>, vector<256x2048xf32>
    %dot_general3A_37 = arith.constant dense<0.000000e+00> : vector<512x2048xf32>
    %dot_general3A_38 = tpu.matmul %get3A_1, %get3A_36, %dot_general3A_37 {dimension_numbers = #tpu.dot_dimension_numbers<[0], [0], [1], [1], [0, 1, 1, 1], [], []>, transpose_lhs_hint = false} : vector<256x512xf32>, vector<256x2048xf32>, vector<512x2048xf32> -> vector<512x2048xf32>
    %get3A_39 = arith.constant 0 : index
    %get3A_40 = arith.constant 2048 : index
    %get3A_41 = vector.load %arg3[%get3A_39, %get3A_40] : memref<1x8192xf32, #tpu.memory_space<vmem>>, vector<1x2048xf32>
    %add3A_42 = vector.broadcast %get3A_6 : vector<512x1xf32> to vector<512x2048xf32>
    %add3A_43 = vector.broadcast %get3A_41 : vector<1x2048xf32> to vector<512x2048xf32>
    %add3A_44 = arith.addf %add3A_42, %add3A_43 : vector<512x2048xf32>
    %mul3A_45 = arith.constant 2.000000e+00 : f32
    %mul3A_46 = vector.broadcast %mul3A_45 : f32 to vector<512x2048xf32>
    %mul3A_47 = arith.mulf %mul3A_46, %dot_general3A_38 : vector<512x2048xf32>
    %sub3A_48 = arith.subf %add3A_44, %mul3A_47 : vector<512x2048xf32>
    %reduce_min3A_49 = arith.constant dense<0x7F800000> : vector<512xf32>
    %reduce_min3A_50 = vector.multi_reduction <minimumf>, %sub3A_48, %reduce_min3A_49 [1] : vector<512x2048xf32> to vector<512xf32>
    %broadcast_in_dim3A_51 = vector.shape_cast %reduce_min3A_50 : vector<512xf32> to vector<512x1xf32>
    %sub3A_52 = vector.broadcast %broadcast_in_dim3A_51 : vector<512x1xf32> to vector<512x2048xf32>
    %sub3A_53 = arith.subf %sub3A_48, %sub3A_52 : vector<512x2048xf32>
    %mul3A_54 = arith.constant 1.000000e+30 : f32
    %mul3A_55 = vector.broadcast %mul3A_54 : f32 to vector<512x2048xf32>
    %mul3A_56 = arith.mulf %sub3A_53, %mul3A_55 : vector<512x2048xf32>
    %add3A_57 = arith.addf %mul3A_56, %convert_element_type3A : vector<512x2048xf32>
    %reduce_min3A_58 = arith.constant dense<0x7F800000> : vector<512xf32>
    %reduce_min3A_59 = vector.multi_reduction <minimumf>, %add3A_57, %reduce_min3A_58 [1] : vector<512x2048xf32> to vector<512xf32>
    %broadcast_in_dim3A_60 = vector.shape_cast %reduce_min3A_59 : vector<512xf32> to vector<512x1xf32>
    %convert_element_type3A_61 = arith.fptosi %broadcast_in_dim3A_60 : vector<512x1xf32> to vector<512x1xi32>
    %add3A_62 = arith.constant 2048 : i32
    %add3A_63 = vector.broadcast %add3A_62 : i32 to vector<512x1xi32>
    %add3A_64 = arith.addi %convert_element_type3A_61, %add3A_63 : vector<512x1xi32>
    %le3A = arith.cmpf ole, %convert_element_type3A_33, %broadcast_in_dim3A_51 : vector<512x1xf32>
    %select_n3A = arith.select %le3A, %add3A_31, %add3A_64 : vector<512x1xi1>, vector<512x1xi32>
    %select_n3A_65 = arith.select %le3A, %convert_element_type3A_33, %broadcast_in_dim3A_51 : vector<512x1xi1>, vector<512x1xf32>
    %convert_element_type3A_66 = arith.truncf %select_n3A_65 : vector<512x1xf32> to vector<512x1xbf16>
    %convert_element_type3A_67 = arith.extf %convert_element_type3A_66 : vector<512x1xbf16> to vector<512x1xf32>
    %get3A_68 = arith.constant 0 : index
    %get3A_69 = arith.constant 4096 : index
    %get3A_70 = vector.load %arg2[%get3A_68, %get3A_69] : memref<256x8192xf32, #tpu.memory_space<vmem>>, vector<256x2048xf32>
    %dot_general3A_71 = arith.constant dense<0.000000e+00> : vector<512x2048xf32>
    %dot_general3A_72 = tpu.matmul %get3A_1, %get3A_70, %dot_general3A_71 {dimension_numbers = #tpu.dot_dimension_numbers<[0], [0], [1], [1], [0, 1, 1, 1], [], []>, transpose_lhs_hint = false} : vector<256x512xf32>, vector<256x2048xf32>, vector<512x2048xf32> -> vector<512x2048xf32>
    %get3A_73 = arith.constant 0 : index
    %get3A_74 = arith.constant 4096 : index
    %get3A_75 = vector.load %arg3[%get3A_73, %get3A_74] : memref<1x8192xf32, #tpu.memory_space<vmem>>, vector<1x2048xf32>
    %add3A_76 = vector.broadcast %get3A_6 : vector<512x1xf32> to vector<512x2048xf32>
    %add3A_77 = vector.broadcast %get3A_75 : vector<1x2048xf32> to vector<512x2048xf32>
    %add3A_78 = arith.addf %add3A_76, %add3A_77 : vector<512x2048xf32>
    %mul3A_79 = arith.constant 2.000000e+00 : f32
    %mul3A_80 = vector.broadcast %mul3A_79 : f32 to vector<512x2048xf32>
    %mul3A_81 = arith.mulf %mul3A_80, %dot_general3A_72 : vector<512x2048xf32>
    %sub3A_82 = arith.subf %add3A_78, %mul3A_81 : vector<512x2048xf32>
    %reduce_min3A_83 = arith.constant dense<0x7F800000> : vector<512xf32>
    %reduce_min3A_84 = vector.multi_reduction <minimumf>, %sub3A_82, %reduce_min3A_83 [1] : vector<512x2048xf32> to vector<512xf32>
    %broadcast_in_dim3A_85 = vector.shape_cast %reduce_min3A_84 : vector<512xf32> to vector<512x1xf32>
    %sub3A_86 = vector.broadcast %broadcast_in_dim3A_85 : vector<512x1xf32> to vector<512x2048xf32>
    %sub3A_87 = arith.subf %sub3A_82, %sub3A_86 : vector<512x2048xf32>
    %mul3A_88 = arith.constant 1.000000e+30 : f32
    %mul3A_89 = vector.broadcast %mul3A_88 : f32 to vector<512x2048xf32>
    %mul3A_90 = arith.mulf %sub3A_87, %mul3A_89 : vector<512x2048xf32>
    %add3A_91 = arith.addf %mul3A_90, %convert_element_type3A : vector<512x2048xf32>
    %reduce_min3A_92 = arith.constant dense<0x7F800000> : vector<512xf32>
    %reduce_min3A_93 = vector.multi_reduction <minimumf>, %add3A_91, %reduce_min3A_92 [1] : vector<512x2048xf32> to vector<512xf32>
    %broadcast_in_dim3A_94 = vector.shape_cast %reduce_min3A_93 : vector<512xf32> to vector<512x1xf32>
    %convert_element_type3A_95 = arith.fptosi %broadcast_in_dim3A_94 : vector<512x1xf32> to vector<512x1xi32>
    %add3A_96 = arith.constant 4096 : i32
    %add3A_97 = vector.broadcast %add3A_96 : i32 to vector<512x1xi32>
    %add3A_98 = arith.addi %convert_element_type3A_95, %add3A_97 : vector<512x1xi32>
    %le3A_99 = arith.cmpf ole, %convert_element_type3A_67, %broadcast_in_dim3A_85 : vector<512x1xf32>
    %select_n3A_100 = arith.select %le3A_99, %select_n3A, %add3A_98 : vector<512x1xi1>, vector<512x1xi32>
    %select_n3A_101 = arith.select %le3A_99, %convert_element_type3A_67, %broadcast_in_dim3A_85 : vector<512x1xi1>, vector<512x1xf32>
    %convert_element_type3A_102 = arith.truncf %select_n3A_101 : vector<512x1xf32> to vector<512x1xbf16>
    %convert_element_type3A_103 = arith.extf %convert_element_type3A_102 : vector<512x1xbf16> to vector<512x1xf32>
    %get3A_104 = arith.constant 0 : index
    %get3A_105 = arith.constant 6144 : index
    %get3A_106 = vector.load %arg2[%get3A_104, %get3A_105] : memref<256x8192xf32, #tpu.memory_space<vmem>>, vector<256x2048xf32>
    %dot_general3A_107 = arith.constant dense<0.000000e+00> : vector<512x2048xf32>
    %dot_general3A_108 = tpu.matmul %get3A_1, %get3A_106, %dot_general3A_107 {dimension_numbers = #tpu.dot_dimension_numbers<[0], [0], [1], [1], [0, 1, 1, 1], [], []>, transpose_lhs_hint = false} : vector<256x512xf32>, vector<256x2048xf32>, vector<512x2048xf32> -> vector<512x2048xf32>
    %get3A_109 = arith.constant 0 : index
    %get3A_110 = arith.constant 6144 : index
    %get3A_111 = vector.load %arg3[%get3A_109, %get3A_110] : memref<1x8192xf32, #tpu.memory_space<vmem>>, vector<1x2048xf32>
    %add3A_112 = vector.broadcast %get3A_6 : vector<512x1xf32> to vector<512x2048xf32>
    %add3A_113 = vector.broadcast %get3A_111 : vector<1x2048xf32> to vector<512x2048xf32>
    %add3A_114 = arith.addf %add3A_112, %add3A_113 : vector<512x2048xf32>
    %mul3A_115 = arith.constant 2.000000e+00 : f32
    %mul3A_116 = vector.broadcast %mul3A_115 : f32 to vector<512x2048xf32>
    %mul3A_117 = arith.mulf %mul3A_116, %dot_general3A_108 : vector<512x2048xf32>
    %sub3A_118 = arith.subf %add3A_114, %mul3A_117 : vector<512x2048xf32>
    %reduce_min3A_119 = arith.constant dense<0x7F800000> : vector<512xf32>
    %reduce_min3A_120 = vector.multi_reduction <minimumf>, %sub3A_118, %reduce_min3A_119 [1] : vector<512x2048xf32> to vector<512xf32>
    %broadcast_in_dim3A_121 = vector.shape_cast %reduce_min3A_120 : vector<512xf32> to vector<512x1xf32>
    %sub3A_122 = vector.broadcast %broadcast_in_dim3A_121 : vector<512x1xf32> to vector<512x2048xf32>
    %sub3A_123 = arith.subf %sub3A_118, %sub3A_122 : vector<512x2048xf32>
    %mul3A_124 = arith.constant 1.000000e+30 : f32
    %mul3A_125 = vector.broadcast %mul3A_124 : f32 to vector<512x2048xf32>
    %mul3A_126 = arith.mulf %sub3A_123, %mul3A_125 : vector<512x2048xf32>
    %add3A_127 = arith.addf %mul3A_126, %convert_element_type3A : vector<512x2048xf32>
    %reduce_min3A_128 = arith.constant dense<0x7F800000> : vector<512xf32>
    %reduce_min3A_129 = vector.multi_reduction <minimumf>, %add3A_127, %reduce_min3A_128 [1] : vector<512x2048xf32> to vector<512xf32>
    %broadcast_in_dim3A_130 = vector.shape_cast %reduce_min3A_129 : vector<512xf32> to vector<512x1xf32>
    %convert_element_type3A_131 = arith.fptosi %broadcast_in_dim3A_130 : vector<512x1xf32> to vector<512x1xi32>
    %add3A_132 = arith.constant 6144 : i32
    %add3A_133 = vector.broadcast %add3A_132 : i32 to vector<512x1xi32>
    %add3A_134 = arith.addi %convert_element_type3A_131, %add3A_133 : vector<512x1xi32>
    %le3A_135 = arith.cmpf ole, %convert_element_type3A_103, %broadcast_in_dim3A_121 : vector<512x1xf32>
    %select_n3A_136 = arith.select %le3A_135, %select_n3A_100, %add3A_134 : vector<512x1xi1>, vector<512x1xi32>
    %swap3A_137 = arith.constant 0 : index
    %swap3A_138 = arith.constant 0 : index
    %swap3A_139 = vector.load %arg6[%swap3A_137, %swap3A_138] : memref<512x1xi32, #tpu.memory_space<vmem>>, vector<512x1xi32>
    tpu.vector_store %arg6[%swap3A_137, %swap3A_138], %select_n3A_136 {strides = array<i32>} : memref<512x1xi32, #tpu.memory_space<vmem>>, vector<512x1xi32>,
    return
  }
  func.func @transform_0(%arg0: i32) -> (i32, i32) {
    %c0_i32 = arith.constant 0 : i32
    %c0_i32_0 = arith.constant 0 : i32
    return %c0_i32, %arg0 : i32, i32
  }
  func.func @transform_1(%arg0: i32) -> (i32, i32) {
    %c0_i32 = arith.constant 0 : i32
    %c0_i32_0 = arith.constant 0 : i32
    %c0_i32_1 = arith.constant 0 : i32
    return %c0_i32, %c0_i32_0 : i32, i32
  }
  func.func @transform_2(%arg0: i32) -> (i32, i32) {
    %c0_i32 = arith.constant 0 : i32
    %c0_i32_0 = arith.constant 0 : i32
    %c0_i32_1 = arith.constant 0 : i32
    return %c0_i32, %c0_i32_0 : i32, i32
  }
  func.func @transform_3(%arg0: i32) -> (i32, i32) {
    %c0_i32 = arith.constant 0 : i32
    %c0_i32_0 = arith.constant 0 : i32
    return %arg0, %c0_i32 : i32, i32
  }
  func.func @transform_4(%arg0: i32) -> (i32, i32) {
    %c0_i32 = arith.constant 0 : i32
    %c0_i32_0 = arith.constant 0 : i32
    return %arg0, %c0_i32 : i32, i32
  }
  func.func @transform_5(%arg0: i32) -> (i32, i32) {
    %c0_i32 = arith.constant 0 : i32
    %c0_i32_0 = arith.constant 0 : i32
    return %arg0, %c0_i32 : i32, i32
  }
}

</mosaic_0001>

<sc_bundles>
// kernel: kernel.5.cloned.1.call-start
scs
__scs_entry_jumppad:
0x0: {  	(pc) =	sbr.rel $0x88, $3  }
0x1: {  	(tag) =	ssettag $0x0;
	lr =	simm.s32 $0x1  }
0x2: {  	[smem:$0x3F9B] =	sst lr;
	_ =	strace $0xD0000000  }
0x3: {  	_ = 	snop  }
0x4: {  	_ = 	snop  }
0x5: {  	_ = 	snop  }
0x6: {  	_ = 	snop  }
0x7: {  	_ = 	snop  }
__scs_overlays_trampoline_lowered:
0x8: {  	[smem:$0x3FAA] =	sst s0  }
0x9: {  	[smem:$0x3FAB] =	sst s1  }
0xa: {  	[smem:$0x3FAC] =	sst s2  }
0xb: {  	[smem:$0x3FAD] =	sst s3  }
0xc: {  	[smem:$0x3FAE] =	sst s4  }
0xd: {  	[smem:$0x3FAF] =	sst s5  }
0xe: {  	[smem:$0x3FB0] =	sst s6  }
0xf: {  	[smem:$0x3FB1] =	sst s7  }
0x10: {  	[smem:$0x3FB2] =	sst s8  }
0x11: {  	[smem:$0x3FB3] =	sst s9;
	s0 =	simm.s32 @!p0 $0x0  }
0x12: {  	s1 =	sld [smem:$0x3F99];
	s0 =	simm.s32 @p0 $0x1  }
0x13: {  	[smem:$0x3FB4] =	sst s0;
	s0 =	simm.s32 @!p1 $0x0  }
0x14: {  	s2 =	sld [smem:$0x3F98];
	s0 =	simm.s32 @p1 $0x1  }
0x15: {  	[smem:$0x3FB5] =	sst s0;
	s0 =	simm.s32 @!p2 $0x0  }
0x16: {  	s3 =	sld [smem:$0x3FDB];
	s0 =	simm.s32 @p2 $0x1  }
0x17: {  	s4 =	simm.s32 $0x1BF5;
	[smem:$0x3FB7] =	sst s0  }
0x18: {  	s0 =	sld [smem:$0x3F9A];
	_ =	swait.ge [sflag:s4], $0x0  }
0x19: {  	s7 =	sld [smem:$0x3F9B]  }
0x1a: {  	s8 =	sadd.s32 $0xFFFFE003, lr  }
0x1b: {  	s9 =	sadd.s32 $0xFFFFFEF7, lr;
	s5 =	simm.s32 $0xFFFFFFFF;
	p2 =	slt.u32 s8, $0xFFFFF086  }
0x1c: {  	p1 =	slt.u32 s9, $0xF7A;
	s5 =	simm.s32 @!p2 $0x0  }
0x1d: {  	s5 =	simm.s32 @p1 $0x1;
	p0 =	seq.s32 s7, s2  }
0x1e: {  	s7 =	smul.u32 @!p0 $0xF7A, s2;
	p2 =	seq.s32 @!p0 s5, $0x0  }
0x1f: {  	s9 =	smul.u32 $0xF7A, s1;
	s8 =	simm.s32 @!p0 $0x1BF5;
	p2 =	por !p2, p0  }
0x20: {  	[sflag:s8] =	ssyncset.s32 @!p0 $0xFFFFF086;
	s6 =	sadd.s32 @!p0 s3, s7;
	s7 =	simm.s32 @!p0 $0x108  }
0x21: {  	s3 =	sadd.s32 s3, s9;
	s6 =	sadd.s32 @!p0 $0x88, s6;
	s7 =	simm.s32 @p2 $0x1082  }
0x22: {  	[simem:s7], [sflag:s8] =	dma.local @!p0 [hbm:s6], $0xF7A  }
0x23: {  	s9 =	sor.u32 $0xD0000000, s2;
	s6 =	simm.s32 $0x108;
	_ =	swait.ge @!p0 [sflag:s8], $0x0  }
0x24: {  	s3 =	sadd.s32 $0x88, s3;
	s6 =	simm.s32 @!p1 $0x1082;
	[sflag:s4] =	ssyncset.s32 $0xFFFFF086  }
0x25: {  	[simem:s6], [sflag:s4] =	dma.local [hbm:s3], $0xF7A  }
0x26: {  	[smem:$0x3F9B] =	sst s1;
	(tag) =	ssettag s2;
	_ =	strace s9  }
0x27: {  	s1 =	sld [smem:$0x3FAB]  }
0x28: {  	s2 =	sld [smem:$0x3FAC]  }
0x29: {  	s4 =	sld [smem:$0x3FAE]  }
0x2a: {  	p0 =	seq.s32 s5, $0x0;
	s5 =	sld [smem:$0x3FAF]  }
0x2b: {  	s6 =	sld [smem:$0x3FB0]  }
0x2c: {  	s7 =	sld [smem:$0x3FB1]  }
0x2d: {  	s3 =	simm.s32 $0x108;
	s8 =	sld [smem:$0x3FB2]  }
0x2e: {  	s3 =	simm.s32 @!p0 $0x1082;
	s9 =	sld [smem:$0x3FB3]  }
0x2f: {  	lr =	sadd.s32 s0, s3;
	s0 =	sld [smem:$0x3FAA]  }
0x30: {  	s3 =	sld [smem:$0x3FAD]  }
0x31: {  	[smem:$0x3FB6] =	sst s10  }
0x32: {  	s10 =	sld [smem:$0x3FB4];
	_ =	sdelay $0x3  }
0x33: {  	p0 =	seq.s32 s10, $0x1;
	s10 =	sld [smem:$0x3FB6];
	_ =	sdelay $0x3  }
0x34: {  	[smem:$0x3FB6] =	sst s10  }
0x35: {  	s10 =	sld [smem:$0x3FB5];
	_ =	sdelay $0x3  }
0x36: {  	p1 =	seq.s32 s10, $0x1;
	s10 =	sld [smem:$0x3FB6];
	_ =	sdelay $0x3  }
0x37: {  	[smem:$0x3FB6] =	sst s10  }
0x38: {  	s10 =	sld [smem:$0x3FB7]  }
0x39: {  	_ = 	snop;
	(pc) =	sbr.ind lr, $3  }
0x3a: {  	_ = 	snop  }
0x3b: {  	_ = 	snop  }
0x3c: {  	p2 =	seq.s32 s10, $0x1;
	s10 =	sld [smem:$0x3FB6]  }
0x3d: {  	_ =	shalt  }
0x3e: {  	_ =	shalt  }
0x3f: {  	_ =	shalt  }
0x40: {  	_ =	shalt  }
0x41: {  	_ =	shalt  }
0x42: {  	_ =	shalt  }
0x43: {  	_ =	shalt  }
0x44: {  	_ =	shalt  }
0x45: {  	_ =	shalt  }
0x46: {  	_ =	shalt  }
0x47: {  	_ =	shalt  }
0x48: {  	_ =	shalt  }
0x49: {  	_ =	shalt  }
0x4a: {  	_ =	shalt  }
0x4b: {  	_ =	shalt  }
0x4c: {  	_ =	shalt  }
0x4d: {  	_ =	shalt  }
0x4e: {  	_ =	shalt  }
0x4f: {  	_ =	shalt  }
0x50: {  	_ =	shalt  }
0x51: {  	_ =	shalt  }
0x52: {  	_ =	shalt  }
0x53: {  	_ =	shalt  }
0x54: {  	_ =	shalt  }
0x55: {  	_ =	shalt  }
0x56: {  	_ =	shalt  }
0x57: {  	_ =	shalt  }
0x58: {  	_ =	shalt  }
0x59: {  	_ =	shalt  }
0x5a: {  	_ =	shalt  }
0x5b: {  	_ =	shalt  }
0x5c: {  	_ =	shalt  }
0x5d: {  	_ =	shalt  }
0x5e: {  	_ =	shalt  }
0x5f: {  	_ =	shalt  }
0x60: {  	_ =	shalt  }
0x61: {  	_ =	shalt  }
0x62: {  	_ =	shalt  }
0x63: {  	_ =	shalt  }
0x64: {  	_ =	shalt  }
0x65: {  	_ =	shalt  }
0x66: {  	_ =	shalt  }
0x67: {  	_ =	shalt  }
0x68: {  	_ =	shalt  }
0x69: {  	_ =	shalt  }
0x6a: {  	_ =	shalt  }
0x6b: {  	_ =	shalt  }
0x6c: {  	_ =	shalt  }
0x6d: {  	_ =	shalt  }
0x6e: {  	_ =	shalt  }
0x6f: {  	_ =	shalt  }
0x70: {  	_ =	shalt  }
0x71: {  	_ =	shalt  }
0x72: {  	_ =	shalt  }
0x73: {  	_ =	shalt  }
0x74: {  	_ =	shalt  }
0x75: {  	_ =	shalt  }
0x76: {  	_ =	shalt  }
0x77: {  	_ =	shalt  }
0x78: {  	_ =	shalt  }
0x79: {  	_ =	shalt  }
0x7a: {  	_ =	shalt  }
0x7b: {  	_ =	shalt  }
0x7c: {  	_ =	shalt  }
0x7d: {  	_ =	shalt  }
0x7e: {  	_ =	shalt  }
0x7f: {  	_ =	shalt  }
0x80: {  	_ =	shalt  }
0x81: {  	_ =	shalt  }
0x82: {  	_ =	shalt  }
0x83: {  	_ =	shalt  }
0x84: {  	_ =	shalt  }
0x85: {  	_ =	shalt  }
0x86: {  	_ =	shalt  }
0x87: {  	_ =	shalt  }
.Lfunc_end0:
.L_simem_size_0:
called_computation_lowered:
.L_overlay_start_0:
0x88: {  	s2 =	sld [smem:$0x3FD9]  }
0x89: {  	s3 =	sld [smem:$0x3FFE];
	_ =	sdelay $0x1  }
0x8a: {  	s1 =	srdreg.scid  }
0x8b: {  	s0 =	sand.u32 $0x1, s1  }
0x8c: {  	s14 =	sshll.u32 s0, $0xA;
	s2 =	sadd.s32 s3, s2  }
0x8d: {  	s2 =	sadd.s32 s2, s14  }
0x8e: {  	[smem:$0x3FC2] =	sst s2  }
0x8f: {  	_ = 	snop  }
0x90: {  	s2 =	sld [smem:$0x3FD0];
	_ =	sdelay $0x2  }
0x91: {  	s4 =	simm.s32 $0xA;
	s5 =	simm.s32 $0x10;
	s15 =	sld [smem:$0x3FC6]  }
0x92: {  	[smem:s5], [sflag:s4] =	dma.local [hbm:s2], $0x1  }
0x93: {  	_ =	swait.eq [sflag:s4], $0x1  }
0x94: {  	s16 =	sld [smem:$0x10];
	[sflag:s4] =	ssyncset.done $0x0  }
0x95: {  	s17 =	sld [smem:$0x12];
	[sflag:s4] =	ssyncadd.s32 $0xFFFFFFFF  }
0x96: {  	s18 =	sld [smem:$0x13];
	(tm) =	ssettm $0x1  }
0x97: {  	s6 =	sld [smem:$0x3FFB];
	_ =	sdelay $0x3  }
0x98: {  	_ =	strace s6  }
0x99: {  	s6 =	sld [smem:$0x3FFC];
	_ =	sdelay $0x3  }
0x9a: {  	_ =	strace s6  }
0x9b: {  	s6 =	sld [smem:$0x3FFD];
	_ =	sdelay $0x3  }
0x9c: {  	_ =	strace s6  }
0x9d: {  	_ =	strace $0x8FFFFFFF  }
0x9e: {  	s19 =	sld [smem:$0x3FDB];
	_ =	sdelay $0x1  }
0x9f: {  	s7 =	simm.s32 $_scs_section_size  }
0xa0: {  	s8 =	simm.s32 $_size__tile_overlayer_lowered;
	s9 =	simm.s32 $_tile_overlayer_lowered  }
0xa1: {  	s22 =	simm.s32 $0x1BFF;
	s21 =	sshll.u32 s9, $0x1;
	s6 =	sadd.s32 s7, s19  }
0xa2: {  	s10 =	simm.s32 $0x0;
	s20 =	sshll.u32 s8, $0x1;
	s8 =	sadd.s32 s21, s6  }
0xa3: {  	[timem:s10], [sflag:s22] =	dma.local [hbm:s8], s20  }
0xa4: {  	_ =	swait.ge [sflag:s22], s20  }
0xa5: {  	s7 =	ssub.s32 $0x0, s20;
	[sflag:s22] =	ssyncset.done $0x0  }
0xa6: {  	[sflag:s22] =	ssyncadd.s32 s7;
	_ =	sdelay $0x1  }
0xa7: {  	s23 =	simm.s32 $0x1B8B  }
0xa8: {  	_ =	swait.ge [sflag:s23], $0x1  }
0xa9: {  	[sflag:s23] =	ssyncset.done $0x0  }
0xaa: {  	s25 =	simm.s32 $0x1B8E;
	s24 =	sld [smem:$0x3FFE];
	[sflag:s23] =	ssyncadd.s32 $0xFFFFFFFF  }
0xab: {  	s26 =	simm.s32 $execute0_lowered;
	[smem:$0x3FD2] =	sst s25  }
0xac: {  	s8 =	sshll.u32 s26, $0x1;
	_ =	strace $0x80000046;
	[dreg:$0x1] =	wrdreg $0xFFFFFFFF  }
0xad: {  	s28 =	simm.s32 $_size_execute0_lowered;
	s6 =	sadd.s32 s6, s8;
	[dreg:$0x0] =	wrdreg $0x0  }
0xae: {  	s8 =	sshll.u32 s28, $0x1;
	[dreg:$0x2] =	wrdreg s6  }
0xaf: {  	[dreg:$0x3] =	wrdreg s8  }
0xb0: {  	[dreg:$0x4] =	wrdreg $0xC0  }
0xb1: {  	_ =	task [dreg:s10], $0x5FFFF  }
0xb2: {  	[dreg:$0x1] =	wrdreg $0xFFFFFFFF  }
0xb3: {  	[dreg:$0x0] =	wrdreg $0x60  }
0xb4: {  	[dreg:$0x2] =	wrdreg s15  }
0xb5: {  	[dreg:$0x3] =	wrdreg s24  }
0xb6: {  	[dreg:$0x4] =	wrdreg s18  }
0xb7: {  	[dreg:$0x5] =	wrdreg s17  }
0xb8: {  	[dreg:$0x6] =	wrdreg s16  }
0xb9: {  	[dreg:$0x7] =	wrdreg $0x9  }
0xba: {  	_ =	task.clear_ibuf [dreg:s10], $0x8FFFF;
	_ =	strace $0x90000046  }
0xbb: {  	s29 =	simm.s32 $0x9;
	_ =	strace $0x80000048  }
0xbc: {  	_ =	swait.ge [sflag:s29], $0x1  }
0xbd: {  	[sflag:s29] =	ssyncadd.s32 $0xFFFFFFFF  }
0xbe: {  	_ =	strace $0x90000048  }
0xbf: {  	_ =	sfence  }
0xc0: {  	s30 =	sld [smem:$0x0];
	_ =	sdelay $0x2  }
0xc1: {  	s31 =	sshll.u32 s1, $0xD;
	s1 =	sshrl.u32 s1, $0x2  }
0xc2: {  	s3 =	sand.u32 $0x4000, s31;
	s1 =	sadd.s32 s1, s30  }
0xc3: {  	s0 =	sor.u32 s3, s0;
	s1 =	sshll.u32 s1, $0x11  }
0xc4: {  	s0 =	sor.u32 s1, s0  }
0xc5: {  	s0 =	sadd.s32 $0x8F2B, s0  }
0xc6: {  	[sflag:s0] =	ssyncadd.remote.s32 $0x1  }
0xc7: {  	_ =	sfence.sel $0xFFFF  }
0xc8: {  	[dreg:$0x0] =	wrdreg $0xFFFFFFFF;
	(pc) =	sbr.abs _section_cstart, $3  }
0xc9: {  	[dreg:$0x1] =	wrdreg $0xFFFFFFFF  }
0xca: {  	_ =	task.clear_ibuf [dreg:s10], $0x2FFFF;
	_ =	strace $0x9FFFFFFF  }
0xcb: {  	(tm) =	ssettm $0x7FFFFFFF  }
tec
execute0_lowered:
.L_overlay_start_1:
0x0: {  	(tag) =	ssettag $0x1  }
0x1: {  	s1 =	rddreg [dreg:$0x0]  }
0x2: {  	s0 =	rddreg [dreg:$0x1]  }
0x3: {  	s3 =	srdreg.scid;
	s5 =	stileid.u32  }
0x4: {  	s4 =	rddreg [dreg:$0x2];
	s7 =	sand.u32 $0x1, s3;
	s14 =	sshll.u32 s5, $0x1  }
0x5: {  	s2 =	rddreg [dreg:$0x3];
	s8 =	sor.u32 s7, s14  }
0x6: {  	s6 =	rddreg [dreg:$0x4];
	s3 =	simm.s32 $0x0;
	s5 =	smul.u32 $0x240, s8  }
0x7: {  	[smem:$0x7FF] =	sst s3;
	s8 =	smul.u32 $0x4800, s8  }
0x8: {  	s7 =	ssub.s32 $0x2, s7;
	_ =	strace $0x80000047;
	s9 =	sshrl.u32 s5, $0x3  }
0x9: {  	s10 =	sor.u32 $0x30, s5;
	s8 =	sadd.s32 s2, s8;
	s17 =	sadd.s32 $0x60, s5  }
0xa: {  	s21 =	sadd.s32 $0x90, s5;
	s24 =	sadd.s32 $0xC0, s5;
	s28 =	sadd.s32 $0xF0, s5  }
0xb: {  	s31 =	sadd.s32 $0x120, s5;
	s11 =	sadd.s32 s4, s9;
	s12 =	sshrl.u32 s10, $0x3  }
0xc: {  	s9 =	smul.u32 $0x300, s9;
	[dreg:$0x8] =	wrdreg s8;
	s18 =	sshrl.u32 s17, $0x3  }
0xd: {  	s10 =	sshll.u32 s10, $0x5;
	s22 =	sshrl.u32 s21, $0x3;
	s25 =	sshrl.u32 s24, $0x3  }
0xe: {  	s29 =	sshrl.u32 s28, $0x3;
	s13 =	sshrl.u32 s31, $0x3;
	[dreg:$0x6] =	wrdreg s11  }
0xf: {  	s15 =	sadd.s32 s4, s12;
	s19 =	sadd.s32 s4, s18;
	s12 =	smul.u32 $0x300, s12  }
0x10: {  	s10 =	sadd.s32 s2, s10;
	s23 =	sadd.s32 s4, s22;
	[dreg:$0x7] =	wrdreg s15  }
0x11: {  	s8 =	smul.u32 $0x300, s18;
	s26 =	sadd.s32 s4, s25;
	[dreg:$0xa] =	wrdreg s19  }
0x12: {  	s11 =	sshll.u32 s21, $0x5;
	s30 =	sadd.s32 s4, s29;
	[dreg:$0xb] =	wrdreg s10  }
0x13: {  	s14 =	sadd.s32 s4, s13;
	s18 =	sadd.s32 $0x180, s5;
	[dreg:$0xd] =	wrdreg s23  }
0x14: {  	s21 =	sadd.s32 $0x1B0, s5;
	s16 =	sadd.s32 s6, s9;
	[dreg:$0x10] =	wrdreg s26  }
0x15: {  	s9 =	sshll.u32 s17, $0x5;
	s10 =	smul.u32 $0x300, s22;
	[dreg:$0x13] =	wrdreg s30  }
0x16: {  	s11 =	sadd.s32 s2, s11;
	[dreg:$0x16] =	wrdreg s14;
	s15 =	sadd.s32 $0x150, s5  }
0x17: {  	s19 =	sshrl.u32 s18, $0x3;
	s22 =	sshrl.u32 s21, $0x3;
	[dreg:$0x9] =	wrdreg s16  }
0x18: {  	s14 =	simm.s32 $0x1;
	s20 =	sadd.s32 s6, s12;
	[dreg:$0x11] =	wrdreg s11  }
0x19: {  	s9 =	sadd.s32 s2, s9;
	s8 =	sadd.s32 s6, s8;
	[dreg:$0xc] =	wrdreg s20  }
0x1a: {  	s11 =	sshll.u32 s28, $0x5;
	s16 =	sshrl.u32 s15, $0x3;
	[dreg:$0xe] =	wrdreg s9  }
0x1b: {  	s23 =	sadd.s32 s4, s22;
	[dreg:$0xf] =	wrdreg s8;
	s10 =	sadd.s32 s6, s10  }
0x1c: {  	s9 =	sshll.u32 s24, $0x5;
	s8 =	smul.u32 $0x300, s25;
	[dreg:$0x1f] =	wrdreg s23  }
0x1d: {  	s11 =	sadd.s32 s2, s11;
	s17 =	sadd.s32 s4, s16;
	[dreg:$0x12] =	wrdreg s10  }
0x1e: {  	s20 =	sadd.s32 s4, s19;
	s24 =	sadd.s32 $0x1E0, s5;
	[dreg:$0x17] =	wrdreg s11  }
0x1f: {  	s5 =	sadd.s32 $0x210, s5;
	s9 =	sadd.s32 s2, s9;
	[dreg:$0x19] =	wrdreg s17  }
0x20: {  	s10 =	smul.u32 $0x300, s29;
	s11 =	sshll.u32 s15, $0x5;
	[dreg:$0x1c] =	wrdreg s20  }
0x21: {  	s25 =	sshrl.u32 s24, $0x3;
	s28 =	sshrl.u32 s5, $0x3;
	s29 =	sshrl.u32 s7, $0x1  }
0x22: {  	s5 =	sshll.u32 s5, $0x5;
	s17 =	simm.s32 $0x2;
	s15 =	simm.s32 $0x100  }
0x23: {  	[dreg:$0x14] =	wrdreg s9;
	s8 =	sadd.s32 s6, s8;
	s9 =	sshll.u32 s31, $0x5  }
0x24: {  	s11 =	sadd.s32 s2, s11;
	s26 =	sadd.s32 s4, s25;
	[dreg:$0x15] =	wrdreg s8  }
0x25: {  	s4 =	sadd.s32 s4, s28;
	s30 =	smul.u32 $0x300, s28;
	[dreg:$0x1d] =	wrdreg s11  }
0x26: {  	s7 =	ssub.s32 s7, s29;
	s10 =	sadd.s32 s6, s10;
	[smem:$0x7F6] =	sst s26  }
0x27: {  	s8 =	smul.u32 $0x300, s13;
	s9 =	sadd.s32 s2, s9;
	[smem:$0x7F9] =	sst s4  }
0x28: {  	s11 =	sshll.u32 s21, $0x5;
	s4 =	sadd.s32 $0xA00, s0;
	[dreg:$0x18] =	wrdreg s10  }
0x29: {  	[dreg:$0x1a] =	wrdreg s9;
	s10 =	smul.u32 $0x300, s16;
	s11 =	sadd.s32 s2, s11  }
0x2a: {  	s9 =	sshll.u32 s18, $0x5;
	s31 =	sadd.s32 s6, s30;
	[smem:$0x7F7] =	sst s11  }
0x2b: {  	s16 =	simm.s32 $0x3;
	s8 =	sadd.s32 s6, s8;
	[smem:$0x7FD] =	sst s31  }
0x2c: {  	s18 =	simm.s32 $0x3100;
	s9 =	sadd.s32 s2, s9;
	[dreg:$0x1b] =	wrdreg s8  }
0x2d: {  	s10 =	sadd.s32 s6, s10;
	[smem:$0x7F4] =	sst s9;
	s9 =	sshll.u32 s24, $0x5  }
0x2e: {  	s8 =	smul.u32 $0x300, s19;
	[dreg:$0x1e] =	wrdreg s10;
	s9 =	sadd.s32 s2, s9  }
0x2f: {  	s10 =	smul.u32 $0x300, s22;
	s2 =	sadd.s32 s2, s5;
	[smem:$0x7FA] =	sst s9  }
0x30: {  	s11 =	simm.s32 $0x6100;
	s8 =	sadd.s32 s6, s8;
	[smem:$0x7FC] =	sst s2  }
0x31: {  	[smem:$0x7F5] =	sst s8;
	s10 =	sadd.s32 s6, s10;
	s8 =	smul.u32 $0x300, s25  }
0x32: {  	v2 =	vlaneseq.u32;
	s19 =	simm.s32 $0x4;
	s5 =	sadd.s32 $0xB00, s0;
	[smem:$0x7F8] =	sst s10  }
0x33: {  	vm0 =	vmmov $0xffff;
	v1 =	vshrl.u32 v2, $0x3;
	s8 =	sadd.s32 s6, s8;
	s6 =	sadd.s32 $0xC00, s0;
	s0 =	smax.u32 s7, $0x1  }
0x34: {  	v0 =	vand.u32 $0x7, v2;
	v2 =	vor.u32 $0x8, v2;
	v1 =	vmul.u32 $0x8, v1;
	s7 =	simm.s32 $0xF100;
	[smem:$0x7FB] =	sst s8;
	s8 =	simm.s32 $0x5  }
.LBB2_1:
0x35: {  	[smem:$0x7F3] =	sst s0  }
0x36: {  	s20 =	rddreg [dreg:$0x6]  }
0x37: {  	[tilespmem:s3], [sflag:$0x5] =	stream.linear.gather [hbm4b:s20+s3], $0x30, $0x38;
	[tilespmem:$0x18100] =	vst v63  }
0x38: {  	_ =	swait.ge [sflag:s8], $0x30  }
0x39: {  	[sflag:s8] =	ssyncset.done $0x0  }
0x3a: {  	[sflag:s8] =	ssyncadd.s32 $0xFFFFFFD0  }
0x3b: {  	v3 =	vld [tilespmem:$0x0];
	_ =	sdelay $0x4  }
0x3c: {  	v4 =	vshll.u32 v3, $0x1  }
0x3d: {  	v3 =	vand.u32 $0x7, v3;
	v4 =	vand.u32 $0xFFFFFFF0, v4  }
0x3e: {  	v3 =	vor.u32 v3, v4  }
0x3f: {  	v4 =	vperm.xlane v3, v0;
	_ =	sdelay $0x1  }
0x40: {  	v3 =	vperm.xlane v3, v2;
	v4 =	vadd.s32 v1, v4;
	_ =	sdelay $0x1  }
0x41: {  	v3 =	vadd.s32 v1, v3;
	_ =	sdelay $0x2  }
0x42: {  	[tilespmem:s15], [sflag:$0x1] =	stream.indirect_vreg.gather [hbm4b:s1+s3], $0x80, v4, vm0, $0xb8;
	[tilespmem:$0x18100] =	vst v63  }
0x43: {  	s20 =	simm.s32 $0x900  }
0x44: {  	[tilespmem:s20], [sflag:$0x1] =	stream.indirect_vreg.gather [hbm4b:s1+s3], $0x80, v3, vm0, $0xb8;
	[tilespmem:$0x18100] =	vst v63  }
0x45: {  	v3 =	vld [tilespmem:$0x10];
	_ =	sdelay $0x4  }
0x46: {  	v49 =	vshll.u32 v3, $0x1  }
0x47: {  	v3 =	vand.u32 $0x7, v3;
	v4 =	vand.u32 $0xFFFFFFF0, v49  }
0x48: {  	v3 =	vor.u32 v3, v4  }
0x49: {  	v4 =	vperm.xlane v3, v0;
	_ =	sdelay $0x1  }
0x4a: {  	v3 =	vperm.xlane v3, v2;
	v4 =	vadd.s32 v1, v4;
	_ =	sdelay $0x1  }
0x4b: {  	v3 =	vadd.s32 v1, v3;
	_ =	sdelay $0x1  }
0x4c: {  	s21 =	simm.s32 $0x1100  }
0x4d: {  	[tilespmem:s21], [sflag:$0x1] =	stream.indirect_vreg.gather [hbm4b:s1+s3], $0x80, v4, vm0, $0xb8;
	[tilespmem:$0x18100] =	vst v63  }
0x4e: {  	s22 =	simm.s32 $0x1900  }
0x4f: {  	[tilespmem:s22], [sflag:$0x1] =	stream.indirect_vreg.gather [hbm4b:s1+s3], $0x80, v3, vm0, $0xb8;
	[tilespmem:$0x18100] =	vst v63  }
0x50: {  	v3 =	vld [tilespmem:$0x20];
	_ =	sdelay $0x4  }
0x51: {  	v50 =	vshll.u32 v3, $0x1  }
0x52: {  	v3 =	vand.u32 $0x7, v3;
	v4 =	vand.u32 $0xFFFFFFF0, v50  }
0x53: {  	v3 =	vor.u32 v3, v4  }
0x54: {  	v4 =	vperm.xlane v3, v0;
	_ =	sdelay $0x1  }
0x55: {  	v3 =	vperm.xlane v3, v2;
	v4 =	vadd.s32 v1, v4;
	_ =	sdelay $0x1  }
0x56: {  	v3 =	vadd.s32 v1, v3;
	_ =	sdelay $0x1  }
0x57: {  	s23 =	simm.s32 $0x2100  }
0x58: {  	[tilespmem:s23], [sflag:$0x1] =	stream.indirect_vreg.gather [hbm4b:s1+s3], $0x80, v4, vm0, $0xb8;
	[tilespmem:$0x18100] =	vst v63  }
0x59: {  	s24 =	simm.s32 $0x2900  }
0x5a: {  	[tilespmem:s24], [sflag:$0x1] =	stream.indirect_vreg.gather [hbm4b:s1+s3], $0x80, v3, vm0, $0xb8;
	[tilespmem:$0x18100] =	vst v63  }
0x5b: {  	v3 =	vld [tilespmem:$0x0];
	_ =	sdelay $0x4  }
0x5c: {  	v51 =	vshrl.u32 v3, $0x3  }
0x5d: {  	v4 =	vmul.u32 $0x30, v51  }
0x5e: {  	v3 =	vand.u32 $0x7, v3  }
0x5f: {  	v3 =	vor.u32 v3, v4  }
0x60: {  	v4 =	vperm.xlane v3, v0;
	_ =	sdelay $0x1  }
0x61: {  	v4 =	vadd.s32 v1, v4;
	_ =	sdelay $0x3  }
0x62: {  	v3 =	vperm.xlane v3, v2  }
0x63: {  	[tilespmem:s11], [sflag:$0x3] =	stream.indirect_vreg.gather [hbm4b:s4+s3], $0x80, v4, vm0, $0xb8;
	[tilespmem:$0x18100] =	vst v63  }
0x64: {  	s25 =	simm.s32 $0x6900;
	v3 =	vadd.s32 v1, v3  }
0x65: {  	[tilespmem:s25], [sflag:$0x3] =	stream.indirect_vreg.gather [hbm4b:s5+s3], $0x80, v4, vm0, $0xb8;
	[tilespmem:$0x18100] =	vst v63  }
0x66: {  	s26 =	simm.s32 $0x7100  }
0x67: {  	[tilespmem:s26], [sflag:$0x3] =	stream.indirect_vreg.gather [hbm4b:s6+s3], $0x80, v4, vm0, $0xb8;
	[tilespmem:$0x18100] =	vst v63  }
0x68: {  	s28 =	simm.s32 $0x7900  }
0x69: {  	[tilespmem:s28], [sflag:$0x3] =	stream.indirect_vreg.gather [hbm4b:s4+s3], $0x80, v3, vm0, $0xb8;
	[tilespmem:$0x18100] =	vst v63  }
0x6a: {  	s29 =	simm.s32 $0x8100  }
0x6b: {  	[tilespmem:s29], [sflag:$0x3] =	stream.indirect_vreg.gather [hbm4b:s5+s3], $0x80, v3, vm0, $0xb8;
	[tilespmem:$0x18100] =	vst v63  }
0x6c: {  	s30 =	simm.s32 $0x8900  }
0x6d: {  	[tilespmem:s30], [sflag:$0x3] =	stream.indirect_vreg.gather [hbm4b:s6+s3], $0x80, v3, vm0, $0xb8;
	[tilespmem:$0x18100] =	vst v63  }
0x6e: {  	v3 =	vld [tilespmem:$0x10];
	_ =	sdelay $0x4  }
0x6f: {  	v52 =	vshrl.u32 v3, $0x3  }
0x70: {  	v4 =	vmul.u32 $0x30, v52  }
0x71: {  	v3 =	vand.u32 $0x7, v3  }
0x72: {  	v3 =	vor.u32 v3, v4  }
0x73: {  	v4 =	vperm.xlane v3, v0;
	_ =	sdelay $0x1  }
0x74: {  	v4 =	vadd.s32 v1, v4;
	_ =	sdelay $0x3  }
0x75: {  	s31 =	simm.s32 $0x9100;
	v3 =	vperm.xlane v3, v2  }
0x76: {  	[tilespmem:s31], [sflag:$0x3] =	stream.indirect_vreg.gather [hbm4b:s4+s3], $0x80, v4, vm0, $0xb8;
	[tilespmem:$0x18100] =	vst v63  }
0x77: {  	s2 =	simm.s32 $0x9900;
	v3 =	vadd.s32 v1, v3  }
0x78: {  	[tilespmem:s2], [sflag:$0x3] =	stream.indirect_vreg.gather [hbm4b:s5+s3], $0x80, v4, vm0, $0xb8;
	[tilespmem:$0x18100] =	vst v63  }
0x79: {  	s20 =	simm.s32 $0xA100  }
0x7a: {  	[tilespmem:s20], [sflag:$0x3] =	stream.indirect_vreg.gather [hbm4b:s6+s3], $0x80, v4, vm0, $0xb8;
	[tilespmem:$0x18100] =	vst v63  }
0x7b: {  	s22 =	simm.s32 $0xA900  }
0x7c: {  	[tilespmem:s22], [sflag:$0x3] =	stream.indirect_vreg.gather [hbm4b:s4+s3], $0x80, v3, vm0, $0xb8;
	[tilespmem:$0x18100] =	vst v63  }
0x7d: {  	s23 =	simm.s32 $0xB100  }
0x7e: {  	[tilespmem:s23], [sflag:$0x3] =	stream.indirect_vreg.gather [hbm4b:s5+s3], $0x80, v3, vm0, $0xb8;
	[tilespmem:$0x18100] =	vst v63  }
0x7f: {  	s24 =	simm.s32 $0xB900  }
0x80: {  	[tilespmem:s24], [sflag:$0x3] =	stream.indirect_vreg.gather [hbm4b:s6+s3], $0x80, v3, vm0, $0xb8;
	[tilespmem:$0x18100] =	vst v63  }
0x81: {  	v3 =	vld [tilespmem:$0x20];
	_ =	sdelay $0x4  }
0x82: {  	v53 =	vshrl.u32 v3, $0x3  }
0x83: {  	v4 =	vmul.u32 $0x30, v53  }
0x84: {  	v3 =	vand.u32 $0x7, v3  }
0x85: {  	v3 =	vor.u32 v3, v4  }
0x86: {  	v4 =	vperm.xlane v3, v0;
	_ =	sdelay $0x1  }
0x87: {  	v4 =	vadd.s32 v1, v4;
	_ =	sdelay $0x3  }
0x88: {  	s25 =	simm.s32 $0xC100;
	v3 =	vperm.xlane v3, v2  }
0x89: {  	[tilespmem:s25], [sflag:$0x3] =	stream.indirect_vreg.gather [hbm4b:s4+s3], $0x80, v4, vm0, $0xb8;
	[tilespmem:$0x18100] =	vst v63  }
0x8a: {  	s26 =	simm.s32 $0xC900;
	v3 =	vadd.s32 v1, v3  }
0x8b: {  	[tilespmem:s26], [sflag:$0x3] =	stream.indirect_vreg.gather [hbm4b:s5+s3], $0x80, v4, vm0, $0xb8;
	[tilespmem:$0x18100] =	vst v63  }
0x8c: {  	s28 =	simm.s32 $0xD100  }
0x8d: {  	[tilespmem:s28], [sflag:$0x3] =	stream.indirect_vreg.gather [hbm4b:s6+s3], $0x80, v4, vm0, $0xb8;
	[tilespmem:$0x18100] =	vst v63  }
0x8e: {  	s29 =	simm.s32 $0xD900  }
0x8f: {  	[tilespmem:s29], [sflag:$0x3] =	stream.indirect_vreg.gather [hbm4b:s4+s3], $0x80, v3, vm0, $0xb8;
	[tilespmem:$0x18100] =	vst v63  }
0x90: {  	s30 =	simm.s32 $0xE100  }
0x91: {  	[tilespmem:s30], [sflag:$0x3] =	stream.indirect_vreg.gather [hbm4b:s5+s3], $0x80, v3, vm0, $0xb8;
	[tilespmem:$0x18100] =	vst v63  }
0x92: {  	s2 =	simm.s32 $0xE900  }
0x93: {  	[tilespmem:s2], [sflag:$0x3] =	stream.indirect_vreg.gather [hbm4b:s6+s3], $0x80, v3, vm0, $0xb8;
	[tilespmem:$0x18100] =	vst v63  }
0x94: {  	s31 =	rddreg [dreg:$0x7];
	s2 =	simm.s32 $0x80  }
0x95: {  	[tilespmem:s2], [sflag:$0x5] =	stream.linear.gather [hbm4b:s31+s3], $0x30, $0x38;
	[tilespmem:$0x18100] =	vst v63  }
0x96: {  	_ =	swait.ge [sflag:s8], $0x30  }
0x97: {  	[sflag:s8] =	ssyncset.done $0x0  }
0x98: {  	[sflag:s8] =	ssyncadd.s32 $0xFFFFFFD0  }
0x99: {  	v3 =	vld [tilespmem:$0x80];
	_ =	sdelay $0x4  }
0x9a: {  	v54 =	vshll.u32 v3, $0x1  }
0x9b: {  	v3 =	vand.u32 $0x7, v3;
	v4 =	vand.u32 $0xFFFFFFF0, v54  }
0x9c: {  	v3 =	vor.u32 v3, v4  }
0x9d: {  	v4 =	vperm.xlane v3, v0;
	_ =	sdelay $0x1  }
0x9e: {  	v3 =	vperm.xlane v3, v2;
	v4 =	vadd.s32 v1, v4;
	_ =	sdelay $0x1  }
0x9f: {  	v3 =	vadd.s32 v1, v3;
	_ =	sdelay $0x2  }
0xa0: {  	[tilespmem:s18], [sflag:$0x2] =	stream.indirect_vreg.gather [hbm4b:s1+s3], $0x80, v4, vm0, $0xb8;
	[tilespmem:$0x18100] =	vst v63  }
0xa1: {  	s24 =	simm.s32 $0x3900  }
0xa2: {  	[tilespmem:s24], [sflag:$0x2] =	stream.indirect_vreg.gather [hbm4b:s1+s3], $0x80, v3, vm0, $0xb8;
	[tilespmem:$0x18100] =	vst v63  }
0xa3: {  	v3 =	vld [tilespmem:$0x90];
	_ =	sdelay $0x4  }
0xa4: {  	v55 =	vshll.u32 v3, $0x1  }
0xa5: {  	v3 =	vand.u32 $0x7, v3;
	v4 =	vand.u32 $0xFFFFFFF0, v55  }
0xa6: {  	v3 =	vor.u32 v3, v4  }
0xa7: {  	v4 =	vperm.xlane v3, v0;
	_ =	sdelay $0x1  }
0xa8: {  	v3 =	vperm.xlane v3, v2;
	v4 =	vadd.s32 v1, v4;
	_ =	sdelay $0x1  }
0xa9: {  	v3 =	vadd.s32 v1, v3;
	_ =	sdelay $0x1  }
0xaa: {  	s25 =	simm.s32 $0x4100  }
0xab: {  	[tilespmem:s25], [sflag:$0x2] =	stream.indirect_vreg.gather [hbm4b:s1+s3], $0x80, v4, vm0, $0xb8;
	[tilespmem:$0x18100] =	vst v63  }
0xac: {  	s26 =	simm.s32 $0x4900  }
0xad: {  	[tilespmem:s26], [sflag:$0x2] =	stream.indirect_vreg.gather [hbm4b:s1+s3], $0x80, v3, vm0, $0xb8;
	[tilespmem:$0x18100] =	vst v63  }
0xae: {  	v3 =	vld [tilespmem:$0xA0];
	_ =	sdelay $0x4  }
0xaf: {  	v56 =	vshll.u32 v3, $0x1  }
0xb0: {  	v3 =	vand.u32 $0x7, v3;
	v4 =	vand.u32 $0xFFFFFFF0, v56  }
0xb1: {  	v3 =	vor.u32 v3, v4  }
0xb2: {  	v4 =	vperm.xlane v3, v0;
	_ =	sdelay $0x1  }
0xb3: {  	v3 =	vperm.xlane v3, v2;
	v4 =	vadd.s32 v1, v4;
	_ =	sdelay $0x1  }
0xb4: {  	v3 =	vadd.s32 v1, v3;
	_ =	sdelay $0x1  }
0xb5: {  	s28 =	simm.s32 $0x5100  }
0xb6: {  	[tilespmem:s28], [sflag:$0x2] =	stream.indirect_vreg.gather [hbm4b:s1+s3], $0x80, v4, vm0, $0xb8;
	[tilespmem:$0x18100] =	vst v63  }
0xb7: {  	s29 =	simm.s32 $0x5900  }
0xb8: {  	[tilespmem:s29], [sflag:$0x2] =	stream.indirect_vreg.gather [hbm4b:s1+s3], $0x80, v3, vm0, $0xb8;
	[tilespmem:$0x18100] =	vst v63  }
0xb9: {  	v3 =	vld [tilespmem:$0x80];
	_ =	sdelay $0x4  }
0xba: {  	v57 =	vshrl.u32 v3, $0x3  }
0xbb: {  	v4 =	vmul.u32 $0x30, v57  }
0xbc: {  	v3 =	vand.u32 $0x7, v3  }
0xbd: {  	v3 =	vor.u32 v3, v4  }
0xbe: {  	v4 =	vperm.xlane v3, v0;
	_ =	sdelay $0x1  }
0xbf: {  	v4 =	vadd.s32 v1, v4;
	_ =	sdelay $0x3  }
0xc0: {  	v3 =	vperm.xlane v3, v2  }
0xc1: {  	[tilespmem:s7], [sflag:$0x4] =	stream.indirect_vreg.gather [hbm4b:s4+s3], $0x80, v4, vm0, $0xb8;
	[tilespmem:$0x18100] =	vst v63  }
0xc2: {  	s30 =	simm.s32 $0xF900;
	v3 =	vadd.s32 v1, v3  }
0xc3: {  	[tilespmem:s30], [sflag:$0x4] =	stream.indirect_vreg.gather [hbm4b:s5+s3], $0x80, v4, vm0, $0xb8;
	[tilespmem:$0x18100] =	vst v63  }
0xc4: {  	s31 =	simm.s32 $0x10100  }
0xc5: {  	[tilespmem:s31], [sflag:$0x4] =	stream.indirect_vreg.gather [hbm4b:s6+s3], $0x80, v4, vm0, $0xb8;
	[tilespmem:$0x18100] =	vst v63  }
0xc6: {  	s0 =	simm.s32 $0x10900  }
0xc7: {  	[tilespmem:s0], [sflag:$0x4] =	stream.indirect_vreg.gather [hbm4b:s4+s3], $0x80, v3, vm0, $0xb8;
	[tilespmem:$0x18100] =	vst v63  }
0xc8: {  	s2 =	simm.s32 $0x11100  }
0xc9: {  	[tilespmem:s2], [sflag:$0x4] =	stream.indirect_vreg.gather [hbm4b:s5+s3], $0x80, v3, vm0, $0xb8;
	[tilespmem:$0x18100] =	vst v63  }
0xca: {  	s24 =	simm.s32 $0x11900  }
0xcb: {  	[tilespmem:s24], [sflag:$0x4] =	stream.indirect_vreg.gather [hbm4b:s6+s3], $0x80, v3, vm0, $0xb8;
	[tilespmem:$0x18100] =	vst v63  }
0xcc: {  	v3 =	vld [tilespmem:$0x90];
	_ =	sdelay $0x4  }
0xcd: {  	v58 =	vshrl.u32 v3, $0x3  }
0xce: {  	v4 =	vmul.u32 $0x30, v58  }
0xcf: {  	v3 =	vand.u32 $0x7, v3  }
0xd0: {  	v3 =	vor.u32 v3, v4  }
0xd1: {  	v4 =	vperm.xlane v3, v0;
	_ =	sdelay $0x1  }
0xd2: {  	v4 =	vadd.s32 v1, v4;
	_ =	sdelay $0x3  }
0xd3: {  	s25 =	simm.s32 $0x12100;
	v3 =	vperm.xlane v3, v2  }
0xd4: {  	[tilespmem:s25], [sflag:$0x4] =	stream.indirect_vreg.gather [hbm4b:s4+s3], $0x80, v4, vm0, $0xb8;
	[tilespmem:$0x18100] =	vst v63  }
0xd5: {  	s26 =	simm.s32 $0x12900;
	v3 =	vadd.s32 v1, v3  }
0xd6: {  	[tilespmem:s26], [sflag:$0x4] =	stream.indirect_vreg.gather [hbm4b:s5+s3], $0x80, v4, vm0, $0xb8;
	[tilespmem:$0x18100] =	vst v63  }
0xd7: {  	s28 =	simm.s32 $0x13100  }
0xd8: {  	[tilespmem:s28], [sflag:$0x4] =	stream.indirect_vreg.gather [hbm4b:s6+s3], $0x80, v4, vm0, $0xb8;
	[tilespmem:$0x18100] =	vst v63  }
0xd9: {  	s29 =	simm.s32 $0x13900  }
0xda: {  	[tilespmem:s29], [sflag:$0x4] =	stream.indirect_vreg.gather [hbm4b:s4+s3], $0x80, v3, vm0, $0xb8;
	[tilespmem:$0x18100] =	vst v63  }
0xdb: {  	s30 =	simm.s32 $0x14100  }
0xdc: {  	[tilespmem:s30], [sflag:$0x4] =	stream.indirect_vreg.gather [hbm4b:s5+s3], $0x80, v3, vm0, $0xb8;
	[tilespmem:$0x18100] =	vst v63  }
0xdd: {  	s31 =	simm.s32 $0x14900  }
0xde: {  	[tilespmem:s31], [sflag:$0x4] =	stream.indirect_vreg.gather [hbm4b:s6+s3], $0x80, v3, vm0, $0xb8;
	[tilespmem:$0x18100] =	vst v63  }
0xdf: {  	v3 =	vld [tilespmem:$0xA0];
	_ =	sdelay $0x4  }
0xe0: {  	v59 =	vshrl.u32 v3, $0x3  }
0xe1: {  	v4 =	vmul.u32 $0x30, v59  }
0xe2: {  	v3 =	vand.u32 $0x7, v3  }
0xe3: {  	v3 =	vor.u32 v3, v4  }
0xe4: {  	v4 =	vperm.xlane v3, v0;
	_ =	sdelay $0x1  }
0xe5: {  	v4 =	vadd.s32 v1, v4;
	_ =	sdelay $0x3  }
0xe6: {  	s0 =	simm.s32 $0x15100;
	v3 =	vperm.xlane v3, v2  }
0xe7: {  	[tilespmem:s0], [sflag:$0x4] =	stream.indirect_vreg.gather [hbm4b:s4+s3], $0x80, v4, vm0, $0xb8;
	[tilespmem:$0x18100] =	vst v63  }
0xe8: {  	s2 =	simm.s32 $0x15900;
	v3 =	vadd.s32 v1, v3  }
0xe9: {  	[tilespmem:s2], [sflag:$0x4] =	stream.indirect_vreg.gather [hbm4b:s5+s3], $0x80, v4, vm0, $0xb8;
	[tilespmem:$0x18100] =	vst v63  }
0xea: {  	s24 =	simm.s32 $0x16100  }
0xeb: {  	[tilespmem:s24], [sflag:$0x4] =	stream.indirect_vreg.gather [hbm4b:s6+s3], $0x80, v4, vm0, $0xb8;
	[tilespmem:$0x18100] =	vst v63  }
0xec: {  	s25 =	simm.s32 $0x16900  }
0xed: {  	[tilespmem:s25], [sflag:$0x4] =	stream.indirect_vreg.gather [hbm4b:s4+s3], $0x80, v3, vm0, $0xb8;
	[tilespmem:$0x18100] =	vst v63  }
0xee: {  	s26 =	simm.s32 $0x17100  }
0xef: {  	[tilespmem:s26], [sflag:$0x4] =	stream.indirect_vreg.gather [hbm4b:s5+s3], $0x80, v3, vm0, $0xb8;
	[tilespmem:$0x18100] =	vst v63  }
0xf0: {  	s28 =	simm.s32 $0x17900  }
0xf1: {  	[tilespmem:s28], [sflag:$0x4] =	stream.indirect_vreg.gather [hbm4b:s6+s3], $0x80, v3, vm0, $0xb8;
	[tilespmem:$0x18100] =	vst v63  }
0xf2: {  	_ =	swait.ge [sflag:s14], $0x3000  }
0xf3: {  	[sflag:s14] =	ssyncset.done $0x0  }
0xf4: {  	[sflag:s14] =	ssyncadd.s32 $0xFFFFD000  }
0xf5: {  	_ =	swait.ge [sflag:s16], $0x9000  }
0xf6: {  	[sflag:s16] =	ssyncset.done $0x0  }
0xf7: {  	s29 =	rddreg [dreg:$0x8];
	[sflag:s16] =	ssyncadd.s32 $0xFFFF7000  }
0xf8: {  	[hbm4b:s29+s3] =	stream.linear.scatter [tilespmem:s15], [sflag:$0x5], $0x3000, $0x38;
	[tilespmem:$0x18100] =	vst v63  }
0xf9: {  	_ =	swait.ge [sflag:s8], $0x3000  }
0xfa: {  	[sflag:s8] =	ssyncset.done $0x0  }
0xfb: {  	s30 =	rddreg [dreg:$0x9];
	[sflag:s8] =	ssyncadd.s32 $0xFFFFD000  }
0xfc: {  	[hbm4b:s30+s3] =	stream.linear.scatter [tilespmem:s11], [sflag:$0x5], $0x9000, $0x38;
	[tilespmem:$0x18100] =	vst v63  }
0xfd: {  	_ =	swait.ge [sflag:s8], $0x9000  }
0xfe: {  	[sflag:s8] =	ssyncset.done $0x0  }
0xff: {  	s31 =	rddreg [dreg:$0xa];
	[sflag:s8] =	ssyncadd.s32 $0xFFFF7000  }
0x100: {  	[tilespmem:s3], [sflag:$0x5] =	stream.linear.gather [hbm4b:s31+s3], $0x30, $0x38;
	[tilespmem:$0x18100] =	vst v63  }
0x101: {  	_ =	swait.ge [sflag:s8], $0x30  }
0x102: {  	[sflag:s8] =	ssyncset.done $0x0  }
0x103: {  	[sflag:s8] =	ssyncadd.s32 $0xFFFFFFD0  }
0x104: {  	v3 =	vld [tilespmem:$0x0];
	_ =	sdelay $0x4  }
0x105: {  	v60 =	vshll.u32 v3, $0x1  }
0x106: {  	v3 =	vand.u32 $0x7, v3;
	v4 =	vand.u32 $0xFFFFFFF0, v60  }
0x107: {  	v3 =	vor.u32 v3, v4  }
0x108: {  	v4 =	vperm.xlane v3, v0;
	_ =	sdelay $0x1  }
0x109: {  	v3 =	vperm.xlane v3, v2;
	v4 =	vadd.s32 v1, v4;
	_ =	sdelay $0x1  }
0x10a: {  	v3 =	vadd.s32 v1, v3;
	_ =	sdelay $0x2  }
0x10b: {  	[tilespmem:s15], [sflag:$0x1] =	stream.indirect_vreg.gather [hbm4b:s1+s3], $0x80, v4, vm0, $0xb8;
	[tilespmem:$0x18100] =	vst v63  }
0x10c: {  	s9 =	simm.s32 $0x900  }
0x10d: {  	[tilespmem:s9], [sflag:$0x1] =	stream.indirect_vreg.gather [hbm4b:s1+s3], $0x80, v3, vm0, $0xb8;
	[tilespmem:$0x18100] =	vst v63  }
0x10e: {  	v3 =	vld [tilespmem:$0x10];
	_ =	sdelay $0x4  }
0x10f: {  	v61 =	vshll.u32 v3, $0x1  }
0x110: {  	v3 =	vand.u32 $0x7, v3;
	v4 =	vand.u32 $0xFFFFFFF0, v61  }
0x111: {  	v3 =	vor.u32 v3, v4  }
0x112: {  	v4 =	vperm.xlane v3, v0;
	_ =	sdelay $0x1  }
0x113: {  	v3 =	vperm.xlane v3, v2;
	v4 =	vadd.s32 v1, v4;
	_ =	sdelay $0x1  }
0x114: {  	v3 =	vadd.s32 v1, v3;
	_ =	sdelay $0x1  }
0x115: {  	s2 =	simm.s32 $0x1100  }
0x116: {  	[tilespmem:s2], [sflag:$0x1] =	stream.indirect_vreg.gather [hbm4b:s1+s3], $0x80, v4, vm0, $0xb8;
	[tilespmem:$0x18100] =	vst v63  }
0x117: {  	s10 =	simm.s32 $0x1900  }
0x118: {  	[tilespmem:s10], [sflag:$0x1] =	stream.indirect_vreg.gather [hbm4b:s1+s3], $0x80, v3, vm0, $0xb8;
	[tilespmem:$0x18100] =	vst v63  }
0x119: {  	v3 =	vld [tilespmem:$0x20];
	_ =	sdelay $0x4  }
0x11a: {  	v62 =	vshll.u32 v3, $0x1  }
0x11b: {  	v3 =	vand.u32 $0x7, v3;
	v4 =	vand.u32 $0xFFFFFFF0, v62  }
0x11c: {  	v3 =	vor.u32 v3, v4  }
0x11d: {  	v4 =	vperm.xlane v3, v0;
	_ =	sdelay $0x1  }
0x11e: {  	v3 =	vperm.xlane v3, v2;
	v4 =	vadd.s32 v1, v4;
	_ =	sdelay $0x1  }
0x11f: {  	v3 =	vadd.s32 v1, v3;
	_ =	sdelay $0x1  }
0x120: {  	s9 =	simm.s32 $0x2100  }
0x121: {  	[tilespmem:s9], [sflag:$0x1] =	stream.indirect_vreg.gather [hbm4b:s1+s3], $0x80, v4, vm0, $0xb8;
	[tilespmem:$0x18100] =	vst v63  }
0x122: {  	s12 =	simm.s32 $0x2900  }
0x123: {  	[tilespmem:s12], [sflag:$0x1] =	stream.indirect_vreg.gather [hbm4b:s1+s3], $0x80, v3, vm0, $0xb8;
	[tilespmem:$0x18100] =	vst v63  }
0x124: {  	v3 =	vld [tilespmem:$0x0];
	_ =	sdelay $0x4  }
0x125: {  	v63 =	vshrl.u32 v3, $0x3  }
0x126: {  	v4 =	vmul.u32 $0x30, v63  }
0x127: {  	v3 =	vand.u32 $0x7, v3  }
0x128: {  	v3 =	vor.u32 v3, v4  }
0x129: {  	v4 =	vperm.xlane v3, v0;
	_ =	sdelay $0x1  }
0x12a: {  	v4 =	vadd.s32 v1, v4;
	_ =	sdelay $0x3  }
0x12b: {  	v3 =	vperm.xlane v3, v2  }
0x12c: {  	[tilespmem:s11], [sflag:$0x3] =	stream.indirect_vreg.gather [hbm4b:s4+s3], $0x80, v4, vm0, $0xb8;
	[tilespmem:$0x18100] =	vst v63  }
0x12d: {  	s26 =	simm.s32 $0x6900;
	v3 =	vadd.s32 v1, v3  }
0x12e: {  	[tilespmem:s26], [sflag:$0x3] =	stream.indirect_vreg.gather [hbm4b:s5+s3], $0x80, v4, vm0, $0xb8;
	[tilespmem:$0x18100] =	vst v63  }
0x12f: {  	s28 =	simm.s32 $0x7100  }
0x130: {  	[tilespmem:s28], [sflag:$0x3] =	stream.indirect_vreg.gather [hbm4b:s6+s3], $0x80, v4, vm0, $0xb8;
	[tilespmem:$0x18100] =	vst v63  }
0x131: {  	s29 =	simm.s32 $0x7900  }
0x132: {  	[tilespmem:s29], [sflag:$0x3] =	stream.indirect_vreg.gather [hbm4b:s4+s3], $0x80, v3, vm0, $0xb8;
	[tilespmem:$0x18100] =	vst v63  }
0x133: {  	s30 =	simm.s32 $0x8100  }
0x134: {  	[tilespmem:s30], [sflag:$0x3] =	stream.indirect_vreg.gather [hbm4b:s5+s3], $0x80, v3, vm0, $0xb8;
	[tilespmem:$0x18100] =	vst v63  }
0x135: {  	s13 =	simm.s32 $0x8900  }
0x136: {  	[tilespmem:s13], [sflag:$0x3] =	stream.indirect_vreg.gather [hbm4b:s6+s3], $0x80, v3, vm0, $0xb8;
	[tilespmem:$0x18100] =	vst v63  }
0x137: {  	v3 =	vld [tilespmem:$0x10];
	_ =	sdelay $0x4  }
0x138: {  	v8 =	vshrl.u32 v3, $0x3  }
0x139: {  	v4 =	vmul.u32 $0x30, v8  }
0x13a: {  	v3 =	vand.u32 $0x7, v3  }
0x13b: {  	v3 =	vor.u32 v3, v4  }
0x13c: {  	v4 =	vperm.xlane v3, v0;
	_ =	sdelay $0x1  }
0x13d: {  	v4 =	vadd.s32 v1, v4;
	_ =	sdelay $0x3  }
0x13e: {  	s21 =	simm.s32 $0x9100;
	v3 =	vperm.xlane v3, v2  }
0x13f: {  	[tilespmem:s21], [sflag:$0x3] =	stream.indirect_vreg.gather [hbm4b:s4+s3], $0x80, v4, vm0, $0xb8;
	[tilespmem:$0x18100] =	vst v63  }
0x140: {  	s31 =	simm.s32 $0x9900;
	v3 =	vadd.s32 v1, v3  }
0x141: {  	[tilespmem:s31], [sflag:$0x3] =	stream.indirect_vreg.gather [hbm4b:s5+s3], $0x80, v4, vm0, $0xb8;
	[tilespmem:$0x18100] =	vst v63  }
0x142: {  	s10 =	simm.s32 $0xA100  }
0x143: {  	[tilespmem:s10], [sflag:$0x3] =	stream.indirect_vreg.gather [hbm4b:s6+s3], $0x80, v4, vm0, $0xb8;
	[tilespmem:$0x18100] =	vst v63  }
0x144: {  	s12 =	simm.s32 $0xA900  }
0x145: {  	[tilespmem:s12], [sflag:$0x3] =	stream.indirect_vreg.gather [hbm4b:s4+s3], $0x80, v3, vm0, $0xb8;
	[tilespmem:$0x18100] =	vst v63  }
0x146: {  	s13 =	simm.s32 $0xB100  }
0x147: {  	[tilespmem:s13], [sflag:$0x3] =	stream.indirect_vreg.gather [hbm4b:s5+s3], $0x80, v3, vm0, $0xb8;
	[tilespmem:$0x18100] =	vst v63  }
0x148: {  	s22 =	simm.s32 $0xB900  }
0x149: {  	[tilespmem:s22], [sflag:$0x3] =	stream.indirect_vreg.gather [hbm4b:s6+s3], $0x80, v3, vm0, $0xb8;
	[tilespmem:$0x18100] =	vst v63  }
0x14a: {  	v3 =	vld [tilespmem:$0x20];
	_ =	sdelay $0x4  }
0x14b: {  	v9 =	vshrl.u32 v3, $0x3  }
0x14c: {  	v4 =	vmul.u32 $0x30, v9  }
0x14d: {  	v3 =	vand.u32 $0x7, v3  }
0x14e: {  	v3 =	vor.u32 v3, v4  }
0x14f: {  	v4 =	vperm.xlane v3, v0;
	_ =	sdelay $0x1  }
0x150: {  	v4 =	vadd.s32 v1, v4;
	_ =	sdelay $0x3  }
0x151: {  	s23 =	simm.s32 $0xC100;
	v3 =	vperm.xlane v3, v2  }
0x152: {  	[tilespmem:s23], [sflag:$0x3] =	stream.indirect_vreg.gather [hbm4b:s4+s3], $0x80, v4, vm0, $0xb8;
	[tilespmem:$0x18100] =	vst v63  }
0x153: {  	s21 =	simm.s32 $0xC900;
	v3 =	vadd.s32 v1, v3  }
0x154: {  	[tilespmem:s21], [sflag:$0x3] =	stream.indirect_vreg.gather [hbm4b:s5+s3], $0x80, v4, vm0, $0xb8;
	[tilespmem:$0x18100] =	vst v63  }
0x155: {  	s22 =	simm.s32 $0xD100  }
0x156: {  	[tilespmem:s22], [sflag:$0x3] =	stream.indirect_vreg.gather [hbm4b:s6+s3], $0x80, v4, vm0, $0xb8;
	[tilespmem:$0x18100] =	vst v63  }
0x157: {  	s23 =	simm.s32 $0xD900  }
0x158: {  	[tilespmem:s23], [sflag:$0x3] =	stream.indirect_vreg.gather [hbm4b:s4+s3], $0x80, v3, vm0, $0xb8;
	[tilespmem:$0x18100] =	vst v63  }
0x159: {  	s24 =	simm.s32 $0xE100  }
0x15a: {  	[tilespmem:s24], [sflag:$0x3] =	stream.indirect_vreg.gather [hbm4b:s5+s3], $0x80, v3, vm0, $0xb8;
	[tilespmem:$0x18100] =	vst v63  }
0x15b: {  	s25 =	simm.s32 $0xE900  }
0x15c: {  	[tilespmem:s25], [sflag:$0x3] =	stream.indirect_vreg.gather [hbm4b:s6+s3], $0x80, v3, vm0, $0xb8;
	[tilespmem:$0x18100] =	vst v63  }
0x15d: {  	_ =	swait.ge [sflag:s17], $0x3000  }
0x15e: {  	[sflag:s17] =	ssyncset.done $0x0  }
0x15f: {  	[sflag:s17] =	ssyncadd.s32 $0xFFFFD000  }
0x160: {  	_ =	swait.ge [sflag:s19], $0x9000  }
0x161: {  	[sflag:s19] =	ssyncset.done $0x0  }
0x162: {  	s0 =	rddreg [dreg:$0xb];
	[sflag:s19] =	ssyncadd.s32 $0xFFFF7000  }
0x163: {  	[hbm4b:s0+s3] =	stream.linear.scatter [tilespmem:s18], [sflag:$0x5], $0x3000, $0x38;
	[tilespmem:$0x18100] =	vst v63  }
0x164: {  	_ =	swait.ge [sflag:s8], $0x3000  }
0x165: {  	[sflag:s8] =	ssyncset.done $0x0  }
0x166: {  	s0 =	rddreg [dreg:$0xc];
	[sflag:s8] =	ssyncadd.s32 $0xFFFFD000  }
0x167: {  	[hbm4b:s0+s3] =	stream.linear.scatter [tilespmem:s7], [sflag:$0x5], $0x9000, $0x38;
	[tilespmem:$0x18100] =	vst v63  }
0x168: {  	_ =	swait.ge [sflag:s8], $0x9000  }
0x169: {  	[sflag:s8] =	ssyncset.done $0x0  }
0x16a: {  	s0 =	simm.s32 $0x80;
	s20 =	rddreg [dreg:$0xd];
	[sflag:s8] =	ssyncadd.s32 $0xFFFF7000  }
0x16b: {  	[tilespmem:s0], [sflag:$0x5] =	stream.linear.gather [hbm4b:s20+s3], $0x30, $0x38;
	[tilespmem:$0x18100] =	vst v63  }
0x16c: {  	_ =	swait.ge [sflag:s8], $0x30  }
0x16d: {  	[sflag:s8] =	ssyncset.done $0x0  }
0x16e: {  	[sflag:s8] =	ssyncadd.s32 $0xFFFFFFD0  }
0x16f: {  	v3 =	vld [tilespmem:$0x80];
	_ =	sdelay $0x4  }
0x170: {  	v10 =	vshll.u32 v3, $0x1  }
0x171: {  	v3 =	vand.u32 $0x7, v3;
	v4 =	vand.u32 $0xFFFFFFF0, v10  }
0x172: {  	v3 =	vor.u32 v3, v4  }
0x173: {  	v4 =	vperm.xlane v3, v0;
	_ =	sdelay $0x1  }
0x174: {  	v3 =	vperm.xlane v3, v2;
	v4 =	vadd.s32 v1, v4;
	_ =	sdelay $0x1  }
0x175: {  	v3 =	vadd.s32 v1, v3;
	_ =	sdelay $0x2  }
0x176: {  	[tilespmem:s18], [sflag:$0x2] =	stream.indirect_vreg.gather [hbm4b:s1+s3], $0x80, v4, vm0, $0xb8;
	[tilespmem:$0x18100] =	vst v63  }
0x177: {  	s20 =	simm.s32 $0x3900  }
0x178: {  	[tilespmem:s20], [sflag:$0x2] =	stream.indirect_vreg.gather [hbm4b:s1+s3], $0x80, v3, vm0, $0xb8;
	[tilespmem:$0x18100] =	vst v63  }
0x179: {  	v3 =	vld [tilespmem:$0x90];
	_ =	sdelay $0x4  }
0x17a: {  	v11 =	vshll.u32 v3, $0x1  }
0x17b: {  	v3 =	vand.u32 $0x7, v3;
	v4 =	vand.u32 $0xFFFFFFF0, v11  }
0x17c: {  	v3 =	vor.u32 v3, v4  }
0x17d: {  	v4 =	vperm.xlane v3, v0;
	_ =	sdelay $0x1  }
0x17e: {  	v3 =	vperm.xlane v3, v2;
	v4 =	vadd.s32 v1, v4;
	_ =	sdelay $0x1  }
0x17f: {  	v3 =	vadd.s32 v1, v3;
	_ =	sdelay $0x1  }
0x180: {  	s20 =	simm.s32 $0x4100  }
0x181: {  	[tilespmem:s20], [sflag:$0x2] =	stream.indirect_vreg.gather [hbm4b:s1+s3], $0x80, v4, vm0, $0xb8;
	[tilespmem:$0x18100] =	vst v63  }
0x182: {  	s20 =	simm.s32 $0x4900  }
0x183: {  	[tilespmem:s20], [sflag:$0x2] =	stream.indirect_vreg.gather [hbm4b:s1+s3], $0x80, v3, vm0, $0xb8;
	[tilespmem:$0x18100] =	vst v63  }
0x184: {  	v3 =	vld [tilespmem:$0xA0];
	_ =	sdelay $0x4  }
0x185: {  	v12 =	vshll.u32 v3, $0x1  }
0x186: {  	v3 =	vand.u32 $0x7, v3;
	v4 =	vand.u32 $0xFFFFFFF0, v12  }
0x187: {  	v3 =	vor.u32 v3, v4  }
0x188: {  	v4 =	vperm.xlane v3, v0;
	_ =	sdelay $0x1  }
0x189: {  	v3 =	vperm.xlane v3, v2;
	v4 =	vadd.s32 v1, v4;
	_ =	sdelay $0x1  }
0x18a: {  	v3 =	vadd.s32 v1, v3;
	_ =	sdelay $0x1  }
0x18b: {  	s20 =	simm.s32 $0x5100  }
0x18c: {  	[tilespmem:s20], [sflag:$0x2] =	stream.indirect_vreg.gather [hbm4b:s1+s3], $0x80, v4, vm0, $0xb8;
	[tilespmem:$0x18100] =	vst v63  }
0x18d: {  	s20 =	simm.s32 $0x5900  }
0x18e: {  	[tilespmem:s20], [sflag:$0x2] =	stream.indirect_vreg.gather [hbm4b:s1+s3], $0x80, v3, vm0, $0xb8;
	[tilespmem:$0x18100] =	vst v63  }
0x18f: {  	v3 =	vld [tilespmem:$0x80];
	_ =	sdelay $0x4  }
0x190: {  	v13 =	vshrl.u32 v3, $0x3  }
0x191: {  	v4 =	vmul.u32 $0x30, v13  }
0x192: {  	v3 =	vand.u32 $0x7, v3  }
0x193: {  	v3 =	vor.u32 v3, v4  }
0x194: {  	v4 =	vperm.xlane v3, v0;
	_ =	sdelay $0x1  }
0x195: {  	v4 =	vadd.s32 v1, v4;
	_ =	sdelay $0x3  }
0x196: {  	v3 =	vperm.xlane v3, v2  }
0x197: {  	[tilespmem:s7], [sflag:$0x4] =	stream.indirect_vreg.gather [hbm4b:s4+s3], $0x80, v4, vm0, $0xb8;
	[tilespmem:$0x18100] =	vst v63  }
0x198: {  	s20 =	simm.s32 $0xF900;
	v3 =	vadd.s32 v1, v3  }
0x199: {  	[tilespmem:s20], [sflag:$0x4] =	stream.indirect_vreg.gather [hbm4b:s5+s3], $0x80, v4, vm0, $0xb8;
	[tilespmem:$0x18100] =	vst v63  }
0x19a: {  	s20 =	simm.s32 $0x10100  }
0x19b: {  	[tilespmem:s20], [sflag:$0x4] =	stream.indirect_vreg.gather [hbm4b:s6+s3], $0x80, v4, vm0, $0xb8;
	[tilespmem:$0x18100] =	vst v63  }
0x19c: {  	s20 =	simm.s32 $0x10900  }
0x19d: {  	[tilespmem:s20], [sflag:$0x4] =	stream.indirect_vreg.gather [hbm4b:s4+s3], $0x80, v3, vm0, $0xb8;
	[tilespmem:$0x18100] =	vst v63  }
0x19e: {  	s20 =	simm.s32 $0x11100  }
0x19f: {  	[tilespmem:s20], [sflag:$0x4] =	stream.indirect_vreg.gather [hbm4b:s5+s3], $0x80, v3, vm0, $0xb8;
	[tilespmem:$0x18100] =	vst v63  }
0x1a0: {  	s20 =	simm.s32 $0x11900  }
0x1a1: {  	[tilespmem:s20], [sflag:$0x4] =	stream.indirect_vreg.gather [hbm4b:s6+s3], $0x80, v3, vm0, $0xb8;
	[tilespmem:$0x18100] =	vst v63  }
0x1a2: {  	v3 =	vld [tilespmem:$0x90];
	_ =	sdelay $0x4  }
0x1a3: {  	v14 =	vshrl.u32 v3, $0x3  }
0x1a4: {  	v4 =	vmul.u32 $0x30, v14  }
0x1a5: {  	v3 =	vand.u32 $0x7, v3  }
0x1a6: {  	v3 =	vor.u32 v3, v4  }
0x1a7: {  	v4 =	vperm.xlane v3, v0;
	_ =	sdelay $0x1  }
0x1a8: {  	v4 =	vadd.s32 v1, v4;
	_ =	sdelay $0x3  }
0x1a9: {  	s20 =	simm.s32 $0x12100;
	v3 =	vperm.xlane v3, v2  }
0x1aa: {  	[tilespmem:s20], [sflag:$0x4] =	stream.indirect_vreg.gather [hbm4b:s4+s3], $0x80, v4, vm0, $0xb8;
	[tilespmem:$0x18100] =	vst v63  }
0x1ab: {  	v3 =	vadd.s32 v1, v3;
	s20 =	simm.s32 $0x12900  }
0x1ac: {  	[tilespmem:s20], [sflag:$0x4] =	stream.indirect_vreg.gather [hbm4b:s5+s3], $0x80, v4, vm0, $0xb8;
	[tilespmem:$0x18100] =	vst v63  }
0x1ad: {  	s20 =	simm.s32 $0x13100  }
0x1ae: {  	[tilespmem:s20], [sflag:$0x4] =	stream.indirect_vreg.gather [hbm4b:s6+s3], $0x80, v4, vm0, $0xb8;
	[tilespmem:$0x18100] =	vst v63  }
0x1af: {  	s20 =	simm.s32 $0x13900  }
0x1b0: {  	[tilespmem:s20], [sflag:$0x4] =	stream.indirect_vreg.gather [hbm4b:s4+s3], $0x80, v3, vm0, $0xb8;
	[tilespmem:$0x18100] =	vst v63  }
0x1b1: {  	s20 =	simm.s32 $0x14100  }
0x1b2: {  	[tilespmem:s20], [sflag:$0x4] =	stream.indirect_vreg.gather [hbm4b:s5+s3], $0x80, v3, vm0, $0xb8;
	[tilespmem:$0x18100] =	vst v63  }
0x1b3: {  	s20 =	simm.s32 $0x14900  }
0x1b4: {  	[tilespmem:s20], [sflag:$0x4] =	stream.indirect_vreg.gather [hbm4b:s6+s3], $0x80, v3, vm0, $0xb8;
	[tilespmem:$0x18100] =	vst v63  }
0x1b5: {  	v3 =	vld [tilespmem:$0xA0];
	_ =	sdelay $0x4  }
0x1b6: {  	v15 =	vshrl.u32 v3, $0x3  }
0x1b7: {  	v4 =	vmul.u32 $0x30, v15  }
0x1b8: {  	v3 =	vand.u32 $0x7, v3  }
0x1b9: {  	v3 =	vor.u32 v3, v4  }
0x1ba: {  	v4 =	vperm.xlane v3, v0;
	_ =	sdelay $0x1  }
0x1bb: {  	v4 =	vadd.s32 v1, v4;
	_ =	sdelay $0x3  }
0x1bc: {  	s20 =	simm.s32 $0x15100;
	v3 =	vperm.xlane v3, v2  }
0x1bd: {  	[tilespmem:s20], [sflag:$0x4] =	stream.indirect_vreg.gather [hbm4b:s4+s3], $0x80, v4, vm0, $0xb8;
	[tilespmem:$0x18100] =	vst v63  }
0x1be: {  	v3 =	vadd.s32 v1, v3;
	s20 =	simm.s32 $0x15900  }
0x1bf: {  	[tilespmem:s20], [sflag:$0x4] =	stream.indirect_vreg.gather [hbm4b:s5+s3], $0x80, v4, vm0, $0xb8;
	[tilespmem:$0x18100] =	vst v63  }
0x1c0: {  	s20 =	simm.s32 $0x16100  }
0x1c1: {  	[tilespmem:s20], [sflag:$0x4] =	stream.indirect_vreg.gather [hbm4b:s6+s3], $0x80, v4, vm0, $0xb8;
	[tilespmem:$0x18100] =	vst v63  }
0x1c2: {  	s20 =	simm.s32 $0x16900  }
0x1c3: {  	[tilespmem:s20], [sflag:$0x4] =	stream.indirect_vreg.gather [hbm4b:s4+s3], $0x80, v3, vm0, $0xb8;
	[tilespmem:$0x18100] =	vst v63  }
0x1c4: {  	s20 =	simm.s32 $0x17100  }
0x1c5: {  	[tilespmem:s20], [sflag:$0x4] =	stream.indirect_vreg.gather [hbm4b:s5+s3], $0x80, v3, vm0, $0xb8;
	[tilespmem:$0x18100] =	vst v63  }
0x1c6: {  	s20 =	simm.s32 $0x17900  }
0x1c7: {  	[tilespmem:s20], [sflag:$0x4] =	stream.indirect_vreg.gather [hbm4b:s6+s3], $0x80, v3, vm0, $0xb8;
	[tilespmem:$0x18100] =	vst v63  }
0x1c8: {  	_ =	swait.ge [sflag:s14], $0x3000  }
0x1c9: {  	[sflag:s14] =	ssyncset.done $0x0  }
0x1ca: {  	[sflag:s14] =	ssyncadd.s32 $0xFFFFD000  }
0x1cb: {  	_ =	swait.ge [sflag:s16], $0x9000  }
0x1cc: {  	[sflag:s16] =	ssyncset.done $0x0  }
0x1cd: {  	s20 =	rddreg [dreg:$0xe];
	[sflag:s16] =	ssyncadd.s32 $0xFFFF7000  }
0x1ce: {  	[hbm4b:s20+s3] =	stream.linear.scatter [tilespmem:s15], [sflag:$0x5], $0x3000, $0x38;
	[tilespmem:$0x18100] =	vst v63  }
0x1cf: {  	_ =	swait.ge [sflag:s8], $0x3000  }
0x1d0: {  	[sflag:s8] =	ssyncset.done $0x0  }
0x1d1: {  	s20 =	rddreg [dreg:$0xf];
	[sflag:s8] =	ssyncadd.s32 $0xFFFFD000  }
0x1d2: {  	[hbm4b:s20+s3] =	stream.linear.scatter [tilespmem:s11], [sflag:$0x5], $0x9000, $0x38;
	[tilespmem:$0x18100] =	vst v63  }
0x1d3: {  	_ =	swait.ge [sflag:s8], $0x9000  }
0x1d4: {  	[sflag:s8] =	ssyncset.done $0x0  }
0x1d5: {  	s20 =	rddreg [dreg:$0x10];
	[sflag:s8] =	ssyncadd.s32 $0xFFFF7000  }
0x1d6: {  	[tilespmem:s3], [sflag:$0x5] =	stream.linear.gather [hbm4b:s20+s3], $0x30, $0x38;
	[tilespmem:$0x18100] =	vst v63  }
0x1d7: {  	_ =	swait.ge [sflag:s8], $0x30  }
0x1d8: {  	[sflag:s8] =	ssyncset.done $0x0  }
0x1d9: {  	[sflag:s8] =	ssyncadd.s32 $0xFFFFFFD0  }
0x1da: {  	v3 =	vld [tilespmem:$0x0];
	_ =	sdelay $0x4  }
0x1db: {  	v16 =	vshll.u32 v3, $0x1  }
0x1dc: {  	v3 =	vand.u32 $0x7, v3;
	v4 =	vand.u32 $0xFFFFFFF0, v16  }
0x1dd: {  	v3 =	vor.u32 v3, v4  }
0x1de: {  	v4 =	vperm.xlane v3, v0;
	_ =	sdelay $0x1  }
0x1df: {  	v3 =	vperm.xlane v3, v2;
	v4 =	vadd.s32 v1, v4;
	_ =	sdelay $0x1  }
0x1e0: {  	v3 =	vadd.s32 v1, v3;
	_ =	sdelay $0x2  }
0x1e1: {  	[tilespmem:s15], [sflag:$0x1] =	stream.indirect_vreg.gather [hbm4b:s1+s3], $0x80, v4, vm0, $0xb8;
	[tilespmem:$0x18100] =	vst v63  }
0x1e2: {  	s20 =	simm.s32 $0x900  }
0x1e3: {  	[tilespmem:s20], [sflag:$0x1] =	stream.indirect_vreg.gather [hbm4b:s1+s3], $0x80, v3, vm0, $0xb8;
	[tilespmem:$0x18100] =	vst v63  }
0x1e4: {  	v3 =	vld [tilespmem:$0x10];
	_ =	sdelay $0x4  }
0x1e5: {  	v17 =	vshll.u32 v3, $0x1  }
0x1e6: {  	v3 =	vand.u32 $0x7, v3;
	v4 =	vand.u32 $0xFFFFFFF0, v17  }
0x1e7: {  	v3 =	vor.u32 v3, v4  }
0x1e8: {  	v4 =	vperm.xlane v3, v0;
	_ =	sdelay $0x1  }
0x1e9: {  	v3 =	vperm.xlane v3, v2;
	v4 =	vadd.s32 v1, v4;
	_ =	sdelay $0x1  }
0x1ea: {  	v3 =	vadd.s32 v1, v3;
	_ =	sdelay $0x2  }
0x1eb: {  	[tilespmem:s2], [sflag:$0x1] =	stream.indirect_vreg.gather [hbm4b:s1+s3], $0x80, v4, vm0, $0xb8;
	[tilespmem:$0x18100] =	vst v63  }
0x1ec: {  	s20 =	simm.s32 $0x1900  }
0x1ed: {  	[tilespmem:s20], [sflag:$0x1] =	stream.indirect_vreg.gather [hbm4b:s1+s3], $0x80, v3, vm0, $0xb8;
	[tilespmem:$0x18100] =	vst v63  }
0x1ee: {  	v3 =	vld [tilespmem:$0x20];
	_ =	sdelay $0x4  }
0x1ef: {  	v18 =	vshll.u32 v3, $0x1  }
0x1f0: {  	v3 =	vand.u32 $0x7, v3;
	v4 =	vand.u32 $0xFFFFFFF0, v18  }
0x1f1: {  	v3 =	vor.u32 v3, v4  }
0x1f2: {  	v4 =	vperm.xlane v3, v0;
	_ =	sdelay $0x1  }
0x1f3: {  	v3 =	vperm.xlane v3, v2;
	v4 =	vadd.s32 v1, v4;
	_ =	sdelay $0x1  }
0x1f4: {  	v3 =	vadd.s32 v1, v3;
	_ =	sdelay $0x2  }
0x1f5: {  	[tilespmem:s9], [sflag:$0x1] =	stream.indirect_vreg.gather [hbm4b:s1+s3], $0x80, v4, vm0, $0xb8;
	[tilespmem:$0x18100] =	vst v63  }
0x1f6: {  	s20 =	simm.s32 $0x2900  }
0x1f7: {  	[tilespmem:s20], [sflag:$0x1] =	stream.indirect_vreg.gather [hbm4b:s1+s3], $0x80, v3, vm0, $0xb8;
	[tilespmem:$0x18100] =	vst v63  }
0x1f8: {  	v3 =	vld [tilespmem:$0x0];
	_ =	sdelay $0x4  }
0x1f9: {  	v19 =	vshrl.u32 v3, $0x3  }
0x1fa: {  	v4 =	vmul.u32 $0x30, v19  }
0x1fb: {  	v3 =	vand.u32 $0x7, v3  }
0x1fc: {  	v3 =	vor.u32 v3, v4  }
0x1fd: {  	v4 =	vperm.xlane v3, v0;
	_ =	sdelay $0x1  }
0x1fe: {  	v4 =	vadd.s32 v1, v4;
	_ =	sdelay $0x3  }
0x1ff: {  	v3 =	vperm.xlane v3, v2  }
0x200: {  	[tilespmem:s11], [sflag:$0x3] =	stream.indirect_vreg.gather [hbm4b:s4+s3], $0x80, v4, vm0, $0xb8;
	[tilespmem:$0x18100] =	vst v63  }
0x201: {  	v3 =	vadd.s32 v1, v3  }
0x202: {  	[tilespmem:s26], [sflag:$0x3] =	stream.indirect_vreg.gather [hbm4b:s5+s3], $0x80, v4, vm0, $0xb8;
	[tilespmem:$0x18100] =	vst v63  }
0x203: {  	_ = 	snop  }
0x204: {  	[tilespmem:s28], [sflag:$0x3] =	stream.indirect_vreg.gather [hbm4b:s6+s3], $0x80, v4, vm0, $0xb8;
	[tilespmem:$0x18100] =	vst v63  }
0x205: {  	_ = 	snop  }
0x206: {  	[tilespmem:s29], [sflag:$0x3] =	stream.indirect_vreg.gather [hbm4b:s4+s3], $0x80, v3, vm0, $0xb8;
	[tilespmem:$0x18100] =	vst v63  }
0x207: {  	_ = 	snop  }
0x208: {  	[tilespmem:s30], [sflag:$0x3] =	stream.indirect_vreg.gather [hbm4b:s5+s3], $0x80, v3, vm0, $0xb8;
	[tilespmem:$0x18100] =	vst v63  }
0x209: {  	s20 =	simm.s32 $0x8900  }
0x20a: {  	[tilespmem:s20], [sflag:$0x3] =	stream.indirect_vreg.gather [hbm4b:s6+s3], $0x80, v3, vm0, $0xb8;
	[tilespmem:$0x18100] =	vst v63  }
0x20b: {  	v3 =	vld [tilespmem:$0x10];
	_ =	sdelay $0x4  }
0x20c: {  	v20 =	vshrl.u32 v3, $0x3  }
0x20d: {  	v4 =	vmul.u32 $0x30, v20  }
0x20e: {  	v3 =	vand.u32 $0x7, v3  }
0x20f: {  	v3 =	vor.u32 v3, v4  }
0x210: {  	v4 =	vperm.xlane v3, v0;
	_ =	sdelay $0x1  }
0x211: {  	v4 =	vadd.s32 v1, v4;
	_ =	sdelay $0x3  }
0x212: {  	s20 =	simm.s32 $0x9100;
	v3 =	vperm.xlane v3, v2  }
0x213: {  	[tilespmem:s20], [sflag:$0x3] =	stream.indirect_vreg.gather [hbm4b:s4+s3], $0x80, v4, vm0, $0xb8;
	[tilespmem:$0x18100] =	vst v63  }
0x214: {  	v3 =	vadd.s32 v1, v3  }
0x215: {  	[tilespmem:s31], [sflag:$0x3] =	stream.indirect_vreg.gather [hbm4b:s5+s3], $0x80, v4, vm0, $0xb8;
	[tilespmem:$0x18100] =	vst v63  }
0x216: {  	_ = 	snop  }
0x217: {  	[tilespmem:s10], [sflag:$0x3] =	stream.indirect_vreg.gather [hbm4b:s6+s3], $0x80, v4, vm0, $0xb8;
	[tilespmem:$0x18100] =	vst v63  }
0x218: {  	_ = 	snop  }
0x219: {  	[tilespmem:s12], [sflag:$0x3] =	stream.indirect_vreg.gather [hbm4b:s4+s3], $0x80, v3, vm0, $0xb8;
	[tilespmem:$0x18100] =	vst v63  }
0x21a: {  	_ = 	snop  }
0x21b: {  	[tilespmem:s13], [sflag:$0x3] =	stream.indirect_vreg.gather [hbm4b:s5+s3], $0x80, v3, vm0, $0xb8;
	[tilespmem:$0x18100] =	vst v63  }
0x21c: {  	s20 =	simm.s32 $0xB900  }
0x21d: {  	[tilespmem:s20], [sflag:$0x3] =	stream.indirect_vreg.gather [hbm4b:s6+s3], $0x80, v3, vm0, $0xb8;
	[tilespmem:$0x18100] =	vst v63  }
0x21e: {  	v3 =	vld [tilespmem:$0x20];
	_ =	sdelay $0x4  }
0x21f: {  	v21 =	vshrl.u32 v3, $0x3  }
0x220: {  	v4 =	vmul.u32 $0x30, v21  }
0x221: {  	v3 =	vand.u32 $0x7, v3  }
0x222: {  	v3 =	vor.u32 v3, v4  }
0x223: {  	v4 =	vperm.xlane v3, v0;
	_ =	sdelay $0x1  }
0x224: {  	v4 =	vadd.s32 v1, v4;
	_ =	sdelay $0x3  }
0x225: {  	s20 =	simm.s32 $0xC100;
	v3 =	vperm.xlane v3, v2  }
0x226: {  	[tilespmem:s20], [sflag:$0x3] =	stream.indirect_vreg.gather [hbm4b:s4+s3], $0x80, v4, vm0, $0xb8;
	[tilespmem:$0x18100] =	vst v63  }
0x227: {  	v3 =	vadd.s32 v1, v3  }
0x228: {  	[tilespmem:s21], [sflag:$0x3] =	stream.indirect_vreg.gather [hbm4b:s5+s3], $0x80, v4, vm0, $0xb8;
	[tilespmem:$0x18100] =	vst v63  }
0x229: {  	_ = 	snop  }
0x22a: {  	[tilespmem:s22], [sflag:$0x3] =	stream.indirect_vreg.gather [hbm4b:s6+s3], $0x80, v4, vm0, $0xb8;
	[tilespmem:$0x18100] =	vst v63  }
0x22b: {  	_ = 	snop  }
0x22c: {  	[tilespmem:s23], [sflag:$0x3] =	stream.indirect_vreg.gather [hbm4b:s4+s3], $0x80, v3, vm0, $0xb8;
	[tilespmem:$0x18100] =	vst v63  }
0x22d: {  	_ = 	snop  }
0x22e: {  	[tilespmem:s24], [sflag:$0x3] =	stream.indirect_vreg.gather [hbm4b:s5+s3], $0x80, v3, vm0, $0xb8;
	[tilespmem:$0x18100] =	vst v63  }
0x22f: {  	_ = 	snop  }
0x230: {  	[tilespmem:s25], [sflag:$0x3] =	stream.indirect_vreg.gather [hbm4b:s6+s3], $0x80, v3, vm0, $0xb8;
	[tilespmem:$0x18100] =	vst v63  }
0x231: {  	_ =	swait.ge [sflag:s17], $0x3000  }
0x232: {  	[sflag:s17] =	ssyncset.done $0x0  }
0x233: {  	[sflag:s17] =	ssyncadd.s32 $0xFFFFD000  }
0x234: {  	_ =	swait.ge [sflag:s19], $0x9000  }
0x235: {  	[sflag:s19] =	ssyncset.done $0x0  }
0x236: {  	s20 =	rddreg [dreg:$0x11];
	[sflag:s19] =	ssyncadd.s32 $0xFFFF7000  }
0x237: {  	[hbm4b:s20+s3] =	stream.linear.scatter [tilespmem:s18], [sflag:$0x5], $0x3000, $0x38;
	[tilespmem:$0x18100] =	vst v63  }
0x238: {  	_ =	swait.ge [sflag:s8], $0x3000  }
0x239: {  	[sflag:s8] =	ssyncset.done $0x0  }
0x23a: {  	s20 =	rddreg [dreg:$0x12];
	[sflag:s8] =	ssyncadd.s32 $0xFFFFD000  }
0x23b: {  	[hbm4b:s20+s3] =	stream.linear.scatter [tilespmem:s7], [sflag:$0x5], $0x9000, $0x38;
	[tilespmem:$0x18100] =	vst v63  }
0x23c: {  	_ =	swait.ge [sflag:s8], $0x9000  }
0x23d: {  	[sflag:s8] =	ssyncset.done $0x0  }
0x23e: {  	s20 =	rddreg [dreg:$0x13];
	[sflag:s8] =	ssyncadd.s32 $0xFFFF7000  }
0x23f: {  	[tilespmem:s0], [sflag:$0x5] =	stream.linear.gather [hbm4b:s20+s3], $0x30, $0x38;
	[tilespmem:$0x18100] =	vst v63  }
0x240: {  	_ =	swait.ge [sflag:s8], $0x30  }
0x241: {  	[sflag:s8] =	ssyncset.done $0x0  }
0x242: {  	[sflag:s8] =	ssyncadd.s32 $0xFFFFFFD0  }
0x243: {  	v3 =	vld [tilespmem:$0x80];
	_ =	sdelay $0x4  }
0x244: {  	v22 =	vshll.u32 v3, $0x1  }
0x245: {  	v3 =	vand.u32 $0x7, v3;
	v4 =	vand.u32 $0xFFFFFFF0, v22  }
0x246: {  	v3 =	vor.u32 v3, v4  }
0x247: {  	v4 =	vperm.xlane v3, v0;
	_ =	sdelay $0x1  }
0x248: {  	v3 =	vperm.xlane v3, v2;
	v4 =	vadd.s32 v1, v4;
	_ =	sdelay $0x1  }
0x249: {  	v3 =	vadd.s32 v1, v3;
	_ =	sdelay $0x2  }
0x24a: {  	[tilespmem:s18], [sflag:$0x2] =	stream.indirect_vreg.gather [hbm4b:s1+s3], $0x80, v4, vm0, $0xb8;
	[tilespmem:$0x18100] =	vst v63  }
0x24b: {  	s20 =	simm.s32 $0x3900  }
0x24c: {  	[tilespmem:s20], [sflag:$0x2] =	stream.indirect_vreg.gather [hbm4b:s1+s3], $0x80, v3, vm0, $0xb8;
	[tilespmem:$0x18100] =	vst v63  }
0x24d: {  	v3 =	vld [tilespmem:$0x90];
	_ =	sdelay $0x4  }
0x24e: {  	v23 =	vshll.u32 v3, $0x1  }
0x24f: {  	v3 =	vand.u32 $0x7, v3;
	v4 =	vand.u32 $0xFFFFFFF0, v23  }
0x250: {  	v3 =	vor.u32 v3, v4  }
0x251: {  	v4 =	vperm.xlane v3, v0;
	_ =	sdelay $0x1  }
0x252: {  	v3 =	vperm.xlane v3, v2;
	v4 =	vadd.s32 v1, v4;
	_ =	sdelay $0x1  }
0x253: {  	v3 =	vadd.s32 v1, v3;
	_ =	sdelay $0x1  }
0x254: {  	s20 =	simm.s32 $0x4100  }
0x255: {  	[tilespmem:s20], [sflag:$0x2] =	stream.indirect_vreg.gather [hbm4b:s1+s3], $0x80, v4, vm0, $0xb8;
	[tilespmem:$0x18100] =	vst v63  }
0x256: {  	s20 =	simm.s32 $0x4900  }
0x257: {  	[tilespmem:s20], [sflag:$0x2] =	stream.indirect_vreg.gather [hbm4b:s1+s3], $0x80, v3, vm0, $0xb8;
	[tilespmem:$0x18100] =	vst v63  }
0x258: {  	v3 =	vld [tilespmem:$0xA0];
	_ =	sdelay $0x4  }
0x259: {  	v24 =	vshll.u32 v3, $0x1  }
0x25a: {  	v3 =	vand.u32 $0x7, v3;
	v4 =	vand.u32 $0xFFFFFFF0, v24  }
0x25b: {  	v3 =	vor.u32 v3, v4  }
0x25c: {  	v4 =	vperm.xlane v3, v0;
	_ =	sdelay $0x1  }
0x25d: {  	v3 =	vperm.xlane v3, v2;
	v4 =	vadd.s32 v1, v4;
	_ =	sdelay $0x1  }
0x25e: {  	v3 =	vadd.s32 v1, v3;
	_ =	sdelay $0x1  }
0x25f: {  	s20 =	simm.s32 $0x5100  }
0x260: {  	[tilespmem:s20], [sflag:$0x2] =	stream.indirect_vreg.gather [hbm4b:s1+s3], $0x80, v4, vm0, $0xb8;
	[tilespmem:$0x18100] =	vst v63  }
0x261: {  	s20 =	simm.s32 $0x5900  }
0x262: {  	[tilespmem:s20], [sflag:$0x2] =	stream.indirect_vreg.gather [hbm4b:s1+s3], $0x80, v3, vm0, $0xb8;
	[tilespmem:$0x18100] =	vst v63  }
0x263: {  	v3 =	vld [tilespmem:$0x80];
	_ =	sdelay $0x4  }
0x264: {  	v25 =	vshrl.u32 v3, $0x3  }
0x265: {  	v4 =	vmul.u32 $0x30, v25  }
0x266: {  	v3 =	vand.u32 $0x7, v3  }
0x267: {  	v3 =	vor.u32 v3, v4  }
0x268: {  	v4 =	vperm.xlane v3, v0;
	_ =	sdelay $0x1  }
0x269: {  	v4 =	vadd.s32 v1, v4;
	_ =	sdelay $0x3  }
0x26a: {  	v3 =	vperm.xlane v3, v2  }
0x26b: {  	[tilespmem:s7], [sflag:$0x4] =	stream.indirect_vreg.gather [hbm4b:s4+s3], $0x80, v4, vm0, $0xb8;
	[tilespmem:$0x18100] =	vst v63  }
0x26c: {  	s20 =	simm.s32 $0xF900;
	v3 =	vadd.s32 v1, v3  }
0x26d: {  	[tilespmem:s20], [sflag:$0x4] =	stream.indirect_vreg.gather [hbm4b:s5+s3], $0x80, v4, vm0, $0xb8;
	[tilespmem:$0x18100] =	vst v63  }
0x26e: {  	s20 =	simm.s32 $0x10100  }
0x26f: {  	[tilespmem:s20], [sflag:$0x4] =	stream.indirect_vreg.gather [hbm4b:s6+s3], $0x80, v4, vm0, $0xb8;
	[tilespmem:$0x18100] =	vst v63  }
0x270: {  	s20 =	simm.s32 $0x10900  }
0x271: {  	[tilespmem:s20], [sflag:$0x4] =	stream.indirect_vreg.gather [hbm4b:s4+s3], $0x80, v3, vm0, $0xb8;
	[tilespmem:$0x18100] =	vst v63  }
0x272: {  	s20 =	simm.s32 $0x11100  }
0x273: {  	[tilespmem:s20], [sflag:$0x4] =	stream.indirect_vreg.gather [hbm4b:s5+s3], $0x80, v3, vm0, $0xb8;
	[tilespmem:$0x18100] =	vst v63  }
0x274: {  	s20 =	simm.s32 $0x11900  }
0x275: {  	[tilespmem:s20], [sflag:$0x4] =	stream.indirect_vreg.gather [hbm4b:s6+s3], $0x80, v3, vm0, $0xb8;
	[tilespmem:$0x18100] =	vst v63  }
0x276: {  	v3 =	vld [tilespmem:$0x90];
	_ =	sdelay $0x4  }
0x277: {  	v26 =	vshrl.u32 v3, $0x3  }
0x278: {  	v4 =	vmul.u32 $0x30, v26  }
0x279: {  	v3 =	vand.u32 $0x7, v3  }
0x27a: {  	v3 =	vor.u32 v3, v4  }
0x27b: {  	v4 =	vperm.xlane v3, v0;
	_ =	sdelay $0x1  }
0x27c: {  	v4 =	vadd.s32 v1, v4;
	_ =	sdelay $0x3  }
0x27d: {  	s20 =	simm.s32 $0x12100;
	v3 =	vperm.xlane v3, v2  }
0x27e: {  	[tilespmem:s20], [sflag:$0x4] =	stream.indirect_vreg.gather [hbm4b:s4+s3], $0x80, v4, vm0, $0xb8;
	[tilespmem:$0x18100] =	vst v63  }
0x27f: {  	v3 =	vadd.s32 v1, v3;
	s20 =	simm.s32 $0x12900  }
0x280: {  	[tilespmem:s20], [sflag:$0x4] =	stream.indirect_vreg.gather [hbm4b:s5+s3], $0x80, v4, vm0, $0xb8;
	[tilespmem:$0x18100] =	vst v63  }
0x281: {  	s20 =	simm.s32 $0x13100  }
0x282: {  	[tilespmem:s20], [sflag:$0x4] =	stream.indirect_vreg.gather [hbm4b:s6+s3], $0x80, v4, vm0, $0xb8;
	[tilespmem:$0x18100] =	vst v63  }
0x283: {  	s20 =	simm.s32 $0x13900  }
0x284: {  	[tilespmem:s20], [sflag:$0x4] =	stream.indirect_vreg.gather [hbm4b:s4+s3], $0x80, v3, vm0, $0xb8;
	[tilespmem:$0x18100] =	vst v63  }
0x285: {  	s20 =	simm.s32 $0x14100  }
0x286: {  	[tilespmem:s20], [sflag:$0x4] =	stream.indirect_vreg.gather [hbm4b:s5+s3], $0x80, v3, vm0, $0xb8;
	[tilespmem:$0x18100] =	vst v63  }
0x287: {  	s20 =	simm.s32 $0x14900  }
0x288: {  	[tilespmem:s20], [sflag:$0x4] =	stream.indirect_vreg.gather [hbm4b:s6+s3], $0x80, v3, vm0, $0xb8;
	[tilespmem:$0x18100] =	vst v63  }
0x289: {  	v3 =	vld [tilespmem:$0xA0];
	_ =	sdelay $0x4  }
0x28a: {  	v27 =	vshrl.u32 v3, $0x3  }
0x28b: {  	v4 =	vmul.u32 $0x30, v27  }
0x28c: {  	v3 =	vand.u32 $0x7, v3  }
0x28d: {  	v3 =	vor.u32 v3, v4  }
0x28e: {  	v4 =	vperm.xlane v3, v0;
	_ =	sdelay $0x1  }
0x28f: {  	v4 =	vadd.s32 v1, v4;
	_ =	sdelay $0x3  }
0x290: {  	s20 =	simm.s32 $0x15100;
	v3 =	vperm.xlane v3, v2  }
0x291: {  	[tilespmem:s20], [sflag:$0x4] =	stream.indirect_vreg.gather [hbm4b:s4+s3], $0x80, v4, vm0, $0xb8;
	[tilespmem:$0x18100] =	vst v63  }
0x292: {  	v3 =	vadd.s32 v1, v3;
	s20 =	simm.s32 $0x15900  }
0x293: {  	[tilespmem:s20], [sflag:$0x4] =	stream.indirect_vreg.gather [hbm4b:s5+s3], $0x80, v4, vm0, $0xb8;
	[tilespmem:$0x18100] =	vst v63  }
0x294: {  	s20 =	simm.s32 $0x16100  }
0x295: {  	[tilespmem:s20], [sflag:$0x4] =	stream.indirect_vreg.gather [hbm4b:s6+s3], $0x80, v4, vm0, $0xb8;
	[tilespmem:$0x18100] =	vst v63  }
0x296: {  	s20 =	simm.s32 $0x16900  }
0x297: {  	[tilespmem:s20], [sflag:$0x4] =	stream.indirect_vreg.gather [hbm4b:s4+s3], $0x80, v3, vm0, $0xb8;
	[tilespmem:$0x18100] =	vst v63  }
0x298: {  	s20 =	simm.s32 $0x17100  }
0x299: {  	[tilespmem:s20], [sflag:$0x4] =	stream.indirect_vreg.gather [hbm4b:s5+s3], $0x80, v3, vm0, $0xb8;
	[tilespmem:$0x18100] =	vst v63  }
0x29a: {  	s20 =	simm.s32 $0x17900  }
0x29b: {  	[tilespmem:s20], [sflag:$0x4] =	stream.indirect_vreg.gather [hbm4b:s6+s3], $0x80, v3, vm0, $0xb8;
	[tilespmem:$0x18100] =	vst v63  }
0x29c: {  	_ =	swait.ge [sflag:s14], $0x3000  }
0x29d: {  	[sflag:s14] =	ssyncset.done $0x0  }
0x29e: {  	[sflag:s14] =	ssyncadd.s32 $0xFFFFD000  }
0x29f: {  	_ =	swait.ge [sflag:s16], $0x9000  }
0x2a0: {  	[sflag:s16] =	ssyncset.done $0x0  }
0x2a1: {  	s20 =	rddreg [dreg:$0x14];
	[sflag:s16] =	ssyncadd.s32 $0xFFFF7000  }
0x2a2: {  	[hbm4b:s20+s3] =	stream.linear.scatter [tilespmem:s15], [sflag:$0x5], $0x3000, $0x38;
	[tilespmem:$0x18100] =	vst v63  }
0x2a3: {  	_ =	swait.ge [sflag:s8], $0x3000  }
0x2a4: {  	[sflag:s8] =	ssyncset.done $0x0  }
0x2a5: {  	s20 =	rddreg [dreg:$0x15];
	[sflag:s8] =	ssyncadd.s32 $0xFFFFD000  }
0x2a6: {  	[hbm4b:s20+s3] =	stream.linear.scatter [tilespmem:s11], [sflag:$0x5], $0x9000, $0x38;
	[tilespmem:$0x18100] =	vst v63  }
0x2a7: {  	_ =	swait.ge [sflag:s8], $0x9000  }
0x2a8: {  	[sflag:s8] =	ssyncset.done $0x0  }
0x2a9: {  	s20 =	rddreg [dreg:$0x16];
	[sflag:s8] =	ssyncadd.s32 $0xFFFF7000  }
0x2aa: {  	[tilespmem:s3], [sflag:$0x5] =	stream.linear.gather [hbm4b:s20+s3], $0x30, $0x38;
	[tilespmem:$0x18100] =	vst v63  }
0x2ab: {  	_ =	swait.ge [sflag:s8], $0x30  }
0x2ac: {  	[sflag:s8] =	ssyncset.done $0x0  }
0x2ad: {  	[sflag:s8] =	ssyncadd.s32 $0xFFFFFFD0  }
0x2ae: {  	v3 =	vld [tilespmem:$0x0];
	_ =	sdelay $0x4  }
0x2af: {  	v28 =	vshll.u32 v3, $0x1  }
0x2b0: {  	v3 =	vand.u32 $0x7, v3;
	v4 =	vand.u32 $0xFFFFFFF0, v28  }
0x2b1: {  	v3 =	vor.u32 v3, v4  }
0x2b2: {  	v4 =	vperm.xlane v3, v0;
	_ =	sdelay $0x1  }
0x2b3: {  	v3 =	vperm.xlane v3, v2;
	v4 =	vadd.s32 v1, v4;
	_ =	sdelay $0x1  }
0x2b4: {  	v3 =	vadd.s32 v1, v3;
	_ =	sdelay $0x2  }
0x2b5: {  	[tilespmem:s15], [sflag:$0x1] =	stream.indirect_vreg.gather [hbm4b:s1+s3], $0x80, v4, vm0, $0xb8;
	[tilespmem:$0x18100] =	vst v63  }
0x2b6: {  	s20 =	simm.s32 $0x900  }
0x2b7: {  	[tilespmem:s20], [sflag:$0x1] =	stream.indirect_vreg.gather [hbm4b:s1+s3], $0x80, v3, vm0, $0xb8;
	[tilespmem:$0x18100] =	vst v63  }
0x2b8: {  	v3 =	vld [tilespmem:$0x10];
	_ =	sdelay $0x4  }
0x2b9: {  	v29 =	vshll.u32 v3, $0x1  }
0x2ba: {  	v3 =	vand.u32 $0x7, v3;
	v4 =	vand.u32 $0xFFFFFFF0, v29  }
0x2bb: {  	v3 =	vor.u32 v3, v4  }
0x2bc: {  	v4 =	vperm.xlane v3, v0;
	_ =	sdelay $0x1  }
0x2bd: {  	v3 =	vperm.xlane v3, v2;
	v4 =	vadd.s32 v1, v4;
	_ =	sdelay $0x1  }
0x2be: {  	v3 =	vadd.s32 v1, v3;
	_ =	sdelay $0x1  }
0x2bf: {  	s2 =	simm.s32 $0x1100  }
0x2c0: {  	[tilespmem:s2], [sflag:$0x1] =	stream.indirect_vreg.gather [hbm4b:s1+s3], $0x80, v4, vm0, $0xb8;
	[tilespmem:$0x18100] =	vst v63  }
0x2c1: {  	s20 =	simm.s32 $0x1900  }
0x2c2: {  	[tilespmem:s20], [sflag:$0x1] =	stream.indirect_vreg.gather [hbm4b:s1+s3], $0x80, v3, vm0, $0xb8;
	[tilespmem:$0x18100] =	vst v63  }
0x2c3: {  	v3 =	vld [tilespmem:$0x20];
	_ =	sdelay $0x4  }
0x2c4: {  	v30 =	vshll.u32 v3, $0x1  }
0x2c5: {  	v3 =	vand.u32 $0x7, v3;
	v4 =	vand.u32 $0xFFFFFFF0, v30  }
0x2c6: {  	v3 =	vor.u32 v3, v4  }
0x2c7: {  	v4 =	vperm.xlane v3, v0;
	_ =	sdelay $0x1  }
0x2c8: {  	v3 =	vperm.xlane v3, v2;
	v4 =	vadd.s32 v1, v4;
	_ =	sdelay $0x1  }
0x2c9: {  	v3 =	vadd.s32 v1, v3;
	_ =	sdelay $0x1  }
0x2ca: {  	s9 =	simm.s32 $0x2100  }
0x2cb: {  	[tilespmem:s9], [sflag:$0x1] =	stream.indirect_vreg.gather [hbm4b:s1+s3], $0x80, v4, vm0, $0xb8;
	[tilespmem:$0x18100] =	vst v63  }
0x2cc: {  	s20 =	simm.s32 $0x2900  }
0x2cd: {  	[tilespmem:s20], [sflag:$0x1] =	stream.indirect_vreg.gather [hbm4b:s1+s3], $0x80, v3, vm0, $0xb8;
	[tilespmem:$0x18100] =	vst v63  }
0x2ce: {  	v3 =	vld [tilespmem:$0x0];
	_ =	sdelay $0x4  }
0x2cf: {  	v31 =	vshrl.u32 v3, $0x3  }
0x2d0: {  	v4 =	vmul.u32 $0x30, v31  }
0x2d1: {  	v3 =	vand.u32 $0x7, v3  }
0x2d2: {  	v3 =	vor.u32 v3, v4  }
0x2d3: {  	v4 =	vperm.xlane v3, v0;
	_ =	sdelay $0x1  }
0x2d4: {  	v4 =	vadd.s32 v1, v4;
	_ =	sdelay $0x3  }
0x2d5: {  	v3 =	vperm.xlane v3, v2  }
0x2d6: {  	[tilespmem:s11], [sflag:$0x3] =	stream.indirect_vreg.gather [hbm4b:s4+s3], $0x80, v4, vm0, $0xb8;
	[tilespmem:$0x18100] =	vst v63  }
0x2d7: {  	s26 =	simm.s32 $0x6900;
	v3 =	vadd.s32 v1, v3  }
0x2d8: {  	[tilespmem:s26], [sflag:$0x3] =	stream.indirect_vreg.gather [hbm4b:s5+s3], $0x80, v4, vm0, $0xb8;
	[tilespmem:$0x18100] =	vst v63  }
0x2d9: {  	s28 =	simm.s32 $0x7100  }
0x2da: {  	[tilespmem:s28], [sflag:$0x3] =	stream.indirect_vreg.gather [hbm4b:s6+s3], $0x80, v4, vm0, $0xb8;
	[tilespmem:$0x18100] =	vst v63  }
0x2db: {  	s29 =	simm.s32 $0x7900  }
0x2dc: {  	[tilespmem:s29], [sflag:$0x3] =	stream.indirect_vreg.gather [hbm4b:s4+s3], $0x80, v3, vm0, $0xb8;
	[tilespmem:$0x18100] =	vst v63  }
0x2dd: {  	s30 =	simm.s32 $0x8100  }
0x2de: {  	[tilespmem:s30], [sflag:$0x3] =	stream.indirect_vreg.gather [hbm4b:s5+s3], $0x80, v3, vm0, $0xb8;
	[tilespmem:$0x18100] =	vst v63  }
0x2df: {  	s20 =	simm.s32 $0x8900  }
0x2e0: {  	[tilespmem:s20], [sflag:$0x3] =	stream.indirect_vreg.gather [hbm4b:s6+s3], $0x80, v3, vm0, $0xb8;
	[tilespmem:$0x18100] =	vst v63  }
0x2e1: {  	v3 =	vld [tilespmem:$0x10];
	_ =	sdelay $0x4  }
0x2e2: {  	v32 =	vshrl.u32 v3, $0x3  }
0x2e3: {  	v4 =	vmul.u32 $0x30, v32  }
0x2e4: {  	v3 =	vand.u32 $0x7, v3  }
0x2e5: {  	v3 =	vor.u32 v3, v4  }
0x2e6: {  	v4 =	vperm.xlane v3, v0;
	_ =	sdelay $0x1  }
0x2e7: {  	v4 =	vadd.s32 v1, v4;
	_ =	sdelay $0x3  }
0x2e8: {  	s20 =	simm.s32 $0x9100;
	v3 =	vperm.xlane v3, v2  }
0x2e9: {  	[tilespmem:s20], [sflag:$0x3] =	stream.indirect_vreg.gather [hbm4b:s4+s3], $0x80, v4, vm0, $0xb8;
	[tilespmem:$0x18100] =	vst v63  }
0x2ea: {  	s31 =	simm.s32 $0x9900;
	v3 =	vadd.s32 v1, v3  }
0x2eb: {  	[tilespmem:s31], [sflag:$0x3] =	stream.indirect_vreg.gather [hbm4b:s5+s3], $0x80, v4, vm0, $0xb8;
	[tilespmem:$0x18100] =	vst v63  }
0x2ec: {  	s10 =	simm.s32 $0xA100  }
0x2ed: {  	[tilespmem:s10], [sflag:$0x3] =	stream.indirect_vreg.gather [hbm4b:s6+s3], $0x80, v4, vm0, $0xb8;
	[tilespmem:$0x18100] =	vst v63  }
0x2ee: {  	s12 =	simm.s32 $0xA900  }
0x2ef: {  	[tilespmem:s12], [sflag:$0x3] =	stream.indirect_vreg.gather [hbm4b:s4+s3], $0x80, v3, vm0, $0xb8;
	[tilespmem:$0x18100] =	vst v63  }
0x2f0: {  	s13 =	simm.s32 $0xB100  }
0x2f1: {  	[tilespmem:s13], [sflag:$0x3] =	stream.indirect_vreg.gather [hbm4b:s5+s3], $0x80, v3, vm0, $0xb8;
	[tilespmem:$0x18100] =	vst v63  }
0x2f2: {  	s13 =	simm.s32 $0xB900  }
0x2f3: {  	[tilespmem:s13], [sflag:$0x3] =	stream.indirect_vreg.gather [hbm4b:s6+s3], $0x80, v3, vm0, $0xb8;
	[tilespmem:$0x18100] =	vst v63  }
0x2f4: {  	v3 =	vld [tilespmem:$0x20];
	_ =	sdelay $0x4  }
0x2f5: {  	v33 =	vshrl.u32 v3, $0x3  }
0x2f6: {  	v4 =	vmul.u32 $0x30, v33  }
0x2f7: {  	v3 =	vand.u32 $0x7, v3  }
0x2f8: {  	v3 =	vor.u32 v3, v4  }
0x2f9: {  	v4 =	vperm.xlane v3, v0;
	_ =	sdelay $0x1  }
0x2fa: {  	v4 =	vadd.s32 v1, v4;
	_ =	sdelay $0x3  }
0x2fb: {  	s20 =	simm.s32 $0xC100;
	v3 =	vperm.xlane v3, v2  }
0x2fc: {  	[tilespmem:s20], [sflag:$0x3] =	stream.indirect_vreg.gather [hbm4b:s4+s3], $0x80, v4, vm0, $0xb8;
	[tilespmem:$0x18100] =	vst v63  }
0x2fd: {  	s21 =	simm.s32 $0xC900;
	v3 =	vadd.s32 v1, v3  }
0x2fe: {  	[tilespmem:s21], [sflag:$0x3] =	stream.indirect_vreg.gather [hbm4b:s5+s3], $0x80, v4, vm0, $0xb8;
	[tilespmem:$0x18100] =	vst v63  }
0x2ff: {  	s22 =	simm.s32 $0xD100  }
0x300: {  	[tilespmem:s22], [sflag:$0x3] =	stream.indirect_vreg.gather [hbm4b:s6+s3], $0x80, v4, vm0, $0xb8;
	[tilespmem:$0x18100] =	vst v63  }
0x301: {  	s23 =	simm.s32 $0xD900  }
0x302: {  	[tilespmem:s23], [sflag:$0x3] =	stream.indirect_vreg.gather [hbm4b:s4+s3], $0x80, v3, vm0, $0xb8;
	[tilespmem:$0x18100] =	vst v63  }
0x303: {  	s24 =	simm.s32 $0xE100  }
0x304: {  	[tilespmem:s24], [sflag:$0x3] =	stream.indirect_vreg.gather [hbm4b:s5+s3], $0x80, v3, vm0, $0xb8;
	[tilespmem:$0x18100] =	vst v63  }
0x305: {  	s25 =	simm.s32 $0xE900  }
0x306: {  	[tilespmem:s25], [sflag:$0x3] =	stream.indirect_vreg.gather [hbm4b:s6+s3], $0x80, v3, vm0, $0xb8;
	[tilespmem:$0x18100] =	vst v63  }
0x307: {  	_ =	swait.ge [sflag:s17], $0x3000  }
0x308: {  	[sflag:s17] =	ssyncset.done $0x0  }
0x309: {  	[sflag:s17] =	ssyncadd.s32 $0xFFFFD000  }
0x30a: {  	_ =	swait.ge [sflag:s19], $0x9000  }
0x30b: {  	[sflag:s19] =	ssyncset.done $0x0  }
0x30c: {  	s25 =	rddreg [dreg:$0x17];
	[sflag:s19] =	ssyncadd.s32 $0xFFFF7000  }
0x30d: {  	[hbm4b:s25+s3] =	stream.linear.scatter [tilespmem:s18], [sflag:$0x5], $0x3000, $0x38;
	[tilespmem:$0x18100] =	vst v63  }
0x30e: {  	_ =	swait.ge [sflag:s8], $0x3000  }
0x30f: {  	[sflag:s8] =	ssyncset.done $0x0  }
0x310: {  	s9 =	rddreg [dreg:$0x18];
	[sflag:s8] =	ssyncadd.s32 $0xFFFFD000  }
0x311: {  	[hbm4b:s9+s3] =	stream.linear.scatter [tilespmem:s7], [sflag:$0x5], $0x9000, $0x38;
	[tilespmem:$0x18100] =	vst v63  }
0x312: {  	_ =	swait.ge [sflag:s8], $0x9000  }
0x313: {  	[sflag:s8] =	ssyncset.done $0x0  }
0x314: {  	s0 =	simm.s32 $0x80;
	s10 =	rddreg [dreg:$0x19];
	[sflag:s8] =	ssyncadd.s32 $0xFFFF7000  }
0x315: {  	[tilespmem:s0], [sflag:$0x5] =	stream.linear.gather [hbm4b:s10+s3], $0x30, $0x38;
	[tilespmem:$0x18100] =	vst v63  }
0x316: {  	_ =	swait.ge [sflag:s8], $0x30  }
0x317: {  	[sflag:s8] =	ssyncset.done $0x0  }
0x318: {  	[sflag:s8] =	ssyncadd.s32 $0xFFFFFFD0  }
0x319: {  	v3 =	vld [tilespmem:$0x80];
	_ =	sdelay $0x4  }
0x31a: {  	v34 =	vshll.u32 v3, $0x1  }
0x31b: {  	v3 =	vand.u32 $0x7, v3;
	v4 =	vand.u32 $0xFFFFFFF0, v34  }
0x31c: {  	v3 =	vor.u32 v3, v4  }
0x31d: {  	v4 =	vperm.xlane v3, v0;
	_ =	sdelay $0x1  }
0x31e: {  	v3 =	vperm.xlane v3, v2;
	v4 =	vadd.s32 v1, v4;
	_ =	sdelay $0x1  }
0x31f: {  	v3 =	vadd.s32 v1, v3;
	_ =	sdelay $0x2  }
0x320: {  	[tilespmem:s18], [sflag:$0x2] =	stream.indirect_vreg.gather [hbm4b:s1+s3], $0x80, v4, vm0, $0xb8;
	[tilespmem:$0x18100] =	vst v63  }
0x321: {  	s12 =	simm.s32 $0x3900  }
0x322: {  	[tilespmem:s12], [sflag:$0x2] =	stream.indirect_vreg.gather [hbm4b:s1+s3], $0x80, v3, vm0, $0xb8;
	[tilespmem:$0x18100] =	vst v63  }
0x323: {  	v3 =	vld [tilespmem:$0x90];
	_ =	sdelay $0x4  }
0x324: {  	v35 =	vshll.u32 v3, $0x1  }
0x325: {  	v3 =	vand.u32 $0x7, v3;
	v4 =	vand.u32 $0xFFFFFFF0, v35  }
0x326: {  	v3 =	vor.u32 v3, v4  }
0x327: {  	v4 =	vperm.xlane v3, v0;
	_ =	sdelay $0x1  }
0x328: {  	v3 =	vperm.xlane v3, v2;
	v4 =	vadd.s32 v1, v4;
	_ =	sdelay $0x1  }
0x329: {  	v3 =	vadd.s32 v1, v3;
	_ =	sdelay $0x1  }
0x32a: {  	s13 =	simm.s32 $0x4100  }
0x32b: {  	[tilespmem:s13], [sflag:$0x2] =	stream.indirect_vreg.gather [hbm4b:s1+s3], $0x80, v4, vm0, $0xb8;
	[tilespmem:$0x18100] =	vst v63  }
0x32c: {  	s20 =	simm.s32 $0x4900  }
0x32d: {  	[tilespmem:s20], [sflag:$0x2] =	stream.indirect_vreg.gather [hbm4b:s1+s3], $0x80, v3, vm0, $0xb8;
	[tilespmem:$0x18100] =	vst v63  }
0x32e: {  	v3 =	vld [tilespmem:$0xA0];
	_ =	sdelay $0x4  }
0x32f: {  	v36 =	vshll.u32 v3, $0x1  }
0x330: {  	v3 =	vand.u32 $0x7, v3;
	v4 =	vand.u32 $0xFFFFFFF0, v36  }
0x331: {  	v3 =	vor.u32 v3, v4  }
0x332: {  	v4 =	vperm.xlane v3, v0;
	_ =	sdelay $0x1  }
0x333: {  	v3 =	vperm.xlane v3, v2;
	v4 =	vadd.s32 v1, v4;
	_ =	sdelay $0x1  }
0x334: {  	v3 =	vadd.s32 v1, v3;
	_ =	sdelay $0x1  }
0x335: {  	s21 =	simm.s32 $0x5100  }
0x336: {  	[tilespmem:s21], [sflag:$0x2] =	stream.indirect_vreg.gather [hbm4b:s1+s3], $0x80, v4, vm0, $0xb8;
	[tilespmem:$0x18100] =	vst v63  }
0x337: {  	s22 =	simm.s32 $0x5900  }
0x338: {  	[tilespmem:s22], [sflag:$0x2] =	stream.indirect_vreg.gather [hbm4b:s1+s3], $0x80, v3, vm0, $0xb8;
	[tilespmem:$0x18100] =	vst v63  }
0x339: {  	v3 =	vld [tilespmem:$0x80];
	_ =	sdelay $0x4  }
0x33a: {  	v37 =	vshrl.u32 v3, $0x3  }
0x33b: {  	v4 =	vmul.u32 $0x30, v37  }
0x33c: {  	v3 =	vand.u32 $0x7, v3  }
0x33d: {  	v3 =	vor.u32 v3, v4  }
0x33e: {  	v4 =	vperm.xlane v3, v0;
	_ =	sdelay $0x1  }
0x33f: {  	v4 =	vadd.s32 v1, v4;
	_ =	sdelay $0x3  }
0x340: {  	v3 =	vperm.xlane v3, v2  }
0x341: {  	[tilespmem:s7], [sflag:$0x4] =	stream.indirect_vreg.gather [hbm4b:s4+s3], $0x80, v4, vm0, $0xb8;
	[tilespmem:$0x18100] =	vst v63  }
0x342: {  	s23 =	simm.s32 $0xF900;
	v3 =	vadd.s32 v1, v3  }
0x343: {  	[tilespmem:s23], [sflag:$0x4] =	stream.indirect_vreg.gather [hbm4b:s5+s3], $0x80, v4, vm0, $0xb8;
	[tilespmem:$0x18100] =	vst v63  }
0x344: {  	s24 =	simm.s32 $0x10100  }
0x345: {  	[tilespmem:s24], [sflag:$0x4] =	stream.indirect_vreg.gather [hbm4b:s6+s3], $0x80, v4, vm0, $0xb8;
	[tilespmem:$0x18100] =	vst v63  }
0x346: {  	s25 =	simm.s32 $0x10900  }
0x347: {  	[tilespmem:s25], [sflag:$0x4] =	stream.indirect_vreg.gather [hbm4b:s4+s3], $0x80, v3, vm0, $0xb8;
	[tilespmem:$0x18100] =	vst v63  }
0x348: {  	s10 =	simm.s32 $0x11100  }
0x349: {  	[tilespmem:s10], [sflag:$0x4] =	stream.indirect_vreg.gather [hbm4b:s5+s3], $0x80, v3, vm0, $0xb8;
	[tilespmem:$0x18100] =	vst v63  }
0x34a: {  	s12 =	simm.s32 $0x11900  }
0x34b: {  	[tilespmem:s12], [sflag:$0x4] =	stream.indirect_vreg.gather [hbm4b:s6+s3], $0x80, v3, vm0, $0xb8;
	[tilespmem:$0x18100] =	vst v63  }
0x34c: {  	v3 =	vld [tilespmem:$0x90];
	_ =	sdelay $0x4  }
0x34d: {  	v38 =	vshrl.u32 v3, $0x3  }
0x34e: {  	v4 =	vmul.u32 $0x30, v38  }
0x34f: {  	v3 =	vand.u32 $0x7, v3  }
0x350: {  	v3 =	vor.u32 v3, v4  }
0x351: {  	v4 =	vperm.xlane v3, v0;
	_ =	sdelay $0x1  }
0x352: {  	v4 =	vadd.s32 v1, v4;
	_ =	sdelay $0x3  }
0x353: {  	s13 =	simm.s32 $0x12100;
	v3 =	vperm.xlane v3, v2  }
0x354: {  	[tilespmem:s13], [sflag:$0x4] =	stream.indirect_vreg.gather [hbm4b:s4+s3], $0x80, v4, vm0, $0xb8;
	[tilespmem:$0x18100] =	vst v63  }
0x355: {  	s20 =	simm.s32 $0x12900;
	v3 =	vadd.s32 v1, v3  }
0x356: {  	[tilespmem:s20], [sflag:$0x4] =	stream.indirect_vreg.gather [hbm4b:s5+s3], $0x80, v4, vm0, $0xb8;
	[tilespmem:$0x18100] =	vst v63  }
0x357: {  	s21 =	simm.s32 $0x13100  }
0x358: {  	[tilespmem:s21], [sflag:$0x4] =	stream.indirect_vreg.gather [hbm4b:s6+s3], $0x80, v4, vm0, $0xb8;
	[tilespmem:$0x18100] =	vst v63  }
0x359: {  	s22 =	simm.s32 $0x13900  }
0x35a: {  	[tilespmem:s22], [sflag:$0x4] =	stream.indirect_vreg.gather [hbm4b:s4+s3], $0x80, v3, vm0, $0xb8;
	[tilespmem:$0x18100] =	vst v63  }
0x35b: {  	s23 =	simm.s32 $0x14100  }
0x35c: {  	[tilespmem:s23], [sflag:$0x4] =	stream.indirect_vreg.gather [hbm4b:s5+s3], $0x80, v3, vm0, $0xb8;
	[tilespmem:$0x18100] =	vst v63  }
0x35d: {  	s24 =	simm.s32 $0x14900  }
0x35e: {  	[tilespmem:s24], [sflag:$0x4] =	stream.indirect_vreg.gather [hbm4b:s6+s3], $0x80, v3, vm0, $0xb8;
	[tilespmem:$0x18100] =	vst v63  }
0x35f: {  	v3 =	vld [tilespmem:$0xA0];
	_ =	sdelay $0x4  }
0x360: {  	v39 =	vshrl.u32 v3, $0x3  }
0x361: {  	v4 =	vmul.u32 $0x30, v39  }
0x362: {  	v3 =	vand.u32 $0x7, v3  }
0x363: {  	v3 =	vor.u32 v3, v4  }
0x364: {  	v4 =	vperm.xlane v3, v0;
	_ =	sdelay $0x1  }
0x365: {  	v4 =	vadd.s32 v1, v4;
	_ =	sdelay $0x3  }
0x366: {  	s25 =	simm.s32 $0x15100;
	v3 =	vperm.xlane v3, v2  }
0x367: {  	[tilespmem:s25], [sflag:$0x4] =	stream.indirect_vreg.gather [hbm4b:s4+s3], $0x80, v4, vm0, $0xb8;
	[tilespmem:$0x18100] =	vst v63  }
0x368: {  	s10 =	simm.s32 $0x15900;
	v3 =	vadd.s32 v1, v3  }
0x369: {  	[tilespmem:s10], [sflag:$0x4] =	stream.indirect_vreg.gather [hbm4b:s5+s3], $0x80, v4, vm0, $0xb8;
	[tilespmem:$0x18100] =	vst v63  }
0x36a: {  	s12 =	simm.s32 $0x16100  }
0x36b: {  	[tilespmem:s12], [sflag:$0x4] =	stream.indirect_vreg.gather [hbm4b:s6+s3], $0x80, v4, vm0, $0xb8;
	[tilespmem:$0x18100] =	vst v63  }
0x36c: {  	s13 =	simm.s32 $0x16900  }
0x36d: {  	[tilespmem:s13], [sflag:$0x4] =	stream.indirect_vreg.gather [hbm4b:s4+s3], $0x80, v3, vm0, $0xb8;
	[tilespmem:$0x18100] =	vst v63  }
0x36e: {  	s20 =	simm.s32 $0x17100  }
0x36f: {  	[tilespmem:s20], [sflag:$0x4] =	stream.indirect_vreg.gather [hbm4b:s5+s3], $0x80, v3, vm0, $0xb8;
	[tilespmem:$0x18100] =	vst v63  }
0x370: {  	s21 =	simm.s32 $0x17900  }
0x371: {  	[tilespmem:s21], [sflag:$0x4] =	stream.indirect_vreg.gather [hbm4b:s6+s3], $0x80, v3, vm0, $0xb8;
	[tilespmem:$0x18100] =	vst v63  }
0x372: {  	_ =	swait.ge [sflag:s14], $0x3000  }
0x373: {  	[sflag:s14] =	ssyncset.done $0x0  }
0x374: {  	[sflag:s14] =	ssyncadd.s32 $0xFFFFD000  }
0x375: {  	_ =	swait.ge [sflag:s16], $0x9000  }
0x376: {  	[sflag:s16] =	ssyncset.done $0x0  }
0x377: {  	s22 =	rddreg [dreg:$0x1a];
	[sflag:s16] =	ssyncadd.s32 $0xFFFF7000  }
0x378: {  	[hbm4b:s22+s3] =	stream.linear.scatter [tilespmem:s15], [sflag:$0x5], $0x3000, $0x38;
	[tilespmem:$0x18100] =	vst v63  }
0x379: {  	_ =	swait.ge [sflag:s8], $0x3000  }
0x37a: {  	[sflag:s8] =	ssyncset.done $0x0  }
0x37b: {  	s23 =	rddreg [dreg:$0x1b];
	[sflag:s8] =	ssyncadd.s32 $0xFFFFD000  }
0x37c: {  	[hbm4b:s23+s3] =	stream.linear.scatter [tilespmem:s11], [sflag:$0x5], $0x9000, $0x38;
	[tilespmem:$0x18100] =	vst v63  }
0x37d: {  	_ =	swait.ge [sflag:s8], $0x9000  }
0x37e: {  	[sflag:s8] =	ssyncset.done $0x0  }
0x37f: {  	s24 =	rddreg [dreg:$0x1c];
	[sflag:s8] =	ssyncadd.s32 $0xFFFF7000  }
0x380: {  	[tilespmem:s3], [sflag:$0x5] =	stream.linear.gather [hbm4b:s24+s3], $0x30, $0x38;
	[tilespmem:$0x18100] =	vst v63  }
0x381: {  	_ =	swait.ge [sflag:s8], $0x30  }
0x382: {  	[sflag:s8] =	ssyncset.done $0x0  }
0x383: {  	[sflag:s8] =	ssyncadd.s32 $0xFFFFFFD0  }
0x384: {  	v3 =	vld [tilespmem:$0x0];
	_ =	sdelay $0x4  }
0x385: {  	v40 =	vshll.u32 v3, $0x1  }
0x386: {  	v3 =	vand.u32 $0x7, v3;
	v4 =	vand.u32 $0xFFFFFFF0, v40  }
0x387: {  	v3 =	vor.u32 v3, v4  }
0x388: {  	v4 =	vperm.xlane v3, v0;
	_ =	sdelay $0x1  }
0x389: {  	v3 =	vperm.xlane v3, v2;
	v4 =	vadd.s32 v1, v4;
	_ =	sdelay $0x1  }
0x38a: {  	v3 =	vadd.s32 v1, v3;
	_ =	sdelay $0x2  }
0x38b: {  	[tilespmem:s15], [sflag:$0x1] =	stream.indirect_vreg.gather [hbm4b:s1+s3], $0x80, v4, vm0, $0xb8;
	[tilespmem:$0x18100] =	vst v63  }
0x38c: {  	s25 =	simm.s32 $0x900  }
0x38d: {  	[tilespmem:s25], [sflag:$0x1] =	stream.indirect_vreg.gather [hbm4b:s1+s3], $0x80, v3, vm0, $0xb8;
	[tilespmem:$0x18100] =	vst v63  }
0x38e: {  	v3 =	vld [tilespmem:$0x10];
	_ =	sdelay $0x4  }
0x38f: {  	v41 =	vshll.u32 v3, $0x1  }
0x390: {  	v3 =	vand.u32 $0x7, v3;
	v4 =	vand.u32 $0xFFFFFFF0, v41  }
0x391: {  	v3 =	vor.u32 v3, v4  }
0x392: {  	v4 =	vperm.xlane v3, v0;
	_ =	sdelay $0x1  }
0x393: {  	v3 =	vperm.xlane v3, v2;
	v4 =	vadd.s32 v1, v4;
	_ =	sdelay $0x1  }
0x394: {  	v3 =	vadd.s32 v1, v3;
	_ =	sdelay $0x1  }
0x395: {  	s2 =	simm.s32 $0x1100  }
0x396: {  	[tilespmem:s2], [sflag:$0x1] =	stream.indirect_vreg.gather [hbm4b:s1+s3], $0x80, v4, vm0, $0xb8;
	[tilespmem:$0x18100] =	vst v63  }
0x397: {  	s10 =	simm.s32 $0x1900  }
0x398: {  	[tilespmem:s10], [sflag:$0x1] =	stream.indirect_vreg.gather [hbm4b:s1+s3], $0x80, v3, vm0, $0xb8;
	[tilespmem:$0x18100] =	vst v63  }
0x399: {  	v3 =	vld [tilespmem:$0x20];
	_ =	sdelay $0x4  }
0x39a: {  	v42 =	vshll.u32 v3, $0x1  }
0x39b: {  	v3 =	vand.u32 $0x7, v3;
	v4 =	vand.u32 $0xFFFFFFF0, v42  }
0x39c: {  	v3 =	vor.u32 v3, v4  }
0x39d: {  	v4 =	vperm.xlane v3, v0;
	_ =	sdelay $0x1  }
0x39e: {  	v3 =	vperm.xlane v3, v2;
	v4 =	vadd.s32 v1, v4;
	_ =	sdelay $0x1  }
0x39f: {  	v3 =	vadd.s32 v1, v3;
	_ =	sdelay $0x1  }
0x3a0: {  	s12 =	simm.s32 $0x2100  }
0x3a1: {  	[tilespmem:s12], [sflag:$0x1] =	stream.indirect_vreg.gather [hbm4b:s1+s3], $0x80, v4, vm0, $0xb8;
	[tilespmem:$0x18100] =	vst v63  }
0x3a2: {  	s13 =	simm.s32 $0x2900  }
0x3a3: {  	[tilespmem:s13], [sflag:$0x1] =	stream.indirect_vreg.gather [hbm4b:s1+s3], $0x80, v3, vm0, $0xb8;
	[tilespmem:$0x18100] =	vst v63  }
0x3a4: {  	v3 =	vld [tilespmem:$0x0];
	_ =	sdelay $0x4  }
0x3a5: {  	v43 =	vshrl.u32 v3, $0x3  }
0x3a6: {  	v4 =	vmul.u32 $0x30, v43  }
0x3a7: {  	v3 =	vand.u32 $0x7, v3  }
0x3a8: {  	v3 =	vor.u32 v3, v4  }
0x3a9: {  	v4 =	vperm.xlane v3, v0;
	_ =	sdelay $0x1  }
0x3aa: {  	v4 =	vadd.s32 v1, v4;
	_ =	sdelay $0x3  }
0x3ab: {  	v3 =	vperm.xlane v3, v2  }
0x3ac: {  	[tilespmem:s11], [sflag:$0x3] =	stream.indirect_vreg.gather [hbm4b:s4+s3], $0x80, v4, vm0, $0xb8;
	[tilespmem:$0x18100] =	vst v63  }
0x3ad: {  	s26 =	simm.s32 $0x6900;
	v3 =	vadd.s32 v1, v3  }
0x3ae: {  	[tilespmem:s26], [sflag:$0x3] =	stream.indirect_vreg.gather [hbm4b:s5+s3], $0x80, v4, vm0, $0xb8;
	[tilespmem:$0x18100] =	vst v63  }
0x3af: {  	s28 =	simm.s32 $0x7100  }
0x3b0: {  	[tilespmem:s28], [sflag:$0x3] =	stream.indirect_vreg.gather [hbm4b:s6+s3], $0x80, v4, vm0, $0xb8;
	[tilespmem:$0x18100] =	vst v63  }
0x3b1: {  	s29 =	simm.s32 $0x7900  }
0x3b2: {  	[tilespmem:s29], [sflag:$0x3] =	stream.indirect_vreg.gather [hbm4b:s4+s3], $0x80, v3, vm0, $0xb8;
	[tilespmem:$0x18100] =	vst v63  }
0x3b3: {  	s30 =	simm.s32 $0x8100  }
0x3b4: {  	[tilespmem:s30], [sflag:$0x3] =	stream.indirect_vreg.gather [hbm4b:s5+s3], $0x80, v3, vm0, $0xb8;
	[tilespmem:$0x18100] =	vst v63  }
0x3b5: {  	s20 =	simm.s32 $0x8900  }
0x3b6: {  	[tilespmem:s20], [sflag:$0x3] =	stream.indirect_vreg.gather [hbm4b:s6+s3], $0x80, v3, vm0, $0xb8;
	[tilespmem:$0x18100] =	vst v63  }
0x3b7: {  	v3 =	vld [tilespmem:$0x10];
	_ =	sdelay $0x4  }
0x3b8: {  	v44 =	vshrl.u32 v3, $0x3  }
0x3b9: {  	v4 =	vmul.u32 $0x30, v44  }
0x3ba: {  	v3 =	vand.u32 $0x7, v3  }
0x3bb: {  	v3 =	vor.u32 v3, v4  }
0x3bc: {  	v4 =	vperm.xlane v3, v0;
	_ =	sdelay $0x1  }
0x3bd: {  	v4 =	vadd.s32 v1, v4;
	_ =	sdelay $0x3  }
0x3be: {  	s21 =	simm.s32 $0x9100;
	v3 =	vperm.xlane v3, v2  }
0x3bf: {  	[tilespmem:s21], [sflag:$0x3] =	stream.indirect_vreg.gather [hbm4b:s4+s3], $0x80, v4, vm0, $0xb8;
	[tilespmem:$0x18100] =	vst v63  }
0x3c0: {  	s31 =	simm.s32 $0x9900;
	v3 =	vadd.s32 v1, v3  }
0x3c1: {  	[tilespmem:s31], [sflag:$0x3] =	stream.indirect_vreg.gather [hbm4b:s5+s3], $0x80, v4, vm0, $0xb8;
	[tilespmem:$0x18100] =	vst v63  }
0x3c2: {  	s22 =	simm.s32 $0xA100  }
0x3c3: {  	[tilespmem:s22], [sflag:$0x3] =	stream.indirect_vreg.gather [hbm4b:s6+s3], $0x80, v4, vm0, $0xb8;
	[tilespmem:$0x18100] =	vst v63  }
0x3c4: {  	s23 =	simm.s32 $0xA900  }
0x3c5: {  	[tilespmem:s23], [sflag:$0x3] =	stream.indirect_vreg.gather [hbm4b:s4+s3], $0x80, v3, vm0, $0xb8;
	[tilespmem:$0x18100] =	vst v63  }
0x3c6: {  	s24 =	simm.s32 $0xB100  }
0x3c7: {  	[tilespmem:s24], [sflag:$0x3] =	stream.indirect_vreg.gather [hbm4b:s5+s3], $0x80, v3, vm0, $0xb8;
	[tilespmem:$0x18100] =	vst v63  }
0x3c8: {  	s25 =	simm.s32 $0xB900  }
0x3c9: {  	[tilespmem:s25], [sflag:$0x3] =	stream.indirect_vreg.gather [hbm4b:s6+s3], $0x80, v3, vm0, $0xb8;
	[tilespmem:$0x18100] =	vst v63  }
0x3ca: {  	v3 =	vld [tilespmem:$0x20];
	_ =	sdelay $0x4  }
0x3cb: {  	v45 =	vshrl.u32 v3, $0x3  }
0x3cc: {  	v4 =	vmul.u32 $0x30, v45  }
0x3cd: {  	v3 =	vand.u32 $0x7, v3  }
0x3ce: {  	v3 =	vor.u32 v3, v4  }
0x3cf: {  	v4 =	vperm.xlane v3, v0;
	_ =	sdelay $0x1  }
0x3d0: {  	v4 =	vadd.s32 v1, v4;
	_ =	sdelay $0x3  }
0x3d1: {  	s20 =	simm.s32 $0xC100;
	v3 =	vperm.xlane v3, v2  }
0x3d2: {  	[tilespmem:s20], [sflag:$0x3] =	stream.indirect_vreg.gather [hbm4b:s4+s3], $0x80, v4, vm0, $0xb8;
	[tilespmem:$0x18100] =	vst v63  }
0x3d3: {  	s22 =	simm.s32 $0xC900;
	v3 =	vadd.s32 v1, v3  }
0x3d4: {  	[tilespmem:s22], [sflag:$0x3] =	stream.indirect_vreg.gather [hbm4b:s5+s3], $0x80, v4, vm0, $0xb8;
	[tilespmem:$0x18100] =	vst v63  }
0x3d5: {  	s23 =	simm.s32 $0xD100  }
0x3d6: {  	[tilespmem:s23], [sflag:$0x3] =	stream.indirect_vreg.gather [hbm4b:s6+s3], $0x80, v4, vm0, $0xb8;
	[tilespmem:$0x18100] =	vst v63  }
0x3d7: {  	s24 =	simm.s32 $0xD900  }
0x3d8: {  	[tilespmem:s24], [sflag:$0x3] =	stream.indirect_vreg.gather [hbm4b:s4+s3], $0x80, v3, vm0, $0xb8;
	[tilespmem:$0x18100] =	vst v63  }
0x3d9: {  	s25 =	simm.s32 $0xE100  }
0x3da: {  	[tilespmem:s25], [sflag:$0x3] =	stream.indirect_vreg.gather [hbm4b:s5+s3], $0x80, v3, vm0, $0xb8;
	[tilespmem:$0x18100] =	vst v63  }
0x3db: {  	s20 =	simm.s32 $0xE900  }
0x3dc: {  	[tilespmem:s20], [sflag:$0x3] =	stream.indirect_vreg.gather [hbm4b:s6+s3], $0x80, v3, vm0, $0xb8;
	[tilespmem:$0x18100] =	vst v63  }
0x3dd: {  	_ =	swait.ge [sflag:s17], $0x3000  }
0x3de: {  	[sflag:s17] =	ssyncset.done $0x0  }
0x3df: {  	[sflag:s17] =	ssyncadd.s32 $0xFFFFD000  }
0x3e0: {  	_ =	swait.ge [sflag:s19], $0x9000  }
0x3e1: {  	[sflag:s19] =	ssyncset.done $0x0  }
0x3e2: {  	s2 =	rddreg [dreg:$0x1d];
	[sflag:s19] =	ssyncadd.s32 $0xFFFF7000  }
0x3e3: {  	[hbm4b:s2+s3] =	stream.linear.scatter [tilespmem:s18], [sflag:$0x5], $0x3000, $0x38;
	[tilespmem:$0x18100] =	vst v63  }
0x3e4: {  	_ =	swait.ge [sflag:s8], $0x3000  }
0x3e5: {  	[sflag:s8] =	ssyncset.done $0x0  }
0x3e6: {  	s2 =	rddreg [dreg:$0x1e];
	[sflag:s8] =	ssyncadd.s32 $0xFFFFD000  }
0x3e7: {  	[hbm4b:s2+s3] =	stream.linear.scatter [tilespmem:s7], [sflag:$0x5], $0x9000, $0x38;
	[tilespmem:$0x18100] =	vst v63  }
0x3e8: {  	_ =	swait.ge [sflag:s8], $0x9000  }
0x3e9: {  	[sflag:s8] =	ssyncset.done $0x0  }
0x3ea: {  	s9 =	simm.s32 $0x80;
	s2 =	rddreg [dreg:$0x1f];
	[sflag:s8] =	ssyncadd.s32 $0xFFFF7000  }
0x3eb: {  	[tilespmem:s9], [sflag:$0x5] =	stream.linear.gather [hbm4b:s2+s3], $0x30, $0x38;
	[tilespmem:$0x18100] =	vst v63  }
0x3ec: {  	_ =	swait.ge [sflag:s8], $0x30  }
0x3ed: {  	[sflag:s8] =	ssyncset.done $0x0  }
0x3ee: {  	[sflag:s8] =	ssyncadd.s32 $0xFFFFFFD0  }
0x3ef: {  	v3 =	vld [tilespmem:$0x80];
	_ =	sdelay $0x4  }
0x3f0: {  	v46 =	vshll.u32 v3, $0x1  }
0x3f1: {  	v3 =	vand.u32 $0x7, v3;
	v4 =	vand.u32 $0xFFFFFFF0, v46  }
0x3f2: {  	v3 =	vor.u32 v3, v4  }
0x3f3: {  	v4 =	vperm.xlane v3, v0;
	_ =	sdelay $0x1  }
0x3f4: {  	v3 =	vperm.xlane v3, v2;
	v4 =	vadd.s32 v1, v4;
	_ =	sdelay $0x1  }
0x3f5: {  	v3 =	vadd.s32 v1, v3;
	_ =	sdelay $0x2  }
0x3f6: {  	[tilespmem:s18], [sflag:$0x2] =	stream.indirect_vreg.gather [hbm4b:s1+s3], $0x80, v4, vm0, $0xb8;
	[tilespmem:$0x18100] =	vst v63  }
0x3f7: {  	s20 =	simm.s32 $0x3900  }
0x3f8: {  	[tilespmem:s20], [sflag:$0x2] =	stream.indirect_vreg.gather [hbm4b:s1+s3], $0x80, v3, vm0, $0xb8;
	[tilespmem:$0x18100] =	vst v63  }
0x3f9: {  	v3 =	vld [tilespmem:$0x90];
	_ =	sdelay $0x4  }
0x3fa: {  	v47 =	vshll.u32 v3, $0x1  }
0x3fb: {  	v3 =	vand.u32 $0x7, v3;
	v4 =	vand.u32 $0xFFFFFFF0, v47  }
0x3fc: {  	v3 =	vor.u32 v3, v4  }
0x3fd: {  	v4 =	vperm.xlane v3, v0;
	_ =	sdelay $0x1  }
0x3fe: {  	v3 =	vperm.xlane v3, v2;
	v4 =	vadd.s32 v1, v4;
	_ =	sdelay $0x1  }
0x3ff: {  	v3 =	vadd.s32 v1, v3;
	_ =	sdelay $0x1  }
0x400: {  	s20 =	simm.s32 $0x4100  }
0x401: {  	[tilespmem:s20], [sflag:$0x2] =	stream.indirect_vreg.gather [hbm4b:s1+s3], $0x80, v4, vm0, $0xb8;
	[tilespmem:$0x18100] =	vst v63  }
0x402: {  	s20 =	simm.s32 $0x4900  }
0x403: {  	[tilespmem:s20], [sflag:$0x2] =	stream.indirect_vreg.gather [hbm4b:s1+s3], $0x80, v3, vm0, $0xb8;
	[tilespmem:$0x18100] =	vst v63  }
0x404: {  	v3 =	vld [tilespmem:$0xA0];
	_ =	sdelay $0x4  }
0x405: {  	v48 =	vshll.u32 v3, $0x1  }
0x406: {  	v3 =	vand.u32 $0x7, v3;
	v4 =	vand.u32 $0xFFFFFFF0, v48  }
0x407: {  	v3 =	vor.u32 v3, v4  }
0x408: {  	v4 =	vperm.xlane v3, v0;
	_ =	sdelay $0x1  }
0x409: {  	v3 =	vperm.xlane v3, v2;
	v4 =	vadd.s32 v1, v4;
	_ =	sdelay $0x1  }
0x40a: {  	v3 =	vadd.s32 v1, v3;
	_ =	sdelay $0x1  }
0x40b: {  	s20 =	simm.s32 $0x5100  }
0x40c: {  	[tilespmem:s20], [sflag:$0x2] =	stream.indirect_vreg.gather [hbm4b:s1+s3], $0x80, v4, vm0, $0xb8;
	[tilespmem:$0x18100] =	vst v63  }
0x40d: {  	s20 =	simm.s32 $0x5900  }
0x40e: {  	[tilespmem:s20], [sflag:$0x2] =	stream.indirect_vreg.gather [hbm4b:s1+s3], $0x80, v3, vm0, $0xb8;
	[tilespmem:$0x18100] =	vst v63  }
0x40f: {  	v3 =	vld [tilespmem:$0x80];
	_ =	sdelay $0x4  }
0x410: {  	v49 =	vshrl.u32 v3, $0x3  }
0x411: {  	v4 =	vmul.u32 $0x30, v49  }
0x412: {  	v3 =	vand.u32 $0x7, v3  }
0x413: {  	v3 =	vor.u32 v3, v4  }
0x414: {  	v4 =	vperm.xlane v3, v0;
	_ =	sdelay $0x1  }
0x415: {  	v4 =	vadd.s32 v1, v4;
	_ =	sdelay $0x3  }
0x416: {  	v3 =	vperm.xlane v3, v2  }
0x417: {  	[tilespmem:s7], [sflag:$0x4] =	stream.indirect_vreg.gather [hbm4b:s4+s3], $0x80, v4, vm0, $0xb8;
	[tilespmem:$0x18100] =	vst v63  }
0x418: {  	s20 =	simm.s32 $0xF900;
	v3 =	vadd.s32 v1, v3  }
0x419: {  	[tilespmem:s20], [sflag:$0x4] =	stream.indirect_vreg.gather [hbm4b:s5+s3], $0x80, v4, vm0, $0xb8;
	[tilespmem:$0x18100] =	vst v63  }
0x41a: {  	s20 =	simm.s32 $0x10100  }
0x41b: {  	[tilespmem:s20], [sflag:$0x4] =	stream.indirect_vreg.gather [hbm4b:s6+s3], $0x80, v4, vm0, $0xb8;
	[tilespmem:$0x18100] =	vst v63  }
0x41c: {  	s20 =	simm.s32 $0x10900  }
0x41d: {  	[tilespmem:s20], [sflag:$0x4] =	stream.indirect_vreg.gather [hbm4b:s4+s3], $0x80, v3, vm0, $0xb8;
	[tilespmem:$0x18100] =	vst v63  }
0x41e: {  	s20 =	simm.s32 $0x11100  }
0x41f: {  	[tilespmem:s20], [sflag:$0x4] =	stream.indirect_vreg.gather [hbm4b:s5+s3], $0x80, v3, vm0, $0xb8;
	[tilespmem:$0x18100] =	vst v63  }
0x420: {  	s20 =	simm.s32 $0x11900  }
0x421: {  	[tilespmem:s20], [sflag:$0x4] =	stream.indirect_vreg.gather [hbm4b:s6+s3], $0x80, v3, vm0, $0xb8;
	[tilespmem:$0x18100] =	vst v63  }
0x422: {  	v3 =	vld [tilespmem:$0x90];
	_ =	sdelay $0x4  }
0x423: {  	v50 =	vshrl.u32 v3, $0x3  }
0x424: {  	v4 =	vmul.u32 $0x30, v50  }
0x425: {  	v3 =	vand.u32 $0x7, v3  }
0x426: {  	v3 =	vor.u32 v3, v4  }
0x427: {  	v4 =	vperm.xlane v3, v0;
	_ =	sdelay $0x1  }
0x428: {  	v4 =	vadd.s32 v1, v4;
	_ =	sdelay $0x3  }
0x429: {  	s20 =	simm.s32 $0x12100;
	v3 =	vperm.xlane v3, v2  }
0x42a: {  	[tilespmem:s20], [sflag:$0x4] =	stream.indirect_vreg.gather [hbm4b:s4+s3], $0x80, v4, vm0, $0xb8;
	[tilespmem:$0x18100] =	vst v63  }
0x42b: {  	v3 =	vadd.s32 v1, v3;
	s20 =	simm.s32 $0x12900  }
0x42c: {  	[tilespmem:s20], [sflag:$0x4] =	stream.indirect_vreg.gather [hbm4b:s5+s3], $0x80, v4, vm0, $0xb8;
	[tilespmem:$0x18100] =	vst v63  }
0x42d: {  	s20 =	simm.s32 $0x13100  }
0x42e: {  	[tilespmem:s20], [sflag:$0x4] =	stream.indirect_vreg.gather [hbm4b:s6+s3], $0x80, v4, vm0, $0xb8;
	[tilespmem:$0x18100] =	vst v63  }
0x42f: {  	s20 =	simm.s32 $0x13900  }
0x430: {  	[tilespmem:s20], [sflag:$0x4] =	stream.indirect_vreg.gather [hbm4b:s4+s3], $0x80, v3, vm0, $0xb8;
	[tilespmem:$0x18100] =	vst v63  }
0x431: {  	s20 =	simm.s32 $0x14100  }
0x432: {  	[tilespmem:s20], [sflag:$0x4] =	stream.indirect_vreg.gather [hbm4b:s5+s3], $0x80, v3, vm0, $0xb8;
	[tilespmem:$0x18100] =	vst v63  }
0x433: {  	s20 =	simm.s32 $0x14900  }
0x434: {  	[tilespmem:s20], [sflag:$0x4] =	stream.indirect_vreg.gather [hbm4b:s6+s3], $0x80, v3, vm0, $0xb8;
	[tilespmem:$0x18100] =	vst v63  }
0x435: {  	v3 =	vld [tilespmem:$0xA0];
	_ =	sdelay $0x4  }
0x436: {  	v51 =	vshrl.u32 v3, $0x3  }
0x437: {  	v4 =	vmul.u32 $0x30, v51  }
0x438: {  	v3 =	vand.u32 $0x7, v3  }
0x439: {  	v3 =	vor.u32 v3, v4  }
0x43a: {  	v4 =	vperm.xlane v3, v0;
	_ =	sdelay $0x1  }
0x43b: {  	v4 =	vadd.s32 v1, v4;
	_ =	sdelay $0x3  }
0x43c: {  	s20 =	simm.s32 $0x15100;
	v3 =	vperm.xlane v3, v2  }
0x43d: {  	[tilespmem:s20], [sflag:$0x4] =	stream.indirect_vreg.gather [hbm4b:s4+s3], $0x80, v4, vm0, $0xb8;
	[tilespmem:$0x18100] =	vst v63  }
0x43e: {  	v3 =	vadd.s32 v1, v3;
	s20 =	simm.s32 $0x15900  }
0x43f: {  	[tilespmem:s20], [sflag:$0x4] =	stream.indirect_vreg.gather [hbm4b:s5+s3], $0x80, v4, vm0, $0xb8;
	[tilespmem:$0x18100] =	vst v63  }
0x440: {  	s20 =	simm.s32 $0x16100  }
0x441: {  	[tilespmem:s20], [sflag:$0x4] =	stream.indirect_vreg.gather [hbm4b:s6+s3], $0x80, v4, vm0, $0xb8;
	[tilespmem:$0x18100] =	vst v63  }
0x442: {  	s20 =	simm.s32 $0x16900  }
0x443: {  	[tilespmem:s20], [sflag:$0x4] =	stream.indirect_vreg.gather [hbm4b:s4+s3], $0x80, v3, vm0, $0xb8;
	[tilespmem:$0x18100] =	vst v63  }
0x444: {  	s20 =	simm.s32 $0x17100  }
0x445: {  	[tilespmem:s20], [sflag:$0x4] =	stream.indirect_vreg.gather [hbm4b:s5+s3], $0x80, v3, vm0, $0xb8;
	[tilespmem:$0x18100] =	vst v63  }
0x446: {  	s20 =	simm.s32 $0x17900  }
0x447: {  	[tilespmem:s20], [sflag:$0x4] =	stream.indirect_vreg.gather [hbm4b:s6+s3], $0x80, v3, vm0, $0xb8;
	[tilespmem:$0x18100] =	vst v63  }
0x448: {  	_ =	swait.ge [sflag:s14], $0x3000  }
0x449: {  	[sflag:s14] =	ssyncset.done $0x0  }
0x44a: {  	[sflag:s14] =	ssyncadd.s32 $0xFFFFD000  }
0x44b: {  	_ =	swait.ge [sflag:s16], $0x9000  }
0x44c: {  	s20 =	sld [smem:$0x7F4]  }
0x44d: {  	[sflag:s16] =	ssyncset.done $0x0  }
0x44e: {  	[sflag:s16] =	ssyncadd.s32 $0xFFFF7000  }
0x44f: {  	[hbm4b:s20+s3] =	stream.linear.scatter [tilespmem:s15], [sflag:$0x5], $0x3000, $0x38;
	[tilespmem:$0x18100] =	vst v63  }
0x450: {  	_ =	swait.ge [sflag:s8], $0x3000  }
0x451: {  	s20 =	sld [smem:$0x7F5]  }
0x452: {  	[sflag:s8] =	ssyncset.done $0x0  }
0x453: {  	[sflag:s8] =	ssyncadd.s32 $0xFFFFD000  }
0x454: {  	[hbm4b:s20+s3] =	stream.linear.scatter [tilespmem:s11], [sflag:$0x5], $0x9000, $0x38;
	[tilespmem:$0x18100] =	vst v63  }
0x455: {  	_ =	swait.ge [sflag:s8], $0x9000  }
0x456: {  	s20 =	sld [smem:$0x7F6]  }
0x457: {  	[sflag:s8] =	ssyncset.done $0x0  }
0x458: {  	[sflag:s8] =	ssyncadd.s32 $0xFFFF7000  }
0x459: {  	[tilespmem:s3], [sflag:$0x5] =	stream.linear.gather [hbm4b:s20+s3], $0x30, $0x38;
	[tilespmem:$0x18100] =	vst v63  }
0x45a: {  	_ =	swait.ge [sflag:s8], $0x30  }
0x45b: {  	[sflag:s8] =	ssyncset.done $0x0  }
0x45c: {  	[sflag:s8] =	ssyncadd.s32 $0xFFFFFFD0  }
0x45d: {  	v3 =	vld [tilespmem:$0x0];
	_ =	sdelay $0x4  }
0x45e: {  	v52 =	vshll.u32 v3, $0x1  }
0x45f: {  	v3 =	vand.u32 $0x7, v3;
	v4 =	vand.u32 $0xFFFFFFF0, v52  }
0x460: {  	v3 =	vor.u32 v3, v4  }
0x461: {  	v4 =	vperm.xlane v3, v0;
	_ =	sdelay $0x1  }
0x462: {  	v3 =	vperm.xlane v3, v2;
	v4 =	vadd.s32 v1, v4;
	_ =	sdelay $0x1  }
0x463: {  	v3 =	vadd.s32 v1, v3;
	_ =	sdelay $0x2  }
0x464: {  	[tilespmem:s15], [sflag:$0x1] =	stream.indirect_vreg.gather [hbm4b:s1+s3], $0x80, v4, vm0, $0xb8;
	[tilespmem:$0x18100] =	vst v63  }
0x465: {  	s20 =	simm.s32 $0x900  }
0x466: {  	[tilespmem:s20], [sflag:$0x1] =	stream.indirect_vreg.gather [hbm4b:s1+s3], $0x80, v3, vm0, $0xb8;
	[tilespmem:$0x18100] =	vst v63  }
0x467: {  	v3 =	vld [tilespmem:$0x10];
	_ =	sdelay $0x4  }
0x468: {  	v53 =	vshll.u32 v3, $0x1  }
0x469: {  	v3 =	vand.u32 $0x7, v3;
	v4 =	vand.u32 $0xFFFFFFF0, v53  }
0x46a: {  	v3 =	vor.u32 v3, v4  }
0x46b: {  	v4 =	vperm.xlane v3, v0;
	_ =	sdelay $0x1  }
0x46c: {  	v3 =	vperm.xlane v3, v2;
	v4 =	vadd.s32 v1, v4;
	_ =	sdelay $0x1  }
0x46d: {  	v3 =	vadd.s32 v1, v3;
	_ =	sdelay $0x1  }
0x46e: {  	s0 =	simm.s32 $0x1100  }
0x46f: {  	[tilespmem:s0], [sflag:$0x1] =	stream.indirect_vreg.gather [hbm4b:s1+s3], $0x80, v4, vm0, $0xb8;
	[tilespmem:$0x18100] =	vst v63  }
0x470: {  	s20 =	simm.s32 $0x1900  }
0x471: {  	[tilespmem:s20], [sflag:$0x1] =	stream.indirect_vreg.gather [hbm4b:s1+s3], $0x80, v3, vm0, $0xb8;
	[tilespmem:$0x18100] =	vst v63  }
0x472: {  	v3 =	vld [tilespmem:$0x20];
	_ =	sdelay $0x4  }
0x473: {  	v54 =	vshll.u32 v3, $0x1  }
0x474: {  	v3 =	vand.u32 $0x7, v3;
	v4 =	vand.u32 $0xFFFFFFF0, v54  }
0x475: {  	v3 =	vor.u32 v3, v4  }
0x476: {  	v4 =	vperm.xlane v3, v0;
	_ =	sdelay $0x1  }
0x477: {  	v3 =	vperm.xlane v3, v2;
	v4 =	vadd.s32 v1, v4;
	_ =	sdelay $0x1  }
0x478: {  	v3 =	vadd.s32 v1, v3;
	_ =	sdelay $0x1  }
0x479: {  	s10 =	simm.s32 $0x2100  }
0x47a: {  	[tilespmem:s10], [sflag:$0x1] =	stream.indirect_vreg.gather [hbm4b:s1+s3], $0x80, v4, vm0, $0xb8;
	[tilespmem:$0x18100] =	vst v63  }
0x47b: {  	s20 =	simm.s32 $0x2900  }
0x47c: {  	[tilespmem:s20], [sflag:$0x1] =	stream.indirect_vreg.gather [hbm4b:s1+s3], $0x80, v3, vm0, $0xb8;
	[tilespmem:$0x18100] =	vst v63  }
0x47d: {  	v3 =	vld [tilespmem:$0x0];
	_ =	sdelay $0x4  }
0x47e: {  	v55 =	vshrl.u32 v3, $0x3  }
0x47f: {  	v4 =	vmul.u32 $0x30, v55  }
0x480: {  	v3 =	vand.u32 $0x7, v3  }
0x481: {  	v3 =	vor.u32 v3, v4  }
0x482: {  	v4 =	vperm.xlane v3, v0;
	_ =	sdelay $0x1  }
0x483: {  	v4 =	vadd.s32 v1, v4;
	_ =	sdelay $0x3  }
0x484: {  	v3 =	vperm.xlane v3, v2  }
0x485: {  	[tilespmem:s11], [sflag:$0x3] =	stream.indirect_vreg.gather [hbm4b:s4+s3], $0x80, v4, vm0, $0xb8;
	[tilespmem:$0x18100] =	vst v63  }
0x486: {  	s12 =	simm.s32 $0x6900;
	v3 =	vadd.s32 v1, v3  }
0x487: {  	[tilespmem:s12], [sflag:$0x3] =	stream.indirect_vreg.gather [hbm4b:s5+s3], $0x80, v4, vm0, $0xb8;
	[tilespmem:$0x18100] =	vst v63  }
0x488: {  	s26 =	simm.s32 $0x7100  }
0x489: {  	[tilespmem:s26], [sflag:$0x3] =	stream.indirect_vreg.gather [hbm4b:s6+s3], $0x80, v4, vm0, $0xb8;
	[tilespmem:$0x18100] =	vst v63  }
0x48a: {  	s28 =	simm.s32 $0x7900  }
0x48b: {  	[tilespmem:s28], [sflag:$0x3] =	stream.indirect_vreg.gather [hbm4b:s4+s3], $0x80, v3, vm0, $0xb8;
	[tilespmem:$0x18100] =	vst v63  }
0x48c: {  	s29 =	simm.s32 $0x8100  }
0x48d: {  	[tilespmem:s29], [sflag:$0x3] =	stream.indirect_vreg.gather [hbm4b:s5+s3], $0x80, v3, vm0, $0xb8;
	[tilespmem:$0x18100] =	vst v63  }
0x48e: {  	s26 =	simm.s32 $0x8900  }
0x48f: {  	[tilespmem:s26], [sflag:$0x3] =	stream.indirect_vreg.gather [hbm4b:s6+s3], $0x80, v3, vm0, $0xb8;
	[tilespmem:$0x18100] =	vst v63  }
0x490: {  	v3 =	vld [tilespmem:$0x10];
	_ =	sdelay $0x4  }
0x491: {  	v56 =	vshrl.u32 v3, $0x3  }
0x492: {  	v4 =	vmul.u32 $0x30, v56  }
0x493: {  	v3 =	vand.u32 $0x7, v3  }
0x494: {  	v3 =	vor.u32 v3, v4  }
0x495: {  	v4 =	vperm.xlane v3, v0;
	_ =	sdelay $0x1  }
0x496: {  	v4 =	vadd.s32 v1, v4;
	_ =	sdelay $0x3  }
0x497: {  	s28 =	simm.s32 $0x9100;
	v3 =	vperm.xlane v3, v2  }
0x498: {  	[tilespmem:s28], [sflag:$0x3] =	stream.indirect_vreg.gather [hbm4b:s4+s3], $0x80, v4, vm0, $0xb8;
	[tilespmem:$0x18100] =	vst v63  }
0x499: {  	s30 =	simm.s32 $0x9900;
	v3 =	vadd.s32 v1, v3  }
0x49a: {  	[tilespmem:s30], [sflag:$0x3] =	stream.indirect_vreg.gather [hbm4b:s5+s3], $0x80, v4, vm0, $0xb8;
	[tilespmem:$0x18100] =	vst v63  }
0x49b: {  	s31 =	simm.s32 $0xA100  }
0x49c: {  	[tilespmem:s31], [sflag:$0x3] =	stream.indirect_vreg.gather [hbm4b:s6+s3], $0x80, v4, vm0, $0xb8;
	[tilespmem:$0x18100] =	vst v63  }
0x49d: {  	s13 =	simm.s32 $0xA900  }
0x49e: {  	[tilespmem:s13], [sflag:$0x3] =	stream.indirect_vreg.gather [hbm4b:s4+s3], $0x80, v3, vm0, $0xb8;
	[tilespmem:$0x18100] =	vst v63  }
0x49f: {  	s21 =	simm.s32 $0xB100  }
0x4a0: {  	[tilespmem:s21], [sflag:$0x3] =	stream.indirect_vreg.gather [hbm4b:s5+s3], $0x80, v3, vm0, $0xb8;
	[tilespmem:$0x18100] =	vst v63  }
0x4a1: {  	s29 =	simm.s32 $0xB900  }
0x4a2: {  	[tilespmem:s29], [sflag:$0x3] =	stream.indirect_vreg.gather [hbm4b:s6+s3], $0x80, v3, vm0, $0xb8;
	[tilespmem:$0x18100] =	vst v63  }
0x4a3: {  	v3 =	vld [tilespmem:$0x20];
	_ =	sdelay $0x4  }
0x4a4: {  	v57 =	vshrl.u32 v3, $0x3  }
0x4a5: {  	v4 =	vmul.u32 $0x30, v57  }
0x4a6: {  	v3 =	vand.u32 $0x7, v3  }
0x4a7: {  	v3 =	vor.u32 v3, v4  }
0x4a8: {  	v4 =	vperm.xlane v3, v0;
	_ =	sdelay $0x1  }
0x4a9: {  	v4 =	vadd.s32 v1, v4;
	_ =	sdelay $0x3  }
0x4aa: {  	s30 =	simm.s32 $0xC100;
	v3 =	vperm.xlane v3, v2  }
0x4ab: {  	[tilespmem:s30], [sflag:$0x3] =	stream.indirect_vreg.gather [hbm4b:s4+s3], $0x80, v4, vm0, $0xb8;
	[tilespmem:$0x18100] =	vst v63  }
0x4ac: {  	s22 =	simm.s32 $0xC900;
	v3 =	vadd.s32 v1, v3  }
0x4ad: {  	[tilespmem:s22], [sflag:$0x3] =	stream.indirect_vreg.gather [hbm4b:s5+s3], $0x80, v4, vm0, $0xb8;
	[tilespmem:$0x18100] =	vst v63  }
0x4ae: {  	s23 =	simm.s32 $0xD100  }
0x4af: {  	[tilespmem:s23], [sflag:$0x3] =	stream.indirect_vreg.gather [hbm4b:s6+s3], $0x80, v4, vm0, $0xb8;
	[tilespmem:$0x18100] =	vst v63  }
0x4b0: {  	s24 =	simm.s32 $0xD900  }
0x4b1: {  	[tilespmem:s24], [sflag:$0x3] =	stream.indirect_vreg.gather [hbm4b:s4+s3], $0x80, v3, vm0, $0xb8;
	[tilespmem:$0x18100] =	vst v63  }
0x4b2: {  	s25 =	simm.s32 $0xE100  }
0x4b3: {  	[tilespmem:s25], [sflag:$0x3] =	stream.indirect_vreg.gather [hbm4b:s5+s3], $0x80, v3, vm0, $0xb8;
	[tilespmem:$0x18100] =	vst v63  }
0x4b4: {  	s31 =	simm.s32 $0xE900  }
0x4b5: {  	[tilespmem:s31], [sflag:$0x3] =	stream.indirect_vreg.gather [hbm4b:s6+s3], $0x80, v3, vm0, $0xb8;
	[tilespmem:$0x18100] =	vst v63  }
0x4b6: {  	_ =	swait.ge [sflag:s17], $0x3000  }
0x4b7: {  	[sflag:s17] =	ssyncset.done $0x0  }
0x4b8: {  	[sflag:s17] =	ssyncadd.s32 $0xFFFFD000  }
0x4b9: {  	_ =	swait.ge [sflag:s19], $0x9000  }
0x4ba: {  	s10 =	sld [smem:$0x7F7]  }
0x4bb: {  	[sflag:s19] =	ssyncset.done $0x0  }
0x4bc: {  	[sflag:s19] =	ssyncadd.s32 $0xFFFF7000  }
0x4bd: {  	[hbm4b:s10+s3] =	stream.linear.scatter [tilespmem:s18], [sflag:$0x5], $0x3000, $0x38;
	[tilespmem:$0x18100] =	vst v63  }
0x4be: {  	_ =	swait.ge [sflag:s8], $0x3000  }
0x4bf: {  	s12 =	sld [smem:$0x7F8]  }
0x4c0: {  	[sflag:s8] =	ssyncset.done $0x0  }
0x4c1: {  	[sflag:s8] =	ssyncadd.s32 $0xFFFFD000  }
0x4c2: {  	[hbm4b:s12+s3] =	stream.linear.scatter [tilespmem:s7], [sflag:$0x5], $0x9000, $0x38;
	[tilespmem:$0x18100] =	vst v63  }
0x4c3: {  	_ =	swait.ge [sflag:s8], $0x9000  }
0x4c4: {  	s13 =	sld [smem:$0x7F9]  }
0x4c5: {  	[sflag:s8] =	ssyncset.done $0x0  }
0x4c6: {  	s2 =	simm.s32 $0x80;
	[sflag:s8] =	ssyncadd.s32 $0xFFFF7000  }
0x4c7: {  	[tilespmem:s2], [sflag:$0x5] =	stream.linear.gather [hbm4b:s13+s3], $0x30, $0x38;
	[tilespmem:$0x18100] =	vst v63  }
0x4c8: {  	s0 =	sld [smem:$0x7F3];
	_ =	swait.ge [sflag:s8], $0x30  }
0x4c9: {  	[sflag:s8] =	ssyncset.done $0x0  }
0x4ca: {  	[sflag:s8] =	ssyncadd.s32 $0xFFFFFFD0  }
0x4cb: {  	v3 =	vld [tilespmem:$0x80];
	_ =	sdelay $0x4  }
0x4cc: {  	v58 =	vshll.u32 v3, $0x1  }
0x4cd: {  	v3 =	vand.u32 $0x7, v3;
	v4 =	vand.u32 $0xFFFFFFF0, v58  }
0x4ce: {  	v3 =	vor.u32 v3, v4  }
0x4cf: {  	v4 =	vperm.xlane v3, v0;
	_ =	sdelay $0x1  }
0x4d0: {  	v3 =	vperm.xlane v3, v2;
	v4 =	vadd.s32 v1, v4;
	_ =	sdelay $0x1  }
0x4d1: {  	v3 =	vadd.s32 v1, v3;
	_ =	sdelay $0x2  }
0x4d2: {  	[tilespmem:s18], [sflag:$0x2] =	stream.indirect_vreg.gather [hbm4b:s1+s3], $0x80, v4, vm0, $0xb8;
	[tilespmem:$0x18100] =	vst v63  }
0x4d3: {  	s21 =	simm.s32 $0x3900  }
0x4d4: {  	[tilespmem:s21], [sflag:$0x2] =	stream.indirect_vreg.gather [hbm4b:s1+s3], $0x80, v3, vm0, $0xb8;
	[tilespmem:$0x18100] =	vst v63  }
0x4d5: {  	v3 =	vld [tilespmem:$0x90];
	_ =	sdelay $0x4  }
0x4d6: {  	v59 =	vshll.u32 v3, $0x1  }
0x4d7: {  	v3 =	vand.u32 $0x7, v3;
	v4 =	vand.u32 $0xFFFFFFF0, v59  }
0x4d8: {  	v3 =	vor.u32 v3, v4  }
0x4d9: {  	v4 =	vperm.xlane v3, v0;
	_ =	sdelay $0x1  }
0x4da: {  	v3 =	vperm.xlane v3, v2;
	v4 =	vadd.s32 v1, v4;
	_ =	sdelay $0x1  }
0x4db: {  	v3 =	vadd.s32 v1, v3;
	_ =	sdelay $0x1  }
0x4dc: {  	s9 =	simm.s32 $0x4100  }
0x4dd: {  	[tilespmem:s9], [sflag:$0x2] =	stream.indirect_vreg.gather [hbm4b:s1+s3], $0x80, v4, vm0, $0xb8;
	[tilespmem:$0x18100] =	vst v63  }
0x4de: {  	s22 =	simm.s32 $0x4900  }
0x4df: {  	[tilespmem:s22], [sflag:$0x2] =	stream.indirect_vreg.gather [hbm4b:s1+s3], $0x80, v3, vm0, $0xb8;
	[tilespmem:$0x18100] =	vst v63  }
0x4e0: {  	v3 =	vld [tilespmem:$0xA0];
	_ =	sdelay $0x4  }
0x4e1: {  	v60 =	vshll.u32 v3, $0x1  }
0x4e2: {  	v3 =	vand.u32 $0x7, v3;
	v4 =	vand.u32 $0xFFFFFFF0, v60  }
0x4e3: {  	v3 =	vor.u32 v3, v4  }
0x4e4: {  	v4 =	vperm.xlane v3, v0;
	_ =	sdelay $0x1  }
0x4e5: {  	v3 =	vperm.xlane v3, v2;
	v4 =	vadd.s32 v1, v4;
	_ =	sdelay $0x1  }
0x4e6: {  	v3 =	vadd.s32 v1, v3;
	_ =	sdelay $0x1  }
0x4e7: {  	s23 =	simm.s32 $0x5100  }
0x4e8: {  	[tilespmem:s23], [sflag:$0x2] =	stream.indirect_vreg.gather [hbm4b:s1+s3], $0x80, v4, vm0, $0xb8;
	[tilespmem:$0x18100] =	vst v63  }
0x4e9: {  	s24 =	simm.s32 $0x5900  }
0x4ea: {  	[tilespmem:s24], [sflag:$0x2] =	stream.indirect_vreg.gather [hbm4b:s1+s3], $0x80, v3, vm0, $0xb8;
	[tilespmem:$0x18100] =	vst v63  }
0x4eb: {  	v3 =	vld [tilespmem:$0x80];
	_ =	sdelay $0x4  }
0x4ec: {  	v61 =	vshrl.u32 v3, $0x3  }
0x4ed: {  	v4 =	vmul.u32 $0x30, v61  }
0x4ee: {  	v3 =	vand.u32 $0x7, v3  }
0x4ef: {  	v3 =	vor.u32 v3, v4  }
0x4f0: {  	v4 =	vperm.xlane v3, v0;
	_ =	sdelay $0x1  }
0x4f1: {  	v4 =	vadd.s32 v1, v4;
	_ =	sdelay $0x3  }
0x4f2: {  	v3 =	vperm.xlane v3, v2  }
0x4f3: {  	[tilespmem:s7], [sflag:$0x4] =	stream.indirect_vreg.gather [hbm4b:s4+s3], $0x80, v4, vm0, $0xb8;
	[tilespmem:$0x18100] =	vst v63  }
0x4f4: {  	s25 =	simm.s32 $0xF900;
	v3 =	vadd.s32 v1, v3  }
0x4f5: {  	[tilespmem:s25], [sflag:$0x4] =	stream.indirect_vreg.gather [hbm4b:s5+s3], $0x80, v4, vm0, $0xb8;
	[tilespmem:$0x18100] =	vst v63  }
0x4f6: {  	s26 =	simm.s32 $0x10100  }
0x4f7: {  	[tilespmem:s26], [sflag:$0x4] =	stream.indirect_vreg.gather [hbm4b:s6+s3], $0x80, v4, vm0, $0xb8;
	[tilespmem:$0x18100] =	vst v63  }
0x4f8: {  	s28 =	simm.s32 $0x10900  }
0x4f9: {  	[tilespmem:s28], [sflag:$0x4] =	stream.indirect_vreg.gather [hbm4b:s4+s3], $0x80, v3, vm0, $0xb8;
	[tilespmem:$0x18100] =	vst v63  }
0x4fa: {  	s29 =	simm.s32 $0x11100  }
0x4fb: {  	[tilespmem:s29], [sflag:$0x4] =	stream.indirect_vreg.gather [hbm4b:s5+s3], $0x80, v3, vm0, $0xb8;
	[tilespmem:$0x18100] =	vst v63  }
0x4fc: {  	s30 =	simm.s32 $0x11900  }
0x4fd: {  	[tilespmem:s30], [sflag:$0x4] =	stream.indirect_vreg.gather [hbm4b:s6+s3], $0x80, v3, vm0, $0xb8;
	[tilespmem:$0x18100] =	vst v63  }
0x4fe: {  	v3 =	vld [tilespmem:$0x90];
	_ =	sdelay $0x4  }
0x4ff: {  	v62 =	vshrl.u32 v3, $0x3  }
0x500: {  	v4 =	vmul.u32 $0x30, v62  }
0x501: {  	v3 =	vand.u32 $0x7, v3  }
0x502: {  	v3 =	vor.u32 v3, v4  }
0x503: {  	v4 =	vperm.xlane v3, v0;
	_ =	sdelay $0x1  }
0x504: {  	v4 =	vadd.s32 v1, v4;
	_ =	sdelay $0x3  }
0x505: {  	s31 =	simm.s32 $0x12100;
	v3 =	vperm.xlane v3, v2  }
0x506: {  	[tilespmem:s31], [sflag:$0x4] =	stream.indirect_vreg.gather [hbm4b:s4+s3], $0x80, v4, vm0, $0xb8;
	[tilespmem:$0x18100] =	vst v63  }
0x507: {  	s9 =	simm.s32 $0x12900;
	v3 =	vadd.s32 v1, v3  }
0x508: {  	[tilespmem:s9], [sflag:$0x4] =	stream.indirect_vreg.gather [hbm4b:s5+s3], $0x80, v4, vm0, $0xb8;
	[tilespmem:$0x18100] =	vst v63  }
0x509: {  	s10 =	simm.s32 $0x13100  }
0x50a: {  	[tilespmem:s10], [sflag:$0x4] =	stream.indirect_vreg.gather [hbm4b:s6+s3], $0x80, v4, vm0, $0xb8;
	[tilespmem:$0x18100] =	vst v63  }
0x50b: {  	s12 =	simm.s32 $0x13900  }
0x50c: {  	[tilespmem:s12], [sflag:$0x4] =	stream.indirect_vreg.gather [hbm4b:s4+s3], $0x80, v3, vm0, $0xb8;
	[tilespmem:$0x18100] =	vst v63  }
0x50d: {  	s13 =	simm.s32 $0x14100  }
0x50e: {  	[tilespmem:s13], [sflag:$0x4] =	stream.indirect_vreg.gather [hbm4b:s5+s3], $0x80, v3, vm0, $0xb8;
	[tilespmem:$0x18100] =	vst v63  }
0x50f: {  	s20 =	simm.s32 $0x14900  }
0x510: {  	[tilespmem:s20], [sflag:$0x4] =	stream.indirect_vreg.gather [hbm4b:s6+s3], $0x80, v3, vm0, $0xb8;
	[tilespmem:$0x18100] =	vst v63  }
0x511: {  	v3 =	vld [tilespmem:$0xA0];
	_ =	sdelay $0x4  }
0x512: {  	v63 =	vshrl.u32 v3, $0x3  }
0x513: {  	v4 =	vmul.u32 $0x30, v63  }
0x514: {  	v3 =	vand.u32 $0x7, v3  }
0x515: {  	v3 =	vor.u32 v3, v4  }
0x516: {  	v4 =	vperm.xlane v3, v0;
	_ =	sdelay $0x1  }
0x517: {  	v4 =	vadd.s32 v1, v4;
	_ =	sdelay $0x3  }
0x518: {  	s21 =	simm.s32 $0x15100;
	v3 =	vperm.xlane v3, v2  }
0x519: {  	[tilespmem:s21], [sflag:$0x4] =	stream.indirect_vreg.gather [hbm4b:s4+s3], $0x80, v4, vm0, $0xb8;
	[tilespmem:$0x18100] =	vst v63  }
0x51a: {  	s22 =	simm.s32 $0x15900;
	v3 =	vadd.s32 v1, v3  }
0x51b: {  	[tilespmem:s22], [sflag:$0x4] =	stream.indirect_vreg.gather [hbm4b:s5+s3], $0x80, v4, vm0, $0xb8;
	[tilespmem:$0x18100] =	vst v63  }
0x51c: {  	s23 =	simm.s32 $0x16100  }
0x51d: {  	[tilespmem:s23], [sflag:$0x4] =	stream.indirect_vreg.gather [hbm4b:s6+s3], $0x80, v4, vm0, $0xb8;
	[tilespmem:$0x18100] =	vst v63  }
0x51e: {  	s24 =	simm.s32 $0x16900  }
0x51f: {  	[tilespmem:s24], [sflag:$0x4] =	stream.indirect_vreg.gather [hbm4b:s4+s3], $0x80, v3, vm0, $0xb8;
	[tilespmem:$0x18100] =	vst v63  }
0x520: {  	s25 =	simm.s32 $0x17100  }
0x521: {  	[tilespmem:s25], [sflag:$0x4] =	stream.indirect_vreg.gather [hbm4b:s5+s3], $0x80, v3, vm0, $0xb8;
	[tilespmem:$0x18100] =	vst v63  }
0x522: {  	s26 =	simm.s32 $0x17900  }
0x523: {  	[tilespmem:s26], [sflag:$0x4] =	stream.indirect_vreg.gather [hbm4b:s6+s3], $0x80, v3, vm0, $0xb8;
	[tilespmem:$0x18100] =	vst v63  }
0x524: {  	_ =	swait.ge [sflag:s14], $0x3000  }
0x525: {  	[sflag:s14] =	ssyncset.done $0x0  }
0x526: {  	[sflag:s14] =	ssyncadd.s32 $0xFFFFD000  }
0x527: {  	_ =	swait.ge [sflag:s16], $0x9000  }
0x528: {  	s28 =	sld [smem:$0x7FA]  }
0x529: {  	[sflag:s16] =	ssyncset.done $0x0  }
0x52a: {  	[sflag:s16] =	ssyncadd.s32 $0xFFFF7000  }
0x52b: {  	[hbm4b:s28+s3] =	stream.linear.scatter [tilespmem:s15], [sflag:$0x5], $0x3000, $0x38;
	[tilespmem:$0x18100] =	vst v63  }
0x52c: {  	_ =	swait.ge [sflag:s8], $0x3000  }
0x52d: {  	s29 =	sld [smem:$0x7FB]  }
0x52e: {  	[sflag:s8] =	ssyncset.done $0x0  }
0x52f: {  	[sflag:s8] =	ssyncadd.s32 $0xFFFFD000  }
0x530: {  	[hbm4b:s29+s3] =	stream.linear.scatter [tilespmem:s11], [sflag:$0x5], $0x9000, $0x38;
	[tilespmem:$0x18100] =	vst v63  }
0x531: {  	_ =	swait.ge [sflag:s8], $0x9000  }
0x532: {  	[sflag:s8] =	ssyncset.done $0x0  }
0x533: {  	[sflag:s8] =	ssyncadd.s32 $0xFFFF7000  }
0x534: {  	_ =	swait.ge [sflag:s17], $0x3000  }
0x535: {  	[sflag:s17] =	ssyncset.done $0x0  }
0x536: {  	[sflag:s17] =	ssyncadd.s32 $0xFFFFD000  }
0x537: {  	_ =	swait.ge [sflag:s19], $0x9000  }
0x538: {  	s30 =	sld [smem:$0x7FC]  }
0x539: {  	[sflag:s19] =	ssyncset.done $0x0  }
0x53a: {  	[sflag:s19] =	ssyncadd.s32 $0xFFFF7000  }
0x53b: {  	[hbm4b:s30+s3] =	stream.linear.scatter [tilespmem:s18], [sflag:$0x5], $0x3000, $0x38;
	[tilespmem:$0x18100] =	vst v63  }
0x53c: {  	_ =	swait.ge [sflag:s8], $0x3000  }
0x53d: {  	s31 =	sld [smem:$0x7FD]  }
0x53e: {  	p0 =	sne.s32 s0, $0x1;
	[sflag:s8] =	ssyncset.done $0x0  }
.Ltmp0:
0x53f: {  	[sflag:s8] =	ssyncadd.s32 $0xFFFFD000;
	(pc) =	sbr.rel @p0 .LBB2_1-.Ltmp0, $4  }
0x540: {  	[hbm4b:s31+s3] =	stream.linear.scatter [tilespmem:s7], [sflag:$0x5], $0x9000, $0x38;
	[tilespmem:$0x18100] =	vst v63  }
0x541: {  	_ =	swait.ge [sflag:s8], $0x9000  }
0x542: {  	[sflag:s8] =	ssyncset.done $0x0  }
0x543: {  	s0 =	sadd.s32 $0xFFFFFFFF, s0;
	[sflag:s8] =	ssyncadd.s32 $0xFFFF7000  }
0x544: {  	_ =	sfence.sel $0x180000  }
0x545: {  	[bflag:$0x0] =	sbarrier.arrive $0xFFFF  }
0x546: {  	_ =	strace $0x90000047  }
0x547: {  	s0 =	stileid.u32;
	[bflag:$0x2] =	sbarrier.arrive $0xFFFF  }
0x548: {  	p0 =	sne.s32 s0, $0x0;
	s0 =	rddreg [dreg:$0x5]  }
0x549: {  	s0 =	sadd.s32 @!p0 $0x100000, s0  }
0x54a: {  	[sflag:s0] =	ssyncadd.tile.s32 @!p0 $0x1;
	_ =	shalt  }
.Lfunc_end2:
_tile_overlayer_lowered:
.L_overlay_start_2:
0x54b: {  	(tag) =	ssettag $0x2  }
0x54c: {  	s0 =	rddreg [dreg:$0x0];
	s2 =	stileid.u32  }
0x54d: {  	s1 =	rddreg [dreg:$0x1];
	p0 =	sne.s32 s2, $0x0  }
0x54e: {  	s3 =	rddreg [dreg:$0x2];
	[bflag:$0x3] =	sbarrier.arrive $0xFFFF;
	s2 =	simm.s32 @!p0 $0x1C05  }
0x54f: {  	[timem:s3], [sflag:s2] =	dma.local @!p0 [hbm:s0], s1  }
0x550: {  	s0 =	simm.s32 @!p0 $0x5  }
0x551: {  	_ =	swait.ge @!p0 [sflag:s0], s1  }
0x552: {  	s1 =	ssub.s32 @!p0 $0x0, s1;
	[sflag:s0] =	ssyncset.done @!p0 $0x0  }
0x553: {  	[sflag:s0] =	ssyncadd.s32 @!p0 s1  }
0x554: {  	[bflag:$0x3] =	sbarrier.arrive $0xFFFF  }
0x555: {  	_ =	shalt  }

</sc_bundles>
